<compile_context>
chip_gen: v7x
topology: tpu7x:2x2x1
jax: 0.10.2.dev20260603
libtpu: 0.0.44.dev20260713+nightly
codegen_flags: <defaults>
</compile_context>

<pallas_src>
import functools

import jax
import jax.numpy as jnp
from jax import lax
from jax.experimental import pallas as pl
from jax.experimental.pallas import tpu as pltpu
from jax.experimental.pallas import tpu_sc as plsc

_N = 10000
_NSUB = 2500
_IN = 512
_OUT = 256
_EPS = 1e-5

_QBLK = 1000
_NBLK = _N // _QBLK
_QBLK2 = 640
_KPAD = 2560
_PAD_COORD = 1e4

_NW = 32
_NPAD = 10240
_ROWS_PER_W = _NPAD // _NW
_CHUNK = 64
_NCHUNK = _ROWS_PER_W // _CHUNK
_LG = _OUT // 16


def _mlp_body(x_ref, w_ref, b_ref, gw_ref, gb_ref, gms_ref, o_ref):
    y = jnp.dot(x_ref[...], w_ref[...], preferred_element_type=jnp.float32)
    y = y + b_ref[...]
    mean = jnp.mean(y, axis=0, keepdims=True)
    c = y - gms_ref[...] * mean
    var = jnp.mean(c * c, axis=0, keepdims=True)
    z = gw_ref[...] * c / jnp.sqrt(var + _EPS) + gb_ref[...]
    o_ref[...] = jnp.maximum(z, 0.0)


def _top2_body(posq_ref, posk_ref, xs_ref, w1_ref, b1_ref, gw1_ref, gb1_ref,
               gms1_ref, i1_ref, i2_ref, a1_ref, xst_ref):
    @pl.when(pl.program_id(0) == 0)
    def _mlp1():
        _mlp_body(xs_ref, w1_ref, b1_ref, gw1_ref, gb1_ref, gms1_ref, xst_ref)
    d = None
    for c in range(3):
        q = posq_ref[:, c:c + 1]
        k = posk_ref[c:c + 1, :]
        t = q - k
        d = t * t if d is None else d + t * t
    iota = lax.broadcasted_iota(jnp.int32, (_QBLK2, _KPAD), 1).astype(jnp.float32)
    big = jnp.float32(1e9)
    m1 = jnp.min(d, axis=1, keepdims=True)
    i1 = jnp.min(jnp.where(d == m1, iota, big), axis=1, keepdims=True)
    dm = jnp.where(iota == i1, jnp.float32(jnp.inf), d)
    m2 = jnp.min(dm, axis=1, keepdims=True)
    i2 = jnp.min(jnp.where(dm == m2, iota, big), axis=1, keepdims=True)
    nsub1 = jnp.float32(_NSUB - 1)
    w1 = 1.0 / jnp.maximum(m1, 1e-16)
    w2 = 1.0 / jnp.maximum(m2, 1e-16)
    i1_ref[...] = jnp.minimum(i1, nsub1).astype(jnp.int32).T[None]
    i2_ref[...] = jnp.minimum(i2, nsub1).astype(jnp.int32).T[None]
    a1_ref[...] = (w1 / (w1 + w2)).T[None]


@functools.lru_cache(maxsize=1)
def _make_sc_interp():
    @functools.partial(
        pl.kernel,
        mesh=plsc.VectorSubcoreMesh(core_axis_name="c", subcore_axis_name="s"),
        out_type=jax.ShapeDtypeStruct((_NPAD, _OUT), jnp.float32),
        scratch_types=[
            pltpu.VMEM((_ROWS_PER_W,), jnp.int32),
            pltpu.VMEM((_ROWS_PER_W,), jnp.int32),
            pltpu.VMEM((_ROWS_PER_W,), jnp.float32),
            pltpu.VMEM((2, _CHUNK, _OUT), jnp.float32),
            pltpu.VMEM((2, _CHUNK, _OUT), jnp.float32),
            pltpu.VMEM((2, _CHUNK, _OUT), jnp.float32),
            pltpu.SemaphoreType.DMA,
            pltpu.SemaphoreType.DMA,
            pltpu.SemaphoreType.DMA,
            pltpu.SemaphoreType.DMA,
        ],
    )
    def _sc_interp(table_hbm, idx1_hbm, idx2_hbm, a1_hbm, out_hbm,
                   i1_v, i2_v, a1_v, rows1_v, rows2_v, out_v,
                   sem1, sem2, semw0, semw1):
        wid = lax.axis_index("s") * 2 + lax.axis_index("c")
        base = wid * _ROWS_PER_W

        pltpu.sync_copy(idx1_hbm.at[pl.ds(base, _ROWS_PER_W)], i1_v)
        pltpu.sync_copy(idx2_hbm.at[pl.ds(base, _ROWS_PER_W)], i2_v)
        acp = pltpu.async_copy(a1_hbm.at[pl.ds(base, _ROWS_PER_W)], a1_v, semw0)

        def _gather(c):
            b = c % 2
            c1 = pltpu.async_copy(
                table_hbm.at[i1_v.at[pl.ds(c * _CHUNK, _CHUNK)]],
                rows1_v.at[b], sem1)
            c2 = pltpu.async_copy(
                table_hbm.at[i2_v.at[pl.ds(c * _CHUNK, _CHUNK)]],
                rows2_v.at[b], sem2)
            return c1, c2

        semw = (semw0, semw1)
        pend = [_gather(0)]
        if _NCHUNK > 1:
            pend.append(_gather(1))
        acp.wait()
        wpend = [None, None]
        for i in range(_NCHUNK):
            b = i % 2
            g1, g2 = pend[i]
            g1.wait()
            g2.wait()
            if wpend[b] is not None:
                wpend[b].wait()

            def _row(r, carry):
                grp = i * _CHUNK + (r & ~15)
                a1g = a1_v[pl.ds(grp, 16)]
                lane = jnp.full((16,), r & 15, jnp.int32)
                a1s = lax.gather(
                    a1g, lane[:, None],
                    lax.GatherDimensionNumbers(offset_dims=(),
                                               collapsed_slice_dims=(0,),
                                               start_index_map=(0,)),
                    (1,), mode=lax.GatherScatterMode.PROMISE_IN_BOUNDS)
                for g in range(_LG):
                    f1 = rows1_v[b, r, pl.ds(g * 16, 16)]
                    f2 = rows2_v[b, r, pl.ds(g * 16, 16)]
                    out_v[b, r, pl.ds(g * 16, 16)] = f2 + a1s * (f1 - f2)
                return carry

            lax.fori_loop(0, _CHUNK, _row, 0)
            if i + 2 < _NCHUNK:
                pend.append(_gather(i + 2))
            off = base + i * _CHUNK
            wpend[b] = pltpu.async_copy(
                out_v.at[b], out_hbm.at[pl.ds(off, _CHUNK)], semw[b])
        for w in wpend:
            if w is not None:
                w.wait()

    return _sc_interp


def _gather_interp(table, idx1, idx2, a1p):
    return _make_sc_interp()(table, idx1, idx2, a1p)


def _mlp2_mm_body(x_ref, w_ref, b_ref, y_ref, s_ref):
    y = jnp.dot(x_ref[...], w_ref[...], preferred_element_type=jnp.float32)
    y = y + b_ref[...]
    y_ref[...] = y

    @pl.when(pl.program_id(0) == 0)
    def _init():
        s_ref[...] = jnp.zeros_like(s_ref)

    s_ref[0:1, :] += jnp.sum(y, axis=0, keepdims=True)
    s_ref[1:2, :] += jnp.sum(y * y, axis=0, keepdims=True)


def _norm_blend_body(y_ref, s_ref, gw_ref, gb_ref, gms_ref, interp_ref, o_ref):
    inv_n = jnp.float32(1.0 / _N)
    mean = s_ref[0:1, :] * inv_n
    ey2 = s_ref[1:2, :] * inv_n
    ms = gms_ref[...]
    var = ey2 - ms * (2.0 - ms) * mean * mean
    c = y_ref[...] - ms * mean
    z = gw_ref[...] * c / jnp.sqrt(var + _EPS) + gb_ref[...]
    o_ref[...] = jnp.maximum(z, 0.0) + interp_ref[...]


def kernel(x, x_sub, pos, pos_sub, batch, batch_sub,
           W1, b1, gw1, gb1, gms1, W2, b2, gw2, gb2, gms2):
    f32 = jnp.float32

    posk = jnp.full((8, _KPAD), _PAD_COORD, f32)
    posk = posk.at[:3, :_NSUB].set(pos_sub.T)
    i1, i2, a1, xs_t = pl.pallas_call(
        _top2_body,
        grid=(_NPAD // _QBLK2,),
        in_specs=[
            pl.BlockSpec((_QBLK2, 3), lambda i: (i, 0)),
            pl.BlockSpec((8, _KPAD), lambda i: (0, 0)),
            pl.BlockSpec((_NSUB, _IN), lambda i: (0, 0)),
            pl.BlockSpec((_IN, _OUT), lambda i: (0, 0)),
            pl.BlockSpec((1, _OUT), lambda i: (0, 0)),
            pl.BlockSpec((1, _OUT), lambda i: (0, 0)),
            pl.BlockSpec((1, _OUT), lambda i: (0, 0)),
            pl.BlockSpec((1, _OUT), lambda i: (0, 0)),
        ],
        out_specs=[
            pl.BlockSpec((1, 1, _QBLK2), lambda i: (i, 0, 0)),
            pl.BlockSpec((1, 1, _QBLK2), lambda i: (i, 0, 0)),
            pl.BlockSpec((1, 1, _QBLK2), lambda i: (i, 0, 0)),
            pl.BlockSpec((_NSUB, _OUT), lambda i: (0, 0)),
        ],
        out_shape=[
            jax.ShapeDtypeStruct((_NPAD // _QBLK2, 1, _QBLK2), jnp.int32),
            jax.ShapeDtypeStruct((_NPAD // _QBLK2, 1, _QBLK2), jnp.int32),
            jax.ShapeDtypeStruct((_NPAD // _QBLK2, 1, _QBLK2), f32),
            jax.ShapeDtypeStruct((_NSUB, _OUT), f32),
        ],
    )(pos, posk, x_sub, W1, b1.reshape(1, -1), gw1.reshape(1, -1),
      gb1.reshape(1, -1), gms1.reshape(1, -1))

    interp = _gather_interp(xs_t, i1.reshape(-1), i2.reshape(-1),
                            a1.reshape(-1))

    y, sums = pl.pallas_call(
        _mlp2_mm_body,
        grid=(_NBLK,),
        in_specs=[
            pl.BlockSpec((_QBLK, _OUT), lambda i: (i, 0)),
            pl.BlockSpec((_OUT, _OUT), lambda i: (0, 0)),
            pl.BlockSpec((1, _OUT), lambda i: (0, 0)),
        ],
        out_specs=[
            pl.BlockSpec((_QBLK, _OUT), lambda i: (i, 0)),
            pl.BlockSpec((8, _OUT), lambda i: (0, 0)),
        ],
        out_shape=[
            jax.ShapeDtypeStruct((_N, _OUT), f32),
            jax.ShapeDtypeStruct((8, _OUT), f32),
        ],
    )(x, W2, b2.reshape(1, -1))

    out = pl.pallas_call(
        _norm_blend_body,
        grid=(_NBLK,),
        in_specs=[
            pl.BlockSpec((_QBLK, _OUT), lambda i: (i, 0)),
            pl.BlockSpec((8, _OUT), lambda i: (0, 0)),
            pl.BlockSpec((1, _OUT), lambda i: (0, 0)),
            pl.BlockSpec((1, _OUT), lambda i: (0, 0)),
            pl.BlockSpec((1, _OUT), lambda i: (0, 0)),
            pl.BlockSpec((_QBLK, _OUT), lambda i: (i, 0)),
        ],
        out_specs=pl.BlockSpec((_QBLK, _OUT), lambda i: (i, 0)),
        out_shape=jax.ShapeDtypeStruct((_N, _OUT), f32),
    )(y, sums, gw2.reshape(1, -1), gb2.reshape(1, -1), gms2.reshape(1, -1),
      interp)
    return out

# --- scband reference (transcript-rebuilt; emitter-appended) ---
"""Pipeline reference for scband-transition-up-26688926777558 (READ-ONLY COPY).

The authoritative reference and input builder live on the scoring server;
editing this copy changes nothing except your own understanding.
"""

import jax, jax.numpy as jnp
import numpy as np

N = 10000
N_SUB = 2500
IN_CH = 512
OUT_CH = 256
K = 2
EPS = 1e-5


def graph_norm(x, weight, bias, mean_scale):
    # PyG GraphNorm with batch=None (single graph): per-feature stats over all nodes
    mean = jnp.mean(x, axis=0, keepdims=True)
    out = x - mean_scale * mean
    var = jnp.mean(out * out, axis=0, keepdims=True)
    return weight * out / jnp.sqrt(var + EPS) + bias


def mlp_layer(x, W, b, gw, gb, gms):
    # PyG MLP([in, out], plain_last=False, norm='graph_norm'):
    # Linear -> GraphNorm -> ReLU
    x = x @ W + b
    x = graph_norm(x, gw, gb, gms)
    return jax.nn.relu(x)


def knn_interpolate(x_feat, pos_x, pos_y, batch_x, batch_y, k=K):
    # squared euclidean distances [N_y, N_x]
    d = jnp.sum((pos_y[:, None, :] - pos_x[None, :, :]) ** 2, axis=-1)
    mask = (batch_y[:, None] != batch_x[None, :]).astype(d.dtype)
    d = d + mask * 1e10
    neg_top, idx = jax.lax.top_k(-d, k)
    sq_dist = -neg_top
    w = 1.0 / jnp.maximum(sq_dist, 1e-16)
    feats = jnp.take(x_feat, idx, axis=0)  # [N_y, k, C]
    num = jnp.sum(w[..., None] * feats, axis=1)
    den = jnp.sum(w, axis=1, keepdims=True)
    return num / den


def setup_inputs(seed: int = 0) -> dict:
    key = jax.random.key(seed)
    ks = jax.random.split(key, 12)
    inp = {}
    inp["x"] = jax.random.normal(ks[0], (N, OUT_CH), dtype=jnp.float32)
    inp["x_sub"] = jax.random.normal(ks[1], (N_SUB, IN_CH), dtype=jnp.float32)
    inp["pos"] = jax.random.normal(ks[2], (N, 3), dtype=jnp.float32)
    inp["pos_sub"] = jax.random.normal(ks[3], (N_SUB, 3), dtype=jnp.float32)
    inp["batch"] = jnp.zeros((N,), dtype=jnp.int32)
    inp["batch_sub"] = jnp.zeros((N_SUB,), dtype=jnp.int32)
    # mlp_sub params: Linear(IN_CH, OUT_CH) + GraphNorm(OUT_CH)
    inp["W1"] = jax.random.normal(ks[4], (IN_CH, OUT_CH), dtype=jnp.float32) * (1.0 / np.sqrt(IN_CH))
    inp["b1"] = jnp.zeros((OUT_CH,), dtype=jnp.float32)
    inp["gw1"] = jnp.ones((OUT_CH,), dtype=jnp.float32)
    inp["gb1"] = jnp.zeros((OUT_CH,), dtype=jnp.float32)
    inp["gms1"] = jnp.ones((OUT_CH,), dtype=jnp.float32)
    # mlp params: Linear(OUT_CH, OUT_CH) + GraphNorm(OUT_CH)
    inp["W2"] = jax.random.normal(ks[5], (OUT_CH, OUT_CH), dtype=jnp.float32) * (1.0 / np.sqrt(OUT_CH))
    inp["b2"] = jnp.zeros((OUT_CH,), dtype=jnp.float32)
    inp["gw2"] = jnp.ones((OUT_CH,), dtype=jnp.float32)
    inp["gb2"] = jnp.zeros((OUT_CH,), dtype=jnp.float32)
    inp["gms2"] = jnp.ones((OUT_CH,), dtype=jnp.float32)
    return inp


def reference(x, x_sub, pos, pos_sub, batch, batch_sub, W1, b1, gw1, gb1, gms1, W2, b2, gw2, gb2, gms2):
    x_sub_t = mlp_layer(x_sub, W1, b1, gw1, gb1, gms1)
    x_interp = knn_interpolate(x_sub_t, pos_sub, pos, batch_sub, batch, k=K)
    x_out = mlp_layer(x, W2, b2, gw2, gb2, gms2)
    return x_out + x_interp

if __name__ == "__main__":
    import jax
    _d = setup_inputs()
    print(jax.jit(kernel)(*tuple(_d.values())))

</pallas_src>

<mosaic_0001>
#map = affine_map<(d0, d1) -> (0, 0)>
#map1 = affine_map<(d0, d1) -> (0)>
module attributes {stable_mosaic.version = 14 : i64} {
  func.func @_sc_interp(%arg0: i32, %arg1: i32, %arg2: memref<2500x256xf32, #tpu.memory_space<hbm>>, %arg3: memref<10240xi32, #tpu.memory_space<hbm>>, %arg4: memref<10240xi32, #tpu.memory_space<hbm>>, %arg5: memref<10240xf32, #tpu.memory_space<hbm>>, %arg6: memref<10240x256xf32, #tpu.memory_space<hbm>>, %arg7: memref<320xi32, #tpu.memory_space<vmem>>, %arg8: memref<320xi32, #tpu.memory_space<vmem>>, %arg9: memref<320xf32, #tpu.memory_space<vmem>>, %arg10: memref<2x64x256xf32, #tpu.memory_space<vmem>>, %arg11: memref<2x64x256xf32, #tpu.memory_space<vmem>>, %arg12: memref<2x64x256xf32, #tpu.memory_space<vmem>>, %arg13: memref<!tpu.dma_semaphore, #tpu.memory_space<semaphore_mem>>, %arg14: memref<!tpu.dma_semaphore, #tpu.memory_space<semaphore_mem>>, %arg15: memref<!tpu.dma_semaphore, #tpu.memory_space<semaphore_mem>>, %arg16: memref<!tpu.dma_semaphore, #tpu.memory_space<semaphore_mem>>) attributes {dimension_semantics = [#tpu.dimension_semantics<core_parallel>, #tpu.dimension_semantics<subcore_parallel>], iteration_bounds = array<i64: 2, 16>, scalar_prefetch = 0 : i64, scratch_operands = 10 : i64, tpu.core_type = #tpu.core_type<sc_vector_subcore>, window_params = [{transform_indices = #map}, {transform_indices = #map1}, {transform_indices = #map1}, {transform_indices = #map1}, {transform_indices = #map}]} {
    %mul3A = arith.constant 2 : i32
    %mul3A_0 = arith.muli %arg1, %mul3A : i32
    %add3A = arith.addi %mul3A_0, %arg0 : i32
    %mul3A_1 = arith.constant 320 : i32
    %mul3A_2 = arith.muli %add3A, %mul3A_1 : i32
    "tpu.region"() ({
      %run_scoped3A = tpu.sem_alloc : memref<!tpu.dma_semaphore, #tpu.memory_space<semaphore_mem>>
      %dma_start3A_374 = tpu.memref_slice %arg3[%mul3A_2] : memref<10240xi32, #tpu.memory_space<hbm>> -> memref<320xi32, #tpu.memory_space<hbm>>
      %dma_start3A_375 = tpu.memref_slice %arg3[%mul3A_2] : memref<10240xi32, #tpu.memory_space<hbm>> -> memref<320xi32, #tpu.memory_space<hbm>>
      tpu.enqueue_dma source(%dma_start3A_375 : memref<320xi32, #tpu.memory_space<hbm>>) target(%arg7 : memref<320xi32, #tpu.memory_space<vmem>>) target_semaphore(%run_scoped3A : memref<!tpu.dma_semaphore, #tpu.memory_space<semaphore_mem>>)
      %dma_wait3A_376 = tpu.memref_slice %arg3[%mul3A_2] : memref<10240xi32, #tpu.memory_space<hbm>> -> memref<320xi32, #tpu.memory_space<hbm>>
      %dma_wait3A_377 = tpu.memref_slice %arg3[%mul3A_2] : memref<10240xi32, #tpu.memory_space<hbm>> -> memref<320xi32, #tpu.memory_space<hbm>>
      tpu.wait_dma2 semaphore(%run_scoped3A : memref<!tpu.dma_semaphore, #tpu.memory_space<semaphore_mem>>) src(%dma_wait3A_377 : memref<320xi32, #tpu.memory_space<hbm>>) dst(%arg7 : memref<320xi32, #tpu.memory_space<vmem>>)
      tpu.yield
    }) : () -> ()
    "tpu.region"() ({
      %run_scoped3A = tpu.sem_alloc : memref<!tpu.dma_semaphore, #tpu.memory_space<semaphore_mem>>
      %dma_start3A_374 = tpu.memref_slice %arg4[%mul3A_2] : memref<10240xi32, #tpu.memory_space<hbm>> -> memref<320xi32, #tpu.memory_space<hbm>>
      %dma_start3A_375 = tpu.memref_slice %arg4[%mul3A_2] : memref<10240xi32, #tpu.memory_space<hbm>> -> memref<320xi32, #tpu.memory_space<hbm>>
      tpu.enqueue_dma source(%dma_start3A_375 : memref<320xi32, #tpu.memory_space<hbm>>) target(%arg8 : memref<320xi32, #tpu.memory_space<vmem>>) target_semaphore(%run_scoped3A : memref<!tpu.dma_semaphore, #tpu.memory_space<semaphore_mem>>)
      %dma_wait3A_376 = tpu.memref_slice %arg4[%mul3A_2] : memref<10240xi32, #tpu.memory_space<hbm>> -> memref<320xi32, #tpu.memory_space<hbm>>
      %dma_wait3A_377 = tpu.memref_slice %arg4[%mul3A_2] : memref<10240xi32, #tpu.memory_space<hbm>> -> memref<320xi32, #tpu.memory_space<hbm>>
      tpu.wait_dma2 semaphore(%run_scoped3A : memref<!tpu.dma_semaphore, #tpu.memory_space<semaphore_mem>>) src(%dma_wait3A_377 : memref<320xi32, #tpu.memory_space<hbm>>) dst(%arg8 : memref<320xi32, #tpu.memory_space<vmem>>)
      tpu.yield
    }) : () -> ()
    %dma_start3A = tpu.memref_slice %arg5[%mul3A_2] : memref<10240xf32, #tpu.memory_space<hbm>> -> memref<320xf32, #tpu.memory_space<hbm>>
    %dma_start3A_3 = tpu.memref_slice %arg5[%mul3A_2] : memref<10240xf32, #tpu.memory_space<hbm>> -> memref<320xf32, #tpu.memory_space<hbm>>
    tpu.enqueue_dma source(%dma_start3A_3 : memref<320xf32, #tpu.memory_space<hbm>>) target(%arg9 : memref<320xf32, #tpu.memory_space<vmem>>) target_semaphore(%arg15 : memref<!tpu.dma_semaphore, #tpu.memory_space<semaphore_mem>>)
    %dma_start3A_4 = arith.constant 0 : i32
    %dma_start3A_5 = arith.constant 0 : i32
    %dma_start3A_6 = arith.constant 0 : i32
    %dma_start3A_7 = tpu.memref_slice %arg10[%dma_start3A_4, %dma_start3A_5, %dma_start3A_6] : memref<2x64x256xf32, #tpu.memory_space<vmem>> -> memref<1x64x256xf32, #tpu.memory_space<vmem>>
    %dma_start3A_8 = tpu.memref_squeeze %dma_start3A_7 : memref<1x64x256xf32, #tpu.memory_space<vmem>> -> memref<64x256xf32, #tpu.memory_space<vmem>>
    %dma_start3A_9 = arith.constant 0 : i32
    %dma_start3A_10 = tpu.memref_slice %arg7[%dma_start3A_9] : memref<320xi32, #tpu.memory_space<vmem>> -> memref<64xi32, #tpu.memory_space<vmem>>
    %dma_start3A_11 = arith.constant 0 : i32
    %dma_start3A_12 = arith.constant 0 : i32
    %dma_start3A_13 = tpu.memref_slice %arg2[%dma_start3A_11, %dma_start3A_12] : memref<2500x256xf32, #tpu.memory_space<hbm>> -> memref<2500x256xf32, #tpu.memory_space<hbm>>
    tpu.enqueue_indirect_dma source(%dma_start3A_13 : memref<2500x256xf32, #tpu.memory_space<hbm>>) target(%dma_start3A_8 : memref<64x256xf32, #tpu.memory_space<vmem>>) offsets(%dma_start3A_10 : memref<64xi32, #tpu.memory_space<vmem>>) semaphore(%arg13 : memref<!tpu.dma_semaphore, #tpu.memory_space<semaphore_mem>>)
    %dma_start3A_14 = arith.constant 0 : i32
    %dma_start3A_15 = arith.constant 0 : i32
    %dma_start3A_16 = arith.constant 0 : i32
    %dma_start3A_17 = tpu.memref_slice %arg11[%dma_start3A_14, %dma_start3A_15, %dma_start3A_16] : memref<2x64x256xf32, #tpu.memory_space<vmem>> -> memref<1x64x256xf32, #tpu.memory_space<vmem>>
    %dma_start3A_18 = tpu.memref_squeeze %dma_start3A_17 : memref<1x64x256xf32, #tpu.memory_space<vmem>> -> memref<64x256xf32, #tpu.memory_space<vmem>>
    %dma_start3A_19 = arith.constant 0 : i32
    %dma_start3A_20 = tpu.memref_slice %arg8[%dma_start3A_19] : memref<320xi32, #tpu.memory_space<vmem>> -> memref<64xi32, #tpu.memory_space<vmem>>
    %dma_start3A_21 = arith.constant 0 : i32
    %dma_start3A_22 = arith.constant 0 : i32
    %dma_start3A_23 = tpu.memref_slice %arg2[%dma_start3A_21, %dma_start3A_22] : memref<2500x256xf32, #tpu.memory_space<hbm>> -> memref<2500x256xf32, #tpu.memory_space<hbm>>
    tpu.enqueue_indirect_dma source(%dma_start3A_23 : memref<2500x256xf32, #tpu.memory_space<hbm>>) target(%dma_start3A_18 : memref<64x256xf32, #tpu.memory_space<vmem>>) offsets(%dma_start3A_20 : memref<64xi32, #tpu.memory_space<vmem>>) semaphore(%arg14 : memref<!tpu.dma_semaphore, #tpu.memory_space<semaphore_mem>>)
    %dma_start3A_24 = arith.constant 1 : i32
    %dma_start3A_25 = arith.constant 0 : i32
    %dma_start3A_26 = arith.constant 0 : i32
    %dma_start3A_27 = tpu.memref_slice %arg10[%dma_start3A_24, %dma_start3A_25, %dma_start3A_26] : memref<2x64x256xf32, #tpu.memory_space<vmem>> -> memref<1x64x256xf32, #tpu.memory_space<vmem>>
    %dma_start3A_28 = tpu.memref_squeeze %dma_start3A_27 : memref<1x64x256xf32, #tpu.memory_space<vmem>> -> memref<64x256xf32, #tpu.memory_space<vmem>>
    %dma_start3A_29 = arith.constant 64 : i32
    %dma_start3A_30 = tpu.memref_slice %arg7[%dma_start3A_29] : memref<320xi32, #tpu.memory_space<vmem>> -> memref<64xi32, #tpu.memory_space<vmem>>
    %dma_start3A_31 = arith.constant 0 : i32
    %dma_start3A_32 = arith.constant 0 : i32
    %dma_start3A_33 = tpu.memref_slice %arg2[%dma_start3A_31, %dma_start3A_32] : memref<2500x256xf32, #tpu.memory_space<hbm>> -> memref<2500x256xf32, #tpu.memory_space<hbm>>
    tpu.enqueue_indirect_dma source(%dma_start3A_33 : memref<2500x256xf32, #tpu.memory_space<hbm>>) target(%dma_start3A_28 : memref<64x256xf32, #tpu.memory_space<vmem>>) offsets(%dma_start3A_30 : memref<64xi32, #tpu.memory_space<vmem>>) semaphore(%arg13 : memref<!tpu.dma_semaphore, #tpu.memory_space<semaphore_mem>>)
    %dma_start3A_34 = arith.constant 1 : i32
    %dma_start3A_35 = arith.constant 0 : i32
    %dma_start3A_36 = arith.constant 0 : i32
    %dma_start3A_37 = tpu.memref_slice %arg11[%dma_start3A_34, %dma_start3A_35, %dma_start3A_36] : memref<2x64x256xf32, #tpu.memory_space<vmem>> -> memref<1x64x256xf32, #tpu.memory_space<vmem>>
    %dma_start3A_38 = tpu.memref_squeeze %dma_start3A_37 : memref<1x64x256xf32, #tpu.memory_space<vmem>> -> memref<64x256xf32, #tpu.memory_space<vmem>>
    %dma_start3A_39 = arith.constant 64 : i32
    %dma_start3A_40 = tpu.memref_slice %arg8[%dma_start3A_39] : memref<320xi32, #tpu.memory_space<vmem>> -> memref<64xi32, #tpu.memory_space<vmem>>
    %dma_start3A_41 = arith.constant 0 : i32
    %dma_start3A_42 = arith.constant 0 : i32
    %dma_start3A_43 = tpu.memref_slice %arg2[%dma_start3A_41, %dma_start3A_42] : memref<2500x256xf32, #tpu.memory_space<hbm>> -> memref<2500x256xf32, #tpu.memory_space<hbm>>
    tpu.enqueue_indirect_dma source(%dma_start3A_43 : memref<2500x256xf32, #tpu.memory_space<hbm>>) target(%dma_start3A_38 : memref<64x256xf32, #tpu.memory_space<vmem>>) offsets(%dma_start3A_40 : memref<64xi32, #tpu.memory_space<vmem>>) semaphore(%arg14 : memref<!tpu.dma_semaphore, #tpu.memory_space<semaphore_mem>>)
    %dma_wait3A = tpu.memref_slice %arg5[%mul3A_2] : memref<10240xf32, #tpu.memory_space<hbm>> -> memref<320xf32, #tpu.memory_space<hbm>>
    %dma_wait3A_44 = tpu.memref_slice %arg5[%mul3A_2] : memref<10240xf32, #tpu.memory_space<hbm>> -> memref<320xf32, #tpu.memory_space<hbm>>
    tpu.wait_dma2 semaphore(%arg15 : memref<!tpu.dma_semaphore, #tpu.memory_space<semaphore_mem>>) src(%dma_wait3A_44 : memref<320xf32, #tpu.memory_space<hbm>>) dst(%arg9 : memref<320xf32, #tpu.memory_space<vmem>>)
    %dma_wait3A_45 = arith.constant 0 : i32
    %dma_wait3A_46 = arith.constant 0 : i32
    %dma_wait3A_47 = arith.constant 0 : i32
    %dma_wait3A_48 = tpu.memref_slice %arg10[%dma_wait3A_45, %dma_wait3A_46, %dma_wait3A_47] : memref<2x64x256xf32, #tpu.memory_space<vmem>> -> memref<1x64x256xf32, #tpu.memory_space<vmem>>
    %dma_wait3A_49 = tpu.memref_squeeze %dma_wait3A_48 : memref<1x64x256xf32, #tpu.memory_space<vmem>> -> memref<64x256xf32, #tpu.memory_space<vmem>>
    %dma_wait3A_50 = arith.constant 0 : i32
    %dma_wait3A_51 = tpu.memref_slice %arg7[%dma_wait3A_50] : memref<320xi32, #tpu.memory_space<vmem>> -> memref<64xi32, #tpu.memory_space<vmem>>
    %dma_wait3A_52 = arith.constant 0 : i32
    %dma_wait3A_53 = arith.constant 0 : i32
    %dma_wait3A_54 = tpu.memref_slice %arg2[%dma_wait3A_52, %dma_wait3A_53] : memref<2500x256xf32, #tpu.memory_space<hbm>> -> memref<2500x256xf32, #tpu.memory_space<hbm>>
    tpu.wait_indirect_dma semaphore(%arg13 : memref<!tpu.dma_semaphore, #tpu.memory_space<semaphore_mem>>) src(%dma_wait3A_54 : memref<2500x256xf32, #tpu.memory_space<hbm>>) dst(%dma_wait3A_49 : memref<64x256xf32, #tpu.memory_space<vmem>>)
    %dma_wait3A_55 = arith.constant 0 : i32
    %dma_wait3A_56 = arith.constant 0 : i32
    %dma_wait3A_57 = arith.constant 0 : i32
    %dma_wait3A_58 = tpu.memref_slice %arg11[%dma_wait3A_55, %dma_wait3A_56, %dma_wait3A_57] : memref<2x64x256xf32, #tpu.memory_space<vmem>> -> memref<1x64x256xf32, #tpu.memory_space<vmem>>
    %dma_wait3A_59 = tpu.memref_squeeze %dma_wait3A_58 : memref<1x64x256xf32, #tpu.memory_space<vmem>> -> memref<64x256xf32, #tpu.memory_space<vmem>>
    %dma_wait3A_60 = arith.constant 0 : i32
    %dma_wait3A_61 = tpu.memref_slice %arg8[%dma_wait3A_60] : memref<320xi32, #tpu.memory_space<vmem>> -> memref<64xi32, #tpu.memory_space<vmem>>
    %dma_wait3A_62 = arith.constant 0 : i32
    %dma_wait3A_63 = arith.constant 0 : i32
    %dma_wait3A_64 = tpu.memref_slice %arg2[%dma_wait3A_62, %dma_wait3A_63] : memref<2500x256xf32, #tpu.memory_space<hbm>> -> memref<2500x256xf32, #tpu.memory_space<hbm>>
    tpu.wait_indirect_dma semaphore(%arg14 : memref<!tpu.dma_semaphore, #tpu.memory_space<semaphore_mem>>) src(%dma_wait3A_64 : memref<2500x256xf32, #tpu.memory_space<hbm>>) dst(%dma_wait3A_59 : memref<64x256xf32, #tpu.memory_space<vmem>>)
    %scan3A = arith.constant 0 : i32
    %scan3A_65 = arith.constant 0 : i32
    %scan3A_66 = arith.constant 64 : i32
    %scan3A_67 = arith.addi %scan3A_65, %scan3A_66 : i32
    %scan3A_68 = arith.constant 1 : i32
    scf.for %scan3A_374 = %scan3A_65 to %scan3A_67 step %scan3A_68  : i32 {
      %and3A = arith.constant -16 : i32
      %and3A_375 = arith.andi %scan3A_374, %and3A : i32
      %add3A_376 = arith.constant 0 : i32
      %add3A_377 = arith.addi %add3A_376, %and3A_375 : i32
      %get3A = arith.index_cast %add3A_377 : i32 to index
      %get3A_378 = tpu.vector_load %arg9[%get3A] {strides = array<i32>} : memref<320xf32, #tpu.memory_space<vmem>>, vector<16xf32>,
      %get3A_379 = vector.shape_cast %get3A_378 : vector<16xf32> to vector<16xf32>
      %and3A_380 = arith.constant 15 : i32
      %and3A_381 = arith.andi %scan3A_374, %and3A_380 : i32
      %broadcast_in_dim3A = vector.broadcast %and3A_381 : i32 to vector<16xi32>
      %broadcast_in_dim3A_382 = vector.shape_cast %broadcast_in_dim3A : vector<16xi32> to vector<16x1xi32>
      %gather3A = vector.shape_cast %broadcast_in_dim3A_382 : vector<16x1xi32> to vector<16xi32>
      %gather3A_383 = tpu.dynamic_gather %get3A_379[%gather3A] in [0] : vector<16xf32>, vector<16xi32> -> vector<16xf32>
      %get3A_384 = arith.constant 0 : i32
      %get3A_385 = arith.index_cast %get3A_384 : i32 to index
      %get3A_386 = arith.index_cast %scan3A_374 : i32 to index
      %get3A_387 = arith.constant 0 : index
      %get3A_388 = tpu.vector_load %arg10[%get3A_385, %get3A_386, %get3A_387] {strides = array<i32>} : memref<2x64x256xf32, #tpu.memory_space<vmem>>, vector<1x1x16xf32>,
      %get3A_389 = vector.shape_cast %get3A_388 : vector<1x1x16xf32> to vector<16xf32>
      %get3A_390 = arith.constant 0 : i32
      %get3A_391 = arith.index_cast %get3A_390 : i32 to index
      %get3A_392 = arith.index_cast %scan3A_374 : i32 to index
      %get3A_393 = arith.constant 0 : index
      %get3A_394 = tpu.vector_load %arg11[%get3A_391, %get3A_392, %get3A_393] {strides = array<i32>} : memref<2x64x256xf32, #tpu.memory_space<vmem>>, vector<1x1x16xf32>,
      %get3A_395 = vector.shape_cast %get3A_394 : vector<1x1x16xf32> to vector<16xf32>
      %sub3A = arith.subf %get3A_389, %get3A_395 : vector<16xf32>
      %mul3A_396 = arith.mulf %gather3A_383, %sub3A : vector<16xf32>
      %add3A_397 = arith.addf %get3A_395, %mul3A_396 : vector<16xf32>
      %swap3A = arith.constant 0 : i32
      %swap3A_398 = arith.index_cast %swap3A : i32 to index
      %swap3A_399 = arith.index_cast %scan3A_374 : i32 to index
      %swap3A_400 = arith.constant 0 : index
      %swap3A_401 = tpu.vector_load %arg12[%swap3A_398, %swap3A_399, %swap3A_400] {strides = array<i32>} : memref<2x64x256xf32, #tpu.memory_space<vmem>>, vector<1x1x16xf32>,
      %swap3A_402 = vector.shape_cast %swap3A_401 : vector<1x1x16xf32> to vector<16xf32>
      %swap3A_403 = vector.shape_cast %add3A_397 : vector<16xf32> to vector<1x1x16xf32>
      tpu.vector_store %arg12[%swap3A_398, %swap3A_399, %swap3A_400], %swap3A_403 {strides = array<i32>} : memref<2x64x256xf32, #tpu.memory_space<vmem>>, vector<1x1x16xf32>,
      %get3A_404 = arith.constant 0 : i32
      %get3A_405 = arith.index_cast %get3A_404 : i32 to index
      %get3A_406 = arith.index_cast %scan3A_374 : i32 to index
      %get3A_407 = arith.constant 16 : index
      %get3A_408 = tpu.vector_load %arg10[%get3A_405, %get3A_406, %get3A_407] {strides = array<i32>} : memref<2x64x256xf32, #tpu.memory_space<vmem>>, vector<1x1x16xf32>,
      %get3A_409 = vector.shape_cast %get3A_408 : vector<1x1x16xf32> to vector<16xf32>
      %get3A_410 = arith.constant 0 : i32
      %get3A_411 = arith.index_cast %get3A_410 : i32 to index
      %get3A_412 = arith.index_cast %scan3A_374 : i32 to index
      %get3A_413 = arith.constant 16 : index
      %get3A_414 = tpu.vector_load %arg11[%get3A_411, %get3A_412, %get3A_413] {strides = array<i32>} : memref<2x64x256xf32, #tpu.memory_space<vmem>>, vector<1x1x16xf32>,
      %get3A_415 = vector.shape_cast %get3A_414 : vector<1x1x16xf32> to vector<16xf32>
      %sub3A_416 = arith.subf %get3A_409, %get3A_415 : vector<16xf32>
      %mul3A_417 = arith.mulf %gather3A_383, %sub3A_416 : vector<16xf32>
      %add3A_418 = arith.addf %get3A_415, %mul3A_417 : vector<16xf32>
      %swap3A_419 = arith.constant 0 : i32
      %swap3A_420 = arith.index_cast %swap3A_419 : i32 to index
      %swap3A_421 = arith.index_cast %scan3A_374 : i32 to index
      %swap3A_422 = arith.constant 16 : index
      %swap3A_423 = tpu.vector_load %arg12[%swap3A_420, %swap3A_421, %swap3A_422] {strides = array<i32>} : memref<2x64x256xf32, #tpu.memory_space<vmem>>, vector<1x1x16xf32>,
      %swap3A_424 = vector.shape_cast %swap3A_423 : vector<1x1x16xf32> to vector<16xf32>
      %swap3A_425 = vector.shape_cast %add3A_418 : vector<16xf32> to vector<1x1x16xf32>
      tpu.vector_store %arg12[%swap3A_420, %swap3A_421, %swap3A_422], %swap3A_425 {strides = array<i32>} : memref<2x64x256xf32, #tpu.memory_space<vmem>>, vector<1x1x16xf32>,
      %get3A_426 = arith.constant 0 : i32
      %get3A_427 = arith.index_cast %get3A_426 : i32 to index
      %get3A_428 = arith.index_cast %scan3A_374 : i32 to index
      %get3A_429 = arith.constant 32 : index
      %get3A_430 = tpu.vector_load %arg10[%get3A_427, %get3A_428, %get3A_429] {strides = array<i32>} : memref<2x64x256xf32, #tpu.memory_space<vmem>>, vector<1x1x16xf32>,
      %get3A_431 = vector.shape_cast %get3A_430 : vector<1x1x16xf32> to vector<16xf32>
      %get3A_432 = arith.constant 0 : i32
      %get3A_433 = arith.index_cast %get3A_432 : i32 to index
      %get3A_434 = arith.index_cast %scan3A_374 : i32 to index
      %get3A_435 = arith.constant 32 : index
      %get3A_436 = tpu.vector_load %arg11[%get3A_433, %get3A_434, %get3A_435] {strides = array<i32>} : memref<2x64x256xf32, #tpu.memory_space<vmem>>, vector<1x1x16xf32>,
      %get3A_437 = vector.shape_cast %get3A_436 : vector<1x1x16xf32> to vector<16xf32>
      %sub3A_438 = arith.subf %get3A_431, %get3A_437 : vector<16xf32>
      %mul3A_439 = arith.mulf %gather3A_383, %sub3A_438 : vector<16xf32>
      %add3A_440 = arith.addf %get3A_437, %mul3A_439 : vector<16xf32>
      %swap3A_441 = arith.constant 0 : i32
      %swap3A_442 = arith.index_cast %swap3A_441 : i32 to index
      %swap3A_443 = arith.index_cast %scan3A_374 : i32 to index
      %swap3A_444 = arith.constant 32 : index
      %swap3A_445 = tpu.vector_load %arg12[%swap3A_442, %swap3A_443, %swap3A_444] {strides = array<i32>} : memref<2x64x256xf32, #tpu.memory_space<vmem>>, vector<1x1x16xf32>,
      %swap3A_446 = vector.shape_cast %swap3A_445 : vector<1x1x16xf32> to vector<16xf32>
      %swap3A_447 = vector.shape_cast %add3A_440 : vector<16xf32> to vector<1x1x16xf32>
      tpu.vector_store %arg12[%swap3A_442, %swap3A_443, %swap3A_444], %swap3A_447 {strides = array<i32>} : memref<2x64x256xf32, #tpu.memory_space<vmem>>, vector<1x1x16xf32>,
      %get3A_448 = arith.constant 0 : i32
      %get3A_449 = arith.index_cast %get3A_448 : i32 to index
      %get3A_450 = arith.index_cast %scan3A_374 : i32 to index
      %get3A_451 = arith.constant 48 : index
      %get3A_452 = tpu.vector_load %arg10[%get3A_449, %get3A_450, %get3A_451] {strides = array<i32>} : memref<2x64x256xf32, #tpu.memory_space<vmem>>, vector<1x1x16xf32>,
      %get3A_453 = vector.shape_cast %get3A_452 : vector<1x1x16xf32> to vector<16xf32>
      %get3A_454 = arith.constant 0 : i32
      %get3A_455 = arith.index_cast %get3A_454 : i32 to index
      %get3A_456 = arith.index_cast %scan3A_374 : i32 to index
      %get3A_457 = arith.constant 48 : index
      %get3A_458 = tpu.vector_load %arg11[%get3A_455, %get3A_456, %get3A_457] {strides = array<i32>} : memref<2x64x256xf32, #tpu.memory_space<vmem>>, vector<1x1x16xf32>,
      %get3A_459 = vector.shape_cast %get3A_458 : vector<1x1x16xf32> to vector<16xf32>
      %sub3A_460 = arith.subf %get3A_453, %get3A_459 : vector<16xf32>
      %mul3A_461 = arith.mulf %gather3A_383, %sub3A_460 : vector<16xf32>
      %add3A_462 = arith.addf %get3A_459, %mul3A_461 : vector<16xf32>
      %swap3A_463 = arith.constant 0 : i32
      %swap3A_464 = arith.index_cast %swap3A_463 : i32 to index
      %swap3A_465 = arith.index_cast %scan3A_374 : i32 to index
      %swap3A_466 = arith.constant 48 : index
      %swap3A_467 = tpu.vector_load %arg12[%swap3A_464, %swap3A_465, %swap3A_466] {strides = array<i32>} : memref<2x64x256xf32, #tpu.memory_space<vmem>>, vector<1x1x16xf32>,
      %swap3A_468 = vector.shape_cast %swap3A_467 : vector<1x1x16xf32> to vector<16xf32>
      %swap3A_469 = vector.shape_cast %add3A_462 : vector<16xf32> to vector<1x1x16xf32>
      tpu.vector_store %arg12[%swap3A_464, %swap3A_465, %swap3A_466], %swap3A_469 {strides = array<i32>} : memref<2x64x256xf32, #tpu.memory_space<vmem>>, vector<1x1x16xf32>,
      %get3A_470 = arith.constant 0 : i32
      %get3A_471 = arith.index_cast %get3A_470 : i32 to index
      %get3A_472 = arith.index_cast %scan3A_374 : i32 to index
      %get3A_473 = arith.constant 64 : index
      %get3A_474 = tpu.vector_load %arg10[%get3A_471, %get3A_472, %get3A_473] {strides = array<i32>} : memref<2x64x256xf32, #tpu.memory_space<vmem>>, vector<1x1x16xf32>,
      %get3A_475 = vector.shape_cast %get3A_474 : vector<1x1x16xf32> to vector<16xf32>
      %get3A_476 = arith.constant 0 : i32
      %get3A_477 = arith.index_cast %get3A_476 : i32 to index
      %get3A_478 = arith.index_cast %scan3A_374 : i32 to index
      %get3A_479 = arith.constant 64 : index
      %get3A_480 = tpu.vector_load %arg11[%get3A_477, %get3A_478, %get3A_479] {strides = array<i32>} : memref<2x64x256xf32, #tpu.memory_space<vmem>>, vector<1x1x16xf32>,
      %get3A_481 = vector.shape_cast %get3A_480 : vector<1x1x16xf32> to vector<16xf32>
      %sub3A_482 = arith.subf %get3A_475, %get3A_481 : vector<16xf32>
      %mul3A_483 = arith.mulf %gather3A_383, %sub3A_482 : vector<16xf32>
      %add3A_484 = arith.addf %get3A_481, %mul3A_483 : vector<16xf32>
      %swap3A_485 = arith.constant 0 : i32
      %swap3A_486 = arith.index_cast %swap3A_485 : i32 to index
      %swap3A_487 = arith.index_cast %scan3A_374 : i32 to index
      %swap3A_488 = arith.constant 64 : index
      %swap3A_489 = tpu.vector_load %arg12[%swap3A_486, %swap3A_487, %swap3A_488] {strides = array<i32>} : memref<2x64x256xf32, #tpu.memory_space<vmem>>, vector<1x1x16xf32>,
      %swap3A_490 = vector.shape_cast %swap3A_489 : vector<1x1x16xf32> to vector<16xf32>
      %swap3A_491 = vector.shape_cast %add3A_484 : vector<16xf32> to vector<1x1x16xf32>
      tpu.vector_store %arg12[%swap3A_486, %swap3A_487, %swap3A_488], %swap3A_491 {strides = array<i32>} : memref<2x64x256xf32, #tpu.memory_space<vmem>>, vector<1x1x16xf32>,
      %get3A_492 = arith.constant 0 : i32
      %get3A_493 = arith.index_cast %get3A_492 : i32 to index
      %get3A_494 = arith.index_cast %scan3A_374 : i32 to index
      %get3A_495 = arith.constant 80 : index
      %get3A_496 = tpu.vector_load %arg10[%get3A_493, %get3A_494, %get3A_495] {strides = array<i32>} : memref<2x64x256xf32, #tpu.memory_space<vmem>>, vector<1x1x16xf32>,
      %get3A_497 = vector.shape_cast %get3A_496 : vector<1x1x16xf32> to vector<16xf32>
      %get3A_498 = arith.constant 0 : i32
      %get3A_499 = arith.index_cast %get3A_498 : i32 to index
      %get3A_500 = arith.index_cast %scan3A_374 : i32 to index
      %get3A_501 = arith.constant 80 : index
      %get3A_502 = tpu.vector_load %arg11[%get3A_499, %get3A_500, %get3A_501] {strides = array<i32>} : memref<2x64x256xf32, #tpu.memory_space<vmem>>, vector<1x1x16xf32>,
      %get3A_503 = vector.shape_cast %get3A_502 : vector<1x1x16xf32> to vector<16xf32>
      %sub3A_504 = arith.subf %get3A_497, %get3A_503 : vector<16xf32>
      %mul3A_505 = arith.mulf %gather3A_383, %sub3A_504 : vector<16xf32>
      %add3A_506 = arith.addf %get3A_503, %mul3A_505 : vector<16xf32>
      %swap3A_507 = arith.constant 0 : i32
      %swap3A_508 = arith.index_cast %swap3A_507 : i32 to index
      %swap3A_509 = arith.index_cast %scan3A_374 : i32 to index
      %swap3A_510 = arith.constant 80 : index
      %swap3A_511 = tpu.vector_load %arg12[%swap3A_508, %swap3A_509, %swap3A_510] {strides = array<i32>} : memref<2x64x256xf32, #tpu.memory_space<vmem>>, vector<1x1x16xf32>,
      %swap3A_512 = vector.shape_cast %swap3A_511 : vector<1x1x16xf32> to vector<16xf32>
      %swap3A_513 = vector.shape_cast %add3A_506 : vector<16xf32> to vector<1x1x16xf32>
      tpu.vector_store %arg12[%swap3A_508, %swap3A_509, %swap3A_510], %swap3A_513 {strides = array<i32>} : memref<2x64x256xf32, #tpu.memory_space<vmem>>, vector<1x1x16xf32>,
      %get3A_514 = arith.constant 0 : i32
      %get3A_515 = arith.index_cast %get3A_514 : i32 to index
      %get3A_516 = arith.index_cast %scan3A_374 : i32 to index
      %get3A_517 = arith.constant 96 : index
      %get3A_518 = tpu.vector_load %arg10[%get3A_515, %get3A_516, %get3A_517] {strides = array<i32>} : memref<2x64x256xf32, #tpu.memory_space<vmem>>, vector<1x1x16xf32>,
      %get3A_519 = vector.shape_cast %get3A_518 : vector<1x1x16xf32> to vector<16xf32>
      %get3A_520 = arith.constant 0 : i32
      %get3A_521 = arith.index_cast %get3A_520 : i32 to index
      %get3A_522 = arith.index_cast %scan3A_374 : i32 to index
      %get3A_523 = arith.constant 96 : index
      %get3A_524 = tpu.vector_load %arg11[%get3A_521, %get3A_522, %get3A_523] {strides = array<i32>} : memref<2x64x256xf32, #tpu.memory_space<vmem>>, vector<1x1x16xf32>,
      %get3A_525 = vector.shape_cast %get3A_524 : vector<1x1x16xf32> to vector<16xf32>
      %sub3A_526 = arith.subf %get3A_519, %get3A_525 : vector<16xf32>
      %mul3A_527 = arith.mulf %gather3A_383, %sub3A_526 : vector<16xf32>
      %add3A_528 = arith.addf %get3A_525, %mul3A_527 : vector<16xf32>
      %swap3A_529 = arith.constant 0 : i32
      %swap3A_530 = arith.index_cast %swap3A_529 : i32 to index
      %swap3A_531 = arith.index_cast %scan3A_374 : i32 to index
      %swap3A_532 = arith.constant 96 : index
      %swap3A_533 = tpu.vector_load %arg12[%swap3A_530, %swap3A_531, %swap3A_532] {strides = array<i32>} : memref<2x64x256xf32, #tpu.memory_space<vmem>>, vector<1x1x16xf32>,
      %swap3A_534 = vector.shape_cast %swap3A_533 : vector<1x1x16xf32> to vector<16xf32>
      %swap3A_535 = vector.shape_cast %add3A_528 : vector<16xf32> to vector<1x1x16xf32>
      tpu.vector_store %arg12[%swap3A_530, %swap3A_531, %swap3A_532], %swap3A_535 {strides = array<i32>} : memref<2x64x256xf32, #tpu.memory_space<vmem>>, vector<1x1x16xf32>,
      %get3A_536 = arith.constant 0 : i32
      %get3A_537 = arith.index_cast %get3A_536 : i32 to index
      %get3A_538 = arith.index_cast %scan3A_374 : i32 to index
      %get3A_539 = arith.constant 112 : index
      %get3A_540 = tpu.vector_load %arg10[%get3A_537, %get3A_538, %get3A_539] {strides = array<i32>} : memref<2x64x256xf32, #tpu.memory_space<vmem>>, vector<1x1x16xf32>,
      %get3A_541 = vector.shape_cast %get3A_540 : vector<1x1x16xf32> to vector<16xf32>
      %get3A_542 = arith.constant 0 : i32
      %get3A_543 = arith.index_cast %get3A_542 : i32 to index
      %get3A_544 = arith.index_cast %scan3A_374 : i32 to index
      %get3A_545 = arith.constant 112 : index
      %get3A_546 = tpu.vector_load %arg11[%get3A_543, %get3A_544, %get3A_545] {strides = array<i32>} : memref<2x64x256xf32, #tpu.memory_space<vmem>>, vector<1x1x16xf32>,
      %get3A_547 = vector.shape_cast %get3A_546 : vector<1x1x16xf32> to vector<16xf32>
      %sub3A_548 = arith.subf %get3A_541, %get3A_547 : vector<16xf32>
      %mul3A_549 = arith.mulf %gather3A_383, %sub3A_548 : vector<16xf32>
      %add3A_550 = arith.addf %get3A_547, %mul3A_549 : vector<16xf32>
      %swap3A_551 = arith.constant 0 : i32
      %swap3A_552 = arith.index_cast %swap3A_551 : i32 to index
      %swap3A_553 = arith.index_cast %scan3A_374 : i32 to index
      %swap3A_554 = arith.constant 112 : index
      %swap3A_555 = tpu.vector_load %arg12[%swap3A_552, %swap3A_553, %swap3A_554] {strides = array<i32>} : memref<2x64x256xf32, #tpu.memory_space<vmem>>, vector<1x1x16xf32>,
      %swap3A_556 = vector.shape_cast %swap3A_555 : vector<1x1x16xf32> to vector<16xf32>
      %swap3A_557 = vector.shape_cast %add3A_550 : vector<16xf32> to vector<1x1x16xf32>
      tpu.vector_store %arg12[%swap3A_552, %swap3A_553, %swap3A_554], %swap3A_557 {strides = array<i32>} : memref<2x64x256xf32, #tpu.memory_space<vmem>>, vector<1x1x16xf32>,
      %get3A_558 = arith.constant 0 : i32
      %get3A_559 = arith.index_cast %get3A_558 : i32 to index
      %get3A_560 = arith.index_cast %scan3A_374 : i32 to index
      %get3A_561 = arith.constant 128 : index
      %get3A_562 = tpu.vector_load %arg10[%get3A_559, %get3A_560, %get3A_561] {strides = array<i32>} : memref<2x64x256xf32, #tpu.memory_space<vmem>>, vector<1x1x16xf32>,
      %get3A_563 = vector.shape_cast %get3A_562 : vector<1x1x16xf32> to vector<16xf32>
      %get3A_564 = arith.constant 0 : i32
      %get3A_565 = arith.index_cast %get3A_564 : i32 to index
      %get3A_566 = arith.index_cast %scan3A_374 : i32 to index
      %get3A_567 = arith.constant 128 : index
      %get3A_568 = tpu.vector_load %arg11[%get3A_565, %get3A_566, %get3A_567] {strides = array<i32>} : memref<2x64x256xf32, #tpu.memory_space<vmem>>, vector<1x1x16xf32>,
      %get3A_569 = vector.shape_cast %get3A_568 : vector<1x1x16xf32> to vector<16xf32>
      %sub3A_570 = arith.subf %get3A_563, %get3A_569 : vector<16xf32>
      %mul3A_571 = arith.mulf %gather3A_383, %sub3A_570 : vector<16xf32>
      %add3A_572 = arith.addf %get3A_569, %mul3A_571 : vector<16xf32>
      %swap3A_573 = arith.constant 0 : i32
      %swap3A_574 = arith.index_cast %swap3A_573 : i32 to index
      %swap3A_575 = arith.index_cast %scan3A_374 : i32 to index
      %swap3A_576 = arith.constant 128 : index
      %swap3A_577 = tpu.vector_load %arg12[%swap3A_574, %swap3A_575, %swap3A_576] {strides = array<i32>} : memref<2x64x256xf32, #tpu.memory_space<vmem>>, vector<1x1x16xf32>,
      %swap3A_578 = vector.shape_cast %swap3A_577 : vector<1x1x16xf32> to vector<16xf32>
      %swap3A_579 = vector.shape_cast %add3A_572 : vector<16xf32> to vector<1x1x16xf32>
      tpu.vector_store %arg12[%swap3A_574, %swap3A_575, %swap3A_576], %swap3A_579 {strides = array<i32>} : memref<2x64x256xf32, #tpu.memory_space<vmem>>, vector<1x1x16xf32>,
      %get3A_580 = arith.constant 0 : i32
      %get3A_581 = arith.index_cast %get3A_580 : i32 to index
      %get3A_582 = arith.index_cast %scan3A_374 : i32 to index
      %get3A_583 = arith.constant 144 : index
      %get3A_584 = tpu.vector_load %arg10[%get3A_581, %get3A_582, %get3A_583] {strides = array<i32>} : memref<2x64x256xf32, #tpu.memory_space<vmem>>, vector<1x1x16xf32>,
      %get3A_585 = vector.shape_cast %get3A_584 : vector<1x1x16xf32> to vector<16xf32>
      %get3A_586 = arith.constant 0 : i32
      %get3A_587 = arith.index_cast %get3A_586 : i32 to index
      %get3A_588 = arith.index_cast %scan3A_374 : i32 to index
      %get3A_589 = arith.constant 144 : index
      %get3A_590 = tpu.vector_load %arg11[%get3A_587, %get3A_588, %get3A_589] {strides = array<i32>} : memref<2x64x256xf32, #tpu.memory_space<vmem>>, vector<1x1x16xf32>,
      %get3A_591 = vector.shape_cast %get3A_590 : vector<1x1x16xf32> to vector<16xf32>
      %sub3A_592 = arith.subf %get3A_585, %get3A_591 : vector<16xf32>
      %mul3A_593 = arith.mulf %gather3A_383, %sub3A_592 : vector<16xf32>
      %add3A_594 = arith.addf %get3A_591, %mul3A_593 : vector<16xf32>
      %swap3A_595 = arith.constant 0 : i32
      %swap3A_596 = arith.index_cast %swap3A_595 : i32 to index
      %swap3A_597 = arith.index_cast %scan3A_374 : i32 to index
      %swap3A_598 = arith.constant 144 : index
      %swap3A_599 = tpu.vector_load %arg12[%swap3A_596, %swap3A_597, %swap3A_598] {strides = array<i32>} : memref<2x64x256xf32, #tpu.memory_space<vmem>>, vector<1x1x16xf32>,
      %swap3A_600 = vector.shape_cast %swap3A_599 : vector<1x1x16xf32> to vector<16xf32>
      %swap3A_601 = vector.shape_cast %add3A_594 : vector<16xf32> to vector<1x1x16xf32>
      tpu.vector_store %arg12[%swap3A_596, %swap3A_597, %swap3A_598], %swap3A_601 {strides = array<i32>} : memref<2x64x256xf32, #tpu.memory_space<vmem>>, vector<1x1x16xf32>,
      %get3A_602 = arith.constant 0 : i32
      %get3A_603 = arith.index_cast %get3A_602 : i32 to index
      %get3A_604 = arith.index_cast %scan3A_374 : i32 to index
      %get3A_605 = arith.constant 160 : index
      %get3A_606 = tpu.vector_load %arg10[%get3A_603, %get3A_604, %get3A_605] {strides = array<i32>} : memref<2x64x256xf32, #tpu.memory_space<vmem>>, vector<1x1x16xf32>,
      %get3A_607 = vector.shape_cast %get3A_606 : vector<1x1x16xf32> to vector<16xf32>
      %get3A_608 = arith.constant 0 : i32
      %get3A_609 = arith.index_cast %get3A_608 : i32 to index
      %get3A_610 = arith.index_cast %scan3A_374 : i32 to index
      %get3A_611 = arith.constant 160 : index
      %get3A_612 = tpu.vector_load %arg11[%get3A_609, %get3A_610, %get3A_611] {strides = array<i32>} : memref<2x64x256xf32, #tpu.memory_space<vmem>>, vector<1x1x16xf32>,
      %get3A_613 = vector.shape_cast %get3A_612 : vector<1x1x16xf32> to vector<16xf32>
      %sub3A_614 = arith.subf %get3A_607, %get3A_613 : vector<16xf32>
      %mul3A_615 = arith.mulf %gather3A_383, %sub3A_614 : vector<16xf32>
      %add3A_616 = arith.addf %get3A_613, %mul3A_615 : vector<16xf32>
      %swap3A_617 = arith.constant 0 : i32
      %swap3A_618 = arith.index_cast %swap3A_617 : i32 to index
      %swap3A_619 = arith.index_cast %scan3A_374 : i32 to index
      %swap3A_620 = arith.constant 160 : index
      %swap3A_621 = tpu.vector_load %arg12[%swap3A_618, %swap3A_619, %swap3A_620] {strides = array<i32>} : memref<2x64x256xf32, #tpu.memory_space<vmem>>, vector<1x1x16xf32>,
      %swap3A_622 = vector.shape_cast %swap3A_621 : vector<1x1x16xf32> to vector<16xf32>
      %swap3A_623 = vector.shape_cast %add3A_616 : vector<16xf32> to vector<1x1x16xf32>
      tpu.vector_store %arg12[%swap3A_618, %swap3A_619, %swap3A_620], %swap3A_623 {strides = array<i32>} : memref<2x64x256xf32, #tpu.memory_space<vmem>>, vector<1x1x16xf32>,
      %get3A_624 = arith.constant 0 : i32
      %get3A_625 = arith.index_cast %get3A_624 : i32 to index
      %get3A_626 = arith.index_cast %scan3A_374 : i32 to index
      %get3A_627 = arith.constant 176 : index
      %get3A_628 = tpu.vector_load %arg10[%get3A_625, %get3A_626, %get3A_627] {strides = array<i32>} : memref<2x64x256xf32, #tpu.memory_space<vmem>>, vector<1x1x16xf32>,
      %get3A_629 = vector.shape_cast %get3A_628 : vector<1x1x16xf32> to vector<16xf32>
      %get3A_630 = arith.constant 0 : i32
      %get3A_631 = arith.index_cast %get3A_630 : i32 to index
      %get3A_632 = arith.index_cast %scan3A_374 : i32 to index
      %get3A_633 = arith.constant 176 : index
      %get3A_634 = tpu.vector_load %arg11[%get3A_631, %get3A_632, %get3A_633] {strides = array<i32>} : memref<2x64x256xf32, #tpu.memory_space<vmem>>, vector<1x1x16xf32>,
      %get3A_635 = vector.shape_cast %get3A_634 : vector<1x1x16xf32> to vector<16xf32>
      %sub3A_636 = arith.subf %get3A_629, %get3A_635 : vector<16xf32>
      %mul3A_637 = arith.mulf %gather3A_383, %sub3A_636 : vector<16xf32>
      %add3A_638 = arith.addf %get3A_635, %mul3A_637 : vector<16xf32>
      %swap3A_639 = arith.constant 0 : i32
      %swap3A_640 = arith.index_cast %swap3A_639 : i32 to index
      %swap3A_641 = arith.index_cast %scan3A_374 : i32 to index
      %swap3A_642 = arith.constant 176 : index
      %swap3A_643 = tpu.vector_load %arg12[%swap3A_640, %swap3A_641, %swap3A_642] {strides = array<i32>} : memref<2x64x256xf32, #tpu.memory_space<vmem>>, vector<1x1x16xf32>,
      %swap3A_644 = vector.shape_cast %swap3A_643 : vector<1x1x16xf32> to vector<16xf32>
      %swap3A_645 = vector.shape_cast %add3A_638 : vector<16xf32> to vector<1x1x16xf32>
      tpu.vector_store %arg12[%swap3A_640, %swap3A_641, %swap3A_642], %swap3A_645 {strides = array<i32>} : memref<2x64x256xf32, #tpu.memory_space<vmem>>, vector<1x1x16xf32>,
      %get3A_646 = arith.constant 0 : i32
      %get3A_647 = arith.index_cast %get3A_646 : i32 to index
      %get3A_648 = arith.index_cast %scan3A_374 : i32 to index
      %get3A_649 = arith.constant 192 : index
      %get3A_650 = tpu.vector_load %arg10[%get3A_647, %get3A_648, %get3A_649] {strides = array<i32>} : memref<2x64x256xf32, #tpu.memory_space<vmem>>, vector<1x1x16xf32>,
      %get3A_651 = vector.shape_cast %get3A_650 : vector<1x1x16xf32> to vector<16xf32>
      %get3A_652 = arith.constant 0 : i32
      %get3A_653 = arith.index_cast %get3A_652 : i32 to index
      %get3A_654 = arith.index_cast %scan3A_374 : i32 to index
      %get3A_655 = arith.constant 192 : index
      %get3A_656 = tpu.vector_load %arg11[%get3A_653, %get3A_654, %get3A_655] {strides = array<i32>} : memref<2x64x256xf32, #tpu.memory_space<vmem>>, vector<1x1x16xf32>,
      %get3A_657 = vector.shape_cast %get3A_656 : vector<1x1x16xf32> to vector<16xf32>
      %sub3A_658 = arith.subf %get3A_651, %get3A_657 : vector<16xf32>
      %mul3A_659 = arith.mulf %gather3A_383, %sub3A_658 : vector<16xf32>
      %add3A_660 = arith.addf %get3A_657, %mul3A_659 : vector<16xf32>
      %swap3A_661 = arith.constant 0 : i32
      %swap3A_662 = arith.index_cast %swap3A_661 : i32 to index
      %swap3A_663 = arith.index_cast %scan3A_374 : i32 to index
      %swap3A_664 = arith.constant 192 : index
      %swap3A_665 = tpu.vector_load %arg12[%swap3A_662, %swap3A_663, %swap3A_664] {strides = array<i32>} : memref<2x64x256xf32, #tpu.memory_space<vmem>>, vector<1x1x16xf32>,
      %swap3A_666 = vector.shape_cast %swap3A_665 : vector<1x1x16xf32> to vector<16xf32>
      %swap3A_667 = vector.shape_cast %add3A_660 : vector<16xf32> to vector<1x1x16xf32>
      tpu.vector_store %arg12[%swap3A_662, %swap3A_663, %swap3A_664], %swap3A_667 {strides = array<i32>} : memref<2x64x256xf32, #tpu.memory_space<vmem>>, vector<1x1x16xf32>,
      %get3A_668 = arith.constant 0 : i32
      %get3A_669 = arith.index_cast %get3A_668 : i32 to index
      %get3A_670 = arith.index_cast %scan3A_374 : i32 to index
      %get3A_671 = arith.constant 208 : index
      %get3A_672 = tpu.vector_load %arg10[%get3A_669, %get3A_670, %get3A_671] {strides = array<i32>} : memref<2x64x256xf32, #tpu.memory_space<vmem>>, vector<1x1x16xf32>,
      %get3A_673 = vector.shape_cast %get3A_672 : vector<1x1x16xf32> to vector<16xf32>
      %get3A_674 = arith.constant 0 : i32
      %get3A_675 = arith.index_cast %get3A_674 : i32 to index
      %get3A_676 = arith.index_cast %scan3A_374 : i32 to index
      %get3A_677 = arith.constant 208 : index
      %get3A_678 = tpu.vector_load %arg11[%get3A_675, %get3A_676, %get3A_677] {strides = array<i32>} : memref<2x64x256xf32, #tpu.memory_space<vmem>>, vector<1x1x16xf32>,
      %get3A_679 = vector.shape_cast %get3A_678 : vector<1x1x16xf32> to vector<16xf32>
      %sub3A_680 = arith.subf %get3A_673, %get3A_679 : vector<16xf32>
      %mul3A_681 = arith.mulf %gather3A_383, %sub3A_680 : vector<16xf32>
      %add3A_682 = arith.addf %get3A_679, %mul3A_681 : vector<16xf32>
      %swap3A_683 = arith.constant 0 : i32
      %swap3A_684 = arith.index_cast %swap3A_683 : i32 to index
      %swap3A_685 = arith.index_cast %scan3A_374 : i32 to index
      %swap3A_686 = arith.constant 208 : index
      %swap3A_687 = tpu.vector_load %arg12[%swap3A_684, %swap3A_685, %swap3A_686] {strides = array<i32>} : memref<2x64x256xf32, #tpu.memory_space<vmem>>, vector<1x1x16xf32>,
      %swap3A_688 = vector.shape_cast %swap3A_687 : vector<1x1x16xf32> to vector<16xf32>
      %swap3A_689 = vector.shape_cast %add3A_682 : vector<16xf32> to vector<1x1x16xf32>
      tpu.vector_store %arg12[%swap3A_684, %swap3A_685, %swap3A_686], %swap3A_689 {strides = array<i32>} : memref<2x64x256xf32, #tpu.memory_space<vmem>>, vector<1x1x16xf32>,
      %get3A_690 = arith.constant 0 : i32
      %get3A_691 = arith.index_cast %get3A_690 : i32 to index
      %get3A_692 = arith.index_cast %scan3A_374 : i32 to index
      %get3A_693 = arith.constant 224 : index
      %get3A_694 = tpu.vector_load %arg10[%get3A_691, %get3A_692, %get3A_693] {strides = array<i32>} : memref<2x64x256xf32, #tpu.memory_space<vmem>>, vector<1x1x16xf32>,
      %get3A_695 = vector.shape_cast %get3A_694 : vector<1x1x16xf32> to vector<16xf32>
      %get3A_696 = arith.constant 0 : i32
      %get3A_697 = arith.index_cast %get3A_696 : i32 to index
      %get3A_698 = arith.index_cast %scan3A_374 : i32 to index
      %get3A_699 = arith.constant 224 : index
      %get3A_700 = tpu.vector_load %arg11[%get3A_697, %get3A_698, %get3A_699] {strides = array<i32>} : memref<2x64x256xf32, #tpu.memory_space<vmem>>, vector<1x1x16xf32>,
      %get3A_701 = vector.shape_cast %get3A_700 : vector<1x1x16xf32> to vector<16xf32>
      %sub3A_702 = arith.subf %get3A_695, %get3A_701 : vector<16xf32>
      %mul3A_703 = arith.mulf %gather3A_383, %sub3A_702 : vector<16xf32>
      %add3A_704 = arith.addf %get3A_701, %mul3A_703 : vector<16xf32>
      %swap3A_705 = arith.constant 0 : i32
      %swap3A_706 = arith.index_cast %swap3A_705 : i32 to index
      %swap3A_707 = arith.index_cast %scan3A_374 : i32 to index
      %swap3A_708 = arith.constant 224 : index
      %swap3A_709 = tpu.vector_load %arg12[%swap3A_706, %swap3A_707, %swap3A_708] {strides = array<i32>} : memref<2x64x256xf32, #tpu.memory_space<vmem>>, vector<1x1x16xf32>,
      %swap3A_710 = vector.shape_cast %swap3A_709 : vector<1x1x16xf32> to vector<16xf32>
      %swap3A_711 = vector.shape_cast %add3A_704 : vector<16xf32> to vector<1x1x16xf32>
      tpu.vector_store %arg12[%swap3A_706, %swap3A_707, %swap3A_708], %swap3A_711 {strides = array<i32>} : memref<2x64x256xf32, #tpu.memory_space<vmem>>, vector<1x1x16xf32>,
      %get3A_712 = arith.constant 0 : i32
      %get3A_713 = arith.index_cast %get3A_712 : i32 to index
      %get3A_714 = arith.index_cast %scan3A_374 : i32 to index
      %get3A_715 = arith.constant 240 : index
      %get3A_716 = tpu.vector_load %arg10[%get3A_713, %get3A_714, %get3A_715] {strides = array<i32>} : memref<2x64x256xf32, #tpu.memory_space<vmem>>, vector<1x1x16xf32>,
      %get3A_717 = vector.shape_cast %get3A_716 : vector<1x1x16xf32> to vector<16xf32>
      %get3A_718 = arith.constant 0 : i32
      %get3A_719 = arith.index_cast %get3A_718 : i32 to index
      %get3A_720 = arith.index_cast %scan3A_374 : i32 to index
      %get3A_721 = arith.constant 240 : index
      %get3A_722 = tpu.vector_load %arg11[%get3A_719, %get3A_720, %get3A_721] {strides = array<i32>} : memref<2x64x256xf32, #tpu.memory_space<vmem>>, vector<1x1x16xf32>,
      %get3A_723 = vector.shape_cast %get3A_722 : vector<1x1x16xf32> to vector<16xf32>
      %sub3A_724 = arith.subf %get3A_717, %get3A_723 : vector<16xf32>
      %mul3A_725 = arith.mulf %gather3A_383, %sub3A_724 : vector<16xf32>
      %add3A_726 = arith.addf %get3A_723, %mul3A_725 : vector<16xf32>
      %swap3A_727 = arith.constant 0 : i32
      %swap3A_728 = arith.index_cast %swap3A_727 : i32 to index
      %swap3A_729 = arith.index_cast %scan3A_374 : i32 to index
      %swap3A_730 = arith.constant 240 : index
      %swap3A_731 = tpu.vector_load %arg12[%swap3A_728, %swap3A_729, %swap3A_730] {strides = array<i32>} : memref<2x64x256xf32, #tpu.memory_space<vmem>>, vector<1x1x16xf32>,
      %swap3A_732 = vector.shape_cast %swap3A_731 : vector<1x1x16xf32> to vector<16xf32>
      %swap3A_733 = vector.shape_cast %add3A_726 : vector<16xf32> to vector<1x1x16xf32>
      tpu.vector_store %arg12[%swap3A_728, %swap3A_729, %swap3A_730], %swap3A_733 {strides = array<i32>} : memref<2x64x256xf32, #tpu.memory_space<vmem>>, vector<1x1x16xf32>,
    }
    %scan3A_69 = arith.constant 64 : i32
    %dma_start3A_70 = arith.constant 0 : i32
    %dma_start3A_71 = arith.constant 0 : i32
    %dma_start3A_72 = arith.constant 0 : i32
    %dma_start3A_73 = tpu.memref_slice %arg10[%dma_start3A_70, %dma_start3A_71, %dma_start3A_72] : memref<2x64x256xf32, #tpu.memory_space<vmem>> -> memref<1x64x256xf32, #tpu.memory_space<vmem>>
    %dma_start3A_74 = tpu.memref_squeeze %dma_start3A_73 : memref<1x64x256xf32, #tpu.memory_space<vmem>> -> memref<64x256xf32, #tpu.memory_space<vmem>>
    %dma_start3A_75 = arith.constant 128 : i32
    %dma_start3A_76 = tpu.memref_slice %arg7[%dma_start3A_75] : memref<320xi32, #tpu.memory_space<vmem>> -> memref<64xi32, #tpu.memory_space<vmem>>
    %dma_start3A_77 = arith.constant 0 : i32
    %dma_start3A_78 = arith.constant 0 : i32
    %dma_start3A_79 = tpu.memref_slice %arg2[%dma_start3A_77, %dma_start3A_78] : memref<2500x256xf32, #tpu.memory_space<hbm>> -> memref<2500x256xf32, #tpu.memory_space<hbm>>
    tpu.enqueue_indirect_dma source(%dma_start3A_79 : memref<2500x256xf32, #tpu.memory_space<hbm>>) target(%dma_start3A_74 : memref<64x256xf32, #tpu.memory_space<vmem>>) offsets(%dma_start3A_76 : memref<64xi32, #tpu.memory_space<vmem>>) semaphore(%arg13 : memref<!tpu.dma_semaphore, #tpu.memory_space<semaphore_mem>>)
    %dma_start3A_80 = arith.constant 0 : i32
    %dma_start3A_81 = arith.constant 0 : i32
    %dma_start3A_82 = arith.constant 0 : i32
    %dma_start3A_83 = tpu.memref_slice %arg11[%dma_start3A_80, %dma_start3A_81, %dma_start3A_82] : memref<2x64x256xf32, #tpu.memory_space<vmem>> -> memref<1x64x256xf32, #tpu.memory_space<vmem>>
    %dma_start3A_84 = tpu.memref_squeeze %dma_start3A_83 : memref<1x64x256xf32, #tpu.memory_space<vmem>> -> memref<64x256xf32, #tpu.memory_space<vmem>>
    %dma_start3A_85 = arith.constant 128 : i32
    %dma_start3A_86 = tpu.memref_slice %arg8[%dma_start3A_85] : memref<320xi32, #tpu.memory_space<vmem>> -> memref<64xi32, #tpu.memory_space<vmem>>
    %dma_start3A_87 = arith.constant 0 : i32
    %dma_start3A_88 = arith.constant 0 : i32
    %dma_start3A_89 = tpu.memref_slice %arg2[%dma_start3A_87, %dma_start3A_88] : memref<2500x256xf32, #tpu.memory_space<hbm>> -> memref<2500x256xf32, #tpu.memory_space<hbm>>
    tpu.enqueue_indirect_dma source(%dma_start3A_89 : memref<2500x256xf32, #tpu.memory_space<hbm>>) target(%dma_start3A_84 : memref<64x256xf32, #tpu.memory_space<vmem>>) offsets(%dma_start3A_86 : memref<64xi32, #tpu.memory_space<vmem>>) semaphore(%arg14 : memref<!tpu.dma_semaphore, #tpu.memory_space<semaphore_mem>>)
    %add3A_90 = arith.constant 0 : i32
    %add3A_91 = arith.addi %mul3A_2, %add3A_90 : i32
    %dma_start3A_92 = arith.constant 0 : i32
    %dma_start3A_93 = arith.constant 0 : i32
    %dma_start3A_94 = arith.constant 0 : i32
    %dma_start3A_95 = tpu.memref_slice %arg12[%dma_start3A_92, %dma_start3A_93, %dma_start3A_94] : memref<2x64x256xf32, #tpu.memory_space<vmem>> -> memref<1x64x256xf32, #tpu.memory_space<vmem>>
    %dma_start3A_96 = tpu.memref_squeeze %dma_start3A_95 : memref<1x64x256xf32, #tpu.memory_space<vmem>> -> memref<64x256xf32, #tpu.memory_space<vmem>>
    %dma_start3A_97 = arith.constant 0 : i32
    %dma_start3A_98 = tpu.memref_slice %arg6[%add3A_91, %dma_start3A_97] : memref<10240x256xf32, #tpu.memory_space<hbm>> -> memref<64x256xf32, #tpu.memory_space<hbm>>
    %dma_start3A_99 = arith.constant 0 : i32
    %dma_start3A_100 = tpu.memref_slice %arg6[%add3A_91, %dma_start3A_99] : memref<10240x256xf32, #tpu.memory_space<hbm>> -> memref<64x256xf32, #tpu.memory_space<hbm>>
    %dma_start3A_101 = arith.constant 0 : i32
    %dma_start3A_102 = arith.constant 0 : i32
    %dma_start3A_103 = tpu.memref_slice %arg12[%dma_start3A_92, %dma_start3A_101, %dma_start3A_102] : memref<2x64x256xf32, #tpu.memory_space<vmem>> -> memref<1x64x256xf32, #tpu.memory_space<vmem>>
    %dma_start3A_104 = tpu.memref_squeeze %dma_start3A_103 : memref<1x64x256xf32, #tpu.memory_space<vmem>> -> memref<64x256xf32, #tpu.memory_space<vmem>>
    tpu.enqueue_dma source(%dma_start3A_104 : memref<64x256xf32, #tpu.memory_space<vmem>>) target(%dma_start3A_100 : memref<64x256xf32, #tpu.memory_space<hbm>>) target_semaphore(%arg15 : memref<!tpu.dma_semaphore, #tpu.memory_space<semaphore_mem>>)
    %dma_wait3A_105 = arith.constant 1 : i32
    %dma_wait3A_106 = arith.constant 0 : i32
    %dma_wait3A_107 = arith.constant 0 : i32
    %dma_wait3A_108 = tpu.memref_slice %arg10[%dma_wait3A_105, %dma_wait3A_106, %dma_wait3A_107] : memref<2x64x256xf32, #tpu.memory_space<vmem>> -> memref<1x64x256xf32, #tpu.memory_space<vmem>>
    %dma_wait3A_109 = tpu.memref_squeeze %dma_wait3A_108 : memref<1x64x256xf32, #tpu.memory_space<vmem>> -> memref<64x256xf32, #tpu.memory_space<vmem>>
    %dma_wait3A_110 = arith.constant 64 : i32
    %dma_wait3A_111 = tpu.memref_slice %arg7[%dma_wait3A_110] : memref<320xi32, #tpu.memory_space<vmem>> -> memref<64xi32, #tpu.memory_space<vmem>>
    %dma_wait3A_112 = arith.constant 0 : i32
    %dma_wait3A_113 = arith.constant 0 : i32
    %dma_wait3A_114 = tpu.memref_slice %arg2[%dma_wait3A_112, %dma_wait3A_113] : memref<2500x256xf32, #tpu.memory_space<hbm>> -> memref<2500x256xf32, #tpu.memory_space<hbm>>
    tpu.wait_indirect_dma semaphore(%arg13 : memref<!tpu.dma_semaphore, #tpu.memory_space<semaphore_mem>>) src(%dma_wait3A_114 : memref<2500x256xf32, #tpu.memory_space<hbm>>) dst(%dma_wait3A_109 : memref<64x256xf32, #tpu.memory_space<vmem>>)
    %dma_wait3A_115 = arith.constant 1 : i32
    %dma_wait3A_116 = arith.constant 0 : i32
    %dma_wait3A_117 = arith.constant 0 : i32
    %dma_wait3A_118 = tpu.memref_slice %arg11[%dma_wait3A_115, %dma_wait3A_116, %dma_wait3A_117] : memref<2x64x256xf32, #tpu.memory_space<vmem>> -> memref<1x64x256xf32, #tpu.memory_space<vmem>>
    %dma_wait3A_119 = tpu.memref_squeeze %dma_wait3A_118 : memref<1x64x256xf32, #tpu.memory_space<vmem>> -> memref<64x256xf32, #tpu.memory_space<vmem>>
    %dma_wait3A_120 = arith.constant 64 : i32
    %dma_wait3A_121 = tpu.memref_slice %arg8[%dma_wait3A_120] : memref<320xi32, #tpu.memory_space<vmem>> -> memref<64xi32, #tpu.memory_space<vmem>>
    %dma_wait3A_122 = arith.constant 0 : i32
    %dma_wait3A_123 = arith.constant 0 : i32
    %dma_wait3A_124 = tpu.memref_slice %arg2[%dma_wait3A_122, %dma_wait3A_123] : memref<2500x256xf32, #tpu.memory_space<hbm>> -> memref<2500x256xf32, #tpu.memory_space<hbm>>
    tpu.wait_indirect_dma semaphore(%arg14 : memref<!tpu.dma_semaphore, #tpu.memory_space<semaphore_mem>>) src(%dma_wait3A_124 : memref<2500x256xf32, #tpu.memory_space<hbm>>) dst(%dma_wait3A_119 : memref<64x256xf32, #tpu.memory_space<vmem>>)
    %scan3A_125 = arith.constant 0 : i32
    %scan3A_126 = arith.constant 0 : i32
    %scan3A_127 = arith.constant 64 : i32
    %scan3A_128 = arith.addi %scan3A_126, %scan3A_127 : i32
    %scan3A_129 = arith.constant 1 : i32
    scf.for %scan3A_374 = %scan3A_126 to %scan3A_128 step %scan3A_129  : i32 {
      %and3A = arith.constant -16 : i32
      %and3A_375 = arith.andi %scan3A_374, %and3A : i32
      %add3A_376 = arith.constant 64 : i32
      %add3A_377 = arith.addi %add3A_376, %and3A_375 : i32
      %get3A = arith.index_cast %add3A_377 : i32 to index
      %get3A_378 = tpu.vector_load %arg9[%get3A] {strides = array<i32>} : memref<320xf32, #tpu.memory_space<vmem>>, vector<16xf32>,
      %get3A_379 = vector.shape_cast %get3A_378 : vector<16xf32> to vector<16xf32>
      %and3A_380 = arith.constant 15 : i32
      %and3A_381 = arith.andi %scan3A_374, %and3A_380 : i32
      %broadcast_in_dim3A = vector.broadcast %and3A_381 : i32 to vector<16xi32>
      %broadcast_in_dim3A_382 = vector.shape_cast %broadcast_in_dim3A : vector<16xi32> to vector<16x1xi32>
      %gather3A = vector.shape_cast %broadcast_in_dim3A_382 : vector<16x1xi32> to vector<16xi32>
      %gather3A_383 = tpu.dynamic_gather %get3A_379[%gather3A] in [0] : vector<16xf32>, vector<16xi32> -> vector<16xf32>
      %get3A_384 = arith.constant 1 : i32
      %get3A_385 = arith.index_cast %get3A_384 : i32 to index
      %get3A_386 = arith.index_cast %scan3A_374 : i32 to index
      %get3A_387 = arith.constant 0 : index
      %get3A_388 = tpu.vector_load %arg10[%get3A_385, %get3A_386, %get3A_387] {strides = array<i32>} : memref<2x64x256xf32, #tpu.memory_space<vmem>>, vector<1x1x16xf32>,
      %get3A_389 = vector.shape_cast %get3A_388 : vector<1x1x16xf32> to vector<16xf32>
      %get3A_390 = arith.constant 1 : i32
      %get3A_391 = arith.index_cast %get3A_390 : i32 to index
      %get3A_392 = arith.index_cast %scan3A_374 : i32 to index
      %get3A_393 = arith.constant 0 : index
      %get3A_394 = tpu.vector_load %arg11[%get3A_391, %get3A_392, %get3A_393] {strides = array<i32>} : memref<2x64x256xf32, #tpu.memory_space<vmem>>, vector<1x1x16xf32>,
      %get3A_395 = vector.shape_cast %get3A_394 : vector<1x1x16xf32> to vector<16xf32>
      %sub3A = arith.subf %get3A_389, %get3A_395 : vector<16xf32>
      %mul3A_396 = arith.mulf %gather3A_383, %sub3A : vector<16xf32>
      %add3A_397 = arith.addf %get3A_395, %mul3A_396 : vector<16xf32>
      %swap3A = arith.constant 1 : i32
      %swap3A_398 = arith.index_cast %swap3A : i32 to index
      %swap3A_399 = arith.index_cast %scan3A_374 : i32 to index
      %swap3A_400 = arith.constant 0 : index
      %swap3A_401 = tpu.vector_load %arg12[%swap3A_398, %swap3A_399, %swap3A_400] {strides = array<i32>} : memref<2x64x256xf32, #tpu.memory_space<vmem>>, vector<1x1x16xf32>,
      %swap3A_402 = vector.shape_cast %swap3A_401 : vector<1x1x16xf32> to vector<16xf32>
      %swap3A_403 = vector.shape_cast %add3A_397 : vector<16xf32> to vector<1x1x16xf32>
      tpu.vector_store %arg12[%swap3A_398, %swap3A_399, %swap3A_400], %swap3A_403 {strides = array<i32>} : memref<2x64x256xf32, #tpu.memory_space<vmem>>, vector<1x1x16xf32>,
      %get3A_404 = arith.constant 1 : i32
      %get3A_405 = arith.index_cast %get3A_404 : i32 to index
      %get3A_406 = arith.index_cast %scan3A_374 : i32 to index
      %get3A_407 = arith.constant 16 : index
      %get3A_408 = tpu.vector_load %arg10[%get3A_405, %get3A_406, %get3A_407] {strides = array<i32>} : memref<2x64x256xf32, #tpu.memory_space<vmem>>, vector<1x1x16xf32>,
      %get3A_409 = vector.shape_cast %get3A_408 : vector<1x1x16xf32> to vector<16xf32>
      %get3A_410 = arith.constant 1 : i32
      %get3A_411 = arith.index_cast %get3A_410 : i32 to index
      %get3A_412 = arith.index_cast %scan3A_374 : i32 to index
      %get3A_413 = arith.constant 16 : index
      %get3A_414 = tpu.vector_load %arg11[%get3A_411, %get3A_412, %get3A_413] {strides = array<i32>} : memref<2x64x256xf32, #tpu.memory_space<vmem>>, vector<1x1x16xf32>,
      %get3A_415 = vector.shape_cast %get3A_414 : vector<1x1x16xf32> to vector<16xf32>
      %sub3A_416 = arith.subf %get3A_409, %get3A_415 : vector<16xf32>
      %mul3A_417 = arith.mulf %gather3A_383, %sub3A_416 : vector<16xf32>
      %add3A_418 = arith.addf %get3A_415, %mul3A_417 : vector<16xf32>
      %swap3A_419 = arith.constant 1 : i32
      %swap3A_420 = arith.index_cast %swap3A_419 : i32 to index
      %swap3A_421 = arith.index_cast %scan3A_374 : i32 to index
      %swap3A_422 = arith.constant 16 : index
      %swap3A_423 = tpu.vector_load %arg12[%swap3A_420, %swap3A_421, %swap3A_422] {strides = array<i32>} : memref<2x64x256xf32, #tpu.memory_space<vmem>>, vector<1x1x16xf32>,
      %swap3A_424 = vector.shape_cast %swap3A_423 : vector<1x1x16xf32> to vector<16xf32>
      %swap3A_425 = vector.shape_cast %add3A_418 : vector<16xf32> to vector<1x1x16xf32>
      tpu.vector_store %arg12[%swap3A_420, %swap3A_421, %swap3A_422], %swap3A_425 {strides = array<i32>} : memref<2x64x256xf32, #tpu.memory_space<vmem>>, vector<1x1x16xf32>,
      %get3A_426 = arith.constant 1 : i32
      %get3A_427 = arith.index_cast %get3A_426 : i32 to index
      %get3A_428 = arith.index_cast %scan3A_374 : i32 to index
      %get3A_429 = arith.constant 32 : index
      %get3A_430 = tpu.vector_load %arg10[%get3A_427, %get3A_428, %get3A_429] {strides = array<i32>} : memref<2x64x256xf32, #tpu.memory_space<vmem>>, vector<1x1x16xf32>,
      %get3A_431 = vector.shape_cast %get3A_430 : vector<1x1x16xf32> to vector<16xf32>
      %get3A_432 = arith.constant 1 : i32
      %get3A_433 = arith.index_cast %get3A_432 : i32 to index
      %get3A_434 = arith.index_cast %scan3A_374 : i32 to index
      %get3A_435 = arith.constant 32 : index
      %get3A_436 = tpu.vector_load %arg11[%get3A_433, %get3A_434, %get3A_435] {strides = array<i32>} : memref<2x64x256xf32, #tpu.memory_space<vmem>>, vector<1x1x16xf32>,
      %get3A_437 = vector.shape_cast %get3A_436 : vector<1x1x16xf32> to vector<16xf32>
      %sub3A_438 = arith.subf %get3A_431, %get3A_437 : vector<16xf32>
      %mul3A_439 = arith.mulf %gather3A_383, %sub3A_438 : vector<16xf32>
      %add3A_440 = arith.addf %get3A_437, %mul3A_439 : vector<16xf32>
      %swap3A_441 = arith.constant 1 : i32
      %swap3A_442 = arith.index_cast %swap3A_441 : i32 to index
      %swap3A_443 = arith.index_cast %scan3A_374 : i32 to index
      %swap3A_444 = arith.constant 32 : index
      %swap3A_445 = tpu.vector_load %arg12[%swap3A_442, %swap3A_443, %swap3A_444] {strides = array<i32>} : memref<2x64x256xf32, #tpu.memory_space<vmem>>, vector<1x1x16xf32>,
      %swap3A_446 = vector.shape_cast %swap3A_445 : vector<1x1x16xf32> to vector<16xf32>
      %swap3A_447 = vector.shape_cast %add3A_440 : vector<16xf32> to vector<1x1x16xf32>
      tpu.vector_store %arg12[%swap3A_442, %swap3A_443, %swap3A_444], %swap3A_447 {strides = array<i32>} : memref<2x64x256xf32, #tpu.memory_space<vmem>>, vector<1x1x16xf32>,
      %get3A_448 = arith.constant 1 : i32
      %get3A_449 = arith.index_cast %get3A_448 : i32 to index
      %get3A_450 = arith.index_cast %scan3A_374 : i32 to index
      %get3A_451 = arith.constant 48 : index
      %get3A_452 = tpu.vector_load %arg10[%get3A_449, %get3A_450, %get3A_451] {strides = array<i32>} : memref<2x64x256xf32, #tpu.memory_space<vmem>>, vector<1x1x16xf32>,
      %get3A_453 = vector.shape_cast %get3A_452 : vector<1x1x16xf32> to vector<16xf32>
      %get3A_454 = arith.constant 1 : i32
      %get3A_455 = arith.index_cast %get3A_454 : i32 to index
      %get3A_456 = arith.index_cast %scan3A_374 : i32 to index
      %get3A_457 = arith.constant 48 : index
      %get3A_458 = tpu.vector_load %arg11[%get3A_455, %get3A_456, %get3A_457] {strides = array<i32>} : memref<2x64x256xf32, #tpu.memory_space<vmem>>, vector<1x1x16xf32>,
      %get3A_459 = vector.shape_cast %get3A_458 : vector<1x1x16xf32> to vector<16xf32>
      %sub3A_460 = arith.subf %get3A_453, %get3A_459 : vector<16xf32>
      %mul3A_461 = arith.mulf %gather3A_383, %sub3A_460 : vector<16xf32>
      %add3A_462 = arith.addf %get3A_459, %mul3A_461 : vector<16xf32>
      %swap3A_463 = arith.constant 1 : i32
      %swap3A_464 = arith.index_cast %swap3A_463 : i32 to index
      %swap3A_465 = arith.index_cast %scan3A_374 : i32 to index
      %swap3A_466 = arith.constant 48 : index
      %swap3A_467 = tpu.vector_load %arg12[%swap3A_464, %swap3A_465, %swap3A_466] {strides = array<i32>} : memref<2x64x256xf32, #tpu.memory_space<vmem>>, vector<1x1x16xf32>,
      %swap3A_468 = vector.shape_cast %swap3A_467 : vector<1x1x16xf32> to vector<16xf32>
      %swap3A_469 = vector.shape_cast %add3A_462 : vector<16xf32> to vector<1x1x16xf32>
      tpu.vector_store %arg12[%swap3A_464, %swap3A_465, %swap3A_466], %swap3A_469 {strides = array<i32>} : memref<2x64x256xf32, #tpu.memory_space<vmem>>, vector<1x1x16xf32>,
      %get3A_470 = arith.constant 1 : i32
      %get3A_471 = arith.index_cast %get3A_470 : i32 to index
      %get3A_472 = arith.index_cast %scan3A_374 : i32 to index
      %get3A_473 = arith.constant 64 : index
      %get3A_474 = tpu.vector_load %arg10[%get3A_471, %get3A_472, %get3A_473] {strides = array<i32>} : memref<2x64x256xf32, #tpu.memory_space<vmem>>, vector<1x1x16xf32>,
      %get3A_475 = vector.shape_cast %get3A_474 : vector<1x1x16xf32> to vector<16xf32>
      %get3A_476 = arith.constant 1 : i32
      %get3A_477 = arith.index_cast %get3A_476 : i32 to index
      %get3A_478 = arith.index_cast %scan3A_374 : i32 to index
      %get3A_479 = arith.constant 64 : index
      %get3A_480 = tpu.vector_load %arg11[%get3A_477, %get3A_478, %get3A_479] {strides = array<i32>} : memref<2x64x256xf32, #tpu.memory_space<vmem>>, vector<1x1x16xf32>,
      %get3A_481 = vector.shape_cast %get3A_480 : vector<1x1x16xf32> to vector<16xf32>
      %sub3A_482 = arith.subf %get3A_475, %get3A_481 : vector<16xf32>
      %mul3A_483 = arith.mulf %gather3A_383, %sub3A_482 : vector<16xf32>
      %add3A_484 = arith.addf %get3A_481, %mul3A_483 : vector<16xf32>
      %swap3A_485 = arith.constant 1 : i32
      %swap3A_486 = arith.index_cast %swap3A_485 : i32 to index
      %swap3A_487 = arith.index_cast %scan3A_374 : i32 to index
      %swap3A_488 = arith.constant 64 : index
      %swap3A_489 = tpu.vector_load %arg12[%swap3A_486, %swap3A_487, %swap3A_488] {strides = array<i32>} : memref<2x64x256xf32, #tpu.memory_space<vmem>>, vector<1x1x16xf32>,
      %swap3A_490 = vector.shape_cast %swap3A_489 : vector<1x1x16xf32> to vector<16xf32>
      %swap3A_491 = vector.shape_cast %add3A_484 : vector<16xf32> to vector<1x1x16xf32>
      tpu.vector_store %arg12[%swap3A_486, %swap3A_487, %swap3A_488], %swap3A_491 {strides = array<i32>} : memref<2x64x256xf32, #tpu.memory_space<vmem>>, vector<1x1x16xf32>,
      %get3A_492 = arith.constant 1 : i32
      %get3A_493 = arith.index_cast %get3A_492 : i32 to index
      %get3A_494 = arith.index_cast %scan3A_374 : i32 to index
      %get3A_495 = arith.constant 80 : index
      %get3A_496 = tpu.vector_load %arg10[%get3A_493, %get3A_494, %get3A_495] {strides = array<i32>} : memref<2x64x256xf32, #tpu.memory_space<vmem>>, vector<1x1x16xf32>,
      %get3A_497 = vector.shape_cast %get3A_496 : vector<1x1x16xf32> to vector<16xf32>
      %get3A_498 = arith.constant 1 : i32
      %get3A_499 = arith.index_cast %get3A_498 : i32 to index
      %get3A_500 = arith.index_cast %scan3A_374 : i32 to index
      %get3A_501 = arith.constant 80 : index
      %get3A_502 = tpu.vector_load %arg11[%get3A_499, %get3A_500, %get3A_501] {strides = array<i32>} : memref<2x64x256xf32, #tpu.memory_space<vmem>>, vector<1x1x16xf32>,
      %get3A_503 = vector.shape_cast %get3A_502 : vector<1x1x16xf32> to vector<16xf32>
      %sub3A_504 = arith.subf %get3A_497, %get3A_503 : vector<16xf32>
      %mul3A_505 = arith.mulf %gather3A_383, %sub3A_504 : vector<16xf32>
      %add3A_506 = arith.addf %get3A_503, %mul3A_505 : vector<16xf32>
      %swap3A_507 = arith.constant 1 : i32
      %swap3A_508 = arith.index_cast %swap3A_507 : i32 to index
      %swap3A_509 = arith.index_cast %scan3A_374 : i32 to index
      %swap3A_510 = arith.constant 80 : index
      %swap3A_511 = tpu.vector_load %arg12[%swap3A_508, %swap3A_509, %swap3A_510] {strides = array<i32>} : memref<2x64x256xf32, #tpu.memory_space<vmem>>, vector<1x1x16xf32>,
      %swap3A_512 = vector.shape_cast %swap3A_511 : vector<1x1x16xf32> to vector<16xf32>
      %swap3A_513 = vector.shape_cast %add3A_506 : vector<16xf32> to vector<1x1x16xf32>
      tpu.vector_store %arg12[%swap3A_508, %swap3A_509, %swap3A_510], %swap3A_513 {strides = array<i32>} : memref<2x64x256xf32, #tpu.memory_space<vmem>>, vector<1x1x16xf32>,
      %get3A_514 = arith.constant 1 : i32
      %get3A_515 = arith.index_cast %get3A_514 : i32 to index
      %get3A_516 = arith.index_cast %scan3A_374 : i32 to index
      %get3A_517 = arith.constant 96 : index
      %get3A_518 = tpu.vector_load %arg10[%get3A_515, %get3A_516, %get3A_517] {strides = array<i32>} : memref<2x64x256xf32, #tpu.memory_space<vmem>>, vector<1x1x16xf32>,
      %get3A_519 = vector.shape_cast %get3A_518 : vector<1x1x16xf32> to vector<16xf32>
      %get3A_520 = arith.constant 1 : i32
      %get3A_521 = arith.index_cast %get3A_520 : i32 to index
      %get3A_522 = arith.index_cast %scan3A_374 : i32 to index
      %get3A_523 = arith.constant 96 : index
      %get3A_524 = tpu.vector_load %arg11[%get3A_521, %get3A_522, %get3A_523] {strides = array<i32>} : memref<2x64x256xf32, #tpu.memory_space<vmem>>, vector<1x1x16xf32>,
      %get3A_525 = vector.shape_cast %get3A_524 : vector<1x1x16xf32> to vector<16xf32>
      %sub3A_526 = arith.subf %get3A_519, %get3A_525 : vector<16xf32>
      %mul3A_527 = arith.mulf %gather3A_383, %sub3A_526 : vector<16xf32>
      %add3A_528 = arith.addf %get3A_525, %mul3A_527 : vector<16xf32>
      %swap3A_529 = arith.constant 1 : i32
      %swap3A_530 = arith.index_cast %swap3A_529 : i32 to index
      %swap3A_531 = arith.index_cast %scan3A_374 : i32 to index
      %swap3A_532 = arith.constant 96 : index
      %swap3A_533 = tpu.vector_load %arg12[%swap3A_530, %swap3A_531, %swap3A_532] {strides = array<i32>} : memref<2x64x256xf32, #tpu.memory_space<vmem>>, vector<1x1x16xf32>,
      %swap3A_534 = vector.shape_cast %swap3A_533 : vector<1x1x16xf32> to vector<16xf32>
      %swap3A_535 = vector.shape_cast %add3A_528 : vector<16xf32> to vector<1x1x16xf32>
      tpu.vector_store %arg12[%swap3A_530, %swap3A_531, %swap3A_532], %swap3A_535 {strides = array<i32>} : memref<2x64x256xf32, #tpu.memory_space<vmem>>, vector<1x1x16xf32>,
      %get3A_536 = arith.constant 1 : i32
      %get3A_537 = arith.index_cast %get3A_536 : i32 to index
      %get3A_538 = arith.index_cast %scan3A_374 : i32 to index
      %get3A_539 = arith.constant 112 : index
      %get3A_540 = tpu.vector_load %arg10[%get3A_537, %get3A_538, %get3A_539] {strides = array<i32>} : memref<2x64x256xf32, #tpu.memory_space<vmem>>, vector<1x1x16xf32>,
      %get3A_541 = vector.shape_cast %get3A_540 : vector<1x1x16xf32> to vector<16xf32>
      %get3A_542 = arith.constant 1 : i32
      %get3A_543 = arith.index_cast %get3A_542 : i32 to index
      %get3A_544 = arith.index_cast %scan3A_374 : i32 to index
      %get3A_545 = arith.constant 112 : index
      %get3A_546 = tpu.vector_load %arg11[%get3A_543, %get3A_544, %get3A_545] {strides = array<i32>} : memref<2x64x256xf32, #tpu.memory_space<vmem>>, vector<1x1x16xf32>,
      %get3A_547 = vector.shape_cast %get3A_546 : vector<1x1x16xf32> to vector<16xf32>
      %sub3A_548 = arith.subf %get3A_541, %get3A_547 : vector<16xf32>
      %mul3A_549 = arith.mulf %gather3A_383, %sub3A_548 : vector<16xf32>
      %add3A_550 = arith.addf %get3A_547, %mul3A_549 : vector<16xf32>
      %swap3A_551 = arith.constant 1 : i32
      %swap3A_552 = arith.index_cast %swap3A_551 : i32 to index
      %swap3A_553 = arith.index_cast %scan3A_374 : i32 to index
      %swap3A_554 = arith.constant 112 : index
      %swap3A_555 = tpu.vector_load %arg12[%swap3A_552, %swap3A_553, %swap3A_554] {strides = array<i32>} : memref<2x64x256xf32, #tpu.memory_space<vmem>>, vector<1x1x16xf32>,
      %swap3A_556 = vector.shape_cast %swap3A_555 : vector<1x1x16xf32> to vector<16xf32>
      %swap3A_557 = vector.shape_cast %add3A_550 : vector<16xf32> to vector<1x1x16xf32>
      tpu.vector_store %arg12[%swap3A_552, %swap3A_553, %swap3A_554], %swap3A_557 {strides = array<i32>} : memref<2x64x256xf32, #tpu.memory_space<vmem>>, vector<1x1x16xf32>,
      %get3A_558 = arith.constant 1 : i32
      %get3A_559 = arith.index_cast %get3A_558 : i32 to index
      %get3A_560 = arith.index_cast %scan3A_374 : i32 to index
      %get3A_561 = arith.constant 128 : index
      %get3A_562 = tpu.vector_load %arg10[%get3A_559, %get3A_560, %get3A_561] {strides = array<i32>} : memref<2x64x256xf32, #tpu.memory_space<vmem>>, vector<1x1x16xf32>,
      %get3A_563 = vector.shape_cast %get3A_562 : vector<1x1x16xf32> to vector<16xf32>
      %get3A_564 = arith.constant 1 : i32
      %get3A_565 = arith.index_cast %get3A_564 : i32 to index
      %get3A_566 = arith.index_cast %scan3A_374 : i32 to index
      %get3A_567 = arith.constant 128 : index
      %get3A_568 = tpu.vector_load %arg11[%get3A_565, %get3A_566, %get3A_567] {strides = array<i32>} : memref<2x64x256xf32, #tpu.memory_space<vmem>>, vector<1x1x16xf32>,
      %get3A_569 = vector.shape_cast %get3A_568 : vector<1x1x16xf32> to vector<16xf32>
      %sub3A_570 = arith.subf %get3A_563, %get3A_569 : vector<16xf32>
      %mul3A_571 = arith.mulf %gather3A_383, %sub3A_570 : vector<16xf32>
      %add3A_572 = arith.addf %get3A_569, %mul3A_571 : vector<16xf32>
      %swap3A_573 = arith.constant 1 : i32
      %swap3A_574 = arith.index_cast %swap3A_573 : i32 to index
      %swap3A_575 = arith.index_cast %scan3A_374 : i32 to index
      %swap3A_576 = arith.constant 128 : index
      %swap3A_577 = tpu.vector_load %arg12[%swap3A_574, %swap3A_575, %swap3A_576] {strides = array<i32>} : memref<2x64x256xf32, #tpu.memory_space<vmem>>, vector<1x1x16xf32>,
      %swap3A_578 = vector.shape_cast %swap3A_577 : vector<1x1x16xf32> to vector<16xf32>
      %swap3A_579 = vector.shape_cast %add3A_572 : vector<16xf32> to vector<1x1x16xf32>
      tpu.vector_store %arg12[%swap3A_574, %swap3A_575, %swap3A_576], %swap3A_579 {strides = array<i32>} : memref<2x64x256xf32, #tpu.memory_space<vmem>>, vector<1x1x16xf32>,
      %get3A_580 = arith.constant 1 : i32
      %get3A_581 = arith.index_cast %get3A_580 : i32 to index
      %get3A_582 = arith.index_cast %scan3A_374 : i32 to index
      %get3A_583 = arith.constant 144 : index
      %get3A_584 = tpu.vector_load %arg10[%get3A_581, %get3A_582, %get3A_583] {strides = array<i32>} : memref<2x64x256xf32, #tpu.memory_space<vmem>>, vector<1x1x16xf32>,
      %get3A_585 = vector.shape_cast %get3A_584 : vector<1x1x16xf32> to vector<16xf32>
      %get3A_586 = arith.constant 1 : i32
      %get3A_587 = arith.index_cast %get3A_586 : i32 to index
      %get3A_588 = arith.index_cast %scan3A_374 : i32 to index
      %get3A_589 = arith.constant 144 : index
      %get3A_590 = tpu.vector_load %arg11[%get3A_587, %get3A_588, %get3A_589] {strides = array<i32>} : memref<2x64x256xf32, #tpu.memory_space<vmem>>, vector<1x1x16xf32>,
      %get3A_591 = vector.shape_cast %get3A_590 : vector<1x1x16xf32> to vector<16xf32>
      %sub3A_592 = arith.subf %get3A_585, %get3A_591 : vector<16xf32>
      %mul3A_593 = arith.mulf %gather3A_383, %sub3A_592 : vector<16xf32>
      %add3A_594 = arith.addf %get3A_591, %mul3A_593 : vector<16xf32>
      %swap3A_595 = arith.constant 1 : i32
      %swap3A_596 = arith.index_cast %swap3A_595 : i32 to index
      %swap3A_597 = arith.index_cast %scan3A_374 : i32 to index
      %swap3A_598 = arith.constant 144 : index
      %swap3A_599 = tpu.vector_load %arg12[%swap3A_596, %swap3A_597, %swap3A_598] {strides = array<i32>} : memref<2x64x256xf32, #tpu.memory_space<vmem>>, vector<1x1x16xf32>,
      %swap3A_600 = vector.shape_cast %swap3A_599 : vector<1x1x16xf32> to vector<16xf32>
      %swap3A_601 = vector.shape_cast %add3A_594 : vector<16xf32> to vector<1x1x16xf32>
      tpu.vector_store %arg12[%swap3A_596, %swap3A_597, %swap3A_598], %swap3A_601 {strides = array<i32>} : memref<2x64x256xf32, #tpu.memory_space<vmem>>, vector<1x1x16xf32>,
      %get3A_602 = arith.constant 1 : i32
      %get3A_603 = arith.index_cast %get3A_602 : i32 to index
      %get3A_604 = arith.index_cast %scan3A_374 : i32 to index
      %get3A_605 = arith.constant 160 : index
      %get3A_606 = tpu.vector_load %arg10[%get3A_603, %get3A_604, %get3A_605] {strides = array<i32>} : memref<2x64x256xf32, #tpu.memory_space<vmem>>, vector<1x1x16xf32>,
      %get3A_607 = vector.shape_cast %get3A_606 : vector<1x1x16xf32> to vector<16xf32>
      %get3A_608 = arith.constant 1 : i32
      %get3A_609 = arith.index_cast %get3A_608 : i32 to index
      %get3A_610 = arith.index_cast %scan3A_374 : i32 to index
      %get3A_611 = arith.constant 160 : index
      %get3A_612 = tpu.vector_load %arg11[%get3A_609, %get3A_610, %get3A_611] {strides = array<i32>} : memref<2x64x256xf32, #tpu.memory_space<vmem>>, vector<1x1x16xf32>,
      %get3A_613 = vector.shape_cast %get3A_612 : vector<1x1x16xf32> to vector<16xf32>
      %sub3A_614 = arith.subf %get3A_607, %get3A_613 : vector<16xf32>
      %mul3A_615 = arith.mulf %gather3A_383, %sub3A_614 : vector<16xf32>
      %add3A_616 = arith.addf %get3A_613, %mul3A_615 : vector<16xf32>
      %swap3A_617 = arith.constant 1 : i32
      %swap3A_618 = arith.index_cast %swap3A_617 : i32 to index
      %swap3A_619 = arith.index_cast %scan3A_374 : i32 to index
      %swap3A_620 = arith.constant 160 : index
      %swap3A_621 = tpu.vector_load %arg12[%swap3A_618, %swap3A_619, %swap3A_620] {strides = array<i32>} : memref<2x64x256xf32, #tpu.memory_space<vmem>>, vector<1x1x16xf32>,
      %swap3A_622 = vector.shape_cast %swap3A_621 : vector<1x1x16xf32> to vector<16xf32>
      %swap3A_623 = vector.shape_cast %add3A_616 : vector<16xf32> to vector<1x1x16xf32>
      tpu.vector_store %arg12[%swap3A_618, %swap3A_619, %swap3A_620], %swap3A_623 {strides = array<i32>} : memref<2x64x256xf32, #tpu.memory_space<vmem>>, vector<1x1x16xf32>,
      %get3A_624 = arith.constant 1 : i32
      %get3A_625 = arith.index_cast %get3A_624 : i32 to index
      %get3A_626 = arith.index_cast %scan3A_374 : i32 to index
      %get3A_627 = arith.constant 176 : index
      %get3A_628 = tpu.vector_load %arg10[%get3A_625, %get3A_626, %get3A_627] {strides = array<i32>} : memref<2x64x256xf32, #tpu.memory_space<vmem>>, vector<1x1x16xf32>,
      %get3A_629 = vector.shape_cast %get3A_628 : vector<1x1x16xf32> to vector<16xf32>
      %get3A_630 = arith.constant 1 : i32
      %get3A_631 = arith.index_cast %get3A_630 : i32 to index
      %get3A_632 = arith.index_cast %scan3A_374 : i32 to index
      %get3A_633 = arith.constant 176 : index
      %get3A_634 = tpu.vector_load %arg11[%get3A_631, %get3A_632, %get3A_633] {strides = array<i32>} : memref<2x64x256xf32, #tpu.memory_space<vmem>>, vector<1x1x16xf32>,
      %get3A_635 = vector.shape_cast %get3A_634 : vector<1x1x16xf32> to vector<16xf32>
      %sub3A_636 = arith.subf %get3A_629, %get3A_635 : vector<16xf32>
      %mul3A_637 = arith.mulf %gather3A_383, %sub3A_636 : vector<16xf32>
      %add3A_638 = arith.addf %get3A_635, %mul3A_637 : vector<16xf32>
      %swap3A_639 = arith.constant 1 : i32
      %swap3A_640 = arith.index_cast %swap3A_639 : i32 to index
      %swap3A_641 = arith.index_cast %scan3A_374 : i32 to index
      %swap3A_642 = arith.constant 176 : index
      %swap3A_643 = tpu.vector_load %arg12[%swap3A_640, %swap3A_641, %swap3A_642] {strides = array<i32>} : memref<2x64x256xf32, #tpu.memory_space<vmem>>, vector<1x1x16xf32>,
      %swap3A_644 = vector.shape_cast %swap3A_643 : vector<1x1x16xf32> to vector<16xf32>
      %swap3A_645 = vector.shape_cast %add3A_638 : vector<16xf32> to vector<1x1x16xf32>
      tpu.vector_store %arg12[%swap3A_640, %swap3A_641, %swap3A_642], %swap3A_645 {strides = array<i32>} : memref<2x64x256xf32, #tpu.memory_space<vmem>>, vector<1x1x16xf32>,
      %get3A_646 = arith.constant 1 : i32
      %get3A_647 = arith.index_cast %get3A_646 : i32 to index
      %get3A_648 = arith.index_cast %scan3A_374 : i32 to index
      %get3A_649 = arith.constant 192 : index
      %get3A_650 = tpu.vector_load %arg10[%get3A_647, %get3A_648, %get3A_649] {strides = array<i32>} : memref<2x64x256xf32, #tpu.memory_space<vmem>>, vector<1x1x16xf32>,
      %get3A_651 = vector.shape_cast %get3A_650 : vector<1x1x16xf32> to vector<16xf32>
      %get3A_652 = arith.constant 1 : i32
      %get3A_653 = arith.index_cast %get3A_652 : i32 to index
      %get3A_654 = arith.index_cast %scan3A_374 : i32 to index
      %get3A_655 = arith.constant 192 : index
      %get3A_656 = tpu.vector_load %arg11[%get3A_653, %get3A_654, %get3A_655] {strides = array<i32>} : memref<2x64x256xf32, #tpu.memory_space<vmem>>, vector<1x1x16xf32>,
      %get3A_657 = vector.shape_cast %get3A_656 : vector<1x1x16xf32> to vector<16xf32>
      %sub3A_658 = arith.subf %get3A_651, %get3A_657 : vector<16xf32>
      %mul3A_659 = arith.mulf %gather3A_383, %sub3A_658 : vector<16xf32>
      %add3A_660 = arith.addf %get3A_657, %mul3A_659 : vector<16xf32>
      %swap3A_661 = arith.constant 1 : i32
      %swap3A_662 = arith.index_cast %swap3A_661 : i32 to index
      %swap3A_663 = arith.index_cast %scan3A_374 : i32 to index
      %swap3A_664 = arith.constant 192 : index
      %swap3A_665 = tpu.vector_load %arg12[%swap3A_662, %swap3A_663, %swap3A_664] {strides = array<i32>} : memref<2x64x256xf32, #tpu.memory_space<vmem>>, vector<1x1x16xf32>,
      %swap3A_666 = vector.shape_cast %swap3A_665 : vector<1x1x16xf32> to vector<16xf32>
      %swap3A_667 = vector.shape_cast %add3A_660 : vector<16xf32> to vector<1x1x16xf32>
      tpu.vector_store %arg12[%swap3A_662, %swap3A_663, %swap3A_664], %swap3A_667 {strides = array<i32>} : memref<2x64x256xf32, #tpu.memory_space<vmem>>, vector<1x1x16xf32>,
      %get3A_668 = arith.constant 1 : i32
      %get3A_669 = arith.index_cast %get3A_668 : i32 to index
      %get3A_670 = arith.index_cast %scan3A_374 : i32 to index
      %get3A_671 = arith.constant 208 : index
      %get3A_672 = tpu.vector_load %arg10[%get3A_669, %get3A_670, %get3A_671] {strides = array<i32>} : memref<2x64x256xf32, #tpu.memory_space<vmem>>, vector<1x1x16xf32>,
      %get3A_673 = vector.shape_cast %get3A_672 : vector<1x1x16xf32> to vector<16xf32>
      %get3A_674 = arith.constant 1 : i32
      %get3A_675 = arith.index_cast %get3A_674 : i32 to index
      %get3A_676 = arith.index_cast %scan3A_374 : i32 to index
      %get3A_677 = arith.constant 208 : index
      %get3A_678 = tpu.vector_load %arg11[%get3A_675, %get3A_676, %get3A_677] {strides = array<i32>} : memref<2x64x256xf32, #tpu.memory_space<vmem>>, vector<1x1x16xf32>,
      %get3A_679 = vector.shape_cast %get3A_678 : vector<1x1x16xf32> to vector<16xf32>
      %sub3A_680 = arith.subf %get3A_673, %get3A_679 : vector<16xf32>
      %mul3A_681 = arith.mulf %gather3A_383, %sub3A_680 : vector<16xf32>
      %add3A_682 = arith.addf %get3A_679, %mul3A_681 : vector<16xf32>
      %swap3A_683 = arith.constant 1 : i32
      %swap3A_684 = arith.index_cast %swap3A_683 : i32 to index
      %swap3A_685 = arith.index_cast %scan3A_374 : i32 to index
      %swap3A_686 = arith.constant 208 : index
      %swap3A_687 = tpu.vector_load %arg12[%swap3A_684, %swap3A_685, %swap3A_686] {strides = array<i32>} : memref<2x64x256xf32, #tpu.memory_space<vmem>>, vector<1x1x16xf32>,
      %swap3A_688 = vector.shape_cast %swap3A_687 : vector<1x1x16xf32> to vector<16xf32>
      %swap3A_689 = vector.shape_cast %add3A_682 : vector<16xf32> to vector<1x1x16xf32>
      tpu.vector_store %arg12[%swap3A_684, %swap3A_685, %swap3A_686], %swap3A_689 {strides = array<i32>} : memref<2x64x256xf32, #tpu.memory_space<vmem>>, vector<1x1x16xf32>,
      %get3A_690 = arith.constant 1 : i32
      %get3A_691 = arith.index_cast %get3A_690 : i32 to index
      %get3A_692 = arith.index_cast %scan3A_374 : i32 to index
      %get3A_693 = arith.constant 224 : index
      %get3A_694 = tpu.vector_load %arg10[%get3A_691, %get3A_692, %get3A_693] {strides = array<i32>} : memref<2x64x256xf32, #tpu.memory_space<vmem>>, vector<1x1x16xf32>,
      %get3A_695 = vector.shape_cast %get3A_694 : vector<1x1x16xf32> to vector<16xf32>
      %get3A_696 = arith.constant 1 : i32
      %get3A_697 = arith.index_cast %get3A_696 : i32 to index
      %get3A_698 = arith.index_cast %scan3A_374 : i32 to index
      %get3A_699 = arith.constant 224 : index
      %get3A_700 = tpu.vector_load %arg11[%get3A_697, %get3A_698, %get3A_699] {strides = array<i32>} : memref<2x64x256xf32, #tpu.memory_space<vmem>>, vector<1x1x16xf32>,
      %get3A_701 = vector.shape_cast %get3A_700 : vector<1x1x16xf32> to vector<16xf32>
      %sub3A_702 = arith.subf %get3A_695, %get3A_701 : vector<16xf32>
      %mul3A_703 = arith.mulf %gather3A_383, %sub3A_702 : vector<16xf32>
      %add3A_704 = arith.addf %get3A_701, %mul3A_703 : vector<16xf32>
      %swap3A_705 = arith.constant 1 : i32
      %swap3A_706 = arith.index_cast %swap3A_705 : i32 to index
      %swap3A_707 = arith.index_cast %scan3A_374 : i32 to index
      %swap3A_708 = arith.constant 224 : index
      %swap3A_709 = tpu.vector_load %arg12[%swap3A_706, %swap3A_707, %swap3A_708] {strides = array<i32>} : memref<2x64x256xf32, #tpu.memory_space<vmem>>, vector<1x1x16xf32>,
      %swap3A_710 = vector.shape_cast %swap3A_709 : vector<1x1x16xf32> to vector<16xf32>
      %swap3A_711 = vector.shape_cast %add3A_704 : vector<16xf32> to vector<1x1x16xf32>
      tpu.vector_store %arg12[%swap3A_706, %swap3A_707, %swap3A_708], %swap3A_711 {strides = array<i32>} : memref<2x64x256xf32, #tpu.memory_space<vmem>>, vector<1x1x16xf32>,
      %get3A_712 = arith.constant 1 : i32
      %get3A_713 = arith.index_cast %get3A_712 : i32 to index
      %get3A_714 = arith.index_cast %scan3A_374 : i32 to index
      %get3A_715 = arith.constant 240 : index
      %get3A_716 = tpu.vector_load %arg10[%get3A_713, %get3A_714, %get3A_715] {strides = array<i32>} : memref<2x64x256xf32, #tpu.memory_space<vmem>>, vector<1x1x16xf32>,
      %get3A_717 = vector.shape_cast %get3A_716 : vector<1x1x16xf32> to vector<16xf32>
      %get3A_718 = arith.constant 1 : i32
      %get3A_719 = arith.index_cast %get3A_718 : i32 to index
      %get3A_720 = arith.index_cast %scan3A_374 : i32 to index
      %get3A_721 = arith.constant 240 : index
      %get3A_722 = tpu.vector_load %arg11[%get3A_719, %get3A_720, %get3A_721] {strides = array<i32>} : memref<2x64x256xf32, #tpu.memory_space<vmem>>, vector<1x1x16xf32>,
      %get3A_723 = vector.shape_cast %get3A_722 : vector<1x1x16xf32> to vector<16xf32>
      %sub3A_724 = arith.subf %get3A_717, %get3A_723 : vector<16xf32>
      %mul3A_725 = arith.mulf %gather3A_383, %sub3A_724 : vector<16xf32>
      %add3A_726 = arith.addf %get3A_723, %mul3A_725 : vector<16xf32>
      %swap3A_727 = arith.constant 1 : i32
      %swap3A_728 = arith.index_cast %swap3A_727 : i32 to index
      %swap3A_729 = arith.index_cast %scan3A_374 : i32 to index
      %swap3A_730 = arith.constant 240 : index
      %swap3A_731 = tpu.vector_load %arg12[%swap3A_728, %swap3A_729, %swap3A_730] {strides = array<i32>} : memref<2x64x256xf32, #tpu.memory_space<vmem>>, vector<1x1x16xf32>,
      %swap3A_732 = vector.shape_cast %swap3A_731 : vector<1x1x16xf32> to vector<16xf32>
      %swap3A_733 = vector.shape_cast %add3A_726 : vector<16xf32> to vector<1x1x16xf32>
      tpu.vector_store %arg12[%swap3A_728, %swap3A_729, %swap3A_730], %swap3A_733 {strides = array<i32>} : memref<2x64x256xf32, #tpu.memory_space<vmem>>, vector<1x1x16xf32>,
    }
    %scan3A_130 = arith.constant 64 : i32
    %dma_start3A_131 = arith.constant 1 : i32
    %dma_start3A_132 = arith.constant 0 : i32
    %dma_start3A_133 = arith.constant 0 : i32
    %dma_start3A_134 = tpu.memref_slice %arg10[%dma_start3A_131, %dma_start3A_132, %dma_start3A_133] : memref<2x64x256xf32, #tpu.memory_space<vmem>> -> memref<1x64x256xf32, #tpu.memory_space<vmem>>
    %dma_start3A_135 = tpu.memref_squeeze %dma_start3A_134 : memref<1x64x256xf32, #tpu.memory_space<vmem>> -> memref<64x256xf32, #tpu.memory_space<vmem>>
    %dma_start3A_136 = arith.constant 192 : i32
    %dma_start3A_137 = tpu.memref_slice %arg7[%dma_start3A_136] : memref<320xi32, #tpu.memory_space<vmem>> -> memref<64xi32, #tpu.memory_space<vmem>>
    %dma_start3A_138 = arith.constant 0 : i32
    %dma_start3A_139 = arith.constant 0 : i32
    %dma_start3A_140 = tpu.memref_slice %arg2[%dma_start3A_138, %dma_start3A_139] : memref<2500x256xf32, #tpu.memory_space<hbm>> -> memref<2500x256xf32, #tpu.memory_space<hbm>>
    tpu.enqueue_indirect_dma source(%dma_start3A_140 : memref<2500x256xf32, #tpu.memory_space<hbm>>) target(%dma_start3A_135 : memref<64x256xf32, #tpu.memory_space<vmem>>) offsets(%dma_start3A_137 : memref<64xi32, #tpu.memory_space<vmem>>) semaphore(%arg13 : memref<!tpu.dma_semaphore, #tpu.memory_space<semaphore_mem>>)
    %dma_start3A_141 = arith.constant 1 : i32
    %dma_start3A_142 = arith.constant 0 : i32
    %dma_start3A_143 = arith.constant 0 : i32
    %dma_start3A_144 = tpu.memref_slice %arg11[%dma_start3A_141, %dma_start3A_142, %dma_start3A_143] : memref<2x64x256xf32, #tpu.memory_space<vmem>> -> memref<1x64x256xf32, #tpu.memory_space<vmem>>
    %dma_start3A_145 = tpu.memref_squeeze %dma_start3A_144 : memref<1x64x256xf32, #tpu.memory_space<vmem>> -> memref<64x256xf32, #tpu.memory_space<vmem>>
    %dma_start3A_146 = arith.constant 192 : i32
    %dma_start3A_147 = tpu.memref_slice %arg8[%dma_start3A_146] : memref<320xi32, #tpu.memory_space<vmem>> -> memref<64xi32, #tpu.memory_space<vmem>>
    %dma_start3A_148 = arith.constant 0 : i32
    %dma_start3A_149 = arith.constant 0 : i32
    %dma_start3A_150 = tpu.memref_slice %arg2[%dma_start3A_148, %dma_start3A_149] : memref<2500x256xf32, #tpu.memory_space<hbm>> -> memref<2500x256xf32, #tpu.memory_space<hbm>>
    tpu.enqueue_indirect_dma source(%dma_start3A_150 : memref<2500x256xf32, #tpu.memory_space<hbm>>) target(%dma_start3A_145 : memref<64x256xf32, #tpu.memory_space<vmem>>) offsets(%dma_start3A_147 : memref<64xi32, #tpu.memory_space<vmem>>) semaphore(%arg14 : memref<!tpu.dma_semaphore, #tpu.memory_space<semaphore_mem>>)
    %add3A_151 = arith.constant 64 : i32
    %add3A_152 = arith.addi %mul3A_2, %add3A_151 : i32
    %dma_start3A_153 = arith.constant 1 : i32
    %dma_start3A_154 = arith.constant 0 : i32
    %dma_start3A_155 = arith.constant 0 : i32
    %dma_start3A_156 = tpu.memref_slice %arg12[%dma_start3A_153, %dma_start3A_154, %dma_start3A_155] : memref<2x64x256xf32, #tpu.memory_space<vmem>> -> memref<1x64x256xf32, #tpu.memory_space<vmem>>
    %dma_start3A_157 = tpu.memref_squeeze %dma_start3A_156 : memref<1x64x256xf32, #tpu.memory_space<vmem>> -> memref<64x256xf32, #tpu.memory_space<vmem>>
    %dma_start3A_158 = arith.constant 0 : i32
    %dma_start3A_159 = tpu.memref_slice %arg6[%add3A_152, %dma_start3A_158] : memref<10240x256xf32, #tpu.memory_space<hbm>> -> memref<64x256xf32, #tpu.memory_space<hbm>>
    %dma_start3A_160 = arith.constant 0 : i32
    %dma_start3A_161 = tpu.memref_slice %arg6[%add3A_152, %dma_start3A_160] : memref<10240x256xf32, #tpu.memory_space<hbm>> -> memref<64x256xf32, #tpu.memory_space<hbm>>
    %dma_start3A_162 = arith.constant 0 : i32
    %dma_start3A_163 = arith.constant 0 : i32
    %dma_start3A_164 = tpu.memref_slice %arg12[%dma_start3A_153, %dma_start3A_162, %dma_start3A_163] : memref<2x64x256xf32, #tpu.memory_space<vmem>> -> memref<1x64x256xf32, #tpu.memory_space<vmem>>
    %dma_start3A_165 = tpu.memref_squeeze %dma_start3A_164 : memref<1x64x256xf32, #tpu.memory_space<vmem>> -> memref<64x256xf32, #tpu.memory_space<vmem>>
    tpu.enqueue_dma source(%dma_start3A_165 : memref<64x256xf32, #tpu.memory_space<vmem>>) target(%dma_start3A_161 : memref<64x256xf32, #tpu.memory_space<hbm>>) target_semaphore(%arg16 : memref<!tpu.dma_semaphore, #tpu.memory_space<semaphore_mem>>)
    %dma_wait3A_166 = arith.constant 0 : i32
    %dma_wait3A_167 = arith.constant 0 : i32
    %dma_wait3A_168 = arith.constant 0 : i32
    %dma_wait3A_169 = tpu.memref_slice %arg10[%dma_wait3A_166, %dma_wait3A_167, %dma_wait3A_168] : memref<2x64x256xf32, #tpu.memory_space<vmem>> -> memref<1x64x256xf32, #tpu.memory_space<vmem>>
    %dma_wait3A_170 = tpu.memref_squeeze %dma_wait3A_169 : memref<1x64x256xf32, #tpu.memory_space<vmem>> -> memref<64x256xf32, #tpu.memory_space<vmem>>
    %dma_wait3A_171 = arith.constant 128 : i32
    %dma_wait3A_172 = tpu.memref_slice %arg7[%dma_wait3A_171] : memref<320xi32, #tpu.memory_space<vmem>> -> memref<64xi32, #tpu.memory_space<vmem>>
    %dma_wait3A_173 = arith.constant 0 : i32
    %dma_wait3A_174 = arith.constant 0 : i32
    %dma_wait3A_175 = tpu.memref_slice %arg2[%dma_wait3A_173, %dma_wait3A_174] : memref<2500x256xf32, #tpu.memory_space<hbm>> -> memref<2500x256xf32, #tpu.memory_space<hbm>>
    tpu.wait_indirect_dma semaphore(%arg13 : memref<!tpu.dma_semaphore, #tpu.memory_space<semaphore_mem>>) src(%dma_wait3A_175 : memref<2500x256xf32, #tpu.memory_space<hbm>>) dst(%dma_wait3A_170 : memref<64x256xf32, #tpu.memory_space<vmem>>)
    %dma_wait3A_176 = arith.constant 0 : i32
    %dma_wait3A_177 = arith.constant 0 : i32
    %dma_wait3A_178 = arith.constant 0 : i32
    %dma_wait3A_179 = tpu.memref_slice %arg11[%dma_wait3A_176, %dma_wait3A_177, %dma_wait3A_178] : memref<2x64x256xf32, #tpu.memory_space<vmem>> -> memref<1x64x256xf32, #tpu.memory_space<vmem>>
    %dma_wait3A_180 = tpu.memref_squeeze %dma_wait3A_179 : memref<1x64x256xf32, #tpu.memory_space<vmem>> -> memref<64x256xf32, #tpu.memory_space<vmem>>
    %dma_wait3A_181 = arith.constant 128 : i32
    %dma_wait3A_182 = tpu.memref_slice %arg8[%dma_wait3A_181] : memref<320xi32, #tpu.memory_space<vmem>> -> memref<64xi32, #tpu.memory_space<vmem>>
    %dma_wait3A_183 = arith.constant 0 : i32
    %dma_wait3A_184 = arith.constant 0 : i32
    %dma_wait3A_185 = tpu.memref_slice %arg2[%dma_wait3A_183, %dma_wait3A_184] : memref<2500x256xf32, #tpu.memory_space<hbm>> -> memref<2500x256xf32, #tpu.memory_space<hbm>>
    tpu.wait_indirect_dma semaphore(%arg14 : memref<!tpu.dma_semaphore, #tpu.memory_space<semaphore_mem>>) src(%dma_wait3A_185 : memref<2500x256xf32, #tpu.memory_space<hbm>>) dst(%dma_wait3A_180 : memref<64x256xf32, #tpu.memory_space<vmem>>)
    %dma_wait3A_186 = arith.constant 0 : i32
    %dma_wait3A_187 = arith.constant 0 : i32
    %dma_wait3A_188 = arith.constant 0 : i32
    %dma_wait3A_189 = tpu.memref_slice %arg12[%dma_wait3A_186, %dma_wait3A_187, %dma_wait3A_188] : memref<2x64x256xf32, #tpu.memory_space<vmem>> -> memref<1x64x256xf32, #tpu.memory_space<vmem>>
    %dma_wait3A_190 = tpu.memref_squeeze %dma_wait3A_189 : memref<1x64x256xf32, #tpu.memory_space<vmem>> -> memref<64x256xf32, #tpu.memory_space<vmem>>
    %dma_wait3A_191 = arith.constant 0 : i32
    %dma_wait3A_192 = tpu.memref_slice %arg6[%add3A_91, %dma_wait3A_191] : memref<10240x256xf32, #tpu.memory_space<hbm>> -> memref<64x256xf32, #tpu.memory_space<hbm>>
    %dma_wait3A_193 = arith.constant 0 : i32
    %dma_wait3A_194 = tpu.memref_slice %arg6[%add3A_91, %dma_wait3A_193] : memref<10240x256xf32, #tpu.memory_space<hbm>> -> memref<64x256xf32, #tpu.memory_space<hbm>>
    %dma_wait3A_195 = arith.constant 0 : i32
    %dma_wait3A_196 = arith.constant 0 : i32
    %dma_wait3A_197 = tpu.memref_slice %arg12[%dma_wait3A_186, %dma_wait3A_195, %dma_wait3A_196] : memref<2x64x256xf32, #tpu.memory_space<vmem>> -> memref<1x64x256xf32, #tpu.memory_space<vmem>>
    %dma_wait3A_198 = tpu.memref_squeeze %dma_wait3A_197 : memref<1x64x256xf32, #tpu.memory_space<vmem>> -> memref<64x256xf32, #tpu.memory_space<vmem>>
    tpu.wait_dma2 semaphore(%arg15 : memref<!tpu.dma_semaphore, #tpu.memory_space<semaphore_mem>>) src(%dma_wait3A_198 : memref<64x256xf32, #tpu.memory_space<vmem>>) dst(%dma_wait3A_194 : memref<64x256xf32, #tpu.memory_space<hbm>>)
    %scan3A_199 = arith.constant 0 : i32
    %scan3A_200 = arith.constant 0 : i32
    %scan3A_201 = arith.constant 64 : i32
    %scan3A_202 = arith.addi %scan3A_200, %scan3A_201 : i32
    %scan3A_203 = arith.constant 1 : i32
    scf.for %scan3A_374 = %scan3A_200 to %scan3A_202 step %scan3A_203  : i32 {
      %and3A = arith.constant -16 : i32
      %and3A_375 = arith.andi %scan3A_374, %and3A : i32
      %add3A_376 = arith.constant 128 : i32
      %add3A_377 = arith.addi %add3A_376, %and3A_375 : i32
      %get3A = arith.index_cast %add3A_377 : i32 to index
      %get3A_378 = tpu.vector_load %arg9[%get3A] {strides = array<i32>} : memref<320xf32, #tpu.memory_space<vmem>>, vector<16xf32>,
      %get3A_379 = vector.shape_cast %get3A_378 : vector<16xf32> to vector<16xf32>
      %and3A_380 = arith.constant 15 : i32
      %and3A_381 = arith.andi %scan3A_374, %and3A_380 : i32
      %broadcast_in_dim3A = vector.broadcast %and3A_381 : i32 to vector<16xi32>
      %broadcast_in_dim3A_382 = vector.shape_cast %broadcast_in_dim3A : vector<16xi32> to vector<16x1xi32>
      %gather3A = vector.shape_cast %broadcast_in_dim3A_382 : vector<16x1xi32> to vector<16xi32>
      %gather3A_383 = tpu.dynamic_gather %get3A_379[%gather3A] in [0] : vector<16xf32>, vector<16xi32> -> vector<16xf32>
      %get3A_384 = arith.constant 0 : i32
      %get3A_385 = arith.index_cast %get3A_384 : i32 to index
      %get3A_386 = arith.index_cast %scan3A_374 : i32 to index
      %get3A_387 = arith.constant 0 : index
      %get3A_388 = tpu.vector_load %arg10[%get3A_385, %get3A_386, %get3A_387] {strides = array<i32>} : memref<2x64x256xf32, #tpu.memory_space<vmem>>, vector<1x1x16xf32>,
      %get3A_389 = vector.shape_cast %get3A_388 : vector<1x1x16xf32> to vector<16xf32>
      %get3A_390 = arith.constant 0 : i32
      %get3A_391 = arith.index_cast %get3A_390 : i32 to index
      %get3A_392 = arith.index_cast %scan3A_374 : i32 to index
      %get3A_393 = arith.constant 0 : index
      %get3A_394 = tpu.vector_load %arg11[%get3A_391, %get3A_392, %get3A_393] {strides = array<i32>} : memref<2x64x256xf32, #tpu.memory_space<vmem>>, vector<1x1x16xf32>,
      %get3A_395 = vector.shape_cast %get3A_394 : vector<1x1x16xf32> to vector<16xf32>
      %sub3A = arith.subf %get3A_389, %get3A_395 : vector<16xf32>
      %mul3A_396 = arith.mulf %gather3A_383, %sub3A : vector<16xf32>
      %add3A_397 = arith.addf %get3A_395, %mul3A_396 : vector<16xf32>
      %swap3A = arith.constant 0 : i32
      %swap3A_398 = arith.index_cast %swap3A : i32 to index
      %swap3A_399 = arith.index_cast %scan3A_374 : i32 to index
      %swap3A_400 = arith.constant 0 : index
      %swap3A_401 = tpu.vector_load %arg12[%swap3A_398, %swap3A_399, %swap3A_400] {strides = array<i32>} : memref<2x64x256xf32, #tpu.memory_space<vmem>>, vector<1x1x16xf32>,
      %swap3A_402 = vector.shape_cast %swap3A_401 : vector<1x1x16xf32> to vector<16xf32>
      %swap3A_403 = vector.shape_cast %add3A_397 : vector<16xf32> to vector<1x1x16xf32>
      tpu.vector_store %arg12[%swap3A_398, %swap3A_399, %swap3A_400], %swap3A_403 {strides = array<i32>} : memref<2x64x256xf32, #tpu.memory_space<vmem>>, vector<1x1x16xf32>,
      %get3A_404 = arith.constant 0 : i32
      %get3A_405 = arith.index_cast %get3A_404 : i32 to index
      %get3A_406 = arith.index_cast %scan3A_374 : i32 to index
      %get3A_407 = arith.constant 16 : index
      %get3A_408 = tpu.vector_load %arg10[%get3A_405, %get3A_406, %get3A_407] {strides = array<i32>} : memref<2x64x256xf32, #tpu.memory_space<vmem>>, vector<1x1x16xf32>,
      %get3A_409 = vector.shape_cast %get3A_408 : vector<1x1x16xf32> to vector<16xf32>
      %get3A_410 = arith.constant 0 : i32
      %get3A_411 = arith.index_cast %get3A_410 : i32 to index
      %get3A_412 = arith.index_cast %scan3A_374 : i32 to index
      %get3A_413 = arith.constant 16 : index
      %get3A_414 = tpu.vector_load %arg11[%get3A_411, %get3A_412, %get3A_413] {strides = array<i32>} : memref<2x64x256xf32, #tpu.memory_space<vmem>>, vector<1x1x16xf32>,
      %get3A_415 = vector.shape_cast %get3A_414 : vector<1x1x16xf32> to vector<16xf32>
      %sub3A_416 = arith.subf %get3A_409, %get3A_415 : vector<16xf32>
      %mul3A_417 = arith.mulf %gather3A_383, %sub3A_416 : vector<16xf32>
      %add3A_418 = arith.addf %get3A_415, %mul3A_417 : vector<16xf32>
      %swap3A_419 = arith.constant 0 : i32
      %swap3A_420 = arith.index_cast %swap3A_419 : i32 to index
      %swap3A_421 = arith.index_cast %scan3A_374 : i32 to index
      %swap3A_422 = arith.constant 16 : index
      %swap3A_423 = tpu.vector_load %arg12[%swap3A_420, %swap3A_421, %swap3A_422] {strides = array<i32>} : memref<2x64x256xf32, #tpu.memory_space<vmem>>, vector<1x1x16xf32>,
      %swap3A_424 = vector.shape_cast %swap3A_423 : vector<1x1x16xf32> to vector<16xf32>
      %swap3A_425 = vector.shape_cast %add3A_418 : vector<16xf32> to vector<1x1x16xf32>
      tpu.vector_store %arg12[%swap3A_420, %swap3A_421, %swap3A_422], %swap3A_425 {strides = array<i32>} : memref<2x64x256xf32, #tpu.memory_space<vmem>>, vector<1x1x16xf32>,
      %get3A_426 = arith.constant 0 : i32
      %get3A_427 = arith.index_cast %get3A_426 : i32 to index
      %get3A_428 = arith.index_cast %scan3A_374 : i32 to index
      %get3A_429 = arith.constant 32 : index
      %get3A_430 = tpu.vector_load %arg10[%get3A_427, %get3A_428, %get3A_429] {strides = array<i32>} : memref<2x64x256xf32, #tpu.memory_space<vmem>>, vector<1x1x16xf32>,
      %get3A_431 = vector.shape_cast %get3A_430 : vector<1x1x16xf32> to vector<16xf32>
      %get3A_432 = arith.constant 0 : i32
      %get3A_433 = arith.index_cast %get3A_432 : i32 to index
      %get3A_434 = arith.index_cast %scan3A_374 : i32 to index
      %get3A_435 = arith.constant 32 : index
      %get3A_436 = tpu.vector_load %arg11[%get3A_433, %get3A_434, %get3A_435] {strides = array<i32>} : memref<2x64x256xf32, #tpu.memory_space<vmem>>, vector<1x1x16xf32>,
      %get3A_437 = vector.shape_cast %get3A_436 : vector<1x1x16xf32> to vector<16xf32>
      %sub3A_438 = arith.subf %get3A_431, %get3A_437 : vector<16xf32>
      %mul3A_439 = arith.mulf %gather3A_383, %sub3A_438 : vector<16xf32>
      %add3A_440 = arith.addf %get3A_437, %mul3A_439 : vector<16xf32>
      %swap3A_441 = arith.constant 0 : i32
      %swap3A_442 = arith.index_cast %swap3A_441 : i32 to index
      %swap3A_443 = arith.index_cast %scan3A_374 : i32 to index
      %swap3A_444 = arith.constant 32 : index
      %swap3A_445 = tpu.vector_load %arg12[%swap3A_442, %swap3A_443, %swap3A_444] {strides = array<i32>} : memref<2x64x256xf32, #tpu.memory_space<vmem>>, vector<1x1x16xf32>,
      %swap3A_446 = vector.shape_cast %swap3A_445 : vector<1x1x16xf32> to vector<16xf32>
      %swap3A_447 = vector.shape_cast %add3A_440 : vector<16xf32> to vector<1x1x16xf32>
      tpu.vector_store %arg12[%swap3A_442, %swap3A_443, %swap3A_444], %swap3A_447 {strides = array<i32>} : memref<2x64x256xf32, #tpu.memory_space<vmem>>, vector<1x1x16xf32>,
      %get3A_448 = arith.constant 0 : i32
      %get3A_449 = arith.index_cast %get3A_448 : i32 to index
      %get3A_450 = arith.index_cast %scan3A_374 : i32 to index
      %get3A_451 = arith.constant 48 : index
      %get3A_452 = tpu.vector_load %arg10[%get3A_449, %get3A_450, %get3A_451] {strides = array<i32>} : memref<2x64x256xf32, #tpu.memory_space<vmem>>, vector<1x1x16xf32>,
      %get3A_453 = vector.shape_cast %get3A_452 : vector<1x1x16xf32> to vector<16xf32>
      %get3A_454 = arith.constant 0 : i32
      %get3A_455 = arith.index_cast %get3A_454 : i32 to index
      %get3A_456 = arith.index_cast %scan3A_374 : i32 to index
      %get3A_457 = arith.constant 48 : index
      %get3A_458 = tpu.vector_load %arg11[%get3A_455, %get3A_456, %get3A_457] {strides = array<i32>} : memref<2x64x256xf32, #tpu.memory_space<vmem>>, vector<1x1x16xf32>,
      %get3A_459 = vector.shape_cast %get3A_458 : vector<1x1x16xf32> to vector<16xf32>
      %sub3A_460 = arith.subf %get3A_453, %get3A_459 : vector<16xf32>
      %mul3A_461 = arith.mulf %gather3A_383, %sub3A_460 : vector<16xf32>
      %add3A_462 = arith.addf %get3A_459, %mul3A_461 : vector<16xf32>
      %swap3A_463 = arith.constant 0 : i32
      %swap3A_464 = arith.index_cast %swap3A_463 : i32 to index
      %swap3A_465 = arith.index_cast %scan3A_374 : i32 to index
      %swap3A_466 = arith.constant 48 : index
      %swap3A_467 = tpu.vector_load %arg12[%swap3A_464, %swap3A_465, %swap3A_466] {strides = array<i32>} : memref<2x64x256xf32, #tpu.memory_space<vmem>>, vector<1x1x16xf32>,
      %swap3A_468 = vector.shape_cast %swap3A_467 : vector<1x1x16xf32> to vector<16xf32>
      %swap3A_469 = vector.shape_cast %add3A_462 : vector<16xf32> to vector<1x1x16xf32>
      tpu.vector_store %arg12[%swap3A_464, %swap3A_465, %swap3A_466], %swap3A_469 {strides = array<i32>} : memref<2x64x256xf32, #tpu.memory_space<vmem>>, vector<1x1x16xf32>,
      %get3A_470 = arith.constant 0 : i32
      %get3A_471 = arith.index_cast %get3A_470 : i32 to index
      %get3A_472 = arith.index_cast %scan3A_374 : i32 to index
      %get3A_473 = arith.constant 64 : index
      %get3A_474 = tpu.vector_load %arg10[%get3A_471, %get3A_472, %get3A_473] {strides = array<i32>} : memref<2x64x256xf32, #tpu.memory_space<vmem>>, vector<1x1x16xf32>,
      %get3A_475 = vector.shape_cast %get3A_474 : vector<1x1x16xf32> to vector<16xf32>
      %get3A_476 = arith.constant 0 : i32
      %get3A_477 = arith.index_cast %get3A_476 : i32 to index
      %get3A_478 = arith.index_cast %scan3A_374 : i32 to index
      %get3A_479 = arith.constant 64 : index
      %get3A_480 = tpu.vector_load %arg11[%get3A_477, %get3A_478, %get3A_479] {strides = array<i32>} : memref<2x64x256xf32, #tpu.memory_space<vmem>>, vector<1x1x16xf32>,
      %get3A_481 = vector.shape_cast %get3A_480 : vector<1x1x16xf32> to vector<16xf32>
      %sub3A_482 = arith.subf %get3A_475, %get3A_481 : vector<16xf32>
      %mul3A_483 = arith.mulf %gather3A_383, %sub3A_482 : vector<16xf32>
      %add3A_484 = arith.addf %get3A_481, %mul3A_483 : vector<16xf32>
      %swap3A_485 = arith.constant 0 : i32
      %swap3A_486 = arith.index_cast %swap3A_485 : i32 to index
      %swap3A_487 = arith.index_cast %scan3A_374 : i32 to index
      %swap3A_488 = arith.constant 64 : index
      %swap3A_489 = tpu.vector_load %arg12[%swap3A_486, %swap3A_487, %swap3A_488] {strides = array<i32>} : memref<2x64x256xf32, #tpu.memory_space<vmem>>, vector<1x1x16xf32>,
      %swap3A_490 = vector.shape_cast %swap3A_489 : vector<1x1x16xf32> to vector<16xf32>
      %swap3A_491 = vector.shape_cast %add3A_484 : vector<16xf32> to vector<1x1x16xf32>
      tpu.vector_store %arg12[%swap3A_486, %swap3A_487, %swap3A_488], %swap3A_491 {strides = array<i32>} : memref<2x64x256xf32, #tpu.memory_space<vmem>>, vector<1x1x16xf32>,
      %get3A_492 = arith.constant 0 : i32
      %get3A_493 = arith.index_cast %get3A_492 : i32 to index
      %get3A_494 = arith.index_cast %scan3A_374 : i32 to index
      %get3A_495 = arith.constant 80 : index
      %get3A_496 = tpu.vector_load %arg10[%get3A_493, %get3A_494, %get3A_495] {strides = array<i32>} : memref<2x64x256xf32, #tpu.memory_space<vmem>>, vector<1x1x16xf32>,
      %get3A_497 = vector.shape_cast %get3A_496 : vector<1x1x16xf32> to vector<16xf32>
      %get3A_498 = arith.constant 0 : i32
      %get3A_499 = arith.index_cast %get3A_498 : i32 to index
      %get3A_500 = arith.index_cast %scan3A_374 : i32 to index
      %get3A_501 = arith.constant 80 : index
      %get3A_502 = tpu.vector_load %arg11[%get3A_499, %get3A_500, %get3A_501] {strides = array<i32>} : memref<2x64x256xf32, #tpu.memory_space<vmem>>, vector<1x1x16xf32>,
      %get3A_503 = vector.shape_cast %get3A_502 : vector<1x1x16xf32> to vector<16xf32>
      %sub3A_504 = arith.subf %get3A_497, %get3A_503 : vector<16xf32>
      %mul3A_505 = arith.mulf %gather3A_383, %sub3A_504 : vector<16xf32>
      %add3A_506 = arith.addf %get3A_503, %mul3A_505 : vector<16xf32>
      %swap3A_507 = arith.constant 0 : i32
      %swap3A_508 = arith.index_cast %swap3A_507 : i32 to index
      %swap3A_509 = arith.index_cast %scan3A_374 : i32 to index
      %swap3A_510 = arith.constant 80 : index
      %swap3A_511 = tpu.vector_load %arg12[%swap3A_508, %swap3A_509, %swap3A_510] {strides = array<i32>} : memref<2x64x256xf32, #tpu.memory_space<vmem>>, vector<1x1x16xf32>,
      %swap3A_512 = vector.shape_cast %swap3A_511 : vector<1x1x16xf32> to vector<16xf32>
      %swap3A_513 = vector.shape_cast %add3A_506 : vector<16xf32> to vector<1x1x16xf32>
      tpu.vector_store %arg12[%swap3A_508, %swap3A_509, %swap3A_510], %swap3A_513 {strides = array<i32>} : memref<2x64x256xf32, #tpu.memory_space<vmem>>, vector<1x1x16xf32>,
      %get3A_514 = arith.constant 0 : i32
      %get3A_515 = arith.index_cast %get3A_514 : i32 to index
      %get3A_516 = arith.index_cast %scan3A_374 : i32 to index
      %get3A_517 = arith.constant 96 : index
      %get3A_518 = tpu.vector_load %arg10[%get3A_515, %get3A_516, %get3A_517] {strides = array<i32>} : memref<2x64x256xf32, #tpu.memory_space<vmem>>, vector<1x1x16xf32>,
      %get3A_519 = vector.shape_cast %get3A_518 : vector<1x1x16xf32> to vector<16xf32>
      %get3A_520 = arith.constant 0 : i32
      %get3A_521 = arith.index_cast %get3A_520 : i32 to index
      %get3A_522 = arith.index_cast %scan3A_374 : i32 to index
      %get3A_523 = arith.constant 96 : index
      %get3A_524 = tpu.vector_load %arg11[%get3A_521, %get3A_522, %get3A_523] {strides = array<i32>} : memref<2x64x256xf32, #tpu.memory_space<vmem>>, vector<1x1x16xf32>,
      %get3A_525 = vector.shape_cast %get3A_524 : vector<1x1x16xf32> to vector<16xf32>
      %sub3A_526 = arith.subf %get3A_519, %get3A_525 : vector<16xf32>
      %mul3A_527 = arith.mulf %gather3A_383, %sub3A_526 : vector<16xf32>
      %add3A_528 = arith.addf %get3A_525, %mul3A_527 : vector<16xf32>
      %swap3A_529 = arith.constant 0 : i32
      %swap3A_530 = arith.index_cast %swap3A_529 : i32 to index
      %swap3A_531 = arith.index_cast %scan3A_374 : i32 to index
      %swap3A_532 = arith.constant 96 : index
      %swap3A_533 = tpu.vector_load %arg12[%swap3A_530, %swap3A_531, %swap3A_532] {strides = array<i32>} : memref<2x64x256xf32, #tpu.memory_space<vmem>>, vector<1x1x16xf32>,
      %swap3A_534 = vector.shape_cast %swap3A_533 : vector<1x1x16xf32> to vector<16xf32>
      %swap3A_535 = vector.shape_cast %add3A_528 : vector<16xf32> to vector<1x1x16xf32>
      tpu.vector_store %arg12[%swap3A_530, %swap3A_531, %swap3A_532], %swap3A_535 {strides = array<i32>} : memref<2x64x256xf32, #tpu.memory_space<vmem>>, vector<1x1x16xf32>,
      %get3A_536 = arith.constant 0 : i32
      %get3A_537 = arith.index_cast %get3A_536 : i32 to index
      %get3A_538 = arith.index_cast %scan3A_374 : i32 to index
      %get3A_539 = arith.constant 112 : index
      %get3A_540 = tpu.vector_load %arg10[%get3A_537, %get3A_538, %get3A_539] {strides = array<i32>} : memref<2x64x256xf32, #tpu.memory_space<vmem>>, vector<1x1x16xf32>,
      %get3A_541 = vector.shape_cast %get3A_540 : vector<1x1x16xf32> to vector<16xf32>
      %get3A_542 = arith.constant 0 : i32
      %get3A_543 = arith.index_cast %get3A_542 : i32 to index
      %get3A_544 = arith.index_cast %scan3A_374 : i32 to index
      %get3A_545 = arith.constant 112 : index
      %get3A_546 = tpu.vector_load %arg11[%get3A_543, %get3A_544, %get3A_545] {strides = array<i32>} : memref<2x64x256xf32, #tpu.memory_space<vmem>>, vector<1x1x16xf32>,
      %get3A_547 = vector.shape_cast %get3A_546 : vector<1x1x16xf32> to vector<16xf32>
      %sub3A_548 = arith.subf %get3A_541, %get3A_547 : vector<16xf32>
      %mul3A_549 = arith.mulf %gather3A_383, %sub3A_548 : vector<16xf32>
      %add3A_550 = arith.addf %get3A_547, %mul3A_549 : vector<16xf32>
      %swap3A_551 = arith.constant 0 : i32
      %swap3A_552 = arith.index_cast %swap3A_551 : i32 to index
      %swap3A_553 = arith.index_cast %scan3A_374 : i32 to index
      %swap3A_554 = arith.constant 112 : index
      %swap3A_555 = tpu.vector_load %arg12[%swap3A_552, %swap3A_553, %swap3A_554] {strides = array<i32>} : memref<2x64x256xf32, #tpu.memory_space<vmem>>, vector<1x1x16xf32>,
      %swap3A_556 = vector.shape_cast %swap3A_555 : vector<1x1x16xf32> to vector<16xf32>
      %swap3A_557 = vector.shape_cast %add3A_550 : vector<16xf32> to vector<1x1x16xf32>
      tpu.vector_store %arg12[%swap3A_552, %swap3A_553, %swap3A_554], %swap3A_557 {strides = array<i32>} : memref<2x64x256xf32, #tpu.memory_space<vmem>>, vector<1x1x16xf32>,
      %get3A_558 = arith.constant 0 : i32
      %get3A_559 = arith.index_cast %get3A_558 : i32 to index
      %get3A_560 = arith.index_cast %scan3A_374 : i32 to index
      %get3A_561 = arith.constant 128 : index
      %get3A_562 = tpu.vector_load %arg10[%get3A_559, %get3A_560, %get3A_561] {strides = array<i32>} : memref<2x64x256xf32, #tpu.memory_space<vmem>>, vector<1x1x16xf32>,
      %get3A_563 = vector.shape_cast %get3A_562 : vector<1x1x16xf32> to vector<16xf32>
      %get3A_564 = arith.constant 0 : i32
      %get3A_565 = arith.index_cast %get3A_564 : i32 to index
      %get3A_566 = arith.index_cast %scan3A_374 : i32 to index
      %get3A_567 = arith.constant 128 : index
      %get3A_568 = tpu.vector_load %arg11[%get3A_565, %get3A_566, %get3A_567] {strides = array<i32>} : memref<2x64x256xf32, #tpu.memory_space<vmem>>, vector<1x1x16xf32>,
      %get3A_569 = vector.shape_cast %get3A_568 : vector<1x1x16xf32> to vector<16xf32>
      %sub3A_570 = arith.subf %get3A_563, %get3A_569 : vector<16xf32>
      %mul3A_571 = arith.mulf %gather3A_383, %sub3A_570 : vector<16xf32>
      %add3A_572 = arith.addf %get3A_569, %mul3A_571 : vector<16xf32>
      %swap3A_573 = arith.constant 0 : i32
      %swap3A_574 = arith.index_cast %swap3A_573 : i32 to index
      %swap3A_575 = arith.index_cast %scan3A_374 : i32 to index
      %swap3A_576 = arith.constant 128 : index
      %swap3A_577 = tpu.vector_load %arg12[%swap3A_574, %swap3A_575, %swap3A_576] {strides = array<i32>} : memref<2x64x256xf32, #tpu.memory_space<vmem>>, vector<1x1x16xf32>,
      %swap3A_578 = vector.shape_cast %swap3A_577 : vector<1x1x16xf32> to vector<16xf32>
      %swap3A_579 = vector.shape_cast %add3A_572 : vector<16xf32> to vector<1x1x16xf32>
      tpu.vector_store %arg12[%swap3A_574, %swap3A_575, %swap3A_576], %swap3A_579 {strides = array<i32>} : memref<2x64x256xf32, #tpu.memory_space<vmem>>, vector<1x1x16xf32>,
      %get3A_580 = arith.constant 0 : i32
      %get3A_581 = arith.index_cast %get3A_580 : i32 to index
      %get3A_582 = arith.index_cast %scan3A_374 : i32 to index
      %get3A_583 = arith.constant 144 : index
      %get3A_584 = tpu.vector_load %arg10[%get3A_581, %get3A_582, %get3A_583] {strides = array<i32>} : memref<2x64x256xf32, #tpu.memory_space<vmem>>, vector<1x1x16xf32>,
      %get3A_585 = vector.shape_cast %get3A_584 : vector<1x1x16xf32> to vector<16xf32>
      %get3A_586 = arith.constant 0 : i32
      %get3A_587 = arith.index_cast %get3A_586 : i32 to index
      %get3A_588 = arith.index_cast %scan3A_374 : i32 to index
      %get3A_589 = arith.constant 144 : index
      %get3A_590 = tpu.vector_load %arg11[%get3A_587, %get3A_588, %get3A_589] {strides = array<i32>} : memref<2x64x256xf32, #tpu.memory_space<vmem>>, vector<1x1x16xf32>,
      %get3A_591 = vector.shape_cast %get3A_590 : vector<1x1x16xf32> to vector<16xf32>
      %sub3A_592 = arith.subf %get3A_585, %get3A_591 : vector<16xf32>
      %mul3A_593 = arith.mulf %gather3A_383, %sub3A_592 : vector<16xf32>
      %add3A_594 = arith.addf %get3A_591, %mul3A_593 : vector<16xf32>
      %swap3A_595 = arith.constant 0 : i32
      %swap3A_596 = arith.index_cast %swap3A_595 : i32 to index
      %swap3A_597 = arith.index_cast %scan3A_374 : i32 to index
      %swap3A_598 = arith.constant 144 : index
      %swap3A_599 = tpu.vector_load %arg12[%swap3A_596, %swap3A_597, %swap3A_598] {strides = array<i32>} : memref<2x64x256xf32, #tpu.memory_space<vmem>>, vector<1x1x16xf32>,
      %swap3A_600 = vector.shape_cast %swap3A_599 : vector<1x1x16xf32> to vector<16xf32>
      %swap3A_601 = vector.shape_cast %add3A_594 : vector<16xf32> to vector<1x1x16xf32>
      tpu.vector_store %arg12[%swap3A_596, %swap3A_597, %swap3A_598], %swap3A_601 {strides = array<i32>} : memref<2x64x256xf32, #tpu.memory_space<vmem>>, vector<1x1x16xf32>,
      %get3A_602 = arith.constant 0 : i32
      %get3A_603 = arith.index_cast %get3A_602 : i32 to index
      %get3A_604 = arith.index_cast %scan3A_374 : i32 to index
      %get3A_605 = arith.constant 160 : index
      %get3A_606 = tpu.vector_load %arg10[%get3A_603, %get3A_604, %get3A_605] {strides = array<i32>} : memref<2x64x256xf32, #tpu.memory_space<vmem>>, vector<1x1x16xf32>,
      %get3A_607 = vector.shape_cast %get3A_606 : vector<1x1x16xf32> to vector<16xf32>
      %get3A_608 = arith.constant 0 : i32
      %get3A_609 = arith.index_cast %get3A_608 : i32 to index
      %get3A_610 = arith.index_cast %scan3A_374 : i32 to index
      %get3A_611 = arith.constant 160 : index
      %get3A_612 = tpu.vector_load %arg11[%get3A_609, %get3A_610, %get3A_611] {strides = array<i32>} : memref<2x64x256xf32, #tpu.memory_space<vmem>>, vector<1x1x16xf32>,
      %get3A_613 = vector.shape_cast %get3A_612 : vector<1x1x16xf32> to vector<16xf32>
      %sub3A_614 = arith.subf %get3A_607, %get3A_613 : vector<16xf32>
      %mul3A_615 = arith.mulf %gather3A_383, %sub3A_614 : vector<16xf32>
      %add3A_616 = arith.addf %get3A_613, %mul3A_615 : vector<16xf32>
      %swap3A_617 = arith.constant 0 : i32
      %swap3A_618 = arith.index_cast %swap3A_617 : i32 to index
      %swap3A_619 = arith.index_cast %scan3A_374 : i32 to index
      %swap3A_620 = arith.constant 160 : index
      %swap3A_621 = tpu.vector_load %arg12[%swap3A_618, %swap3A_619, %swap3A_620] {strides = array<i32>} : memref<2x64x256xf32, #tpu.memory_space<vmem>>, vector<1x1x16xf32>,
      %swap3A_622 = vector.shape_cast %swap3A_621 : vector<1x1x16xf32> to vector<16xf32>
      %swap3A_623 = vector.shape_cast %add3A_616 : vector<16xf32> to vector<1x1x16xf32>
      tpu.vector_store %arg12[%swap3A_618, %swap3A_619, %swap3A_620], %swap3A_623 {strides = array<i32>} : memref<2x64x256xf32, #tpu.memory_space<vmem>>, vector<1x1x16xf32>,
      %get3A_624 = arith.constant 0 : i32
      %get3A_625 = arith.index_cast %get3A_624 : i32 to index
      %get3A_626 = arith.index_cast %scan3A_374 : i32 to index
      %get3A_627 = arith.constant 176 : index
      %get3A_628 = tpu.vector_load %arg10[%get3A_625, %get3A_626, %get3A_627] {strides = array<i32>} : memref<2x64x256xf32, #tpu.memory_space<vmem>>, vector<1x1x16xf32>,
      %get3A_629 = vector.shape_cast %get3A_628 : vector<1x1x16xf32> to vector<16xf32>
      %get3A_630 = arith.constant 0 : i32
      %get3A_631 = arith.index_cast %get3A_630 : i32 to index
      %get3A_632 = arith.index_cast %scan3A_374 : i32 to index
      %get3A_633 = arith.constant 176 : index
      %get3A_634 = tpu.vector_load %arg11[%get3A_631, %get3A_632, %get3A_633] {strides = array<i32>} : memref<2x64x256xf32, #tpu.memory_space<vmem>>, vector<1x1x16xf32>,
      %get3A_635 = vector.shape_cast %get3A_634 : vector<1x1x16xf32> to vector<16xf32>
      %sub3A_636 = arith.subf %get3A_629, %get3A_635 : vector<16xf32>
      %mul3A_637 = arith.mulf %gather3A_383, %sub3A_636 : vector<16xf32>
      %add3A_638 = arith.addf %get3A_635, %mul3A_637 : vector<16xf32>
      %swap3A_639 = arith.constant 0 : i32
      %swap3A_640 = arith.index_cast %swap3A_639 : i32 to index
      %swap3A_641 = arith.index_cast %scan3A_374 : i32 to index
      %swap3A_642 = arith.constant 176 : index
      %swap3A_643 = tpu.vector_load %arg12[%swap3A_640, %swap3A_641, %swap3A_642] {strides = array<i32>} : memref<2x64x256xf32, #tpu.memory_space<vmem>>, vector<1x1x16xf32>,
      %swap3A_644 = vector.shape_cast %swap3A_643 : vector<1x1x16xf32> to vector<16xf32>
      %swap3A_645 = vector.shape_cast %add3A_638 : vector<16xf32> to vector<1x1x16xf32>
      tpu.vector_store %arg12[%swap3A_640, %swap3A_641, %swap3A_642], %swap3A_645 {strides = array<i32>} : memref<2x64x256xf32, #tpu.memory_space<vmem>>, vector<1x1x16xf32>,
      %get3A_646 = arith.constant 0 : i32
      %get3A_647 = arith.index_cast %get3A_646 : i32 to index
      %get3A_648 = arith.index_cast %scan3A_374 : i32 to index
      %get3A_649 = arith.constant 192 : index
      %get3A_650 = tpu.vector_load %arg10[%get3A_647, %get3A_648, %get3A_649] {strides = array<i32>} : memref<2x64x256xf32, #tpu.memory_space<vmem>>, vector<1x1x16xf32>,
      %get3A_651 = vector.shape_cast %get3A_650 : vector<1x1x16xf32> to vector<16xf32>
      %get3A_652 = arith.constant 0 : i32
      %get3A_653 = arith.index_cast %get3A_652 : i32 to index
      %get3A_654 = arith.index_cast %scan3A_374 : i32 to index
      %get3A_655 = arith.constant 192 : index
      %get3A_656 = tpu.vector_load %arg11[%get3A_653, %get3A_654, %get3A_655] {strides = array<i32>} : memref<2x64x256xf32, #tpu.memory_space<vmem>>, vector<1x1x16xf32>,
      %get3A_657 = vector.shape_cast %get3A_656 : vector<1x1x16xf32> to vector<16xf32>
      %sub3A_658 = arith.subf %get3A_651, %get3A_657 : vector<16xf32>
      %mul3A_659 = arith.mulf %gather3A_383, %sub3A_658 : vector<16xf32>
      %add3A_660 = arith.addf %get3A_657, %mul3A_659 : vector<16xf32>
      %swap3A_661 = arith.constant 0 : i32
      %swap3A_662 = arith.index_cast %swap3A_661 : i32 to index
      %swap3A_663 = arith.index_cast %scan3A_374 : i32 to index
      %swap3A_664 = arith.constant 192 : index
      %swap3A_665 = tpu.vector_load %arg12[%swap3A_662, %swap3A_663, %swap3A_664] {strides = array<i32>} : memref<2x64x256xf32, #tpu.memory_space<vmem>>, vector<1x1x16xf32>,
      %swap3A_666 = vector.shape_cast %swap3A_665 : vector<1x1x16xf32> to vector<16xf32>
      %swap3A_667 = vector.shape_cast %add3A_660 : vector<16xf32> to vector<1x1x16xf32>
      tpu.vector_store %arg12[%swap3A_662, %swap3A_663, %swap3A_664], %swap3A_667 {strides = array<i32>} : memref<2x64x256xf32, #tpu.memory_space<vmem>>, vector<1x1x16xf32>,
      %get3A_668 = arith.constant 0 : i32
      %get3A_669 = arith.index_cast %get3A_668 : i32 to index
      %get3A_670 = arith.index_cast %scan3A_374 : i32 to index
      %get3A_671 = arith.constant 208 : index
      %get3A_672 = tpu.vector_load %arg10[%get3A_669, %get3A_670, %get3A_671] {strides = array<i32>} : memref<2x64x256xf32, #tpu.memory_space<vmem>>, vector<1x1x16xf32>,
      %get3A_673 = vector.shape_cast %get3A_672 : vector<1x1x16xf32> to vector<16xf32>
      %get3A_674 = arith.constant 0 : i32
      %get3A_675 = arith.index_cast %get3A_674 : i32 to index
      %get3A_676 = arith.index_cast %scan3A_374 : i32 to index
      %get3A_677 = arith.constant 208 : index
      %get3A_678 = tpu.vector_load %arg11[%get3A_675, %get3A_676, %get3A_677] {strides = array<i32>} : memref<2x64x256xf32, #tpu.memory_space<vmem>>, vector<1x1x16xf32>,
      %get3A_679 = vector.shape_cast %get3A_678 : vector<1x1x16xf32> to vector<16xf32>
      %sub3A_680 = arith.subf %get3A_673, %get3A_679 : vector<16xf32>
      %mul3A_681 = arith.mulf %gather3A_383, %sub3A_680 : vector<16xf32>
      %add3A_682 = arith.addf %get3A_679, %mul3A_681 : vector<16xf32>
      %swap3A_683 = arith.constant 0 : i32
      %swap3A_684 = arith.index_cast %swap3A_683 : i32 to index
      %swap3A_685 = arith.index_cast %scan3A_374 : i32 to index
      %swap3A_686 = arith.constant 208 : index
      %swap3A_687 = tpu.vector_load %arg12[%swap3A_684, %swap3A_685, %swap3A_686] {strides = array<i32>} : memref<2x64x256xf32, #tpu.memory_space<vmem>>, vector<1x1x16xf32>,
      %swap3A_688 = vector.shape_cast %swap3A_687 : vector<1x1x16xf32> to vector<16xf32>
      %swap3A_689 = vector.shape_cast %add3A_682 : vector<16xf32> to vector<1x1x16xf32>
      tpu.vector_store %arg12[%swap3A_684, %swap3A_685, %swap3A_686], %swap3A_689 {strides = array<i32>} : memref<2x64x256xf32, #tpu.memory_space<vmem>>, vector<1x1x16xf32>,
      %get3A_690 = arith.constant 0 : i32
      %get3A_691 = arith.index_cast %get3A_690 : i32 to index
      %get3A_692 = arith.index_cast %scan3A_374 : i32 to index
      %get3A_693 = arith.constant 224 : index
      %get3A_694 = tpu.vector_load %arg10[%get3A_691, %get3A_692, %get3A_693] {strides = array<i32>} : memref<2x64x256xf32, #tpu.memory_space<vmem>>, vector<1x1x16xf32>,
      %get3A_695 = vector.shape_cast %get3A_694 : vector<1x1x16xf32> to vector<16xf32>
      %get3A_696 = arith.constant 0 : i32
      %get3A_697 = arith.index_cast %get3A_696 : i32 to index
      %get3A_698 = arith.index_cast %scan3A_374 : i32 to index
      %get3A_699 = arith.constant 224 : index
      %get3A_700 = tpu.vector_load %arg11[%get3A_697, %get3A_698, %get3A_699] {strides = array<i32>} : memref<2x64x256xf32, #tpu.memory_space<vmem>>, vector<1x1x16xf32>,
      %get3A_701 = vector.shape_cast %get3A_700 : vector<1x1x16xf32> to vector<16xf32>
      %sub3A_702 = arith.subf %get3A_695, %get3A_701 : vector<16xf32>
      %mul3A_703 = arith.mulf %gather3A_383, %sub3A_702 : vector<16xf32>
      %add3A_704 = arith.addf %get3A_701, %mul3A_703 : vector<16xf32>
      %swap3A_705 = arith.constant 0 : i32
      %swap3A_706 = arith.index_cast %swap3A_705 : i32 to index
      %swap3A_707 = arith.index_cast %scan3A_374 : i32 to index
      %swap3A_708 = arith.constant 224 : index
      %swap3A_709 = tpu.vector_load %arg12[%swap3A_706, %swap3A_707, %swap3A_708] {strides = array<i32>} : memref<2x64x256xf32, #tpu.memory_space<vmem>>, vector<1x1x16xf32>,
      %swap3A_710 = vector.shape_cast %swap3A_709 : vector<1x1x16xf32> to vector<16xf32>
      %swap3A_711 = vector.shape_cast %add3A_704 : vector<16xf32> to vector<1x1x16xf32>
      tpu.vector_store %arg12[%swap3A_706, %swap3A_707, %swap3A_708], %swap3A_711 {strides = array<i32>} : memref<2x64x256xf32, #tpu.memory_space<vmem>>, vector<1x1x16xf32>,
      %get3A_712 = arith.constant 0 : i32
      %get3A_713 = arith.index_cast %get3A_712 : i32 to index
      %get3A_714 = arith.index_cast %scan3A_374 : i32 to index
      %get3A_715 = arith.constant 240 : index
      %get3A_716 = tpu.vector_load %arg10[%get3A_713, %get3A_714, %get3A_715] {strides = array<i32>} : memref<2x64x256xf32, #tpu.memory_space<vmem>>, vector<1x1x16xf32>,
      %get3A_717 = vector.shape_cast %get3A_716 : vector<1x1x16xf32> to vector<16xf32>
      %get3A_718 = arith.constant 0 : i32
      %get3A_719 = arith.index_cast %get3A_718 : i32 to index
      %get3A_720 = arith.index_cast %scan3A_374 : i32 to index
      %get3A_721 = arith.constant 240 : index
      %get3A_722 = tpu.vector_load %arg11[%get3A_719, %get3A_720, %get3A_721] {strides = array<i32>} : memref<2x64x256xf32, #tpu.memory_space<vmem>>, vector<1x1x16xf32>,
      %get3A_723 = vector.shape_cast %get3A_722 : vector<1x1x16xf32> to vector<16xf32>
      %sub3A_724 = arith.subf %get3A_717, %get3A_723 : vector<16xf32>
      %mul3A_725 = arith.mulf %gather3A_383, %sub3A_724 : vector<16xf32>
      %add3A_726 = arith.addf %get3A_723, %mul3A_725 : vector<16xf32>
      %swap3A_727 = arith.constant 0 : i32
      %swap3A_728 = arith.index_cast %swap3A_727 : i32 to index
      %swap3A_729 = arith.index_cast %scan3A_374 : i32 to index
      %swap3A_730 = arith.constant 240 : index
      %swap3A_731 = tpu.vector_load %arg12[%swap3A_728, %swap3A_729, %swap3A_730] {strides = array<i32>} : memref<2x64x256xf32, #tpu.memory_space<vmem>>, vector<1x1x16xf32>,
      %swap3A_732 = vector.shape_cast %swap3A_731 : vector<1x1x16xf32> to vector<16xf32>
      %swap3A_733 = vector.shape_cast %add3A_726 : vector<16xf32> to vector<1x1x16xf32>
      tpu.vector_store %arg12[%swap3A_728, %swap3A_729, %swap3A_730], %swap3A_733 {strides = array<i32>} : memref<2x64x256xf32, #tpu.memory_space<vmem>>, vector<1x1x16xf32>,
    }
    %scan3A_204 = arith.constant 64 : i32
    %dma_start3A_205 = arith.constant 0 : i32
    %dma_start3A_206 = arith.constant 0 : i32
    %dma_start3A_207 = arith.constant 0 : i32
    %dma_start3A_208 = tpu.memref_slice %arg10[%dma_start3A_205, %dma_start3A_206, %dma_start3A_207] : memref<2x64x256xf32, #tpu.memory_space<vmem>> -> memref<1x64x256xf32, #tpu.memory_space<vmem>>
    %dma_start3A_209 = tpu.memref_squeeze %dma_start3A_208 : memref<1x64x256xf32, #tpu.memory_space<vmem>> -> memref<64x256xf32, #tpu.memory_space<vmem>>
    %dma_start3A_210 = arith.constant 256 : i32
    %dma_start3A_211 = tpu.memref_slice %arg7[%dma_start3A_210] : memref<320xi32, #tpu.memory_space<vmem>> -> memref<64xi32, #tpu.memory_space<vmem>>
    %dma_start3A_212 = arith.constant 0 : i32
    %dma_start3A_213 = arith.constant 0 : i32
    %dma_start3A_214 = tpu.memref_slice %arg2[%dma_start3A_212, %dma_start3A_213] : memref<2500x256xf32, #tpu.memory_space<hbm>> -> memref<2500x256xf32, #tpu.memory_space<hbm>>
    tpu.enqueue_indirect_dma source(%dma_start3A_214 : memref<2500x256xf32, #tpu.memory_space<hbm>>) target(%dma_start3A_209 : memref<64x256xf32, #tpu.memory_space<vmem>>) offsets(%dma_start3A_211 : memref<64xi32, #tpu.memory_space<vmem>>) semaphore(%arg13 : memref<!tpu.dma_semaphore, #tpu.memory_space<semaphore_mem>>)
    %dma_start3A_215 = arith.constant 0 : i32
    %dma_start3A_216 = arith.constant 0 : i32
    %dma_start3A_217 = arith.constant 0 : i32
    %dma_start3A_218 = tpu.memref_slice %arg11[%dma_start3A_215, %dma_start3A_216, %dma_start3A_217] : memref<2x64x256xf32, #tpu.memory_space<vmem>> -> memref<1x64x256xf32, #tpu.memory_space<vmem>>
    %dma_start3A_219 = tpu.memref_squeeze %dma_start3A_218 : memref<1x64x256xf32, #tpu.memory_space<vmem>> -> memref<64x256xf32, #tpu.memory_space<vmem>>
    %dma_start3A_220 = arith.constant 256 : i32
    %dma_start3A_221 = tpu.memref_slice %arg8[%dma_start3A_220] : memref<320xi32, #tpu.memory_space<vmem>> -> memref<64xi32, #tpu.memory_space<vmem>>
    %dma_start3A_222 = arith.constant 0 : i32
    %dma_start3A_223 = arith.constant 0 : i32
    %dma_start3A_224 = tpu.memref_slice %arg2[%dma_start3A_222, %dma_start3A_223] : memref<2500x256xf32, #tpu.memory_space<hbm>> -> memref<2500x256xf32, #tpu.memory_space<hbm>>
    tpu.enqueue_indirect_dma source(%dma_start3A_224 : memref<2500x256xf32, #tpu.memory_space<hbm>>) target(%dma_start3A_219 : memref<64x256xf32, #tpu.memory_space<vmem>>) offsets(%dma_start3A_221 : memref<64xi32, #tpu.memory_space<vmem>>) semaphore(%arg14 : memref<!tpu.dma_semaphore, #tpu.memory_space<semaphore_mem>>)
    %add3A_225 = arith.constant 128 : i32
    %add3A_226 = arith.addi %mul3A_2, %add3A_225 : i32
    %dma_start3A_227 = arith.constant 0 : i32
    %dma_start3A_228 = arith.constant 0 : i32
    %dma_start3A_229 = arith.constant 0 : i32
    %dma_start3A_230 = tpu.memref_slice %arg12[%dma_start3A_227, %dma_start3A_228, %dma_start3A_229] : memref<2x64x256xf32, #tpu.memory_space<vmem>> -> memref<1x64x256xf32, #tpu.memory_space<vmem>>
    %dma_start3A_231 = tpu.memref_squeeze %dma_start3A_230 : memref<1x64x256xf32, #tpu.memory_space<vmem>> -> memref<64x256xf32, #tpu.memory_space<vmem>>
    %dma_start3A_232 = arith.constant 0 : i32
    %dma_start3A_233 = tpu.memref_slice %arg6[%add3A_226, %dma_start3A_232] : memref<10240x256xf32, #tpu.memory_space<hbm>> -> memref<64x256xf32, #tpu.memory_space<hbm>>
    %dma_start3A_234 = arith.constant 0 : i32
    %dma_start3A_235 = tpu.memref_slice %arg6[%add3A_226, %dma_start3A_234] : memref<10240x256xf32, #tpu.memory_space<hbm>> -> memref<64x256xf32, #tpu.memory_space<hbm>>
    %dma_start3A_236 = arith.constant 0 : i32
    %dma_start3A_237 = arith.constant 0 : i32
    %dma_start3A_238 = tpu.memref_slice %arg12[%dma_start3A_227, %dma_start3A_236, %dma_start3A_237] : memref<2x64x256xf32, #tpu.memory_space<vmem>> -> memref<1x64x256xf32, #tpu.memory_space<vmem>>
    %dma_start3A_239 = tpu.memref_squeeze %dma_start3A_238 : memref<1x64x256xf32, #tpu.memory_space<vmem>> -> memref<64x256xf32, #tpu.memory_space<vmem>>
    tpu.enqueue_dma source(%dma_start3A_239 : memref<64x256xf32, #tpu.memory_space<vmem>>) target(%dma_start3A_235 : memref<64x256xf32, #tpu.memory_space<hbm>>) target_semaphore(%arg15 : memref<!tpu.dma_semaphore, #tpu.memory_space<semaphore_mem>>)
    %dma_wait3A_240 = arith.constant 1 : i32
    %dma_wait3A_241 = arith.constant 0 : i32
    %dma_wait3A_242 = arith.constant 0 : i32
    %dma_wait3A_243 = tpu.memref_slice %arg10[%dma_wait3A_240, %dma_wait3A_241, %dma_wait3A_242] : memref<2x64x256xf32, #tpu.memory_space<vmem>> -> memref<1x64x256xf32, #tpu.memory_space<vmem>>
    %dma_wait3A_244 = tpu.memref_squeeze %dma_wait3A_243 : memref<1x64x256xf32, #tpu.memory_space<vmem>> -> memref<64x256xf32, #tpu.memory_space<vmem>>
    %dma_wait3A_245 = arith.constant 192 : i32
    %dma_wait3A_246 = tpu.memref_slice %arg7[%dma_wait3A_245] : memref<320xi32, #tpu.memory_space<vmem>> -> memref<64xi32, #tpu.memory_space<vmem>>
    %dma_wait3A_247 = arith.constant 0 : i32
    %dma_wait3A_248 = arith.constant 0 : i32
    %dma_wait3A_249 = tpu.memref_slice %arg2[%dma_wait3A_247, %dma_wait3A_248] : memref<2500x256xf32, #tpu.memory_space<hbm>> -> memref<2500x256xf32, #tpu.memory_space<hbm>>
    tpu.wait_indirect_dma semaphore(%arg13 : memref<!tpu.dma_semaphore, #tpu.memory_space<semaphore_mem>>) src(%dma_wait3A_249 : memref<2500x256xf32, #tpu.memory_space<hbm>>) dst(%dma_wait3A_244 : memref<64x256xf32, #tpu.memory_space<vmem>>)
    %dma_wait3A_250 = arith.constant 1 : i32
    %dma_wait3A_251 = arith.constant 0 : i32
    %dma_wait3A_252 = arith.constant 0 : i32
    %dma_wait3A_253 = tpu.memref_slice %arg11[%dma_wait3A_250, %dma_wait3A_251, %dma_wait3A_252] : memref<2x64x256xf32, #tpu.memory_space<vmem>> -> memref<1x64x256xf32, #tpu.memory_space<vmem>>
    %dma_wait3A_254 = tpu.memref_squeeze %dma_wait3A_253 : memref<1x64x256xf32, #tpu.memory_space<vmem>> -> memref<64x256xf32, #tpu.memory_space<vmem>>
    %dma_wait3A_255 = arith.constant 192 : i32
    %dma_wait3A_256 = tpu.memref_slice %arg8[%dma_wait3A_255] : memref<320xi32, #tpu.memory_space<vmem>> -> memref<64xi32, #tpu.memory_space<vmem>>
    %dma_wait3A_257 = arith.constant 0 : i32
    %dma_wait3A_258 = arith.constant 0 : i32
    %dma_wait3A_259 = tpu.memref_slice %arg2[%dma_wait3A_257, %dma_wait3A_258] : memref<2500x256xf32, #tpu.memory_space<hbm>> -> memref<2500x256xf32, #tpu.memory_space<hbm>>
    tpu.wait_indirect_dma semaphore(%arg14 : memref<!tpu.dma_semaphore, #tpu.memory_space<semaphore_mem>>) src(%dma_wait3A_259 : memref<2500x256xf32, #tpu.memory_space<hbm>>) dst(%dma_wait3A_254 : memref<64x256xf32, #tpu.memory_space<vmem>>)
    %dma_wait3A_260 = arith.constant 1 : i32
    %dma_wait3A_261 = arith.constant 0 : i32
    %dma_wait3A_262 = arith.constant 0 : i32
    %dma_wait3A_263 = tpu.memref_slice %arg12[%dma_wait3A_260, %dma_wait3A_261, %dma_wait3A_262] : memref<2x64x256xf32, #tpu.memory_space<vmem>> -> memref<1x64x256xf32, #tpu.memory_space<vmem>>
    %dma_wait3A_264 = tpu.memref_squeeze %dma_wait3A_263 : memref<1x64x256xf32, #tpu.memory_space<vmem>> -> memref<64x256xf32, #tpu.memory_space<vmem>>
    %dma_wait3A_265 = arith.constant 0 : i32
    %dma_wait3A_266 = tpu.memref_slice %arg6[%add3A_152, %dma_wait3A_265] : memref<10240x256xf32, #tpu.memory_space<hbm>> -> memref<64x256xf32, #tpu.memory_space<hbm>>
    %dma_wait3A_267 = arith.constant 0 : i32
    %dma_wait3A_268 = tpu.memref_slice %arg6[%add3A_152, %dma_wait3A_267] : memref<10240x256xf32, #tpu.memory_space<hbm>> -> memref<64x256xf32, #tpu.memory_space<hbm>>
    %dma_wait3A_269 = arith.constant 0 : i32
    %dma_wait3A_270 = arith.constant 0 : i32
    %dma_wait3A_271 = tpu.memref_slice %arg12[%dma_wait3A_260, %dma_wait3A_269, %dma_wait3A_270] : memref<2x64x256xf32, #tpu.memory_space<vmem>> -> memref<1x64x256xf32, #tpu.memory_space<vmem>>
    %dma_wait3A_272 = tpu.memref_squeeze %dma_wait3A_271 : memref<1x64x256xf32, #tpu.memory_space<vmem>> -> memref<64x256xf32, #tpu.memory_space<vmem>>
    tpu.wait_dma2 semaphore(%arg16 : memref<!tpu.dma_semaphore, #tpu.memory_space<semaphore_mem>>) src(%dma_wait3A_272 : memref<64x256xf32, #tpu.memory_space<vmem>>) dst(%dma_wait3A_268 : memref<64x256xf32, #tpu.memory_space<hbm>>)
    %scan3A_273 = arith.constant 0 : i32
    %scan3A_274 = arith.constant 0 : i32
    %scan3A_275 = arith.constant 64 : i32
    %scan3A_276 = arith.addi %scan3A_274, %scan3A_275 : i32
    %scan3A_277 = arith.constant 1 : i32
    scf.for %scan3A_374 = %scan3A_274 to %scan3A_276 step %scan3A_277  : i32 {
      %and3A = arith.constant -16 : i32
      %and3A_375 = arith.andi %scan3A_374, %and3A : i32
      %add3A_376 = arith.constant 192 : i32
      %add3A_377 = arith.addi %add3A_376, %and3A_375 : i32
      %get3A = arith.index_cast %add3A_377 : i32 to index
      %get3A_378 = tpu.vector_load %arg9[%get3A] {strides = array<i32>} : memref<320xf32, #tpu.memory_space<vmem>>, vector<16xf32>,
      %get3A_379 = vector.shape_cast %get3A_378 : vector<16xf32> to vector<16xf32>
      %and3A_380 = arith.constant 15 : i32
      %and3A_381 = arith.andi %scan3A_374, %and3A_380 : i32
      %broadcast_in_dim3A = vector.broadcast %and3A_381 : i32 to vector<16xi32>
      %broadcast_in_dim3A_382 = vector.shape_cast %broadcast_in_dim3A : vector<16xi32> to vector<16x1xi32>
      %gather3A = vector.shape_cast %broadcast_in_dim3A_382 : vector<16x1xi32> to vector<16xi32>
      %gather3A_383 = tpu.dynamic_gather %get3A_379[%gather3A] in [0] : vector<16xf32>, vector<16xi32> -> vector<16xf32>
      %get3A_384 = arith.constant 1 : i32
      %get3A_385 = arith.index_cast %get3A_384 : i32 to index
      %get3A_386 = arith.index_cast %scan3A_374 : i32 to index
      %get3A_387 = arith.constant 0 : index
      %get3A_388 = tpu.vector_load %arg10[%get3A_385, %get3A_386, %get3A_387] {strides = array<i32>} : memref<2x64x256xf32, #tpu.memory_space<vmem>>, vector<1x1x16xf32>,
      %get3A_389 = vector.shape_cast %get3A_388 : vector<1x1x16xf32> to vector<16xf32>
      %get3A_390 = arith.constant 1 : i32
      %get3A_391 = arith.index_cast %get3A_390 : i32 to index
      %get3A_392 = arith.index_cast %scan3A_374 : i32 to index
      %get3A_393 = arith.constant 0 : index
      %get3A_394 = tpu.vector_load %arg11[%get3A_391, %get3A_392, %get3A_393] {strides = array<i32>} : memref<2x64x256xf32, #tpu.memory_space<vmem>>, vector<1x1x16xf32>,
      %get3A_395 = vector.shape_cast %get3A_394 : vector<1x1x16xf32> to vector<16xf32>
      %sub3A = arith.subf %get3A_389, %get3A_395 : vector<16xf32>
      %mul3A_396 = arith.mulf %gather3A_383, %sub3A : vector<16xf32>
      %add3A_397 = arith.addf %get3A_395, %mul3A_396 : vector<16xf32>
      %swap3A = arith.constant 1 : i32
      %swap3A_398 = arith.index_cast %swap3A : i32 to index
      %swap3A_399 = arith.index_cast %scan3A_374 : i32 to index
      %swap3A_400 = arith.constant 0 : index
      %swap3A_401 = tpu.vector_load %arg12[%swap3A_398, %swap3A_399, %swap3A_400] {strides = array<i32>} : memref<2x64x256xf32, #tpu.memory_space<vmem>>, vector<1x1x16xf32>,
      %swap3A_402 = vector.shape_cast %swap3A_401 : vector<1x1x16xf32> to vector<16xf32>
      %swap3A_403 = vector.shape_cast %add3A_397 : vector<16xf32> to vector<1x1x16xf32>
      tpu.vector_store %arg12[%swap3A_398, %swap3A_399, %swap3A_400], %swap3A_403 {strides = array<i32>} : memref<2x64x256xf32, #tpu.memory_space<vmem>>, vector<1x1x16xf32>,
      %get3A_404 = arith.constant 1 : i32
      %get3A_405 = arith.index_cast %get3A_404 : i32 to index
      %get3A_406 = arith.index_cast %scan3A_374 : i32 to index
      %get3A_407 = arith.constant 16 : index
      %get3A_408 = tpu.vector_load %arg10[%get3A_405, %get3A_406, %get3A_407] {strides = array<i32>} : memref<2x64x256xf32, #tpu.memory_space<vmem>>, vector<1x1x16xf32>,
      %get3A_409 = vector.shape_cast %get3A_408 : vector<1x1x16xf32> to vector<16xf32>
      %get3A_410 = arith.constant 1 : i32
      %get3A_411 = arith.index_cast %get3A_410 : i32 to index
      %get3A_412 = arith.index_cast %scan3A_374 : i32 to index
      %get3A_413 = arith.constant 16 : index
      %get3A_414 = tpu.vector_load %arg11[%get3A_411, %get3A_412, %get3A_413] {strides = array<i32>} : memref<2x64x256xf32, #tpu.memory_space<vmem>>, vector<1x1x16xf32>,
      %get3A_415 = vector.shape_cast %get3A_414 : vector<1x1x16xf32> to vector<16xf32>
      %sub3A_416 = arith.subf %get3A_409, %get3A_415 : vector<16xf32>
      %mul3A_417 = arith.mulf %gather3A_383, %sub3A_416 : vector<16xf32>
      %add3A_418 = arith.addf %get3A_415, %mul3A_417 : vector<16xf32>
      %swap3A_419 = arith.constant 1 : i32
      %swap3A_420 = arith.index_cast %swap3A_419 : i32 to index
      %swap3A_421 = arith.index_cast %scan3A_374 : i32 to index
      %swap3A_422 = arith.constant 16 : index
      %swap3A_423 = tpu.vector_load %arg12[%swap3A_420, %swap3A_421, %swap3A_422] {strides = array<i32>} : memref<2x64x256xf32, #tpu.memory_space<vmem>>, vector<1x1x16xf32>,
      %swap3A_424 = vector.shape_cast %swap3A_423 : vector<1x1x16xf32> to vector<16xf32>
      %swap3A_425 = vector.shape_cast %add3A_418 : vector<16xf32> to vector<1x1x16xf32>
      tpu.vector_store %arg12[%swap3A_420, %swap3A_421, %swap3A_422], %swap3A_425 {strides = array<i32>} : memref<2x64x256xf32, #tpu.memory_space<vmem>>, vector<1x1x16xf32>,
      %get3A_426 = arith.constant 1 : i32
      %get3A_427 = arith.index_cast %get3A_426 : i32 to index
      %get3A_428 = arith.index_cast %scan3A_374 : i32 to index
      %get3A_429 = arith.constant 32 : index
      %get3A_430 = tpu.vector_load %arg10[%get3A_427, %get3A_428, %get3A_429] {strides = array<i32>} : memref<2x64x256xf32, #tpu.memory_space<vmem>>, vector<1x1x16xf32>,
      %get3A_431 = vector.shape_cast %get3A_430 : vector<1x1x16xf32> to vector<16xf32>
      %get3A_432 = arith.constant 1 : i32
      %get3A_433 = arith.index_cast %get3A_432 : i32 to index
      %get3A_434 = arith.index_cast %scan3A_374 : i32 to index
      %get3A_435 = arith.constant 32 : index
      %get3A_436 = tpu.vector_load %arg11[%get3A_433, %get3A_434, %get3A_435] {strides = array<i32>} : memref<2x64x256xf32, #tpu.memory_space<vmem>>, vector<1x1x16xf32>,
      %get3A_437 = vector.shape_cast %get3A_436 : vector<1x1x16xf32> to vector<16xf32>
      %sub3A_438 = arith.subf %get3A_431, %get3A_437 : vector<16xf32>
      %mul3A_439 = arith.mulf %gather3A_383, %sub3A_438 : vector<16xf32>
      %add3A_440 = arith.addf %get3A_437, %mul3A_439 : vector<16xf32>
      %swap3A_441 = arith.constant 1 : i32
      %swap3A_442 = arith.index_cast %swap3A_441 : i32 to index
      %swap3A_443 = arith.index_cast %scan3A_374 : i32 to index
      %swap3A_444 = arith.constant 32 : index
      %swap3A_445 = tpu.vector_load %arg12[%swap3A_442, %swap3A_443, %swap3A_444] {strides = array<i32>} : memref<2x64x256xf32, #tpu.memory_space<vmem>>, vector<1x1x16xf32>,
      %swap3A_446 = vector.shape_cast %swap3A_445 : vector<1x1x16xf32> to vector<16xf32>
      %swap3A_447 = vector.shape_cast %add3A_440 : vector<16xf32> to vector<1x1x16xf32>
      tpu.vector_store %arg12[%swap3A_442, %swap3A_443, %swap3A_444], %swap3A_447 {strides = array<i32>} : memref<2x64x256xf32, #tpu.memory_space<vmem>>, vector<1x1x16xf32>,
      %get3A_448 = arith.constant 1 : i32
      %get3A_449 = arith.index_cast %get3A_448 : i32 to index
      %get3A_450 = arith.index_cast %scan3A_374 : i32 to index
      %get3A_451 = arith.constant 48 : index
      %get3A_452 = tpu.vector_load %arg10[%get3A_449, %get3A_450, %get3A_451] {strides = array<i32>} : memref<2x64x256xf32, #tpu.memory_space<vmem>>, vector<1x1x16xf32>,
      %get3A_453 = vector.shape_cast %get3A_452 : vector<1x1x16xf32> to vector<16xf32>
      %get3A_454 = arith.constant 1 : i32
      %get3A_455 = arith.index_cast %get3A_454 : i32 to index
      %get3A_456 = arith.index_cast %scan3A_374 : i32 to index
      %get3A_457 = arith.constant 48 : index
      %get3A_458 = tpu.vector_load %arg11[%get3A_455, %get3A_456, %get3A_457] {strides = array<i32>} : memref<2x64x256xf32, #tpu.memory_space<vmem>>, vector<1x1x16xf32>,
      %get3A_459 = vector.shape_cast %get3A_458 : vector<1x1x16xf32> to vector<16xf32>
      %sub3A_460 = arith.subf %get3A_453, %get3A_459 : vector<16xf32>
      %mul3A_461 = arith.mulf %gather3A_383, %sub3A_460 : vector<16xf32>
      %add3A_462 = arith.addf %get3A_459, %mul3A_461 : vector<16xf32>
      %swap3A_463 = arith.constant 1 : i32
      %swap3A_464 = arith.index_cast %swap3A_463 : i32 to index
      %swap3A_465 = arith.index_cast %scan3A_374 : i32 to index
      %swap3A_466 = arith.constant 48 : index
      %swap3A_467 = tpu.vector_load %arg12[%swap3A_464, %swap3A_465, %swap3A_466] {strides = array<i32>} : memref<2x64x256xf32, #tpu.memory_space<vmem>>, vector<1x1x16xf32>,
      %swap3A_468 = vector.shape_cast %swap3A_467 : vector<1x1x16xf32> to vector<16xf32>
      %swap3A_469 = vector.shape_cast %add3A_462 : vector<16xf32> to vector<1x1x16xf32>
      tpu.vector_store %arg12[%swap3A_464, %swap3A_465, %swap3A_466], %swap3A_469 {strides = array<i32>} : memref<2x64x256xf32, #tpu.memory_space<vmem>>, vector<1x1x16xf32>,
      %get3A_470 = arith.constant 1 : i32
      %get3A_471 = arith.index_cast %get3A_470 : i32 to index
      %get3A_472 = arith.index_cast %scan3A_374 : i32 to index
      %get3A_473 = arith.constant 64 : index
      %get3A_474 = tpu.vector_load %arg10[%get3A_471, %get3A_472, %get3A_473] {strides = array<i32>} : memref<2x64x256xf32, #tpu.memory_space<vmem>>, vector<1x1x16xf32>,
      %get3A_475 = vector.shape_cast %get3A_474 : vector<1x1x16xf32> to vector<16xf32>
      %get3A_476 = arith.constant 1 : i32
      %get3A_477 = arith.index_cast %get3A_476 : i32 to index
      %get3A_478 = arith.index_cast %scan3A_374 : i32 to index
      %get3A_479 = arith.constant 64 : index
      %get3A_480 = tpu.vector_load %arg11[%get3A_477, %get3A_478, %get3A_479] {strides = array<i32>} : memref<2x64x256xf32, #tpu.memory_space<vmem>>, vector<1x1x16xf32>,
      %get3A_481 = vector.shape_cast %get3A_480 : vector<1x1x16xf32> to vector<16xf32>
      %sub3A_482 = arith.subf %get3A_475, %get3A_481 : vector<16xf32>
      %mul3A_483 = arith.mulf %gather3A_383, %sub3A_482 : vector<16xf32>
      %add3A_484 = arith.addf %get3A_481, %mul3A_483 : vector<16xf32>
      %swap3A_485 = arith.constant 1 : i32
      %swap3A_486 = arith.index_cast %swap3A_485 : i32 to index
      %swap3A_487 = arith.index_cast %scan3A_374 : i32 to index
      %swap3A_488 = arith.constant 64 : index
      %swap3A_489 = tpu.vector_load %arg12[%swap3A_486, %swap3A_487, %swap3A_488] {strides = array<i32>} : memref<2x64x256xf32, #tpu.memory_space<vmem>>, vector<1x1x16xf32>,
      %swap3A_490 = vector.shape_cast %swap3A_489 : vector<1x1x16xf32> to vector<16xf32>
      %swap3A_491 = vector.shape_cast %add3A_484 : vector<16xf32> to vector<1x1x16xf32>
      tpu.vector_store %arg12[%swap3A_486, %swap3A_487, %swap3A_488], %swap3A_491 {strides = array<i32>} : memref<2x64x256xf32, #tpu.memory_space<vmem>>, vector<1x1x16xf32>,
      %get3A_492 = arith.constant 1 : i32
      %get3A_493 = arith.index_cast %get3A_492 : i32 to index
      %get3A_494 = arith.index_cast %scan3A_374 : i32 to index
      %get3A_495 = arith.constant 80 : index
      %get3A_496 = tpu.vector_load %arg10[%get3A_493, %get3A_494, %get3A_495] {strides = array<i32>} : memref<2x64x256xf32, #tpu.memory_space<vmem>>, vector<1x1x16xf32>,
      %get3A_497 = vector.shape_cast %get3A_496 : vector<1x1x16xf32> to vector<16xf32>
      %get3A_498 = arith.constant 1 : i32
      %get3A_499 = arith.index_cast %get3A_498 : i32 to index
      %get3A_500 = arith.index_cast %scan3A_374 : i32 to index
      %get3A_501 = arith.constant 80 : index
      %get3A_502 = tpu.vector_load %arg11[%get3A_499, %get3A_500, %get3A_501] {strides = array<i32>} : memref<2x64x256xf32, #tpu.memory_space<vmem>>, vector<1x1x16xf32>,
      %get3A_503 = vector.shape_cast %get3A_502 : vector<1x1x16xf32> to vector<16xf32>
      %sub3A_504 = arith.subf %get3A_497, %get3A_503 : vector<16xf32>
      %mul3A_505 = arith.mulf %gather3A_383, %sub3A_504 : vector<16xf32>
      %add3A_506 = arith.addf %get3A_503, %mul3A_505 : vector<16xf32>
      %swap3A_507 = arith.constant 1 : i32
      %swap3A_508 = arith.index_cast %swap3A_507 : i32 to index
      %swap3A_509 = arith.index_cast %scan3A_374 : i32 to index
      %swap3A_510 = arith.constant 80 : index
      %swap3A_511 = tpu.vector_load %arg12[%swap3A_508, %swap3A_509, %swap3A_510] {strides = array<i32>} : memref<2x64x256xf32, #tpu.memory_space<vmem>>, vector<1x1x16xf32>,
      %swap3A_512 = vector.shape_cast %swap3A_511 : vector<1x1x16xf32> to vector<16xf32>
      %swap3A_513 = vector.shape_cast %add3A_506 : vector<16xf32> to vector<1x1x16xf32>
      tpu.vector_store %arg12[%swap3A_508, %swap3A_509, %swap3A_510], %swap3A_513 {strides = array<i32>} : memref<2x64x256xf32, #tpu.memory_space<vmem>>, vector<1x1x16xf32>,
      %get3A_514 = arith.constant 1 : i32
      %get3A_515 = arith.index_cast %get3A_514 : i32 to index
      %get3A_516 = arith.index_cast %scan3A_374 : i32 to index
      %get3A_517 = arith.constant 96 : index
      %get3A_518 = tpu.vector_load %arg10[%get3A_515, %get3A_516, %get3A_517] {strides = array<i32>} : memref<2x64x256xf32, #tpu.memory_space<vmem>>, vector<1x1x16xf32>,
      %get3A_519 = vector.shape_cast %get3A_518 : vector<1x1x16xf32> to vector<16xf32>
      %get3A_520 = arith.constant 1 : i32
      %get3A_521 = arith.index_cast %get3A_520 : i32 to index
      %get3A_522 = arith.index_cast %scan3A_374 : i32 to index
      %get3A_523 = arith.constant 96 : index
      %get3A_524 = tpu.vector_load %arg11[%get3A_521, %get3A_522, %get3A_523] {strides = array<i32>} : memref<2x64x256xf32, #tpu.memory_space<vmem>>, vector<1x1x16xf32>,
      %get3A_525 = vector.shape_cast %get3A_524 : vector<1x1x16xf32> to vector<16xf32>
      %sub3A_526 = arith.subf %get3A_519, %get3A_525 : vector<16xf32>
      %mul3A_527 = arith.mulf %gather3A_383, %sub3A_526 : vector<16xf32>
      %add3A_528 = arith.addf %get3A_525, %mul3A_527 : vector<16xf32>
      %swap3A_529 = arith.constant 1 : i32
      %swap3A_530 = arith.index_cast %swap3A_529 : i32 to index
      %swap3A_531 = arith.index_cast %scan3A_374 : i32 to index
      %swap3A_532 = arith.constant 96 : index
      %swap3A_533 = tpu.vector_load %arg12[%swap3A_530, %swap3A_531, %swap3A_532] {strides = array<i32>} : memref<2x64x256xf32, #tpu.memory_space<vmem>>, vector<1x1x16xf32>,
      %swap3A_534 = vector.shape_cast %swap3A_533 : vector<1x1x16xf32> to vector<16xf32>
      %swap3A_535 = vector.shape_cast %add3A_528 : vector<16xf32> to vector<1x1x16xf32>
      tpu.vector_store %arg12[%swap3A_530, %swap3A_531, %swap3A_532], %swap3A_535 {strides = array<i32>} : memref<2x64x256xf32, #tpu.memory_space<vmem>>, vector<1x1x16xf32>,
      %get3A_536 = arith.constant 1 : i32
      %get3A_537 = arith.index_cast %get3A_536 : i32 to index
      %get3A_538 = arith.index_cast %scan3A_374 : i32 to index
      %get3A_539 = arith.constant 112 : index
      %get3A_540 = tpu.vector_load %arg10[%get3A_537, %get3A_538, %get3A_539] {strides = array<i32>} : memref<2x64x256xf32, #tpu.memory_space<vmem>>, vector<1x1x16xf32>,
      %get3A_541 = vector.shape_cast %get3A_540 : vector<1x1x16xf32> to vector<16xf32>
      %get3A_542 = arith.constant 1 : i32
      %get3A_543 = arith.index_cast %get3A_542 : i32 to index
      %get3A_544 = arith.index_cast %scan3A_374 : i32 to index
      %get3A_545 = arith.constant 112 : index
      %get3A_546 = tpu.vector_load %arg11[%get3A_543, %get3A_544, %get3A_545] {strides = array<i32>} : memref<2x64x256xf32, #tpu.memory_space<vmem>>, vector<1x1x16xf32>,
      %get3A_547 = vector.shape_cast %get3A_546 : vector<1x1x16xf32> to vector<16xf32>
      %sub3A_548 = arith.subf %get3A_541, %get3A_547 : vector<16xf32>
      %mul3A_549 = arith.mulf %gather3A_383, %sub3A_548 : vector<16xf32>
      %add3A_550 = arith.addf %get3A_547, %mul3A_549 : vector<16xf32>
      %swap3A_551 = arith.constant 1 : i32
      %swap3A_552 = arith.index_cast %swap3A_551 : i32 to index
      %swap3A_553 = arith.index_cast %scan3A_374 : i32 to index
      %swap3A_554 = arith.constant 112 : index
      %swap3A_555 = tpu.vector_load %arg12[%swap3A_552, %swap3A_553, %swap3A_554] {strides = array<i32>} : memref<2x64x256xf32, #tpu.memory_space<vmem>>, vector<1x1x16xf32>,
      %swap3A_556 = vector.shape_cast %swap3A_555 : vector<1x1x16xf32> to vector<16xf32>
      %swap3A_557 = vector.shape_cast %add3A_550 : vector<16xf32> to vector<1x1x16xf32>
      tpu.vector_store %arg12[%swap3A_552, %swap3A_553, %swap3A_554], %swap3A_557 {strides = array<i32>} : memref<2x64x256xf32, #tpu.memory_space<vmem>>, vector<1x1x16xf32>,
      %get3A_558 = arith.constant 1 : i32
      %get3A_559 = arith.index_cast %get3A_558 : i32 to index
      %get3A_560 = arith.index_cast %scan3A_374 : i32 to index
      %get3A_561 = arith.constant 128 : index
      %get3A_562 = tpu.vector_load %arg10[%get3A_559, %get3A_560, %get3A_561] {strides = array<i32>} : memref<2x64x256xf32, #tpu.memory_space<vmem>>, vector<1x1x16xf32>,
      %get3A_563 = vector.shape_cast %get3A_562 : vector<1x1x16xf32> to vector<16xf32>
      %get3A_564 = arith.constant 1 : i32
      %get3A_565 = arith.index_cast %get3A_564 : i32 to index
      %get3A_566 = arith.index_cast %scan3A_374 : i32 to index
      %get3A_567 = arith.constant 128 : index
      %get3A_568 = tpu.vector_load %arg11[%get3A_565, %get3A_566, %get3A_567] {strides = array<i32>} : memref<2x64x256xf32, #tpu.memory_space<vmem>>, vector<1x1x16xf32>,
      %get3A_569 = vector.shape_cast %get3A_568 : vector<1x1x16xf32> to vector<16xf32>
      %sub3A_570 = arith.subf %get3A_563, %get3A_569 : vector<16xf32>
      %mul3A_571 = arith.mulf %gather3A_383, %sub3A_570 : vector<16xf32>
      %add3A_572 = arith.addf %get3A_569, %mul3A_571 : vector<16xf32>
      %swap3A_573 = arith.constant 1 : i32
      %swap3A_574 = arith.index_cast %swap3A_573 : i32 to index
      %swap3A_575 = arith.index_cast %scan3A_374 : i32 to index
      %swap3A_576 = arith.constant 128 : index
      %swap3A_577 = tpu.vector_load %arg12[%swap3A_574, %swap3A_575, %swap3A_576] {strides = array<i32>} : memref<2x64x256xf32, #tpu.memory_space<vmem>>, vector<1x1x16xf32>,
      %swap3A_578 = vector.shape_cast %swap3A_577 : vector<1x1x16xf32> to vector<16xf32>
      %swap3A_579 = vector.shape_cast %add3A_572 : vector<16xf32> to vector<1x1x16xf32>
      tpu.vector_store %arg12[%swap3A_574, %swap3A_575, %swap3A_576], %swap3A_579 {strides = array<i32>} : memref<2x64x256xf32, #tpu.memory_space<vmem>>, vector<1x1x16xf32>,
      %get3A_580 = arith.constant 1 : i32
      %get3A_581 = arith.index_cast %get3A_580 : i32 to index
      %get3A_582 = arith.index_cast %scan3A_374 : i32 to index
      %get3A_583 = arith.constant 144 : index
      %get3A_584 = tpu.vector_load %arg10[%get3A_581, %get3A_582, %get3A_583] {strides = array<i32>} : memref<2x64x256xf32, #tpu.memory_space<vmem>>, vector<1x1x16xf32>,
      %get3A_585 = vector.shape_cast %get3A_584 : vector<1x1x16xf32> to vector<16xf32>
      %get3A_586 = arith.constant 1 : i32
      %get3A_587 = arith.index_cast %get3A_586 : i32 to index
      %get3A_588 = arith.index_cast %scan3A_374 : i32 to index
      %get3A_589 = arith.constant 144 : index
      %get3A_590 = tpu.vector_load %arg11[%get3A_587, %get3A_588, %get3A_589] {strides = array<i32>} : memref<2x64x256xf32, #tpu.memory_space<vmem>>, vector<1x1x16xf32>,
      %get3A_591 = vector.shape_cast %get3A_590 : vector<1x1x16xf32> to vector<16xf32>
      %sub3A_592 = arith.subf %get3A_585, %get3A_591 : vector<16xf32>
      %mul3A_593 = arith.mulf %gather3A_383, %sub3A_592 : vector<16xf32>
      %add3A_594 = arith.addf %get3A_591, %mul3A_593 : vector<16xf32>
      %swap3A_595 = arith.constant 1 : i32
      %swap3A_596 = arith.index_cast %swap3A_595 : i32 to index
      %swap3A_597 = arith.index_cast %scan3A_374 : i32 to index
      %swap3A_598 = arith.constant 144 : index
      %swap3A_599 = tpu.vector_load %arg12[%swap3A_596, %swap3A_597, %swap3A_598] {strides = array<i32>} : memref<2x64x256xf32, #tpu.memory_space<vmem>>, vector<1x1x16xf32>,
      %swap3A_600 = vector.shape_cast %swap3A_599 : vector<1x1x16xf32> to vector<16xf32>
      %swap3A_601 = vector.shape_cast %add3A_594 : vector<16xf32> to vector<1x1x16xf32>
      tpu.vector_store %arg12[%swap3A_596, %swap3A_597, %swap3A_598], %swap3A_601 {strides = array<i32>} : memref<2x64x256xf32, #tpu.memory_space<vmem>>, vector<1x1x16xf32>,
      %get3A_602 = arith.constant 1 : i32
      %get3A_603 = arith.index_cast %get3A_602 : i32 to index
      %get3A_604 = arith.index_cast %scan3A_374 : i32 to index
      %get3A_605 = arith.constant 160 : index
      %get3A_606 = tpu.vector_load %arg10[%get3A_603, %get3A_604, %get3A_605] {strides = array<i32>} : memref<2x64x256xf32, #tpu.memory_space<vmem>>, vector<1x1x16xf32>,
      %get3A_607 = vector.shape_cast %get3A_606 : vector<1x1x16xf32> to vector<16xf32>
      %get3A_608 = arith.constant 1 : i32
      %get3A_609 = arith.index_cast %get3A_608 : i32 to index
      %get3A_610 = arith.index_cast %scan3A_374 : i32 to index
      %get3A_611 = arith.constant 160 : index
      %get3A_612 = tpu.vector_load %arg11[%get3A_609, %get3A_610, %get3A_611] {strides = array<i32>} : memref<2x64x256xf32, #tpu.memory_space<vmem>>, vector<1x1x16xf32>,
      %get3A_613 = vector.shape_cast %get3A_612 : vector<1x1x16xf32> to vector<16xf32>
      %sub3A_614 = arith.subf %get3A_607, %get3A_613 : vector<16xf32>
      %mul3A_615 = arith.mulf %gather3A_383, %sub3A_614 : vector<16xf32>
      %add3A_616 = arith.addf %get3A_613, %mul3A_615 : vector<16xf32>
      %swap3A_617 = arith.constant 1 : i32
      %swap3A_618 = arith.index_cast %swap3A_617 : i32 to index
      %swap3A_619 = arith.index_cast %scan3A_374 : i32 to index
      %swap3A_620 = arith.constant 160 : index
      %swap3A_621 = tpu.vector_load %arg12[%swap3A_618, %swap3A_619, %swap3A_620] {strides = array<i32>} : memref<2x64x256xf32, #tpu.memory_space<vmem>>, vector<1x1x16xf32>,
      %swap3A_622 = vector.shape_cast %swap3A_621 : vector<1x1x16xf32> to vector<16xf32>
      %swap3A_623 = vector.shape_cast %add3A_616 : vector<16xf32> to vector<1x1x16xf32>
      tpu.vector_store %arg12[%swap3A_618, %swap3A_619, %swap3A_620], %swap3A_623 {strides = array<i32>} : memref<2x64x256xf32, #tpu.memory_space<vmem>>, vector<1x1x16xf32>,
      %get3A_624 = arith.constant 1 : i32
      %get3A_625 = arith.index_cast %get3A_624 : i32 to index
      %get3A_626 = arith.index_cast %scan3A_374 : i32 to index
      %get3A_627 = arith.constant 176 : index
      %get3A_628 = tpu.vector_load %arg10[%get3A_625, %get3A_626, %get3A_627] {strides = array<i32>} : memref<2x64x256xf32, #tpu.memory_space<vmem>>, vector<1x1x16xf32>,
      %get3A_629 = vector.shape_cast %get3A_628 : vector<1x1x16xf32> to vector<16xf32>
      %get3A_630 = arith.constant 1 : i32
      %get3A_631 = arith.index_cast %get3A_630 : i32 to index
      %get3A_632 = arith.index_cast %scan3A_374 : i32 to index
      %get3A_633 = arith.constant 176 : index
      %get3A_634 = tpu.vector_load %arg11[%get3A_631, %get3A_632, %get3A_633] {strides = array<i32>} : memref<2x64x256xf32, #tpu.memory_space<vmem>>, vector<1x1x16xf32>,
      %get3A_635 = vector.shape_cast %get3A_634 : vector<1x1x16xf32> to vector<16xf32>
      %sub3A_636 = arith.subf %get3A_629, %get3A_635 : vector<16xf32>
      %mul3A_637 = arith.mulf %gather3A_383, %sub3A_636 : vector<16xf32>
      %add3A_638 = arith.addf %get3A_635, %mul3A_637 : vector<16xf32>
      %swap3A_639 = arith.constant 1 : i32
      %swap3A_640 = arith.index_cast %swap3A_639 : i32 to index
      %swap3A_641 = arith.index_cast %scan3A_374 : i32 to index
      %swap3A_642 = arith.constant 176 : index
      %swap3A_643 = tpu.vector_load %arg12[%swap3A_640, %swap3A_641, %swap3A_642] {strides = array<i32>} : memref<2x64x256xf32, #tpu.memory_space<vmem>>, vector<1x1x16xf32>,
      %swap3A_644 = vector.shape_cast %swap3A_643 : vector<1x1x16xf32> to vector<16xf32>
      %swap3A_645 = vector.shape_cast %add3A_638 : vector<16xf32> to vector<1x1x16xf32>
      tpu.vector_store %arg12[%swap3A_640, %swap3A_641, %swap3A_642], %swap3A_645 {strides = array<i32>} : memref<2x64x256xf32, #tpu.memory_space<vmem>>, vector<1x1x16xf32>,
      %get3A_646 = arith.constant 1 : i32
      %get3A_647 = arith.index_cast %get3A_646 : i32 to index
      %get3A_648 = arith.index_cast %scan3A_374 : i32 to index
      %get3A_649 = arith.constant 192 : index
      %get3A_650 = tpu.vector_load %arg10[%get3A_647, %get3A_648, %get3A_649] {strides = array<i32>} : memref<2x64x256xf32, #tpu.memory_space<vmem>>, vector<1x1x16xf32>,
      %get3A_651 = vector.shape_cast %get3A_650 : vector<1x1x16xf32> to vector<16xf32>
      %get3A_652 = arith.constant 1 : i32
      %get3A_653 = arith.index_cast %get3A_652 : i32 to index
      %get3A_654 = arith.index_cast %scan3A_374 : i32 to index
      %get3A_655 = arith.constant 192 : index
      %get3A_656 = tpu.vector_load %arg11[%get3A_653, %get3A_654, %get3A_655] {strides = array<i32>} : memref<2x64x256xf32, #tpu.memory_space<vmem>>, vector<1x1x16xf32>,
      %get3A_657 = vector.shape_cast %get3A_656 : vector<1x1x16xf32> to vector<16xf32>
      %sub3A_658 = arith.subf %get3A_651, %get3A_657 : vector<16xf32>
      %mul3A_659 = arith.mulf %gather3A_383, %sub3A_658 : vector<16xf32>
      %add3A_660 = arith.addf %get3A_657, %mul3A_659 : vector<16xf32>
      %swap3A_661 = arith.constant 1 : i32
      %swap3A_662 = arith.index_cast %swap3A_661 : i32 to index
      %swap3A_663 = arith.index_cast %scan3A_374 : i32 to index
      %swap3A_664 = arith.constant 192 : index
      %swap3A_665 = tpu.vector_load %arg12[%swap3A_662, %swap3A_663, %swap3A_664] {strides = array<i32>} : memref<2x64x256xf32, #tpu.memory_space<vmem>>, vector<1x1x16xf32>,
      %swap3A_666 = vector.shape_cast %swap3A_665 : vector<1x1x16xf32> to vector<16xf32>
      %swap3A_667 = vector.shape_cast %add3A_660 : vector<16xf32> to vector<1x1x16xf32>
      tpu.vector_store %arg12[%swap3A_662, %swap3A_663, %swap3A_664], %swap3A_667 {strides = array<i32>} : memref<2x64x256xf32, #tpu.memory_space<vmem>>, vector<1x1x16xf32>,
      %get3A_668 = arith.constant 1 : i32
      %get3A_669 = arith.index_cast %get3A_668 : i32 to index
      %get3A_670 = arith.index_cast %scan3A_374 : i32 to index
      %get3A_671 = arith.constant 208 : index
      %get3A_672 = tpu.vector_load %arg10[%get3A_669, %get3A_670, %get3A_671] {strides = array<i32>} : memref<2x64x256xf32, #tpu.memory_space<vmem>>, vector<1x1x16xf32>,
      %get3A_673 = vector.shape_cast %get3A_672 : vector<1x1x16xf32> to vector<16xf32>
      %get3A_674 = arith.constant 1 : i32
      %get3A_675 = arith.index_cast %get3A_674 : i32 to index
      %get3A_676 = arith.index_cast %scan3A_374 : i32 to index
      %get3A_677 = arith.constant 208 : index
      %get3A_678 = tpu.vector_load %arg11[%get3A_675, %get3A_676, %get3A_677] {strides = array<i32>} : memref<2x64x256xf32, #tpu.memory_space<vmem>>, vector<1x1x16xf32>,
      %get3A_679 = vector.shape_cast %get3A_678 : vector<1x1x16xf32> to vector<16xf32>
      %sub3A_680 = arith.subf %get3A_673, %get3A_679 : vector<16xf32>
      %mul3A_681 = arith.mulf %gather3A_383, %sub3A_680 : vector<16xf32>
      %add3A_682 = arith.addf %get3A_679, %mul3A_681 : vector<16xf32>
      %swap3A_683 = arith.constant 1 : i32
      %swap3A_684 = arith.index_cast %swap3A_683 : i32 to index
      %swap3A_685 = arith.index_cast %scan3A_374 : i32 to index
      %swap3A_686 = arith.constant 208 : index
      %swap3A_687 = tpu.vector_load %arg12[%swap3A_684, %swap3A_685, %swap3A_686] {strides = array<i32>} : memref<2x64x256xf32, #tpu.memory_space<vmem>>, vector<1x1x16xf32>,
      %swap3A_688 = vector.shape_cast %swap3A_687 : vector<1x1x16xf32> to vector<16xf32>
      %swap3A_689 = vector.shape_cast %add3A_682 : vector<16xf32> to vector<1x1x16xf32>
      tpu.vector_store %arg12[%swap3A_684, %swap3A_685, %swap3A_686], %swap3A_689 {strides = array<i32>} : memref<2x64x256xf32, #tpu.memory_space<vmem>>, vector<1x1x16xf32>,
      %get3A_690 = arith.constant 1 : i32
      %get3A_691 = arith.index_cast %get3A_690 : i32 to index
      %get3A_692 = arith.index_cast %scan3A_374 : i32 to index
      %get3A_693 = arith.constant 224 : index
      %get3A_694 = tpu.vector_load %arg10[%get3A_691, %get3A_692, %get3A_693] {strides = array<i32>} : memref<2x64x256xf32, #tpu.memory_space<vmem>>, vector<1x1x16xf32>,
      %get3A_695 = vector.shape_cast %get3A_694 : vector<1x1x16xf32> to vector<16xf32>
      %get3A_696 = arith.constant 1 : i32
      %get3A_697 = arith.index_cast %get3A_696 : i32 to index
      %get3A_698 = arith.index_cast %scan3A_374 : i32 to index
      %get3A_699 = arith.constant 224 : index
      %get3A_700 = tpu.vector_load %arg11[%get3A_697, %get3A_698, %get3A_699] {strides = array<i32>} : memref<2x64x256xf32, #tpu.memory_space<vmem>>, vector<1x1x16xf32>,
      %get3A_701 = vector.shape_cast %get3A_700 : vector<1x1x16xf32> to vector<16xf32>
      %sub3A_702 = arith.subf %get3A_695, %get3A_701 : vector<16xf32>
      %mul3A_703 = arith.mulf %gather3A_383, %sub3A_702 : vector<16xf32>
      %add3A_704 = arith.addf %get3A_701, %mul3A_703 : vector<16xf32>
      %swap3A_705 = arith.constant 1 : i32
      %swap3A_706 = arith.index_cast %swap3A_705 : i32 to index
      %swap3A_707 = arith.index_cast %scan3A_374 : i32 to index
      %swap3A_708 = arith.constant 224 : index
      %swap3A_709 = tpu.vector_load %arg12[%swap3A_706, %swap3A_707, %swap3A_708] {strides = array<i32>} : memref<2x64x256xf32, #tpu.memory_space<vmem>>, vector<1x1x16xf32>,
      %swap3A_710 = vector.shape_cast %swap3A_709 : vector<1x1x16xf32> to vector<16xf32>
      %swap3A_711 = vector.shape_cast %add3A_704 : vector<16xf32> to vector<1x1x16xf32>
      tpu.vector_store %arg12[%swap3A_706, %swap3A_707, %swap3A_708], %swap3A_711 {strides = array<i32>} : memref<2x64x256xf32, #tpu.memory_space<vmem>>, vector<1x1x16xf32>,
      %get3A_712 = arith.constant 1 : i32
      %get3A_713 = arith.index_cast %get3A_712 : i32 to index
      %get3A_714 = arith.index_cast %scan3A_374 : i32 to index
      %get3A_715 = arith.constant 240 : index
      %get3A_716 = tpu.vector_load %arg10[%get3A_713, %get3A_714, %get3A_715] {strides = array<i32>} : memref<2x64x256xf32, #tpu.memory_space<vmem>>, vector<1x1x16xf32>,
      %get3A_717 = vector.shape_cast %get3A_716 : vector<1x1x16xf32> to vector<16xf32>
      %get3A_718 = arith.constant 1 : i32
      %get3A_719 = arith.index_cast %get3A_718 : i32 to index
      %get3A_720 = arith.index_cast %scan3A_374 : i32 to index
      %get3A_721 = arith.constant 240 : index
      %get3A_722 = tpu.vector_load %arg11[%get3A_719, %get3A_720, %get3A_721] {strides = array<i32>} : memref<2x64x256xf32, #tpu.memory_space<vmem>>, vector<1x1x16xf32>,
      %get3A_723 = vector.shape_cast %get3A_722 : vector<1x1x16xf32> to vector<16xf32>
      %sub3A_724 = arith.subf %get3A_717, %get3A_723 : vector<16xf32>
      %mul3A_725 = arith.mulf %gather3A_383, %sub3A_724 : vector<16xf32>
      %add3A_726 = arith.addf %get3A_723, %mul3A_725 : vector<16xf32>
      %swap3A_727 = arith.constant 1 : i32
      %swap3A_728 = arith.index_cast %swap3A_727 : i32 to index
      %swap3A_729 = arith.index_cast %scan3A_374 : i32 to index
      %swap3A_730 = arith.constant 240 : index
      %swap3A_731 = tpu.vector_load %arg12[%swap3A_728, %swap3A_729, %swap3A_730] {strides = array<i32>} : memref<2x64x256xf32, #tpu.memory_space<vmem>>, vector<1x1x16xf32>,
      %swap3A_732 = vector.shape_cast %swap3A_731 : vector<1x1x16xf32> to vector<16xf32>
      %swap3A_733 = vector.shape_cast %add3A_726 : vector<16xf32> to vector<1x1x16xf32>
      tpu.vector_store %arg12[%swap3A_728, %swap3A_729, %swap3A_730], %swap3A_733 {strides = array<i32>} : memref<2x64x256xf32, #tpu.memory_space<vmem>>, vector<1x1x16xf32>,
    }
    %scan3A_278 = arith.constant 64 : i32
    %add3A_279 = arith.constant 192 : i32
    %add3A_280 = arith.addi %mul3A_2, %add3A_279 : i32
    %dma_start3A_281 = arith.constant 1 : i32
    %dma_start3A_282 = arith.constant 0 : i32
    %dma_start3A_283 = arith.constant 0 : i32
    %dma_start3A_284 = tpu.memref_slice %arg12[%dma_start3A_281, %dma_start3A_282, %dma_start3A_283] : memref<2x64x256xf32, #tpu.memory_space<vmem>> -> memref<1x64x256xf32, #tpu.memory_space<vmem>>
    %dma_start3A_285 = tpu.memref_squeeze %dma_start3A_284 : memref<1x64x256xf32, #tpu.memory_space<vmem>> -> memref<64x256xf32, #tpu.memory_space<vmem>>
    %dma_start3A_286 = arith.constant 0 : i32
    %dma_start3A_287 = tpu.memref_slice %arg6[%add3A_280, %dma_start3A_286] : memref<10240x256xf32, #tpu.memory_space<hbm>> -> memref<64x256xf32, #tpu.memory_space<hbm>>
    %dma_start3A_288 = arith.constant 0 : i32
    %dma_start3A_289 = tpu.memref_slice %arg6[%add3A_280, %dma_start3A_288] : memref<10240x256xf32, #tpu.memory_space<hbm>> -> memref<64x256xf32, #tpu.memory_space<hbm>>
    %dma_start3A_290 = arith.constant 0 : i32
    %dma_start3A_291 = arith.constant 0 : i32
    %dma_start3A_292 = tpu.memref_slice %arg12[%dma_start3A_281, %dma_start3A_290, %dma_start3A_291] : memref<2x64x256xf32, #tpu.memory_space<vmem>> -> memref<1x64x256xf32, #tpu.memory_space<vmem>>
    %dma_start3A_293 = tpu.memref_squeeze %dma_start3A_292 : memref<1x64x256xf32, #tpu.memory_space<vmem>> -> memref<64x256xf32, #tpu.memory_space<vmem>>
    tpu.enqueue_dma source(%dma_start3A_293 : memref<64x256xf32, #tpu.memory_space<vmem>>) target(%dma_start3A_289 : memref<64x256xf32, #tpu.memory_space<hbm>>) target_semaphore(%arg16 : memref<!tpu.dma_semaphore, #tpu.memory_space<semaphore_mem>>)
    %dma_wait3A_294 = arith.constant 0 : i32
    %dma_wait3A_295 = arith.constant 0 : i32
    %dma_wait3A_296 = arith.constant 0 : i32
    %dma_wait3A_297 = tpu.memref_slice %arg10[%dma_wait3A_294, %dma_wait3A_295, %dma_wait3A_296] : memref<2x64x256xf32, #tpu.memory_space<vmem>> -> memref<1x64x256xf32, #tpu.memory_space<vmem>>
    %dma_wait3A_298 = tpu.memref_squeeze %dma_wait3A_297 : memref<1x64x256xf32, #tpu.memory_space<vmem>> -> memref<64x256xf32, #tpu.memory_space<vmem>>
    %dma_wait3A_299 = arith.constant 256 : i32
    %dma_wait3A_300 = tpu.memref_slice %arg7[%dma_wait3A_299] : memref<320xi32, #tpu.memory_space<vmem>> -> memref<64xi32, #tpu.memory_space<vmem>>
    %dma_wait3A_301 = arith.constant 0 : i32
    %dma_wait3A_302 = arith.constant 0 : i32
    %dma_wait3A_303 = tpu.memref_slice %arg2[%dma_wait3A_301, %dma_wait3A_302] : memref<2500x256xf32, #tpu.memory_space<hbm>> -> memref<2500x256xf32, #tpu.memory_space<hbm>>
    tpu.wait_indirect_dma semaphore(%arg13 : memref<!tpu.dma_semaphore, #tpu.memory_space<semaphore_mem>>) src(%dma_wait3A_303 : memref<2500x256xf32, #tpu.memory_space<hbm>>) dst(%dma_wait3A_298 : memref<64x256xf32, #tpu.memory_space<vmem>>)
    %dma_wait3A_304 = arith.constant 0 : i32
    %dma_wait3A_305 = arith.constant 0 : i32
    %dma_wait3A_306 = arith.constant 0 : i32
    %dma_wait3A_307 = tpu.memref_slice %arg11[%dma_wait3A_304, %dma_wait3A_305, %dma_wait3A_306] : memref<2x64x256xf32, #tpu.memory_space<vmem>> -> memref<1x64x256xf32, #tpu.memory_space<vmem>>
    %dma_wait3A_308 = tpu.memref_squeeze %dma_wait3A_307 : memref<1x64x256xf32, #tpu.memory_space<vmem>> -> memref<64x256xf32, #tpu.memory_space<vmem>>
    %dma_wait3A_309 = arith.constant 256 : i32
    %dma_wait3A_310 = tpu.memref_slice %arg8[%dma_wait3A_309] : memref<320xi32, #tpu.memory_space<vmem>> -> memref<64xi32, #tpu.memory_space<vmem>>
    %dma_wait3A_311 = arith.constant 0 : i32
    %dma_wait3A_312 = arith.constant 0 : i32
    %dma_wait3A_313 = tpu.memref_slice %arg2[%dma_wait3A_311, %dma_wait3A_312] : memref<2500x256xf32, #tpu.memory_space<hbm>> -> memref<2500x256xf32, #tpu.memory_space<hbm>>
    tpu.wait_indirect_dma semaphore(%arg14 : memref<!tpu.dma_semaphore, #tpu.memory_space<semaphore_mem>>) src(%dma_wait3A_313 : memref<2500x256xf32, #tpu.memory_space<hbm>>) dst(%dma_wait3A_308 : memref<64x256xf32, #tpu.memory_space<vmem>>)
    %dma_wait3A_314 = arith.constant 0 : i32
    %dma_wait3A_315 = arith.constant 0 : i32
    %dma_wait3A_316 = arith.constant 0 : i32
    %dma_wait3A_317 = tpu.memref_slice %arg12[%dma_wait3A_314, %dma_wait3A_315, %dma_wait3A_316] : memref<2x64x256xf32, #tpu.memory_space<vmem>> -> memref<1x64x256xf32, #tpu.memory_space<vmem>>
    %dma_wait3A_318 = tpu.memref_squeeze %dma_wait3A_317 : memref<1x64x256xf32, #tpu.memory_space<vmem>> -> memref<64x256xf32, #tpu.memory_space<vmem>>
    %dma_wait3A_319 = arith.constant 0 : i32
    %dma_wait3A_320 = tpu.memref_slice %arg6[%add3A_226, %dma_wait3A_319] : memref<10240x256xf32, #tpu.memory_space<hbm>> -> memref<64x256xf32, #tpu.memory_space<hbm>>
    %dma_wait3A_321 = arith.constant 0 : i32
    %dma_wait3A_322 = tpu.memref_slice %arg6[%add3A_226, %dma_wait3A_321] : memref<10240x256xf32, #tpu.memory_space<hbm>> -> memref<64x256xf32, #tpu.memory_space<hbm>>
    %dma_wait3A_323 = arith.constant 0 : i32
    %dma_wait3A_324 = arith.constant 0 : i32
    %dma_wait3A_325 = tpu.memref_slice %arg12[%dma_wait3A_314, %dma_wait3A_323, %dma_wait3A_324] : memref<2x64x256xf32, #tpu.memory_space<vmem>> -> memref<1x64x256xf32, #tpu.memory_space<vmem>>
    %dma_wait3A_326 = tpu.memref_squeeze %dma_wait3A_325 : memref<1x64x256xf32, #tpu.memory_space<vmem>> -> memref<64x256xf32, #tpu.memory_space<vmem>>
    tpu.wait_dma2 semaphore(%arg15 : memref<!tpu.dma_semaphore, #tpu.memory_space<semaphore_mem>>) src(%dma_wait3A_326 : memref<64x256xf32, #tpu.memory_space<vmem>>) dst(%dma_wait3A_322 : memref<64x256xf32, #tpu.memory_space<hbm>>)
    %scan3A_327 = arith.constant 0 : i32
    %scan3A_328 = arith.constant 0 : i32
    %scan3A_329 = arith.constant 64 : i32
    %scan3A_330 = arith.addi %scan3A_328, %scan3A_329 : i32
    %scan3A_331 = arith.constant 1 : i32
    scf.for %scan3A_374 = %scan3A_328 to %scan3A_330 step %scan3A_331  : i32 {
      %and3A = arith.constant -16 : i32
      %and3A_375 = arith.andi %scan3A_374, %and3A : i32
      %add3A_376 = arith.constant 256 : i32
      %add3A_377 = arith.addi %add3A_376, %and3A_375 : i32
      %get3A = arith.index_cast %add3A_377 : i32 to index
      %get3A_378 = tpu.vector_load %arg9[%get3A] {strides = array<i32>} : memref<320xf32, #tpu.memory_space<vmem>>, vector<16xf32>,
      %get3A_379 = vector.shape_cast %get3A_378 : vector<16xf32> to vector<16xf32>
      %and3A_380 = arith.constant 15 : i32
      %and3A_381 = arith.andi %scan3A_374, %and3A_380 : i32
      %broadcast_in_dim3A = vector.broadcast %and3A_381 : i32 to vector<16xi32>
      %broadcast_in_dim3A_382 = vector.shape_cast %broadcast_in_dim3A : vector<16xi32> to vector<16x1xi32>
      %gather3A = vector.shape_cast %broadcast_in_dim3A_382 : vector<16x1xi32> to vector<16xi32>
      %gather3A_383 = tpu.dynamic_gather %get3A_379[%gather3A] in [0] : vector<16xf32>, vector<16xi32> -> vector<16xf32>
      %get3A_384 = arith.constant 0 : i32
      %get3A_385 = arith.index_cast %get3A_384 : i32 to index
      %get3A_386 = arith.index_cast %scan3A_374 : i32 to index
      %get3A_387 = arith.constant 0 : index
      %get3A_388 = tpu.vector_load %arg10[%get3A_385, %get3A_386, %get3A_387] {strides = array<i32>} : memref<2x64x256xf32, #tpu.memory_space<vmem>>, vector<1x1x16xf32>,
      %get3A_389 = vector.shape_cast %get3A_388 : vector<1x1x16xf32> to vector<16xf32>
      %get3A_390 = arith.constant 0 : i32
      %get3A_391 = arith.index_cast %get3A_390 : i32 to index
      %get3A_392 = arith.index_cast %scan3A_374 : i32 to index
      %get3A_393 = arith.constant 0 : index
      %get3A_394 = tpu.vector_load %arg11[%get3A_391, %get3A_392, %get3A_393] {strides = array<i32>} : memref<2x64x256xf32, #tpu.memory_space<vmem>>, vector<1x1x16xf32>,
      %get3A_395 = vector.shape_cast %get3A_394 : vector<1x1x16xf32> to vector<16xf32>
      %sub3A = arith.subf %get3A_389, %get3A_395 : vector<16xf32>
      %mul3A_396 = arith.mulf %gather3A_383, %sub3A : vector<16xf32>
      %add3A_397 = arith.addf %get3A_395, %mul3A_396 : vector<16xf32>
      %swap3A = arith.constant 0 : i32
      %swap3A_398 = arith.index_cast %swap3A : i32 to index
      %swap3A_399 = arith.index_cast %scan3A_374 : i32 to index
      %swap3A_400 = arith.constant 0 : index
      %swap3A_401 = tpu.vector_load %arg12[%swap3A_398, %swap3A_399, %swap3A_400] {strides = array<i32>} : memref<2x64x256xf32, #tpu.memory_space<vmem>>, vector<1x1x16xf32>,
      %swap3A_402 = vector.shape_cast %swap3A_401 : vector<1x1x16xf32> to vector<16xf32>
      %swap3A_403 = vector.shape_cast %add3A_397 : vector<16xf32> to vector<1x1x16xf32>
      tpu.vector_store %arg12[%swap3A_398, %swap3A_399, %swap3A_400], %swap3A_403 {strides = array<i32>} : memref<2x64x256xf32, #tpu.memory_space<vmem>>, vector<1x1x16xf32>,
      %get3A_404 = arith.constant 0 : i32
      %get3A_405 = arith.index_cast %get3A_404 : i32 to index
      %get3A_406 = arith.index_cast %scan3A_374 : i32 to index
      %get3A_407 = arith.constant 16 : index
      %get3A_408 = tpu.vector_load %arg10[%get3A_405, %get3A_406, %get3A_407] {strides = array<i32>} : memref<2x64x256xf32, #tpu.memory_space<vmem>>, vector<1x1x16xf32>,
      %get3A_409 = vector.shape_cast %get3A_408 : vector<1x1x16xf32> to vector<16xf32>
      %get3A_410 = arith.constant 0 : i32
      %get3A_411 = arith.index_cast %get3A_410 : i32 to index
      %get3A_412 = arith.index_cast %scan3A_374 : i32 to index
      %get3A_413 = arith.constant 16 : index
      %get3A_414 = tpu.vector_load %arg11[%get3A_411, %get3A_412, %get3A_413] {strides = array<i32>} : memref<2x64x256xf32, #tpu.memory_space<vmem>>, vector<1x1x16xf32>,
      %get3A_415 = vector.shape_cast %get3A_414 : vector<1x1x16xf32> to vector<16xf32>
      %sub3A_416 = arith.subf %get3A_409, %get3A_415 : vector<16xf32>
      %mul3A_417 = arith.mulf %gather3A_383, %sub3A_416 : vector<16xf32>
      %add3A_418 = arith.addf %get3A_415, %mul3A_417 : vector<16xf32>
      %swap3A_419 = arith.constant 0 : i32
      %swap3A_420 = arith.index_cast %swap3A_419 : i32 to index
      %swap3A_421 = arith.index_cast %scan3A_374 : i32 to index
      %swap3A_422 = arith.constant 16 : index
      %swap3A_423 = tpu.vector_load %arg12[%swap3A_420, %swap3A_421, %swap3A_422] {strides = array<i32>} : memref<2x64x256xf32, #tpu.memory_space<vmem>>, vector<1x1x16xf32>,
      %swap3A_424 = vector.shape_cast %swap3A_423 : vector<1x1x16xf32> to vector<16xf32>
      %swap3A_425 = vector.shape_cast %add3A_418 : vector<16xf32> to vector<1x1x16xf32>
      tpu.vector_store %arg12[%swap3A_420, %swap3A_421, %swap3A_422], %swap3A_425 {strides = array<i32>} : memref<2x64x256xf32, #tpu.memory_space<vmem>>, vector<1x1x16xf32>,
      %get3A_426 = arith.constant 0 : i32
      %get3A_427 = arith.index_cast %get3A_426 : i32 to index
      %get3A_428 = arith.index_cast %scan3A_374 : i32 to index
      %get3A_429 = arith.constant 32 : index
      %get3A_430 = tpu.vector_load %arg10[%get3A_427, %get3A_428, %get3A_429] {strides = array<i32>} : memref<2x64x256xf32, #tpu.memory_space<vmem>>, vector<1x1x16xf32>,
      %get3A_431 = vector.shape_cast %get3A_430 : vector<1x1x16xf32> to vector<16xf32>
      %get3A_432 = arith.constant 0 : i32
      %get3A_433 = arith.index_cast %get3A_432 : i32 to index
      %get3A_434 = arith.index_cast %scan3A_374 : i32 to index
      %get3A_435 = arith.constant 32 : index
      %get3A_436 = tpu.vector_load %arg11[%get3A_433, %get3A_434, %get3A_435] {strides = array<i32>} : memref<2x64x256xf32, #tpu.memory_space<vmem>>, vector<1x1x16xf32>,
      %get3A_437 = vector.shape_cast %get3A_436 : vector<1x1x16xf32> to vector<16xf32>
      %sub3A_438 = arith.subf %get3A_431, %get3A_437 : vector<16xf32>
      %mul3A_439 = arith.mulf %gather3A_383, %sub3A_438 : vector<16xf32>
      %add3A_440 = arith.addf %get3A_437, %mul3A_439 : vector<16xf32>
      %swap3A_441 = arith.constant 0 : i32
      %swap3A_442 = arith.index_cast %swap3A_441 : i32 to index
      %swap3A_443 = arith.index_cast %scan3A_374 : i32 to index
      %swap3A_444 = arith.constant 32 : index
      %swap3A_445 = tpu.vector_load %arg12[%swap3A_442, %swap3A_443, %swap3A_444] {strides = array<i32>} : memref<2x64x256xf32, #tpu.memory_space<vmem>>, vector<1x1x16xf32>,
      %swap3A_446 = vector.shape_cast %swap3A_445 : vector<1x1x16xf32> to vector<16xf32>
      %swap3A_447 = vector.shape_cast %add3A_440 : vector<16xf32> to vector<1x1x16xf32>
      tpu.vector_store %arg12[%swap3A_442, %swap3A_443, %swap3A_444], %swap3A_447 {strides = array<i32>} : memref<2x64x256xf32, #tpu.memory_space<vmem>>, vector<1x1x16xf32>,
      %get3A_448 = arith.constant 0 : i32
      %get3A_449 = arith.index_cast %get3A_448 : i32 to index
      %get3A_450 = arith.index_cast %scan3A_374 : i32 to index
      %get3A_451 = arith.constant 48 : index
      %get3A_452 = tpu.vector_load %arg10[%get3A_449, %get3A_450, %get3A_451] {strides = array<i32>} : memref<2x64x256xf32, #tpu.memory_space<vmem>>, vector<1x1x16xf32>,
      %get3A_453 = vector.shape_cast %get3A_452 : vector<1x1x16xf32> to vector<16xf32>
      %get3A_454 = arith.constant 0 : i32
      %get3A_455 = arith.index_cast %get3A_454 : i32 to index
      %get3A_456 = arith.index_cast %scan3A_374 : i32 to index
      %get3A_457 = arith.constant 48 : index
      %get3A_458 = tpu.vector_load %arg11[%get3A_455, %get3A_456, %get3A_457] {strides = array<i32>} : memref<2x64x256xf32, #tpu.memory_space<vmem>>, vector<1x1x16xf32>,
      %get3A_459 = vector.shape_cast %get3A_458 : vector<1x1x16xf32> to vector<16xf32>
      %sub3A_460 = arith.subf %get3A_453, %get3A_459 : vector<16xf32>
      %mul3A_461 = arith.mulf %gather3A_383, %sub3A_460 : vector<16xf32>
      %add3A_462 = arith.addf %get3A_459, %mul3A_461 : vector<16xf32>
      %swap3A_463 = arith.constant 0 : i32
      %swap3A_464 = arith.index_cast %swap3A_463 : i32 to index
      %swap3A_465 = arith.index_cast %scan3A_374 : i32 to index
      %swap3A_466 = arith.constant 48 : index
      %swap3A_467 = tpu.vector_load %arg12[%swap3A_464, %swap3A_465, %swap3A_466] {strides = array<i32>} : memref<2x64x256xf32, #tpu.memory_space<vmem>>, vector<1x1x16xf32>,
      %swap3A_468 = vector.shape_cast %swap3A_467 : vector<1x1x16xf32> to vector<16xf32>
      %swap3A_469 = vector.shape_cast %add3A_462 : vector<16xf32> to vector<1x1x16xf32>
      tpu.vector_store %arg12[%swap3A_464, %swap3A_465, %swap3A_466], %swap3A_469 {strides = array<i32>} : memref<2x64x256xf32, #tpu.memory_space<vmem>>, vector<1x1x16xf32>,
      %get3A_470 = arith.constant 0 : i32
      %get3A_471 = arith.index_cast %get3A_470 : i32 to index
      %get3A_472 = arith.index_cast %scan3A_374 : i32 to index
      %get3A_473 = arith.constant 64 : index
      %get3A_474 = tpu.vector_load %arg10[%get3A_471, %get3A_472, %get3A_473] {strides = array<i32>} : memref<2x64x256xf32, #tpu.memory_space<vmem>>, vector<1x1x16xf32>,
      %get3A_475 = vector.shape_cast %get3A_474 : vector<1x1x16xf32> to vector<16xf32>
      %get3A_476 = arith.constant 0 : i32
      %get3A_477 = arith.index_cast %get3A_476 : i32 to index
      %get3A_478 = arith.index_cast %scan3A_374 : i32 to index
      %get3A_479 = arith.constant 64 : index
      %get3A_480 = tpu.vector_load %arg11[%get3A_477, %get3A_478, %get3A_479] {strides = array<i32>} : memref<2x64x256xf32, #tpu.memory_space<vmem>>, vector<1x1x16xf32>,
      %get3A_481 = vector.shape_cast %get3A_480 : vector<1x1x16xf32> to vector<16xf32>
      %sub3A_482 = arith.subf %get3A_475, %get3A_481 : vector<16xf32>
      %mul3A_483 = arith.mulf %gather3A_383, %sub3A_482 : vector<16xf32>
      %add3A_484 = arith.addf %get3A_481, %mul3A_483 : vector<16xf32>
      %swap3A_485 = arith.constant 0 : i32
      %swap3A_486 = arith.index_cast %swap3A_485 : i32 to index
      %swap3A_487 = arith.index_cast %scan3A_374 : i32 to index
      %swap3A_488 = arith.constant 64 : index
      %swap3A_489 = tpu.vector_load %arg12[%swap3A_486, %swap3A_487, %swap3A_488] {strides = array<i32>} : memref<2x64x256xf32, #tpu.memory_space<vmem>>, vector<1x1x16xf32>,
      %swap3A_490 = vector.shape_cast %swap3A_489 : vector<1x1x16xf32> to vector<16xf32>
      %swap3A_491 = vector.shape_cast %add3A_484 : vector<16xf32> to vector<1x1x16xf32>
      tpu.vector_store %arg12[%swap3A_486, %swap3A_487, %swap3A_488], %swap3A_491 {strides = array<i32>} : memref<2x64x256xf32, #tpu.memory_space<vmem>>, vector<1x1x16xf32>,
      %get3A_492 = arith.constant 0 : i32
      %get3A_493 = arith.index_cast %get3A_492 : i32 to index
      %get3A_494 = arith.index_cast %scan3A_374 : i32 to index
      %get3A_495 = arith.constant 80 : index
      %get3A_496 = tpu.vector_load %arg10[%get3A_493, %get3A_494, %get3A_495] {strides = array<i32>} : memref<2x64x256xf32, #tpu.memory_space<vmem>>, vector<1x1x16xf32>,
      %get3A_497 = vector.shape_cast %get3A_496 : vector<1x1x16xf32> to vector<16xf32>
      %get3A_498 = arith.constant 0 : i32
      %get3A_499 = arith.index_cast %get3A_498 : i32 to index
      %get3A_500 = arith.index_cast %scan3A_374 : i32 to index
      %get3A_501 = arith.constant 80 : index
      %get3A_502 = tpu.vector_load %arg11[%get3A_499, %get3A_500, %get3A_501] {strides = array<i32>} : memref<2x64x256xf32, #tpu.memory_space<vmem>>, vector<1x1x16xf32>,
      %get3A_503 = vector.shape_cast %get3A_502 : vector<1x1x16xf32> to vector<16xf32>
      %sub3A_504 = arith.subf %get3A_497, %get3A_503 : vector<16xf32>
      %mul3A_505 = arith.mulf %gather3A_383, %sub3A_504 : vector<16xf32>
      %add3A_506 = arith.addf %get3A_503, %mul3A_505 : vector<16xf32>
      %swap3A_507 = arith.constant 0 : i32
      %swap3A_508 = arith.index_cast %swap3A_507 : i32 to index
      %swap3A_509 = arith.index_cast %scan3A_374 : i32 to index
      %swap3A_510 = arith.constant 80 : index
      %swap3A_511 = tpu.vector_load %arg12[%swap3A_508, %swap3A_509, %swap3A_510] {strides = array<i32>} : memref<2x64x256xf32, #tpu.memory_space<vmem>>, vector<1x1x16xf32>,
      %swap3A_512 = vector.shape_cast %swap3A_511 : vector<1x1x16xf32> to vector<16xf32>
      %swap3A_513 = vector.shape_cast %add3A_506 : vector<16xf32> to vector<1x1x16xf32>
      tpu.vector_store %arg12[%swap3A_508, %swap3A_509, %swap3A_510], %swap3A_513 {strides = array<i32>} : memref<2x64x256xf32, #tpu.memory_space<vmem>>, vector<1x1x16xf32>,
      %get3A_514 = arith.constant 0 : i32
      %get3A_515 = arith.index_cast %get3A_514 : i32 to index
      %get3A_516 = arith.index_cast %scan3A_374 : i32 to index
      %get3A_517 = arith.constant 96 : index
      %get3A_518 = tpu.vector_load %arg10[%get3A_515, %get3A_516, %get3A_517] {strides = array<i32>} : memref<2x64x256xf32, #tpu.memory_space<vmem>>, vector<1x1x16xf32>,
      %get3A_519 = vector.shape_cast %get3A_518 : vector<1x1x16xf32> to vector<16xf32>
      %get3A_520 = arith.constant 0 : i32
      %get3A_521 = arith.index_cast %get3A_520 : i32 to index
      %get3A_522 = arith.index_cast %scan3A_374 : i32 to index
      %get3A_523 = arith.constant 96 : index
      %get3A_524 = tpu.vector_load %arg11[%get3A_521, %get3A_522, %get3A_523] {strides = array<i32>} : memref<2x64x256xf32, #tpu.memory_space<vmem>>, vector<1x1x16xf32>,
      %get3A_525 = vector.shape_cast %get3A_524 : vector<1x1x16xf32> to vector<16xf32>
      %sub3A_526 = arith.subf %get3A_519, %get3A_525 : vector<16xf32>
      %mul3A_527 = arith.mulf %gather3A_383, %sub3A_526 : vector<16xf32>
      %add3A_528 = arith.addf %get3A_525, %mul3A_527 : vector<16xf32>
      %swap3A_529 = arith.constant 0 : i32
      %swap3A_530 = arith.index_cast %swap3A_529 : i32 to index
      %swap3A_531 = arith.index_cast %scan3A_374 : i32 to index
      %swap3A_532 = arith.constant 96 : index
      %swap3A_533 = tpu.vector_load %arg12[%swap3A_530, %swap3A_531, %swap3A_532] {strides = array<i32>} : memref<2x64x256xf32, #tpu.memory_space<vmem>>, vector<1x1x16xf32>,
      %swap3A_534 = vector.shape_cast %swap3A_533 : vector<1x1x16xf32> to vector<16xf32>
      %swap3A_535 = vector.shape_cast %add3A_528 : vector<16xf32> to vector<1x1x16xf32>
      tpu.vector_store %arg12[%swap3A_530, %swap3A_531, %swap3A_532], %swap3A_535 {strides = array<i32>} : memref<2x64x256xf32, #tpu.memory_space<vmem>>, vector<1x1x16xf32>,
      %get3A_536 = arith.constant 0 : i32
      %get3A_537 = arith.index_cast %get3A_536 : i32 to index
      %get3A_538 = arith.index_cast %scan3A_374 : i32 to index
      %get3A_539 = arith.constant 112 : index
      %get3A_540 = tpu.vector_load %arg10[%get3A_537, %get3A_538, %get3A_539] {strides = array<i32>} : memref<2x64x256xf32, #tpu.memory_space<vmem>>, vector<1x1x16xf32>,
      %get3A_541 = vector.shape_cast %get3A_540 : vector<1x1x16xf32> to vector<16xf32>
      %get3A_542 = arith.constant 0 : i32
      %get3A_543 = arith.index_cast %get3A_542 : i32 to index
      %get3A_544 = arith.index_cast %scan3A_374 : i32 to index
      %get3A_545 = arith.constant 112 : index
      %get3A_546 = tpu.vector_load %arg11[%get3A_543, %get3A_544, %get3A_545] {strides = array<i32>} : memref<2x64x256xf32, #tpu.memory_space<vmem>>, vector<1x1x16xf32>,
      %get3A_547 = vector.shape_cast %get3A_546 : vector<1x1x16xf32> to vector<16xf32>
      %sub3A_548 = arith.subf %get3A_541, %get3A_547 : vector<16xf32>
      %mul3A_549 = arith.mulf %gather3A_383, %sub3A_548 : vector<16xf32>
      %add3A_550 = arith.addf %get3A_547, %mul3A_549 : vector<16xf32>
      %swap3A_551 = arith.constant 0 : i32
      %swap3A_552 = arith.index_cast %swap3A_551 : i32 to index
      %swap3A_553 = arith.index_cast %scan3A_374 : i32 to index
      %swap3A_554 = arith.constant 112 : index
      %swap3A_555 = tpu.vector_load %arg12[%swap3A_552, %swap3A_553, %swap3A_554] {strides = array<i32>} : memref<2x64x256xf32, #tpu.memory_space<vmem>>, vector<1x1x16xf32>,
      %swap3A_556 = vector.shape_cast %swap3A_555 : vector<1x1x16xf32> to vector<16xf32>
      %swap3A_557 = vector.shape_cast %add3A_550 : vector<16xf32> to vector<1x1x16xf32>
      tpu.vector_store %arg12[%swap3A_552, %swap3A_553, %swap3A_554], %swap3A_557 {strides = array<i32>} : memref<2x64x256xf32, #tpu.memory_space<vmem>>, vector<1x1x16xf32>,
      %get3A_558 = arith.constant 0 : i32
      %get3A_559 = arith.index_cast %get3A_558 : i32 to index
      %get3A_560 = arith.index_cast %scan3A_374 : i32 to index
      %get3A_561 = arith.constant 128 : index
      %get3A_562 = tpu.vector_load %arg10[%get3A_559, %get3A_560, %get3A_561] {strides = array<i32>} : memref<2x64x256xf32, #tpu.memory_space<vmem>>, vector<1x1x16xf32>,
      %get3A_563 = vector.shape_cast %get3A_562 : vector<1x1x16xf32> to vector<16xf32>
      %get3A_564 = arith.constant 0 : i32
      %get3A_565 = arith.index_cast %get3A_564 : i32 to index
      %get3A_566 = arith.index_cast %scan3A_374 : i32 to index
      %get3A_567 = arith.constant 128 : index
      %get3A_568 = tpu.vector_load %arg11[%get3A_565, %get3A_566, %get3A_567] {strides = array<i32>} : memref<2x64x256xf32, #tpu.memory_space<vmem>>, vector<1x1x16xf32>,
      %get3A_569 = vector.shape_cast %get3A_568 : vector<1x1x16xf32> to vector<16xf32>
      %sub3A_570 = arith.subf %get3A_563, %get3A_569 : vector<16xf32>
      %mul3A_571 = arith.mulf %gather3A_383, %sub3A_570 : vector<16xf32>
      %add3A_572 = arith.addf %get3A_569, %mul3A_571 : vector<16xf32>
      %swap3A_573 = arith.constant 0 : i32
      %swap3A_574 = arith.index_cast %swap3A_573 : i32 to index
      %swap3A_575 = arith.index_cast %scan3A_374 : i32 to index
      %swap3A_576 = arith.constant 128 : index
      %swap3A_577 = tpu.vector_load %arg12[%swap3A_574, %swap3A_575, %swap3A_576] {strides = array<i32>} : memref<2x64x256xf32, #tpu.memory_space<vmem>>, vector<1x1x16xf32>,
      %swap3A_578 = vector.shape_cast %swap3A_577 : vector<1x1x16xf32> to vector<16xf32>
      %swap3A_579 = vector.shape_cast %add3A_572 : vector<16xf32> to vector<1x1x16xf32>
      tpu.vector_store %arg12[%swap3A_574, %swap3A_575, %swap3A_576], %swap3A_579 {strides = array<i32>} : memref<2x64x256xf32, #tpu.memory_space<vmem>>, vector<1x1x16xf32>,
      %get3A_580 = arith.constant 0 : i32
      %get3A_581 = arith.index_cast %get3A_580 : i32 to index
      %get3A_582 = arith.index_cast %scan3A_374 : i32 to index
      %get3A_583 = arith.constant 144 : index
      %get3A_584 = tpu.vector_load %arg10[%get3A_581, %get3A_582, %get3A_583] {strides = array<i32>} : memref<2x64x256xf32, #tpu.memory_space<vmem>>, vector<1x1x16xf32>,
      %get3A_585 = vector.shape_cast %get3A_584 : vector<1x1x16xf32> to vector<16xf32>
      %get3A_586 = arith.constant 0 : i32
      %get3A_587 = arith.index_cast %get3A_586 : i32 to index
      %get3A_588 = arith.index_cast %scan3A_374 : i32 to index
      %get3A_589 = arith.constant 144 : index
      %get3A_590 = tpu.vector_load %arg11[%get3A_587, %get3A_588, %get3A_589] {strides = array<i32>} : memref<2x64x256xf32, #tpu.memory_space<vmem>>, vector<1x1x16xf32>,
      %get3A_591 = vector.shape_cast %get3A_590 : vector<1x1x16xf32> to vector<16xf32>
      %sub3A_592 = arith.subf %get3A_585, %get3A_591 : vector<16xf32>
      %mul3A_593 = arith.mulf %gather3A_383, %sub3A_592 : vector<16xf32>
      %add3A_594 = arith.addf %get3A_591, %mul3A_593 : vector<16xf32>
      %swap3A_595 = arith.constant 0 : i32
      %swap3A_596 = arith.index_cast %swap3A_595 : i32 to index
      %swap3A_597 = arith.index_cast %scan3A_374 : i32 to index
      %swap3A_598 = arith.constant 144 : index
      %swap3A_599 = tpu.vector_load %arg12[%swap3A_596, %swap3A_597, %swap3A_598] {strides = array<i32>} : memref<2x64x256xf32, #tpu.memory_space<vmem>>, vector<1x1x16xf32>,
      %swap3A_600 = vector.shape_cast %swap3A_599 : vector<1x1x16xf32> to vector<16xf32>
      %swap3A_601 = vector.shape_cast %add3A_594 : vector<16xf32> to vector<1x1x16xf32>
      tpu.vector_store %arg12[%swap3A_596, %swap3A_597, %swap3A_598], %swap3A_601 {strides = array<i32>} : memref<2x64x256xf32, #tpu.memory_space<vmem>>, vector<1x1x16xf32>,
      %get3A_602 = arith.constant 0 : i32
      %get3A_603 = arith.index_cast %get3A_602 : i32 to index
      %get3A_604 = arith.index_cast %scan3A_374 : i32 to index
      %get3A_605 = arith.constant 160 : index
      %get3A_606 = tpu.vector_load %arg10[%get3A_603, %get3A_604, %get3A_605] {strides = array<i32>} : memref<2x64x256xf32, #tpu.memory_space<vmem>>, vector<1x1x16xf32>,
      %get3A_607 = vector.shape_cast %get3A_606 : vector<1x1x16xf32> to vector<16xf32>
      %get3A_608 = arith.constant 0 : i32
      %get3A_609 = arith.index_cast %get3A_608 : i32 to index
      %get3A_610 = arith.index_cast %scan3A_374 : i32 to index
      %get3A_611 = arith.constant 160 : index
      %get3A_612 = tpu.vector_load %arg11[%get3A_609, %get3A_610, %get3A_611] {strides = array<i32>} : memref<2x64x256xf32, #tpu.memory_space<vmem>>, vector<1x1x16xf32>,
      %get3A_613 = vector.shape_cast %get3A_612 : vector<1x1x16xf32> to vector<16xf32>
      %sub3A_614 = arith.subf %get3A_607, %get3A_613 : vector<16xf32>
      %mul3A_615 = arith.mulf %gather3A_383, %sub3A_614 : vector<16xf32>
      %add3A_616 = arith.addf %get3A_613, %mul3A_615 : vector<16xf32>
      %swap3A_617 = arith.constant 0 : i32
      %swap3A_618 = arith.index_cast %swap3A_617 : i32 to index
      %swap3A_619 = arith.index_cast %scan3A_374 : i32 to index
      %swap3A_620 = arith.constant 160 : index
      %swap3A_621 = tpu.vector_load %arg12[%swap3A_618, %swap3A_619, %swap3A_620] {strides = array<i32>} : memref<2x64x256xf32, #tpu.memory_space<vmem>>, vector<1x1x16xf32>,
      %swap3A_622 = vector.shape_cast %swap3A_621 : vector<1x1x16xf32> to vector<16xf32>
      %swap3A_623 = vector.shape_cast %add3A_616 : vector<16xf32> to vector<1x1x16xf32>
      tpu.vector_store %arg12[%swap3A_618, %swap3A_619, %swap3A_620], %swap3A_623 {strides = array<i32>} : memref<2x64x256xf32, #tpu.memory_space<vmem>>, vector<1x1x16xf32>,
      %get3A_624 = arith.constant 0 : i32
      %get3A_625 = arith.index_cast %get3A_624 : i32 to index
      %get3A_626 = arith.index_cast %scan3A_374 : i32 to index
      %get3A_627 = arith.constant 176 : index
      %get3A_628 = tpu.vector_load %arg10[%get3A_625, %get3A_626, %get3A_627] {strides = array<i32>} : memref<2x64x256xf32, #tpu.memory_space<vmem>>, vector<1x1x16xf32>,
      %get3A_629 = vector.shape_cast %get3A_628 : vector<1x1x16xf32> to vector<16xf32>
      %get3A_630 = arith.constant 0 : i32
      %get3A_631 = arith.index_cast %get3A_630 : i32 to index
      %get3A_632 = arith.index_cast %scan3A_374 : i32 to index
      %get3A_633 = arith.constant 176 : index
      %get3A_634 = tpu.vector_load %arg11[%get3A_631, %get3A_632, %get3A_633] {strides = array<i32>} : memref<2x64x256xf32, #tpu.memory_space<vmem>>, vector<1x1x16xf32>,
      %get3A_635 = vector.shape_cast %get3A_634 : vector<1x1x16xf32> to vector<16xf32>
      %sub3A_636 = arith.subf %get3A_629, %get3A_635 : vector<16xf32>
      %mul3A_637 = arith.mulf %gather3A_383, %sub3A_636 : vector<16xf32>
      %add3A_638 = arith.addf %get3A_635, %mul3A_637 : vector<16xf32>
      %swap3A_639 = arith.constant 0 : i32
      %swap3A_640 = arith.index_cast %swap3A_639 : i32 to index
      %swap3A_641 = arith.index_cast %scan3A_374 : i32 to index
      %swap3A_642 = arith.constant 176 : index
      %swap3A_643 = tpu.vector_load %arg12[%swap3A_640, %swap3A_641, %swap3A_642] {strides = array<i32>} : memref<2x64x256xf32, #tpu.memory_space<vmem>>, vector<1x1x16xf32>,
      %swap3A_644 = vector.shape_cast %swap3A_643 : vector<1x1x16xf32> to vector<16xf32>
      %swap3A_645 = vector.shape_cast %add3A_638 : vector<16xf32> to vector<1x1x16xf32>
      tpu.vector_store %arg12[%swap3A_640, %swap3A_641, %swap3A_642], %swap3A_645 {strides = array<i32>} : memref<2x64x256xf32, #tpu.memory_space<vmem>>, vector<1x1x16xf32>,
      %get3A_646 = arith.constant 0 : i32
      %get3A_647 = arith.index_cast %get3A_646 : i32 to index
      %get3A_648 = arith.index_cast %scan3A_374 : i32 to index
      %get3A_649 = arith.constant 192 : index
      %get3A_650 = tpu.vector_load %arg10[%get3A_647, %get3A_648, %get3A_649] {strides = array<i32>} : memref<2x64x256xf32, #tpu.memory_space<vmem>>, vector<1x1x16xf32>,
      %get3A_651 = vector.shape_cast %get3A_650 : vector<1x1x16xf32> to vector<16xf32>
      %get3A_652 = arith.constant 0 : i32
      %get3A_653 = arith.index_cast %get3A_652 : i32 to index
      %get3A_654 = arith.index_cast %scan3A_374 : i32 to index
      %get3A_655 = arith.constant 192 : index
      %get3A_656 = tpu.vector_load %arg11[%get3A_653, %get3A_654, %get3A_655] {strides = array<i32>} : memref<2x64x256xf32, #tpu.memory_space<vmem>>, vector<1x1x16xf32>,
      %get3A_657 = vector.shape_cast %get3A_656 : vector<1x1x16xf32> to vector<16xf32>
      %sub3A_658 = arith.subf %get3A_651, %get3A_657 : vector<16xf32>
      %mul3A_659 = arith.mulf %gather3A_383, %sub3A_658 : vector<16xf32>
      %add3A_660 = arith.addf %get3A_657, %mul3A_659 : vector<16xf32>
      %swap3A_661 = arith.constant 0 : i32
      %swap3A_662 = arith.index_cast %swap3A_661 : i32 to index
      %swap3A_663 = arith.index_cast %scan3A_374 : i32 to index
      %swap3A_664 = arith.constant 192 : index
      %swap3A_665 = tpu.vector_load %arg12[%swap3A_662, %swap3A_663, %swap3A_664] {strides = array<i32>} : memref<2x64x256xf32, #tpu.memory_space<vmem>>, vector<1x1x16xf32>,
      %swap3A_666 = vector.shape_cast %swap3A_665 : vector<1x1x16xf32> to vector<16xf32>
      %swap3A_667 = vector.shape_cast %add3A_660 : vector<16xf32> to vector<1x1x16xf32>
      tpu.vector_store %arg12[%swap3A_662, %swap3A_663, %swap3A_664], %swap3A_667 {strides = array<i32>} : memref<2x64x256xf32, #tpu.memory_space<vmem>>, vector<1x1x16xf32>,
      %get3A_668 = arith.constant 0 : i32
      %get3A_669 = arith.index_cast %get3A_668 : i32 to index
      %get3A_670 = arith.index_cast %scan3A_374 : i32 to index
      %get3A_671 = arith.constant 208 : index
      %get3A_672 = tpu.vector_load %arg10[%get3A_669, %get3A_670, %get3A_671] {strides = array<i32>} : memref<2x64x256xf32, #tpu.memory_space<vmem>>, vector<1x1x16xf32>,
      %get3A_673 = vector.shape_cast %get3A_672 : vector<1x1x16xf32> to vector<16xf32>
      %get3A_674 = arith.constant 0 : i32
      %get3A_675 = arith.index_cast %get3A_674 : i32 to index
      %get3A_676 = arith.index_cast %scan3A_374 : i32 to index
      %get3A_677 = arith.constant 208 : index
      %get3A_678 = tpu.vector_load %arg11[%get3A_675, %get3A_676, %get3A_677] {strides = array<i32>} : memref<2x64x256xf32, #tpu.memory_space<vmem>>, vector<1x1x16xf32>,
      %get3A_679 = vector.shape_cast %get3A_678 : vector<1x1x16xf32> to vector<16xf32>
      %sub3A_680 = arith.subf %get3A_673, %get3A_679 : vector<16xf32>
      %mul3A_681 = arith.mulf %gather3A_383, %sub3A_680 : vector<16xf32>
      %add3A_682 = arith.addf %get3A_679, %mul3A_681 : vector<16xf32>
      %swap3A_683 = arith.constant 0 : i32
      %swap3A_684 = arith.index_cast %swap3A_683 : i32 to index
      %swap3A_685 = arith.index_cast %scan3A_374 : i32 to index
      %swap3A_686 = arith.constant 208 : index
      %swap3A_687 = tpu.vector_load %arg12[%swap3A_684, %swap3A_685, %swap3A_686] {strides = array<i32>} : memref<2x64x256xf32, #tpu.memory_space<vmem>>, vector<1x1x16xf32>,
      %swap3A_688 = vector.shape_cast %swap3A_687 : vector<1x1x16xf32> to vector<16xf32>
      %swap3A_689 = vector.shape_cast %add3A_682 : vector<16xf32> to vector<1x1x16xf32>
      tpu.vector_store %arg12[%swap3A_684, %swap3A_685, %swap3A_686], %swap3A_689 {strides = array<i32>} : memref<2x64x256xf32, #tpu.memory_space<vmem>>, vector<1x1x16xf32>,
      %get3A_690 = arith.constant 0 : i32
      %get3A_691 = arith.index_cast %get3A_690 : i32 to index
      %get3A_692 = arith.index_cast %scan3A_374 : i32 to index
      %get3A_693 = arith.constant 224 : index
      %get3A_694 = tpu.vector_load %arg10[%get3A_691, %get3A_692, %get3A_693] {strides = array<i32>} : memref<2x64x256xf32, #tpu.memory_space<vmem>>, vector<1x1x16xf32>,
      %get3A_695 = vector.shape_cast %get3A_694 : vector<1x1x16xf32> to vector<16xf32>
      %get3A_696 = arith.constant 0 : i32
      %get3A_697 = arith.index_cast %get3A_696 : i32 to index
      %get3A_698 = arith.index_cast %scan3A_374 : i32 to index
      %get3A_699 = arith.constant 224 : index
      %get3A_700 = tpu.vector_load %arg11[%get3A_697, %get3A_698, %get3A_699] {strides = array<i32>} : memref<2x64x256xf32, #tpu.memory_space<vmem>>, vector<1x1x16xf32>,
      %get3A_701 = vector.shape_cast %get3A_700 : vector<1x1x16xf32> to vector<16xf32>
      %sub3A_702 = arith.subf %get3A_695, %get3A_701 : vector<16xf32>
      %mul3A_703 = arith.mulf %gather3A_383, %sub3A_702 : vector<16xf32>
      %add3A_704 = arith.addf %get3A_701, %mul3A_703 : vector<16xf32>
      %swap3A_705 = arith.constant 0 : i32
      %swap3A_706 = arith.index_cast %swap3A_705 : i32 to index
      %swap3A_707 = arith.index_cast %scan3A_374 : i32 to index
      %swap3A_708 = arith.constant 224 : index
      %swap3A_709 = tpu.vector_load %arg12[%swap3A_706, %swap3A_707, %swap3A_708] {strides = array<i32>} : memref<2x64x256xf32, #tpu.memory_space<vmem>>, vector<1x1x16xf32>,
      %swap3A_710 = vector.shape_cast %swap3A_709 : vector<1x1x16xf32> to vector<16xf32>
      %swap3A_711 = vector.shape_cast %add3A_704 : vector<16xf32> to vector<1x1x16xf32>
      tpu.vector_store %arg12[%swap3A_706, %swap3A_707, %swap3A_708], %swap3A_711 {strides = array<i32>} : memref<2x64x256xf32, #tpu.memory_space<vmem>>, vector<1x1x16xf32>,
      %get3A_712 = arith.constant 0 : i32
      %get3A_713 = arith.index_cast %get3A_712 : i32 to index
      %get3A_714 = arith.index_cast %scan3A_374 : i32 to index
      %get3A_715 = arith.constant 240 : index
      %get3A_716 = tpu.vector_load %arg10[%get3A_713, %get3A_714, %get3A_715] {strides = array<i32>} : memref<2x64x256xf32, #tpu.memory_space<vmem>>, vector<1x1x16xf32>,
      %get3A_717 = vector.shape_cast %get3A_716 : vector<1x1x16xf32> to vector<16xf32>
      %get3A_718 = arith.constant 0 : i32
      %get3A_719 = arith.index_cast %get3A_718 : i32 to index
      %get3A_720 = arith.index_cast %scan3A_374 : i32 to index
      %get3A_721 = arith.constant 240 : index
      %get3A_722 = tpu.vector_load %arg11[%get3A_719, %get3A_720, %get3A_721] {strides = array<i32>} : memref<2x64x256xf32, #tpu.memory_space<vmem>>, vector<1x1x16xf32>,
      %get3A_723 = vector.shape_cast %get3A_722 : vector<1x1x16xf32> to vector<16xf32>
      %sub3A_724 = arith.subf %get3A_717, %get3A_723 : vector<16xf32>
      %mul3A_725 = arith.mulf %gather3A_383, %sub3A_724 : vector<16xf32>
      %add3A_726 = arith.addf %get3A_723, %mul3A_725 : vector<16xf32>
      %swap3A_727 = arith.constant 0 : i32
      %swap3A_728 = arith.index_cast %swap3A_727 : i32 to index
      %swap3A_729 = arith.index_cast %scan3A_374 : i32 to index
      %swap3A_730 = arith.constant 240 : index
      %swap3A_731 = tpu.vector_load %arg12[%swap3A_728, %swap3A_729, %swap3A_730] {strides = array<i32>} : memref<2x64x256xf32, #tpu.memory_space<vmem>>, vector<1x1x16xf32>,
      %swap3A_732 = vector.shape_cast %swap3A_731 : vector<1x1x16xf32> to vector<16xf32>
      %swap3A_733 = vector.shape_cast %add3A_726 : vector<16xf32> to vector<1x1x16xf32>
      tpu.vector_store %arg12[%swap3A_728, %swap3A_729, %swap3A_730], %swap3A_733 {strides = array<i32>} : memref<2x64x256xf32, #tpu.memory_space<vmem>>, vector<1x1x16xf32>,
    }
    %scan3A_332 = arith.constant 64 : i32
    %add3A_333 = arith.constant 256 : i32
    %add3A_334 = arith.addi %mul3A_2, %add3A_333 : i32
    %dma_start3A_335 = arith.constant 0 : i32
    %dma_start3A_336 = arith.constant 0 : i32
    %dma_start3A_337 = arith.constant 0 : i32
    %dma_start3A_338 = tpu.memref_slice %arg12[%dma_start3A_335, %dma_start3A_336, %dma_start3A_337] : memref<2x64x256xf32, #tpu.memory_space<vmem>> -> memref<1x64x256xf32, #tpu.memory_space<vmem>>
    %dma_start3A_339 = tpu.memref_squeeze %dma_start3A_338 : memref<1x64x256xf32, #tpu.memory_space<vmem>> -> memref<64x256xf32, #tpu.memory_space<vmem>>
    %dma_start3A_340 = arith.constant 0 : i32
    %dma_start3A_341 = tpu.memref_slice %arg6[%add3A_334, %dma_start3A_340] : memref<10240x256xf32, #tpu.memory_space<hbm>> -> memref<64x256xf32, #tpu.memory_space<hbm>>
    %dma_start3A_342 = arith.constant 0 : i32
    %dma_start3A_343 = tpu.memref_slice %arg6[%add3A_334, %dma_start3A_342] : memref<10240x256xf32, #tpu.memory_space<hbm>> -> memref<64x256xf32, #tpu.memory_space<hbm>>
    %dma_start3A_344 = arith.constant 0 : i32
    %dma_start3A_345 = arith.constant 0 : i32
    %dma_start3A_346 = tpu.memref_slice %arg12[%dma_start3A_335, %dma_start3A_344, %dma_start3A_345] : memref<2x64x256xf32, #tpu.memory_space<vmem>> -> memref<1x64x256xf32, #tpu.memory_space<vmem>>
    %dma_start3A_347 = tpu.memref_squeeze %dma_start3A_346 : memref<1x64x256xf32, #tpu.memory_space<vmem>> -> memref<64x256xf32, #tpu.memory_space<vmem>>
    tpu.enqueue_dma source(%dma_start3A_347 : memref<64x256xf32, #tpu.memory_space<vmem>>) target(%dma_start3A_343 : memref<64x256xf32, #tpu.memory_space<hbm>>) target_semaphore(%arg15 : memref<!tpu.dma_semaphore, #tpu.memory_space<semaphore_mem>>)
    %dma_wait3A_348 = arith.constant 0 : i32
    %dma_wait3A_349 = arith.constant 0 : i32
    %dma_wait3A_350 = arith.constant 0 : i32
    %dma_wait3A_351 = tpu.memref_slice %arg12[%dma_wait3A_348, %dma_wait3A_349, %dma_wait3A_350] : memref<2x64x256xf32, #tpu.memory_space<vmem>> -> memref<1x64x256xf32, #tpu.memory_space<vmem>>
    %dma_wait3A_352 = tpu.memref_squeeze %dma_wait3A_351 : memref<1x64x256xf32, #tpu.memory_space<vmem>> -> memref<64x256xf32, #tpu.memory_space<vmem>>
    %dma_wait3A_353 = arith.constant 0 : i32
    %dma_wait3A_354 = tpu.memref_slice %arg6[%add3A_334, %dma_wait3A_353] : memref<10240x256xf32, #tpu.memory_space<hbm>> -> memref<64x256xf32, #tpu.memory_space<hbm>>
    %dma_wait3A_355 = arith.constant 0 : i32
    %dma_wait3A_356 = tpu.memref_slice %arg6[%add3A_334, %dma_wait3A_355] : memref<10240x256xf32, #tpu.memory_space<hbm>> -> memref<64x256xf32, #tpu.memory_space<hbm>>
    %dma_wait3A_357 = arith.constant 0 : i32
    %dma_wait3A_358 = arith.constant 0 : i32
    %dma_wait3A_359 = tpu.memref_slice %arg12[%dma_wait3A_348, %dma_wait3A_357, %dma_wait3A_358] : memref<2x64x256xf32, #tpu.memory_space<vmem>> -> memref<1x64x256xf32, #tpu.memory_space<vmem>>
    %dma_wait3A_360 = tpu.memref_squeeze %dma_wait3A_359 : memref<1x64x256xf32, #tpu.memory_space<vmem>> -> memref<64x256xf32, #tpu.memory_space<vmem>>
    tpu.wait_dma2 semaphore(%arg15 : memref<!tpu.dma_semaphore, #tpu.memory_space<semaphore_mem>>) src(%dma_wait3A_360 : memref<64x256xf32, #tpu.memory_space<vmem>>) dst(%dma_wait3A_356 : memref<64x256xf32, #tpu.memory_space<hbm>>)
    %dma_wait3A_361 = arith.constant 1 : i32
    %dma_wait3A_362 = arith.constant 0 : i32
    %dma_wait3A_363 = arith.constant 0 : i32
    %dma_wait3A_364 = tpu.memref_slice %arg12[%dma_wait3A_361, %dma_wait3A_362, %dma_wait3A_363] : memref<2x64x256xf32, #tpu.memory_space<vmem>> -> memref<1x64x256xf32, #tpu.memory_space<vmem>>
    %dma_wait3A_365 = tpu.memref_squeeze %dma_wait3A_364 : memref<1x64x256xf32, #tpu.memory_space<vmem>> -> memref<64x256xf32, #tpu.memory_space<vmem>>
    %dma_wait3A_366 = arith.constant 0 : i32
    %dma_wait3A_367 = tpu.memref_slice %arg6[%add3A_280, %dma_wait3A_366] : memref<10240x256xf32, #tpu.memory_space<hbm>> -> memref<64x256xf32, #tpu.memory_space<hbm>>
    %dma_wait3A_368 = arith.constant 0 : i32
    %dma_wait3A_369 = tpu.memref_slice %arg6[%add3A_280, %dma_wait3A_368] : memref<10240x256xf32, #tpu.memory_space<hbm>> -> memref<64x256xf32, #tpu.memory_space<hbm>>
    %dma_wait3A_370 = arith.constant 0 : i32
    %dma_wait3A_371 = arith.constant 0 : i32
    %dma_wait3A_372 = tpu.memref_slice %arg12[%dma_wait3A_361, %dma_wait3A_370, %dma_wait3A_371] : memref<2x64x256xf32, #tpu.memory_space<vmem>> -> memref<1x64x256xf32, #tpu.memory_space<vmem>>
    %dma_wait3A_373 = tpu.memref_squeeze %dma_wait3A_372 : memref<1x64x256xf32, #tpu.memory_space<vmem>> -> memref<64x256xf32, #tpu.memory_space<vmem>>
    tpu.wait_dma2 semaphore(%arg16 : memref<!tpu.dma_semaphore, #tpu.memory_space<semaphore_mem>>) src(%dma_wait3A_373 : memref<64x256xf32, #tpu.memory_space<vmem>>) dst(%dma_wait3A_369 : memref<64x256xf32, #tpu.memory_space<hbm>>)
    return
  }
}

module attributes {stable_mosaic.version = 14 : i64} {
  func.func @_mlp2_mm_body(%arg0: i32, %arg1: memref<1000x256xf32, #tpu.memory_space<vmem>>, %arg2: memref<256x256xf32, #tpu.memory_space<vmem>>, %arg3: memref<1x256xf32, #tpu.memory_space<vmem>>, %arg4: memref<1000x256xf32, #tpu.memory_space<vmem>>, %arg5: memref<8x256xf32, #tpu.memory_space<vmem>>) attributes {dimension_semantics = [#tpu.dimension_semantics<arbitrary>], iteration_bounds = array<i64: 10>, scalar_prefetch = 0 : i64, scratch_operands = 0 : i64, tpu.core_type = #tpu.core_type<tc>, window_params = [{transform_indices = @transform_0, window_bounds = array<i64: 1000, 256>}, {pipeline_mode = #tpu.pipeline_mode<synchronous>, transform_indices = @transform_1, window_bounds = array<i64: 256, 256>}, {pipeline_mode = #tpu.pipeline_mode<synchronous>, transform_indices = @transform_2, window_bounds = array<i64: 1, 256>}, {transform_indices = @transform_3, window_bounds = array<i64: 1000, 256>}, {pipeline_mode = #tpu.pipeline_mode<synchronous>, transform_indices = @transform_4, window_bounds = array<i64: 8, 256>}]} {
    %get3A = arith.constant 0 : index
    %get3A_0 = arith.constant 0 : index
    %get3A_1 = vector.load %arg1[%get3A, %get3A_0] : memref<1000x256xf32, #tpu.memory_space<vmem>>, vector<1000x256xf32>
    %get3A_2 = arith.constant 0 : index
    %get3A_3 = arith.constant 0 : index
    %get3A_4 = vector.load %arg2[%get3A_2, %get3A_3] : memref<256x256xf32, #tpu.memory_space<vmem>>, vector<256x256xf32>
    %dot_general3A = arith.constant dense<0.000000e+00> : vector<1000x256xf32>
    %dot_general3A_5 = tpu.matmul %get3A_1, %get3A_4, %dot_general3A {dimension_numbers = #tpu.dot_dimension_numbers<[1], [0], [0], [1], [0, 0, 1, 1], [], []>, transpose_lhs_hint = false} : vector<1000x256xf32>, vector<256x256xf32>, vector<1000x256xf32> -> vector<1000x256xf32>
    %get3A_6 = arith.constant 0 : index
    %get3A_7 = arith.constant 0 : index
    %get3A_8 = vector.load %arg3[%get3A_6, %get3A_7] : memref<1x256xf32, #tpu.memory_space<vmem>>, vector<1x256xf32>
    %add3A = vector.broadcast %get3A_8 : vector<1x256xf32> to vector<1000x256xf32>
    %add3A_9 = arith.addf %dot_general3A_5, %add3A : vector<1000x256xf32>
    %swap3A = arith.constant 0 : index
    %swap3A_10 = arith.constant 0 : index
    %swap3A_11 = vector.load %arg4[%swap3A, %swap3A_10] : memref<1000x256xf32, #tpu.memory_space<vmem>>, vector<1000x256xf32>
    tpu.vector_store %arg4[%swap3A, %swap3A_10], %add3A_9 {strides = array<i32>} : memref<1000x256xf32, #tpu.memory_space<vmem>>, vector<1000x256xf32>,
    %eq3A = arith.constant 0 : i32
    %eq3A_12 = arith.cmpi eq, %arg0, %eq3A : i32
    %convert_element_type3A = arith.extui %eq3A_12 : i1 to i32
    %cond3A = arith.constant 0 : i32
    %cond3A_13 = arith.cmpi ne, %convert_element_type3A, %cond3A : i32
    scf.if %cond3A_13 {
      %broadcast_in_dim3A_32 = arith.constant 0.000000e+00 : f32
      %broadcast_in_dim3A_33 = vector.broadcast %broadcast_in_dim3A_32 : f32 to vector<8x256xf32>
      %swap3A_34 = arith.constant 0 : index
      %swap3A_35 = arith.constant 0 : index
      %swap3A_36 = vector.load %arg5[%swap3A_34, %swap3A_35] : memref<8x256xf32, #tpu.memory_space<vmem>>, vector<8x256xf32>
      tpu.vector_store %arg5[%swap3A_34, %swap3A_35], %broadcast_in_dim3A_33 {strides = array<i32>} : memref<8x256xf32, #tpu.memory_space<vmem>>, vector<8x256xf32>,
    } else {
    }
    %get3A_14 = arith.constant 0 : index
    %get3A_15 = arith.constant 0 : index
    %get3A_16 = vector.load %arg5[%get3A_14, %get3A_15] : memref<8x256xf32, #tpu.memory_space<vmem>>, vector<1x256xf32>
    %reduce_sum3A = arith.constant dense<0.000000e+00> : vector<256xf32>
    %reduce_sum3A_17 = vector.multi_reduction <add>, %add3A_9, %reduce_sum3A [0] : vector<1000x256xf32> to vector<256xf32>
    %broadcast_in_dim3A = vector.shape_cast %reduce_sum3A_17 : vector<256xf32> to vector<1x256xf32>
    %add3A_18 = arith.addf %get3A_16, %broadcast_in_dim3A : vector<1x256xf32>
    %swap3A_19 = arith.constant 0 : index
    %swap3A_20 = arith.constant 0 : index
    %swap3A_21 = vector.load %arg5[%swap3A_19, %swap3A_20] : memref<8x256xf32, #tpu.memory_space<vmem>>, vector<1x256xf32>
    tpu.vector_store %arg5[%swap3A_19, %swap3A_20], %add3A_18 {strides = array<i32>} : memref<8x256xf32, #tpu.memory_space<vmem>>, vector<1x256xf32>,
    %get3A_22 = arith.constant 1 : index
    %get3A_23 = arith.constant 0 : index
    %get3A_24 = vector.load %arg5[%get3A_22, %get3A_23] : memref<8x256xf32, #tpu.memory_space<vmem>>, vector<1x256xf32>
    %mul3A = arith.mulf %add3A_9, %add3A_9 : vector<1000x256xf32>
    %reduce_sum3A_25 = arith.constant dense<0.000000e+00> : vector<256xf32>
    %reduce_sum3A_26 = vector.multi_reduction <add>, %mul3A, %reduce_sum3A_25 [0] : vector<1000x256xf32> to vector<256xf32>
    %broadcast_in_dim3A_27 = vector.shape_cast %reduce_sum3A_26 : vector<256xf32> to vector<1x256xf32>
    %add3A_28 = arith.addf %get3A_24, %broadcast_in_dim3A_27 : vector<1x256xf32>
    %swap3A_29 = arith.constant 1 : index
    %swap3A_30 = arith.constant 0 : index
    %swap3A_31 = vector.load %arg5[%swap3A_29, %swap3A_30] : memref<8x256xf32, #tpu.memory_space<vmem>>, vector<1x256xf32>
    tpu.vector_store %arg5[%swap3A_29, %swap3A_30], %add3A_28 {strides = array<i32>} : memref<8x256xf32, #tpu.memory_space<vmem>>, vector<1x256xf32>,
    return
  }
  func.func @transform_0(%arg0: i32) -> (i32, i32) {
    %c0_i32 = arith.constant 0 : i32
    %c0_i32_0 = arith.constant 0 : i32
    return %arg0, %c0_i32 : i32, i32
  }
  func.func @transform_1(%arg0: i32) -> (i32, i32) {
    %c0_i32 = arith.constant 0 : i32
    %c0_i32_0 = arith.constant 0 : i32
    %c0_i32_1 = arith.constant 0 : i32
    return %c0_i32, %c0_i32_0 : i32, i32
  }
  func.func @transform_2(%arg0: i32) -> (i32, i32) {
    %c0_i32 = arith.constant 0 : i32
    %c0_i32_0 = arith.constant 0 : i32
    %c0_i32_1 = arith.constant 0 : i32
    return %c0_i32, %c0_i32_0 : i32, i32
  }
  func.func @transform_3(%arg0: i32) -> (i32, i32) {
    %c0_i32 = arith.constant 0 : i32
    %c0_i32_0 = arith.constant 0 : i32
    return %arg0, %c0_i32 : i32, i32
  }
  func.func @transform_4(%arg0: i32) -> (i32, i32) {
    %c0_i32 = arith.constant 0 : i32
    %c0_i32_0 = arith.constant 0 : i32
    %c0_i32_1 = arith.constant 0 : i32
    return %c0_i32, %c0_i32_0 : i32, i32
  }
}

module attributes {stable_mosaic.version = 14 : i64} {
  func.func @_top2_body(%arg0: i32, %arg1: memref<640x3xf32, #tpu.memory_space<vmem>>, %arg2: memref<8x2560xf32, #tpu.memory_space<vmem>>, %arg3: memref<2500x512xf32, #tpu.memory_space<vmem>>, %arg4: memref<512x256xf32, #tpu.memory_space<vmem>>, %arg5: memref<1x256xf32, #tpu.memory_space<vmem>>, %arg6: memref<1x256xf32, #tpu.memory_space<vmem>>, %arg7: memref<1x256xf32, #tpu.memory_space<vmem>>, %arg8: memref<1x256xf32, #tpu.memory_space<vmem>>, %arg9: memref<1x1x640xi32, #tpu.memory_space<vmem>>, %arg10: memref<1x1x640xi32, #tpu.memory_space<vmem>>, %arg11: memref<1x1x640xf32, #tpu.memory_space<vmem>>, %arg12: memref<2500x256xf32, #tpu.memory_space<vmem>>) attributes {dimension_semantics = [#tpu.dimension_semantics<arbitrary>], iteration_bounds = array<i64: 16>, scalar_prefetch = 0 : i64, scratch_operands = 0 : i64, tpu.core_type = #tpu.core_type<tc>, window_params = [{transform_indices = @transform_0, window_bounds = array<i64: 640, 3>}, {pipeline_mode = #tpu.pipeline_mode<synchronous>, transform_indices = @transform_1, window_bounds = array<i64: 8, 2560>}, {pipeline_mode = #tpu.pipeline_mode<synchronous>, transform_indices = @transform_2, window_bounds = array<i64: 2500, 512>}, {pipeline_mode = #tpu.pipeline_mode<synchronous>, transform_indices = @transform_3, window_bounds = array<i64: 512, 256>}, {pipeline_mode = #tpu.pipeline_mode<synchronous>, transform_indices = @transform_4, window_bounds = array<i64: 1, 256>}, {pipeline_mode = #tpu.pipeline_mode<synchronous>, transform_indices = @transform_5, window_bounds = array<i64: 1, 256>}, {pipeline_mode = #tpu.pipeline_mode<synchronous>, transform_indices = @transform_6, window_bounds = array<i64: 1, 256>}, {pipeline_mode = #tpu.pipeline_mode<synchronous>, transform_indices = @transform_7, window_bounds = array<i64: 1, 256>}, {transform_indices = @transform_8, window_bounds = array<i64: 1, 1, 640>}, {transform_indices = @transform_9, window_bounds = array<i64: 1, 1, 640>}, {transform_indices = @transform_10, window_bounds = array<i64: 1, 1, 640>}, {pipeline_mode = #tpu.pipeline_mode<synchronous>, transform_indices = @transform_11, window_bounds = array<i64: 2500, 256>}]} {
    %eq3A = arith.constant 0 : i32
    %eq3A_0 = arith.cmpi eq, %arg0, %eq3A : i32
    %convert_element_type3A = arith.extui %eq3A_0 : i1 to i32
    %cond3A = arith.constant 0 : i32
    %cond3A_1 = arith.cmpi ne, %convert_element_type3A, %cond3A : i32
    scf.if %cond3A_1 {
      %get3A_89 = arith.constant 0 : index
      %get3A_90 = arith.constant 0 : index
      %get3A_91 = vector.load %arg3[%get3A_89, %get3A_90] : memref<2500x512xf32, #tpu.memory_space<vmem>>, vector<2500x512xf32>
      %get3A_92 = arith.constant 0 : index
      %get3A_93 = arith.constant 0 : index
      %get3A_94 = vector.load %arg4[%get3A_92, %get3A_93] : memref<512x256xf32, #tpu.memory_space<vmem>>, vector<512x256xf32>
      %dot_general3A = arith.constant dense<0.000000e+00> : vector<2500x256xf32>
      %dot_general3A_95 = tpu.matmul %get3A_91, %get3A_94, %dot_general3A {dimension_numbers = #tpu.dot_dimension_numbers<[1], [0], [0], [1], [0, 0, 1, 1], [], []>, transpose_lhs_hint = false} : vector<2500x512xf32>, vector<512x256xf32>, vector<2500x256xf32> -> vector<2500x256xf32>
      %get3A_96 = arith.constant 0 : index
      %get3A_97 = arith.constant 0 : index
      %get3A_98 = vector.load %arg5[%get3A_96, %get3A_97] : memref<1x256xf32, #tpu.memory_space<vmem>>, vector<1x256xf32>
      %add3A_99 = vector.broadcast %get3A_98 : vector<1x256xf32> to vector<2500x256xf32>
      %add3A_100 = arith.addf %dot_general3A_95, %add3A_99 : vector<2500x256xf32>
      %reduce_sum3A = arith.constant dense<0.000000e+00> : vector<256xf32>
      %reduce_sum3A_101 = vector.multi_reduction <add>, %add3A_100, %reduce_sum3A [0] : vector<2500x256xf32> to vector<256xf32>
      %broadcast_in_dim3A_102 = vector.shape_cast %reduce_sum3A_101 : vector<256xf32> to vector<1x256xf32>
      %div3A_103 = arith.constant 2.500000e+03 : f32
      %div3A_104 = vector.broadcast %div3A_103 : f32 to vector<1x256xf32>
      %div3A_105 = arith.divf %broadcast_in_dim3A_102, %div3A_104 : vector<1x256xf32>
      %get3A_106 = arith.constant 0 : index
      %get3A_107 = arith.constant 0 : index
      %get3A_108 = vector.load %arg8[%get3A_106, %get3A_107] : memref<1x256xf32, #tpu.memory_space<vmem>>, vector<1x256xf32>
      %mul3A_109 = arith.mulf %get3A_108, %div3A_105 : vector<1x256xf32>
      %sub3A_110 = vector.broadcast %mul3A_109 : vector<1x256xf32> to vector<2500x256xf32>
      %sub3A_111 = arith.subf %add3A_100, %sub3A_110 : vector<2500x256xf32>
      %mul3A_112 = arith.mulf %sub3A_111, %sub3A_111 : vector<2500x256xf32>
      %reduce_sum3A_113 = arith.constant dense<0.000000e+00> : vector<256xf32>
      %reduce_sum3A_114 = vector.multi_reduction <add>, %mul3A_112, %reduce_sum3A_113 [0] : vector<2500x256xf32> to vector<256xf32>
      %broadcast_in_dim3A_115 = vector.shape_cast %reduce_sum3A_114 : vector<256xf32> to vector<1x256xf32>
      %div3A_116 = arith.constant 2.500000e+03 : f32
      %div3A_117 = vector.broadcast %div3A_116 : f32 to vector<1x256xf32>
      %div3A_118 = arith.divf %broadcast_in_dim3A_115, %div3A_117 : vector<1x256xf32>
      %get3A_119 = arith.constant 0 : index
      %get3A_120 = arith.constant 0 : index
      %get3A_121 = vector.load %arg6[%get3A_119, %get3A_120] : memref<1x256xf32, #tpu.memory_space<vmem>>, vector<1x256xf32>
      %mul3A_122 = vector.broadcast %get3A_121 : vector<1x256xf32> to vector<2500x256xf32>
      %mul3A_123 = arith.mulf %mul3A_122, %sub3A_111 : vector<2500x256xf32>
      %add3A_124 = arith.constant 9.99999974E-6 : f32
      %add3A_125 = vector.broadcast %add3A_124 : f32 to vector<1x256xf32>
      %add3A_126 = arith.addf %div3A_118, %add3A_125 : vector<1x256xf32>
      %sqrt3A = math.sqrt %add3A_126 : vector<1x256xf32>
      %div3A_127 = vector.broadcast %sqrt3A : vector<1x256xf32> to vector<2500x256xf32>
      %div3A_128 = arith.divf %mul3A_123, %div3A_127 : vector<2500x256xf32>
      %get3A_129 = arith.constant 0 : index
      %get3A_130 = arith.constant 0 : index
      %get3A_131 = vector.load %arg7[%get3A_129, %get3A_130] : memref<1x256xf32, #tpu.memory_space<vmem>>, vector<1x256xf32>
      %add3A_132 = vector.broadcast %get3A_131 : vector<1x256xf32> to vector<2500x256xf32>
      %add3A_133 = arith.addf %div3A_128, %add3A_132 : vector<2500x256xf32>
      %max3A_134 = arith.constant 0.000000e+00 : f32
      %max3A_135 = vector.broadcast %max3A_134 : f32 to vector<2500x256xf32>
      %max3A_136 = arith.maximumf %add3A_133, %max3A_135 : vector<2500x256xf32>
      %swap3A_137 = arith.constant 0 : index
      %swap3A_138 = arith.constant 0 : index
      %swap3A_139 = vector.load %arg12[%swap3A_137, %swap3A_138] : memref<2500x256xf32, #tpu.memory_space<vmem>>, vector<2500x256xf32>
      tpu.vector_store %arg12[%swap3A_137, %swap3A_138], %max3A_136 {strides = array<i32>} : memref<2500x256xf32, #tpu.memory_space<vmem>>, vector<2500x256xf32>,
    } else {
    }
    %get3A = arith.constant 0 : index
    %get3A_2 = arith.constant 0 : index
    %get3A_3 = vector.load %arg1[%get3A, %get3A_2] : memref<640x3xf32, #tpu.memory_space<vmem>>, vector<640x1xf32>
    %get3A_4 = arith.constant 0 : index
    %get3A_5 = arith.constant 0 : index
    %get3A_6 = vector.load %arg2[%get3A_4, %get3A_5] : memref<8x2560xf32, #tpu.memory_space<vmem>>, vector<1x2560xf32>
    %sub3A = vector.broadcast %get3A_3 : vector<640x1xf32> to vector<640x2560xf32>
    %sub3A_7 = vector.broadcast %get3A_6 : vector<1x2560xf32> to vector<640x2560xf32>
    %sub3A_8 = arith.subf %sub3A, %sub3A_7 : vector<640x2560xf32>
    %mul3A = arith.mulf %sub3A_8, %sub3A_8 : vector<640x2560xf32>
    %get3A_9 = arith.constant 0 : index
    %get3A_10 = arith.constant 1 : index
    %get3A_11 = vector.load %arg1[%get3A_9, %get3A_10] : memref<640x3xf32, #tpu.memory_space<vmem>>, vector<640x1xf32>
    %get3A_12 = arith.constant 1 : index
    %get3A_13 = arith.constant 0 : index
    %get3A_14 = vector.load %arg2[%get3A_12, %get3A_13] : memref<8x2560xf32, #tpu.memory_space<vmem>>, vector<1x2560xf32>
    %sub3A_15 = vector.broadcast %get3A_11 : vector<640x1xf32> to vector<640x2560xf32>
    %sub3A_16 = vector.broadcast %get3A_14 : vector<1x2560xf32> to vector<640x2560xf32>
    %sub3A_17 = arith.subf %sub3A_15, %sub3A_16 : vector<640x2560xf32>
    %mul3A_18 = arith.mulf %sub3A_17, %sub3A_17 : vector<640x2560xf32>
    %add3A = arith.addf %mul3A, %mul3A_18 : vector<640x2560xf32>
    %get3A_19 = arith.constant 0 : index
    %get3A_20 = arith.constant 2 : index
    %get3A_21 = vector.load %arg1[%get3A_19, %get3A_20] : memref<640x3xf32, #tpu.memory_space<vmem>>, vector<640x1xf32>
    %get3A_22 = arith.constant 2 : index
    %get3A_23 = arith.constant 0 : index
    %get3A_24 = vector.load %arg2[%get3A_22, %get3A_23] : memref<8x2560xf32, #tpu.memory_space<vmem>>, vector<1x2560xf32>
    %sub3A_25 = vector.broadcast %get3A_21 : vector<640x1xf32> to vector<640x2560xf32>
    %sub3A_26 = vector.broadcast %get3A_24 : vector<1x2560xf32> to vector<640x2560xf32>
    %sub3A_27 = arith.subf %sub3A_25, %sub3A_26 : vector<640x2560xf32>
    %mul3A_28 = arith.mulf %sub3A_27, %sub3A_27 : vector<640x2560xf32>
    %add3A_29 = arith.addf %add3A, %mul3A_28 : vector<640x2560xf32>
    %iota3A = tpu.iota {dimensions = array<i32: 1>} : vector<640x2560xi32>
    %convert_element_type3A_30 = arith.sitofp %iota3A : vector<640x2560xi32> to vector<640x2560xf32>
    %reduce_min3A = arith.constant dense<0x7F800000> : vector<640xf32>
    %reduce_min3A_31 = vector.multi_reduction <minimumf>, %add3A_29, %reduce_min3A [1] : vector<640x2560xf32> to vector<640xf32>
    %broadcast_in_dim3A = vector.shape_cast %reduce_min3A_31 : vector<640xf32> to vector<640x1xf32>
    %eq3A_32 = vector.broadcast %broadcast_in_dim3A : vector<640x1xf32> to vector<640x2560xf32>
    %eq3A_33 = arith.cmpf oeq, %add3A_29, %eq3A_32 : vector<640x2560xf32>
    %jit3A = arith.constant 1.000000e+09 : f32
    %broadcast_in_dim3A_34 = vector.broadcast %jit3A : f32 to vector<640x2560xf32>
    %select_n3A = arith.select %eq3A_33, %convert_element_type3A_30, %broadcast_in_dim3A_34 : vector<640x2560xi1>, vector<640x2560xf32>
    %reduce_min3A_35 = arith.constant dense<0x7F800000> : vector<640xf32>
    %reduce_min3A_36 = vector.multi_reduction <minimumf>, %select_n3A, %reduce_min3A_35 [1] : vector<640x2560xf32> to vector<640xf32>
    %broadcast_in_dim3A_37 = vector.shape_cast %reduce_min3A_36 : vector<640xf32> to vector<640x1xf32>
    %eq3A_38 = vector.broadcast %broadcast_in_dim3A_37 : vector<640x1xf32> to vector<640x2560xf32>
    %eq3A_39 = arith.cmpf oeq, %convert_element_type3A_30, %eq3A_38 : vector<640x2560xf32>
    %jit3A_40 = arith.constant 0x7F800000 : f32
    %broadcast_in_dim3A_41 = vector.broadcast %jit3A_40 : f32 to vector<640x2560xf32>
    %select_n3A_42 = arith.select %eq3A_39, %broadcast_in_dim3A_41, %add3A_29 : vector<640x2560xi1>, vector<640x2560xf32>
    %reduce_min3A_43 = arith.constant dense<0x7F800000> : vector<640xf32>
    %reduce_min3A_44 = vector.multi_reduction <minimumf>, %select_n3A_42, %reduce_min3A_43 [1] : vector<640x2560xf32> to vector<640xf32>
    %broadcast_in_dim3A_45 = vector.shape_cast %reduce_min3A_44 : vector<640xf32> to vector<640x1xf32>
    %eq3A_46 = vector.broadcast %broadcast_in_dim3A_45 : vector<640x1xf32> to vector<640x2560xf32>
    %eq3A_47 = arith.cmpf oeq, %select_n3A_42, %eq3A_46 : vector<640x2560xf32>
    %jit3A_48 = arith.constant 1.000000e+09 : f32
    %broadcast_in_dim3A_49 = vector.broadcast %jit3A_48 : f32 to vector<640x2560xf32>
    %select_n3A_50 = arith.select %eq3A_47, %convert_element_type3A_30, %broadcast_in_dim3A_49 : vector<640x2560xi1>, vector<640x2560xf32>
    %reduce_min3A_51 = arith.constant dense<0x7F800000> : vector<640xf32>
    %reduce_min3A_52 = vector.multi_reduction <minimumf>, %select_n3A_50, %reduce_min3A_51 [1] : vector<640x2560xf32> to vector<640xf32>
    %broadcast_in_dim3A_53 = vector.shape_cast %reduce_min3A_52 : vector<640xf32> to vector<640x1xf32>
    %max3A = arith.constant 1.000000e-16 : f32
    %max3A_54 = vector.broadcast %max3A : f32 to vector<640x1xf32>
    %max3A_55 = arith.maximumf %broadcast_in_dim3A, %max3A_54 : vector<640x1xf32>
    %div3A = arith.constant 1.000000e+00 : f32
    %div3A_56 = vector.broadcast %div3A : f32 to vector<640x1xf32>
    %div3A_57 = arith.divf %div3A_56, %max3A_55 : vector<640x1xf32>
    %max3A_58 = arith.constant 1.000000e-16 : f32
    %max3A_59 = vector.broadcast %max3A_58 : f32 to vector<640x1xf32>
    %max3A_60 = arith.maximumf %broadcast_in_dim3A_45, %max3A_59 : vector<640x1xf32>
    %div3A_61 = arith.constant 1.000000e+00 : f32
    %div3A_62 = vector.broadcast %div3A_61 : f32 to vector<640x1xf32>
    %div3A_63 = arith.divf %div3A_62, %max3A_60 : vector<640x1xf32>
    %min3A = arith.constant 2.499000e+03 : f32
    %min3A_64 = vector.broadcast %min3A : f32 to vector<640x1xf32>
    %min3A_65 = arith.minimumf %broadcast_in_dim3A_37, %min3A_64 : vector<640x1xf32>
    %convert_element_type3A_66 = arith.fptosi %min3A_65 : vector<640x1xf32> to vector<640x1xi32>
    %transpose3A = tpu.transpose %convert_element_type3A_66, [1, 0] : vector<640x1xi32> -> vector<1x640xi32>
    %broadcast_in_dim3A_67 = vector.shape_cast %transpose3A : vector<1x640xi32> to vector<1x1x640xi32>
    %swap3A = arith.constant 0 : index
    %swap3A_68 = arith.constant 0 : index
    %swap3A_69 = arith.constant 0 : index
    %swap3A_70 = vector.load %arg9[%swap3A, %swap3A_68, %swap3A_69] : memref<1x1x640xi32, #tpu.memory_space<vmem>>, vector<1x1x640xi32>
    tpu.vector_store %arg9[%swap3A, %swap3A_68, %swap3A_69], %broadcast_in_dim3A_67 {strides = array<i32>} : memref<1x1x640xi32, #tpu.memory_space<vmem>>, vector<1x1x640xi32>,
    %min3A_71 = arith.constant 2.499000e+03 : f32
    %min3A_72 = vector.broadcast %min3A_71 : f32 to vector<640x1xf32>
    %min3A_73 = arith.minimumf %broadcast_in_dim3A_53, %min3A_72 : vector<640x1xf32>
    %convert_element_type3A_74 = arith.fptosi %min3A_73 : vector<640x1xf32> to vector<640x1xi32>
    %transpose3A_75 = tpu.transpose %convert_element_type3A_74, [1, 0] : vector<640x1xi32> -> vector<1x640xi32>
    %broadcast_in_dim3A_76 = vector.shape_cast %transpose3A_75 : vector<1x640xi32> to vector<1x1x640xi32>
    %swap3A_77 = arith.constant 0 : index
    %swap3A_78 = arith.constant 0 : index
    %swap3A_79 = arith.constant 0 : index
    %swap3A_80 = vector.load %arg10[%swap3A_77, %swap3A_78, %swap3A_79] : memref<1x1x640xi32, #tpu.memory_space<vmem>>, vector<1x1x640xi32>
    tpu.vector_store %arg10[%swap3A_77, %swap3A_78, %swap3A_79], %broadcast_in_dim3A_76 {strides = array<i32>} : memref<1x1x640xi32, #tpu.memory_space<vmem>>, vector<1x1x640xi32>,
    %add3A_81 = arith.addf %div3A_57, %div3A_63 : vector<640x1xf32>
    %div3A_82 = arith.divf %div3A_57, %add3A_81 : vector<640x1xf32>
    %transpose3A_83 = tpu.transpose %div3A_82, [1, 0] : vector<640x1xf32> -> vector<1x640xf32>
    %broadcast_in_dim3A_84 = vector.shape_cast %transpose3A_83 : vector<1x640xf32> to vector<1x1x640xf32>
    %swap3A_85 = arith.constant 0 : index
    %swap3A_86 = arith.constant 0 : index
    %swap3A_87 = arith.constant 0 : index
    %swap3A_88 = vector.load %arg11[%swap3A_85, %swap3A_86, %swap3A_87] : memref<1x1x640xf32, #tpu.memory_space<vmem>>, vector<1x1x640xf32>
    tpu.vector_store %arg11[%swap3A_85, %swap3A_86, %swap3A_87], %broadcast_in_dim3A_84 {strides = array<i32>} : memref<1x1x640xf32, #tpu.memory_space<vmem>>, vector<1x1x640xf32>,
    return
  }
  func.func @transform_0(%arg0: i32) -> (i32, i32) {
    %c0_i32 = arith.constant 0 : i32
    %c0_i32_0 = arith.constant 0 : i32
    return %arg0, %c0_i32 : i32, i32
  }
  func.func @transform_1(%arg0: i32) -> (i32, i32) {
    %c0_i32 = arith.constant 0 : i32
    %c0_i32_0 = arith.constant 0 : i32
    %c0_i32_1 = arith.constant 0 : i32
    return %c0_i32, %c0_i32_0 : i32, i32
  }
  func.func @transform_2(%arg0: i32) -> (i32, i32) {
    %c0_i32 = arith.constant 0 : i32
    %c0_i32_0 = arith.constant 0 : i32
    %c0_i32_1 = arith.constant 0 : i32
    return %c0_i32, %c0_i32_0 : i32, i32
  }
  func.func @transform_3(%arg0: i32) -> (i32, i32) {
    %c0_i32 = arith.constant 0 : i32
    %c0_i32_0 = arith.constant 0 : i32
    %c0_i32_1 = arith.constant 0 : i32
    return %c0_i32, %c0_i32_0 : i32, i32
  }
  func.func @transform_4(%arg0: i32) -> (i32, i32) {
    %c0_i32 = arith.constant 0 : i32
    %c0_i32_0 = arith.constant 0 : i32
    %c0_i32_1 = arith.constant 0 : i32
    return %c0_i32, %c0_i32_0 : i32, i32
  }
  func.func @transform_5(%arg0: i32) -> (i32, i32) {
    %c0_i32 = arith.constant 0 : i32
    %c0_i32_0 = arith.constant 0 : i32
    %c0_i32_1 = arith.constant 0 : i32
    return %c0_i32, %c0_i32_0 : i32, i32
  }
  func.func @transform_6(%arg0: i32) -> (i32, i32) {
    %c0_i32 = arith.constant 0 : i32
    %c0_i32_0 = arith.constant 0 : i32
    %c0_i32_1 = arith.constant 0 : i32
    return %c0_i32, %c0_i32_0 : i32, i32
  }
  func.func @transform_7(%arg0: i32) -> (i32, i32) {
    %c0_i32 = arith.constant 0 : i32
    %c0_i32_0 = arith.constant 0 : i32
    %c0_i32_1 = arith.constant 0 : i32
    return %c0_i32, %c0_i32_0 : i32, i32
  }
  func.func @transform_8(%arg0: i32) -> (i32, i32, i32) {
    %c0_i32 = arith.constant 0 : i32
    %c0_i32_0 = arith.constant 0 : i32
    %c0_i32_1 = arith.constant 0 : i32
    return %arg0, %c0_i32, %c0_i32_0 : i32, i32, i32
  }
  func.func @transform_9(%arg0: i32) -> (i32, i32, i32) {
    %c0_i32 = arith.constant 0 : i32
    %c0_i32_0 = arith.constant 0 : i32
    %c0_i32_1 = arith.constant 0 : i32
    return %arg0, %c0_i32, %c0_i32_0 : i32, i32, i32
  }
  func.func @transform_10(%arg0: i32) -> (i32, i32, i32) {
    %c0_i32 = arith.constant 0 : i32
    %c0_i32_0 = arith.constant 0 : i32
    %c0_i32_1 = arith.constant 0 : i32
    return %arg0, %c0_i32, %c0_i32_0 : i32, i32, i32
  }
  func.func @transform_11(%arg0: i32) -> (i32, i32) {
    %c0_i32 = arith.constant 0 : i32
    %c0_i32_0 = arith.constant 0 : i32
    %c0_i32_1 = arith.constant 0 : i32
    return %c0_i32, %c0_i32_0 : i32, i32
  }
}

module attributes {stable_mosaic.version = 14 : i64} {
  func.func @_norm_blend_body(%arg0: i32, %arg1: memref<1000x256xf32, #tpu.memory_space<vmem>>, %arg2: memref<8x256xf32, #tpu.memory_space<vmem>>, %arg3: memref<1x256xf32, #tpu.memory_space<vmem>>, %arg4: memref<1x256xf32, #tpu.memory_space<vmem>>, %arg5: memref<1x256xf32, #tpu.memory_space<vmem>>, %arg6: memref<1000x256xf32, #tpu.memory_space<vmem>>, %arg7: memref<1000x256xf32, #tpu.memory_space<vmem>>) attributes {dimension_semantics = [#tpu.dimension_semantics<arbitrary>], iteration_bounds = array<i64: 10>, scalar_prefetch = 0 : i64, scratch_operands = 0 : i64, tpu.core_type = #tpu.core_type<tc>, window_params = [{transform_indices = @transform_0, window_bounds = array<i64: 1000, 256>}, {pipeline_mode = #tpu.pipeline_mode<synchronous>, transform_indices = @transform_1, window_bounds = array<i64: 8, 256>}, {pipeline_mode = #tpu.pipeline_mode<synchronous>, transform_indices = @transform_2, window_bounds = array<i64: 1, 256>}, {pipeline_mode = #tpu.pipeline_mode<synchronous>, transform_indices = @transform_3, window_bounds = array<i64: 1, 256>}, {pipeline_mode = #tpu.pipeline_mode<synchronous>, transform_indices = @transform_4, window_bounds = array<i64: 1, 256>}, {transform_indices = @transform_5, window_bounds = array<i64: 1000, 256>}, {transform_indices = @transform_6, window_bounds = array<i64: 1000, 256>}]} {
    %get3A = arith.constant 0 : index
    %get3A_0 = arith.constant 0 : index
    %get3A_1 = vector.load %arg2[%get3A, %get3A_0] : memref<8x256xf32, #tpu.memory_space<vmem>>, vector<1x256xf32>
    %mul3A = arith.constant 9.99999974E-5 : f32
    %mul3A_2 = vector.broadcast %mul3A : f32 to vector<1x256xf32>
    %mul3A_3 = arith.mulf %get3A_1, %mul3A_2 : vector<1x256xf32>
    %get3A_4 = arith.constant 1 : index
    %get3A_5 = arith.constant 0 : index
    %get3A_6 = vector.load %arg2[%get3A_4, %get3A_5] : memref<8x256xf32, #tpu.memory_space<vmem>>, vector<1x256xf32>
    %mul3A_7 = arith.constant 9.99999974E-5 : f32
    %mul3A_8 = vector.broadcast %mul3A_7 : f32 to vector<1x256xf32>
    %mul3A_9 = arith.mulf %get3A_6, %mul3A_8 : vector<1x256xf32>
    %get3A_10 = arith.constant 0 : index
    %get3A_11 = arith.constant 0 : index
    %get3A_12 = vector.load %arg5[%get3A_10, %get3A_11] : memref<1x256xf32, #tpu.memory_space<vmem>>, vector<1x256xf32>
    %sub3A = arith.constant 2.000000e+00 : f32
    %sub3A_13 = vector.broadcast %sub3A : f32 to vector<1x256xf32>
    %sub3A_14 = arith.subf %sub3A_13, %get3A_12 : vector<1x256xf32>
    %mul3A_15 = arith.mulf %get3A_12, %sub3A_14 : vector<1x256xf32>
    %mul3A_16 = arith.mulf %mul3A_15, %mul3A_3 : vector<1x256xf32>
    %mul3A_17 = arith.mulf %mul3A_16, %mul3A_3 : vector<1x256xf32>
    %sub3A_18 = arith.subf %mul3A_9, %mul3A_17 : vector<1x256xf32>
    %get3A_19 = arith.constant 0 : index
    %get3A_20 = arith.constant 0 : index
    %get3A_21 = vector.load %arg1[%get3A_19, %get3A_20] : memref<1000x256xf32, #tpu.memory_space<vmem>>, vector<1000x256xf32>
    %mul3A_22 = arith.mulf %get3A_12, %mul3A_3 : vector<1x256xf32>
    %sub3A_23 = vector.broadcast %mul3A_22 : vector<1x256xf32> to vector<1000x256xf32>
    %sub3A_24 = arith.subf %get3A_21, %sub3A_23 : vector<1000x256xf32>
    %get3A_25 = arith.constant 0 : index
    %get3A_26 = arith.constant 0 : index
    %get3A_27 = vector.load %arg3[%get3A_25, %get3A_26] : memref<1x256xf32, #tpu.memory_space<vmem>>, vector<1x256xf32>
    %mul3A_28 = vector.broadcast %get3A_27 : vector<1x256xf32> to vector<1000x256xf32>
    %mul3A_29 = arith.mulf %mul3A_28, %sub3A_24 : vector<1000x256xf32>
    %add3A = arith.constant 9.99999974E-6 : f32
    %add3A_30 = vector.broadcast %add3A : f32 to vector<1x256xf32>
    %add3A_31 = arith.addf %sub3A_18, %add3A_30 : vector<1x256xf32>
    %sqrt3A = math.sqrt %add3A_31 : vector<1x256xf32>
    %div3A = vector.broadcast %sqrt3A : vector<1x256xf32> to vector<1000x256xf32>
    %div3A_32 = arith.divf %mul3A_29, %div3A : vector<1000x256xf32>
    %get3A_33 = arith.constant 0 : index
    %get3A_34 = arith.constant 0 : index
    %get3A_35 = vector.load %arg4[%get3A_33, %get3A_34] : memref<1x256xf32, #tpu.memory_space<vmem>>, vector<1x256xf32>
    %add3A_36 = vector.broadcast %get3A_35 : vector<1x256xf32> to vector<1000x256xf32>
    %add3A_37 = arith.addf %div3A_32, %add3A_36 : vector<1000x256xf32>
    %max3A = arith.constant 0.000000e+00 : f32
    %max3A_38 = vector.broadcast %max3A : f32 to vector<1000x256xf32>
    %max3A_39 = arith.maximumf %add3A_37, %max3A_38 : vector<1000x256xf32>
    %get3A_40 = arith.constant 0 : index
    %get3A_41 = arith.constant 0 : index
    %get3A_42 = vector.load %arg6[%get3A_40, %get3A_41] : memref<1000x256xf32, #tpu.memory_space<vmem>>, vector<1000x256xf32>
    %add3A_43 = arith.addf %max3A_39, %get3A_42 : vector<1000x256xf32>
    %swap3A = arith.constant 0 : index
    %swap3A_44 = arith.constant 0 : index
    %swap3A_45 = vector.load %arg7[%swap3A, %swap3A_44] : memref<1000x256xf32, #tpu.memory_space<vmem>>, vector<1000x256xf32>
    tpu.vector_store %arg7[%swap3A, %swap3A_44], %add3A_43 {strides = array<i32>} : memref<1000x256xf32, #tpu.memory_space<vmem>>, vector<1000x256xf32>,
    return
  }
  func.func @transform_0(%arg0: i32) -> (i32, i32) {
    %c0_i32 = arith.constant 0 : i32
    %c0_i32_0 = arith.constant 0 : i32
    return %arg0, %c0_i32 : i32, i32
  }
  func.func @transform_1(%arg0: i32) -> (i32, i32) {
    %c0_i32 = arith.constant 0 : i32
    %c0_i32_0 = arith.constant 0 : i32
    %c0_i32_1 = arith.constant 0 : i32
    return %c0_i32, %c0_i32_0 : i32, i32
  }
  func.func @transform_2(%arg0: i32) -> (i32, i32) {
    %c0_i32 = arith.constant 0 : i32
    %c0_i32_0 = arith.constant 0 : i32
    %c0_i32_1 = arith.constant 0 : i32
    return %c0_i32, %c0_i32_0 : i32, i32
  }
  func.func @transform_3(%arg0: i32) -> (i32, i32) {
    %c0_i32 = arith.constant 0 : i32
    %c0_i32_0 = arith.constant 0 : i32
    %c0_i32_1 = arith.constant 0 : i32
    return %c0_i32, %c0_i32_0 : i32, i32
  }
  func.func @transform_4(%arg0: i32) -> (i32, i32) {
    %c0_i32 = arith.constant 0 : i32
    %c0_i32_0 = arith.constant 0 : i32
    %c0_i32_1 = arith.constant 0 : i32
    return %c0_i32, %c0_i32_0 : i32, i32
  }
  func.func @transform_5(%arg0: i32) -> (i32, i32) {
    %c0_i32 = arith.constant 0 : i32
    %c0_i32_0 = arith.constant 0 : i32
    return %arg0, %c0_i32 : i32, i32
  }
  func.func @transform_6(%arg0: i32) -> (i32, i32) {
    %c0_i32 = arith.constant 0 : i32
    %c0_i32_0 = arith.constant 0 : i32
    return %arg0, %c0_i32 : i32, i32
  }
}

</mosaic_0001>

<sc_bundles>
// kernel: kernel.6.cloned.1.call-start
scs
__scs_entry_jumppad:
0x0: {  	(pc) =	sbr.rel $0x88, $3  }
0x1: {  	(tag) =	ssettag $0x0;
	lr =	simm.s32 $0x1  }
0x2: {  	[smem:$0x3F93] =	sst lr;
	_ =	strace $0xD0000000  }
0x3: {  	_ = 	snop  }
0x4: {  	_ = 	snop  }
0x5: {  	_ = 	snop  }
0x6: {  	_ = 	snop  }
0x7: {  	_ = 	snop  }
__scs_overlays_trampoline_lowered:
0x8: {  	[smem:$0x3FA2] =	sst s0  }
0x9: {  	[smem:$0x3FA3] =	sst s1  }
0xa: {  	[smem:$0x3FA4] =	sst s2  }
0xb: {  	[smem:$0x3FA5] =	sst s3  }
0xc: {  	[smem:$0x3FA6] =	sst s4  }
0xd: {  	[smem:$0x3FA7] =	sst s5  }
0xe: {  	[smem:$0x3FA8] =	sst s6  }
0xf: {  	[smem:$0x3FA9] =	sst s7  }
0x10: {  	[smem:$0x3FAA] =	sst s8  }
0x11: {  	[smem:$0x3FAB] =	sst s9;
	s0 =	simm.s32 @!p0 $0x0  }
0x12: {  	s1 =	sld [smem:$0x3F91];
	s0 =	simm.s32 @p0 $0x1  }
0x13: {  	[smem:$0x3FAC] =	sst s0;
	s0 =	simm.s32 @!p1 $0x0  }
0x14: {  	s2 =	sld [smem:$0x3F90];
	s0 =	simm.s32 @p1 $0x1  }
0x15: {  	[smem:$0x3FAD] =	sst s0;
	s0 =	simm.s32 @!p2 $0x0  }
0x16: {  	s3 =	sld [smem:$0x3FDB];
	s0 =	simm.s32 @p2 $0x1  }
0x17: {  	s4 =	simm.s32 $0x1BF5;
	[smem:$0x3FAF] =	sst s0  }
0x18: {  	s0 =	sld [smem:$0x3F92];
	_ =	swait.ge [sflag:s4], $0x0  }
0x19: {  	s7 =	sld [smem:$0x3F93]  }
0x1a: {  	s8 =	sadd.s32 $0xFFFFE003, lr  }
0x1b: {  	s9 =	sadd.s32 $0xFFFFFEF7, lr;
	s5 =	simm.s32 $0xFFFFFFFF;
	p2 =	slt.u32 s8, $0xFFFFF086  }
0x1c: {  	p1 =	slt.u32 s9, $0xF7A;
	s5 =	simm.s32 @!p2 $0x0  }
0x1d: {  	s5 =	simm.s32 @p1 $0x1;
	p0 =	seq.s32 s7, s2  }
0x1e: {  	s7 =	smul.u32 @!p0 $0xF7A, s2;
	p2 =	seq.s32 @!p0 s5, $0x0  }
0x1f: {  	s9 =	smul.u32 $0xF7A, s1;
	s8 =	simm.s32 @!p0 $0x1BF5;
	p2 =	por !p2, p0  }
0x20: {  	[sflag:s8] =	ssyncset.s32 @!p0 $0xFFFFF086;
	s6 =	sadd.s32 @!p0 s3, s7;
	s7 =	simm.s32 @!p0 $0x108  }
0x21: {  	s3 =	sadd.s32 s3, s9;
	s6 =	sadd.s32 @!p0 $0x88, s6;
	s7 =	simm.s32 @p2 $0x1082  }
0x22: {  	[simem:s7], [sflag:s8] =	dma.local @!p0 [hbm:s6], $0xF7A  }
0x23: {  	s9 =	sor.u32 $0xD0000000, s2;
	s6 =	simm.s32 $0x108;
	_ =	swait.ge @!p0 [sflag:s8], $0x0  }
0x24: {  	s3 =	sadd.s32 $0x88, s3;
	s6 =	simm.s32 @!p1 $0x1082;
	[sflag:s4] =	ssyncset.s32 $0xFFFFF086  }
0x25: {  	[simem:s6], [sflag:s4] =	dma.local [hbm:s3], $0xF7A  }
0x26: {  	[smem:$0x3F93] =	sst s1;
	(tag) =	ssettag s2;
	_ =	strace s9  }
0x27: {  	s1 =	sld [smem:$0x3FA3]  }
0x28: {  	s2 =	sld [smem:$0x3FA4]  }
0x29: {  	s4 =	sld [smem:$0x3FA6]  }
0x2a: {  	p0 =	seq.s32 s5, $0x0;
	s5 =	sld [smem:$0x3FA7]  }
0x2b: {  	s6 =	sld [smem:$0x3FA8]  }
0x2c: {  	s7 =	sld [smem:$0x3FA9]  }
0x2d: {  	s3 =	simm.s32 $0x108;
	s8 =	sld [smem:$0x3FAA]  }
0x2e: {  	s3 =	simm.s32 @!p0 $0x1082;
	s9 =	sld [smem:$0x3FAB]  }
0x2f: {  	lr =	sadd.s32 s0, s3;
	s0 =	sld [smem:$0x3FA2]  }
0x30: {  	s3 =	sld [smem:$0x3FA5]  }
0x31: {  	[smem:$0x3FAE] =	sst s10  }
0x32: {  	s10 =	sld [smem:$0x3FAC];
	_ =	sdelay $0x3  }
0x33: {  	p0 =	seq.s32 s10, $0x1;
	s10 =	sld [smem:$0x3FAE];
	_ =	sdelay $0x3  }
0x34: {  	[smem:$0x3FAE] =	sst s10  }
0x35: {  	s10 =	sld [smem:$0x3FAD];
	_ =	sdelay $0x3  }
0x36: {  	p1 =	seq.s32 s10, $0x1;
	s10 =	sld [smem:$0x3FAE];
	_ =	sdelay $0x3  }
0x37: {  	[smem:$0x3FAE] =	sst s10  }
0x38: {  	s10 =	sld [smem:$0x3FAF]  }
0x39: {  	_ = 	snop;
	(pc) =	sbr.ind lr, $3  }
0x3a: {  	_ = 	snop  }
0x3b: {  	_ = 	snop  }
0x3c: {  	p2 =	seq.s32 s10, $0x1;
	s10 =	sld [smem:$0x3FAE]  }
0x3d: {  	_ =	shalt  }
0x3e: {  	_ =	shalt  }
0x3f: {  	_ =	shalt  }
0x40: {  	_ =	shalt  }
0x41: {  	_ =	shalt  }
0x42: {  	_ =	shalt  }
0x43: {  	_ =	shalt  }
0x44: {  	_ =	shalt  }
0x45: {  	_ =	shalt  }
0x46: {  	_ =	shalt  }
0x47: {  	_ =	shalt  }
0x48: {  	_ =	shalt  }
0x49: {  	_ =	shalt  }
0x4a: {  	_ =	shalt  }
0x4b: {  	_ =	shalt  }
0x4c: {  	_ =	shalt  }
0x4d: {  	_ =	shalt  }
0x4e: {  	_ =	shalt  }
0x4f: {  	_ =	shalt  }
0x50: {  	_ =	shalt  }
0x51: {  	_ =	shalt  }
0x52: {  	_ =	shalt  }
0x53: {  	_ =	shalt  }
0x54: {  	_ =	shalt  }
0x55: {  	_ =	shalt  }
0x56: {  	_ =	shalt  }
0x57: {  	_ =	shalt  }
0x58: {  	_ =	shalt  }
0x59: {  	_ =	shalt  }
0x5a: {  	_ =	shalt  }
0x5b: {  	_ =	shalt  }
0x5c: {  	_ =	shalt  }
0x5d: {  	_ =	shalt  }
0x5e: {  	_ =	shalt  }
0x5f: {  	_ =	shalt  }
0x60: {  	_ =	shalt  }
0x61: {  	_ =	shalt  }
0x62: {  	_ =	shalt  }
0x63: {  	_ =	shalt  }
0x64: {  	_ =	shalt  }
0x65: {  	_ =	shalt  }
0x66: {  	_ =	shalt  }
0x67: {  	_ =	shalt  }
0x68: {  	_ =	shalt  }
0x69: {  	_ =	shalt  }
0x6a: {  	_ =	shalt  }
0x6b: {  	_ =	shalt  }
0x6c: {  	_ =	shalt  }
0x6d: {  	_ =	shalt  }
0x6e: {  	_ =	shalt  }
0x6f: {  	_ =	shalt  }
0x70: {  	_ =	shalt  }
0x71: {  	_ =	shalt  }
0x72: {  	_ =	shalt  }
0x73: {  	_ =	shalt  }
0x74: {  	_ =	shalt  }
0x75: {  	_ =	shalt  }
0x76: {  	_ =	shalt  }
0x77: {  	_ =	shalt  }
0x78: {  	_ =	shalt  }
0x79: {  	_ =	shalt  }
0x7a: {  	_ =	shalt  }
0x7b: {  	_ =	shalt  }
0x7c: {  	_ =	shalt  }
0x7d: {  	_ =	shalt  }
0x7e: {  	_ =	shalt  }
0x7f: {  	_ =	shalt  }
0x80: {  	_ =	shalt  }
0x81: {  	_ =	shalt  }
0x82: {  	_ =	shalt  }
0x83: {  	_ =	shalt  }
0x84: {  	_ =	shalt  }
0x85: {  	_ =	shalt  }
0x86: {  	_ =	shalt  }
0x87: {  	_ =	shalt  }
.Lfunc_end0:
.L_simem_size_0:
called_computation_lowered:
.L_overlay_start_0:
0x88: {  	s2 =	sld [smem:$0x3FD9]  }
0x89: {  	s3 =	sld [smem:$0x3FFE];
	_ =	sdelay $0x1  }
0x8a: {  	s1 =	srdreg.scid  }
0x8b: {  	s0 =	sand.u32 $0x1, s1  }
0x8c: {  	s17 =	sshll.u32 s0, $0xA;
	s2 =	sadd.s32 s3, s2  }
0x8d: {  	s2 =	sadd.s32 s2, s17  }
0x8e: {  	[smem:$0x3FBA] =	sst s2  }
0x8f: {  	_ = 	snop  }
0x90: {  	s2 =	sld [smem:$0x3FD0];
	(tm) =	ssettm $0x1  }
0x91: {  	s18 =	sld [smem:$0x3FFB];
	_ =	sdelay $0x3  }
0x92: {  	_ =	strace s18  }
0x93: {  	s3 =	sld [smem:$0x3FFC];
	_ =	sdelay $0x3  }
0x94: {  	_ =	strace s3  }
0x95: {  	s3 =	sld [smem:$0x3FFD];
	_ =	sdelay $0x3  }
0x96: {  	_ =	strace s3  }
0x97: {  	_ =	strace $0x8FFFFFFF  }
0x98: {  	s19 =	sld [smem:$0x3FDB];
	_ =	sdelay $0x1  }
0x99: {  	s4 =	simm.s32 $_scs_section_size  }
0x9a: {  	s5 =	simm.s32 $_size__tile_overlayer_lowered;
	s6 =	simm.s32 $_tile_overlayer_lowered  }
0x9b: {  	s22 =	simm.s32 $0x1BFF;
	s21 =	sshll.u32 s6, $0x1;
	s3 =	sadd.s32 s4, s19  }
0x9c: {  	s7 =	simm.s32 $0x0;
	s20 =	sshll.u32 s5, $0x1;
	s5 =	sadd.s32 s21, s3  }
0x9d: {  	[timem:s7], [sflag:s22] =	dma.local [hbm:s5], s20  }
0x9e: {  	_ =	swait.ge [sflag:s22], s20  }
0x9f: {  	s4 =	ssub.s32 $0x0, s20;
	[sflag:s22] =	ssyncset.done $0x0  }
0xa0: {  	[sflag:s22] =	ssyncadd.s32 s4;
	_ =	sdelay $0x1  }
0xa1: {  	s23 =	simm.s32 $0x1B8B  }
0xa2: {  	_ =	swait.ge [sflag:s23], $0x1  }
0xa3: {  	[sflag:s23] =	ssyncset.done $0x0  }
0xa4: {  	s25 =	simm.s32 $0x1B8E;
	s24 =	sld [smem:$0x3FFE];
	[sflag:s23] =	ssyncadd.s32 $0xFFFFFFFF  }
0xa5: {  	s26 =	simm.s32 $execute0_lowered;
	[smem:$0x3FD2] =	sst s25  }
0xa6: {  	s5 =	sshll.u32 s26, $0x1;
	_ =	strace $0x80000046;
	[dreg:$0x1] =	wrdreg $0xFFFFFFFF  }
0xa7: {  	s28 =	simm.s32 $_size_execute0_lowered;
	s3 =	sadd.s32 s3, s5;
	[dreg:$0x0] =	wrdreg $0x0  }
0xa8: {  	s5 =	sshll.u32 s28, $0x1;
	[dreg:$0x2] =	wrdreg s3  }
0xa9: {  	[dreg:$0x3] =	wrdreg s5  }
0xaa: {  	[dreg:$0x4] =	wrdreg $0xC0  }
0xab: {  	_ =	task [dreg:s7], $0x5FFFF  }
0xac: {  	[dreg:$0x1] =	wrdreg $0xFFFFFFFF  }
0xad: {  	[dreg:$0x0] =	wrdreg $0x60  }
0xae: {  	[dreg:$0x2] =	wrdreg s2  }
0xaf: {  	[dreg:$0x3] =	wrdreg s24  }
0xb0: {  	[dreg:$0x4] =	wrdreg $0x9  }
0xb1: {  	_ =	task.clear_ibuf [dreg:s7], $0x5FFFF;
	_ =	strace $0x90000046  }
0xb2: {  	s29 =	simm.s32 $0x9;
	_ =	strace $0x80000048  }
0xb3: {  	_ =	swait.ge [sflag:s29], $0x1  }
0xb4: {  	[sflag:s29] =	ssyncadd.s32 $0xFFFFFFFF  }
0xb5: {  	_ =	strace $0x90000048  }
0xb6: {  	_ =	sfence  }
0xb7: {  	s30 =	sld [smem:$0x0];
	_ =	sdelay $0x2  }
0xb8: {  	s31 =	sshll.u32 s1, $0xD;
	s1 =	sshrl.u32 s1, $0x2  }
0xb9: {  	s3 =	sand.u32 $0x4000, s31;
	s1 =	sadd.s32 s1, s30  }
0xba: {  	s0 =	sor.u32 s3, s0;
	s1 =	sshll.u32 s1, $0x11  }
0xbb: {  	s0 =	sor.u32 s1, s0  }
0xbc: {  	s0 =	sadd.s32 $0x8F2B, s0  }
0xbd: {  	[sflag:s0] =	ssyncadd.remote.s32 $0x1  }
0xbe: {  	_ =	sfence.sel $0xFFFF  }
0xbf: {  	[dreg:$0x0] =	wrdreg $0xFFFFFFFF;
	(pc) =	sbr.abs _section_cstart, $3  }
0xc0: {  	[dreg:$0x1] =	wrdreg $0xFFFFFFFF  }
0xc1: {  	_ =	task.clear_ibuf [dreg:s7], $0x2FFFF;
	_ =	strace $0x9FFFFFFF  }
0xc2: {  	(tm) =	ssettm $0x7FFFFFFF  }
0xc3: {  	_ =	shalt  }
tec
execute0_lowered:
.L_overlay_start_1:
0x0: {  	(tag) =	ssettag $0x1  }
0x1: {  	s2 =	rddreg [dreg:$0x0]  }
0x2: {  	s0 =	srdreg.scid;
	s3 =	stileid.u32  }
0x3: {  	s1 =	rddreg [dreg:$0x1];
	s13 =	simm.s32 $0x5;
	s17 =	simm.s32 $0xC80  }
0x4: {  	s18 =	simm.s32 $0x1480;
	s28 =	simm.s32 $0x9C80;
	s29 =	simm.s32 $0xA480  }
0x5: {  	s30 =	simm.s32 $0xAC80;
	s31 =	simm.s32 $0xB480;
	s10 =	simm.s32 $0x3  }
0x6: {  	s11 =	simm.s32 $0x2;
	s0 =	sand.u32 $0x1, s0;
	s4 =	sshll.u32 s3, $0x1  }
0x7: {  	s15 =	simm.s32 $0x10480;
	s3 =	simm.s32 $0x0;
	s4 =	sor.u32 s0, s4  }
0x8: {  	[smem:$0x7FF] =	sst s3;
	s0 =	ssub.s32 $0x2, s0;
	s5 =	smul.u32 $0x28, s4  }
0x9: {  	_ =	strace $0x80000047;
	s6 =	sshrl.u32 s0, $0x1;
	s7 =	smul.u32 $0x14000, s4  }
0xa: {  	s4 =	smul.u32 $0x2800, s4;
	s0 =	ssub.s32 s0, s6;
	s6 =	simm.s32 $0x1  }
0xb: {  	s5 =	sadd.s32 s5, s1;
	s1 =	sadd.s32 $0x4600, s1;
	s0 =	smax.u32 s0, $0x1  }
0xc: {  	s20 =	sshrl.u32 s7, $0x3;
	s19 =	sadd.s32 $0x3400, s5;
	[dreg:$0xb] =	wrdreg s0  }
0xd: {  	s7 =	simm.s32 $0x0;
	s21 =	sadd.s32 $0x3A00, s5;
	[dreg:$0x3] =	wrdreg s19  }
0xe: {  	s5 =	sadd.s32 $0x4000, s5;
	s22 =	sadd.s32 s1, s20;
	[dreg:$0x4] =	wrdreg s21  }
0xf: {  	s1 =	sadd.s32 s1, s4;
	s20 =	simm.s32 $0x2480;
	[dreg:$0x5] =	wrdreg s5  }
0x10: {  	s4 =	simm.s32 $0x4;
	[dreg:$0x6] =	wrdreg s1;
	s23 =	sadd.s32 $0x800, s22  }
0x11: {  	s24 =	sadd.s32 $0x1000, s22;
	s25 =	sadd.s32 $0x1800, s22;
	[dreg:$0x7] =	wrdreg s23  }
0x12: {  	s26 =	sadd.s32 $0x2000, s22;
	s19 =	simm.s32 $0x1C80;
	[dreg:$0x8] =	wrdreg s24  }
0x13: {  	v2 =	vlaneseq.u32;
	s21 =	simm.s32 $0x2C80;
	s22 =	simm.s32 $0x3480;
	[dreg:$0x9] =	wrdreg s25  }
0x14: {  	vm0 =	vmmov $0xffff;
	v1 =	vshrl.u32 v2, $0x3;
	s1 =	simm.s32 $0xBC80;
	[dreg:$0xa] =	wrdreg s26;
	s23 =	simm.s32 $0x3C80  }
0x15: {  	v0 =	vand.u32 $0x7, v2;
	v2 =	vor.u32 $0x8, v2;
	v1 =	vmul.u32 $0x8, v1;
	s24 =	simm.s32 $0x8480;
	s25 =	simm.s32 $0x8C80;
	s26 =	simm.s32 $0x9480  }
.LBB2_1:
0x16: {  	s0 =	rddreg [dreg:$0x3]  }
0x17: {  	[tilespmem:s3], [sflag:$0x5] =	stream.linear.gather [hbm4b:s0+s3], $0x140, $0x38;
	[tilespmem:$0x18480] =	vst v63  }
0x18: {  	_ =	swait.ge [sflag:s13], $0x140  }
0x19: {  	[sflag:s13] =	ssyncset.done $0x0  }
0x1a: {  	s5 =	simm.s32 $0x180;
	s9 =	rddreg [dreg:$0x4];
	[sflag:s13] =	ssyncadd.s32 $0xFFFFFEC0  }
0x1b: {  	[tilespmem:s5], [sflag:$0x5] =	stream.linear.gather [hbm4b:s9+s3], $0x140, $0x38;
	[tilespmem:$0x18480] =	vst v63  }
0x1c: {  	_ =	swait.ge [sflag:s13], $0x140  }
0x1d: {  	[sflag:s13] =	ssyncset.done $0x0  }
0x1e: {  	s14 =	simm.s32 $0x300;
	s12 =	rddreg [dreg:$0x5];
	[sflag:s13] =	ssyncadd.s32 $0xFFFFFEC0  }
0x1f: {  	[tilespmem:s14], [sflag:$0x3] =	stream.linear.gather [hbm4b:s12+s3], $0x140, $0x38;
	[tilespmem:$0x18480] =	vst v63  }
0x20: {  	v3 =	vld [tilespmem:$0x0];
	_ =	sdelay $0x4  }
0x21: {  	v4 =	vshll.u32 v3, $0x1  }
0x22: {  	v3 =	vand.u32 $0x7, v3;
	v4 =	vand.u32 $0xFFFFFFF0, v4  }
0x23: {  	v3 =	vor.u32 v3, v4  }
0x24: {  	v4 =	vperm.xlane v3, v0;
	_ =	sdelay $0x1  }
0x25: {  	v3 =	vperm.xlane v3, v2;
	v4 =	vadd.s32 v1, v4;
	_ =	sdelay $0x1  }
0x26: {  	v3 =	vadd.s32 v1, v3;
	_ =	sdelay $0x1  }
0x27: {  	s16 =	simm.s32 $0x480  }
0x28: {  	[tilespmem:s16], [sflag:$0x1] =	stream.indirect_vreg.gather [hbm4b:s2+s3], $0x80, v4, vm0, $0xb8;
	[tilespmem:$0x18480] =	vst v63  }
0x29: {  	_ = 	snop  }
0x2a: {  	[tilespmem:s17], [sflag:$0x1] =	stream.indirect_vreg.gather [hbm4b:s2+s3], $0x80, v3, vm0, $0xb8;
	[tilespmem:$0x18480] =	vst v63  }
0x2b: {  	v3 =	vld [tilespmem:$0x10];
	_ =	sdelay $0x4  }
0x2c: {  	v4 =	vshll.u32 v3, $0x1  }
0x2d: {  	v3 =	vand.u32 $0x7, v3;
	v4 =	vand.u32 $0xFFFFFFF0, v4  }
0x2e: {  	v3 =	vor.u32 v3, v4  }
0x2f: {  	v4 =	vperm.xlane v3, v0;
	_ =	sdelay $0x1  }
0x30: {  	v3 =	vperm.xlane v3, v2;
	v4 =	vadd.s32 v1, v4;
	_ =	sdelay $0x1  }
0x31: {  	v3 =	vadd.s32 v1, v3;
	_ =	sdelay $0x2  }
0x32: {  	[tilespmem:s18], [sflag:$0x1] =	stream.indirect_vreg.gather [hbm4b:s2+s3], $0x80, v4, vm0, $0xb8;
	[tilespmem:$0x18480] =	vst v63  }
0x33: {  	_ = 	snop  }
0x34: {  	[tilespmem:s19], [sflag:$0x1] =	stream.indirect_vreg.gather [hbm4b:s2+s3], $0x80, v3, vm0, $0xb8;
	[tilespmem:$0x18480] =	vst v63  }
0x35: {  	v3 =	vld [tilespmem:$0x20];
	_ =	sdelay $0x4  }
0x36: {  	v4 =	vshll.u32 v3, $0x1  }
0x37: {  	v3 =	vand.u32 $0x7, v3;
	v4 =	vand.u32 $0xFFFFFFF0, v4  }
0x38: {  	v3 =	vor.u32 v3, v4  }
0x39: {  	v4 =	vperm.xlane v3, v0;
	_ =	sdelay $0x1  }
0x3a: {  	v3 =	vperm.xlane v3, v2;
	v4 =	vadd.s32 v1, v4;
	_ =	sdelay $0x1  }
0x3b: {  	v3 =	vadd.s32 v1, v3;
	_ =	sdelay $0x2  }
0x3c: {  	[tilespmem:s20], [sflag:$0x1] =	stream.indirect_vreg.gather [hbm4b:s2+s3], $0x80, v4, vm0, $0xb8;
	[tilespmem:$0x18480] =	vst v63  }
0x3d: {  	_ = 	snop  }
0x3e: {  	[tilespmem:s21], [sflag:$0x1] =	stream.indirect_vreg.gather [hbm4b:s2+s3], $0x80, v3, vm0, $0xb8;
	[tilespmem:$0x18480] =	vst v63  }
0x3f: {  	v3 =	vld [tilespmem:$0x30];
	_ =	sdelay $0x4  }
0x40: {  	v4 =	vshll.u32 v3, $0x1  }
0x41: {  	v3 =	vand.u32 $0x7, v3;
	v4 =	vand.u32 $0xFFFFFFF0, v4  }
0x42: {  	v3 =	vor.u32 v3, v4  }
0x43: {  	v4 =	vperm.xlane v3, v0;
	_ =	sdelay $0x1  }
0x44: {  	v3 =	vperm.xlane v3, v2;
	v4 =	vadd.s32 v1, v4;
	_ =	sdelay $0x1  }
0x45: {  	v3 =	vadd.s32 v1, v3;
	_ =	sdelay $0x2  }
0x46: {  	[tilespmem:s22], [sflag:$0x1] =	stream.indirect_vreg.gather [hbm4b:s2+s3], $0x80, v4, vm0, $0xb8;
	[tilespmem:$0x18480] =	vst v63  }
0x47: {  	_ = 	snop  }
0x48: {  	[tilespmem:s23], [sflag:$0x1] =	stream.indirect_vreg.gather [hbm4b:s2+s3], $0x80, v3, vm0, $0xb8;
	[tilespmem:$0x18480] =	vst v63  }
0x49: {  	v3 =	vld [tilespmem:$0x180];
	_ =	sdelay $0x4  }
0x4a: {  	v4 =	vshll.u32 v3, $0x1  }
0x4b: {  	v3 =	vand.u32 $0x7, v3;
	v4 =	vand.u32 $0xFFFFFFF0, v4  }
0x4c: {  	v3 =	vor.u32 v3, v4  }
0x4d: {  	v4 =	vperm.xlane v3, v0;
	_ =	sdelay $0x1  }
0x4e: {  	v3 =	vperm.xlane v3, v2;
	v4 =	vadd.s32 v1, v4;
	_ =	sdelay $0x1  }
0x4f: {  	v3 =	vadd.s32 v1, v3;
	_ =	sdelay $0x2  }
0x50: {  	[tilespmem:s24], [sflag:$0x2] =	stream.indirect_vreg.gather [hbm4b:s2+s3], $0x80, v4, vm0, $0xb8;
	[tilespmem:$0x18480] =	vst v63  }
0x51: {  	_ = 	snop  }
0x52: {  	[tilespmem:s25], [sflag:$0x2] =	stream.indirect_vreg.gather [hbm4b:s2+s3], $0x80, v3, vm0, $0xb8;
	[tilespmem:$0x18480] =	vst v63  }
0x53: {  	v3 =	vld [tilespmem:$0x190];
	_ =	sdelay $0x4  }
0x54: {  	v4 =	vshll.u32 v3, $0x1  }
0x55: {  	v3 =	vand.u32 $0x7, v3;
	v4 =	vand.u32 $0xFFFFFFF0, v4  }
0x56: {  	v3 =	vor.u32 v3, v4  }
0x57: {  	v4 =	vperm.xlane v3, v0;
	_ =	sdelay $0x1  }
0x58: {  	v3 =	vperm.xlane v3, v2;
	v4 =	vadd.s32 v1, v4;
	_ =	sdelay $0x1  }
0x59: {  	v3 =	vadd.s32 v1, v3;
	_ =	sdelay $0x2  }
0x5a: {  	[tilespmem:s26], [sflag:$0x2] =	stream.indirect_vreg.gather [hbm4b:s2+s3], $0x80, v4, vm0, $0xb8;
	[tilespmem:$0x18480] =	vst v63  }
0x5b: {  	_ = 	snop  }
0x5c: {  	[tilespmem:s28], [sflag:$0x2] =	stream.indirect_vreg.gather [hbm4b:s2+s3], $0x80, v3, vm0, $0xb8;
	[tilespmem:$0x18480] =	vst v63  }
0x5d: {  	v3 =	vld [tilespmem:$0x1A0];
	_ =	sdelay $0x4  }
0x5e: {  	v4 =	vshll.u32 v3, $0x1  }
0x5f: {  	v3 =	vand.u32 $0x7, v3;
	v4 =	vand.u32 $0xFFFFFFF0, v4  }
0x60: {  	v3 =	vor.u32 v3, v4  }
0x61: {  	v4 =	vperm.xlane v3, v0;
	_ =	sdelay $0x1  }
0x62: {  	v3 =	vperm.xlane v3, v2;
	v4 =	vadd.s32 v1, v4;
	_ =	sdelay $0x1  }
0x63: {  	v3 =	vadd.s32 v1, v3;
	_ =	sdelay $0x2  }
0x64: {  	[tilespmem:s29], [sflag:$0x2] =	stream.indirect_vreg.gather [hbm4b:s2+s3], $0x80, v4, vm0, $0xb8;
	[tilespmem:$0x18480] =	vst v63  }
0x65: {  	_ = 	snop  }
0x66: {  	[tilespmem:s30], [sflag:$0x2] =	stream.indirect_vreg.gather [hbm4b:s2+s3], $0x80, v3, vm0, $0xb8;
	[tilespmem:$0x18480] =	vst v63  }
0x67: {  	v3 =	vld [tilespmem:$0x1B0];
	_ =	sdelay $0x4  }
0x68: {  	v4 =	vshll.u32 v3, $0x1  }
0x69: {  	v3 =	vand.u32 $0x7, v3;
	v4 =	vand.u32 $0xFFFFFFF0, v4  }
0x6a: {  	v3 =	vor.u32 v3, v4  }
0x6b: {  	v4 =	vperm.xlane v3, v0;
	_ =	sdelay $0x1  }
0x6c: {  	v3 =	vperm.xlane v3, v2;
	v4 =	vadd.s32 v1, v4;
	_ =	sdelay $0x1  }
0x6d: {  	v3 =	vadd.s32 v1, v3;
	_ =	sdelay $0x2  }
0x6e: {  	[tilespmem:s31], [sflag:$0x2] =	stream.indirect_vreg.gather [hbm4b:s2+s3], $0x80, v4, vm0, $0xb8;
	[tilespmem:$0x18480] =	vst v63  }
0x6f: {  	_ = 	snop  }
0x70: {  	[tilespmem:s1], [sflag:$0x2] =	stream.indirect_vreg.gather [hbm4b:s2+s3], $0x80, v3, vm0, $0xb8;
	[tilespmem:$0x18480] =	vst v63  }
0x71: {  	v3 =	vld [tilespmem:$0x40];
	_ =	sdelay $0x4  }
0x72: {  	v4 =	vshll.u32 v3, $0x1  }
0x73: {  	v3 =	vand.u32 $0x7, v3;
	v4 =	vand.u32 $0xFFFFFFF0, v4  }
0x74: {  	v3 =	vor.u32 v3, v4  }
0x75: {  	v4 =	vperm.xlane v3, v0;
	_ =	sdelay $0x1  }
0x76: {  	v3 =	vperm.xlane v3, v2;
	v4 =	vadd.s32 v1, v4;
	_ =	sdelay $0x1  }
0x77: {  	v3 =	vadd.s32 v1, v3;
	_ =	sdelay $0x1  }
0x78: {  	s5 =	simm.s32 $0x4480  }
0x79: {  	[tilespmem:s5], [sflag:$0x1] =	stream.indirect_vreg.gather [hbm4b:s2+s3], $0x80, v4, vm0, $0xb8;
	[tilespmem:$0x18480] =	vst v63  }
0x7a: {  	s8 =	simm.s32 $0x4C80  }
0x7b: {  	[tilespmem:s8], [sflag:$0x1] =	stream.indirect_vreg.gather [hbm4b:s2+s3], $0x80, v3, vm0, $0xb8;
	[tilespmem:$0x18480] =	vst v63  }
0x7c: {  	v3 =	vld [tilespmem:$0x50];
	_ =	sdelay $0x4  }
0x7d: {  	v4 =	vshll.u32 v3, $0x1  }
0x7e: {  	v3 =	vand.u32 $0x7, v3;
	v4 =	vand.u32 $0xFFFFFFF0, v4  }
0x7f: {  	v3 =	vor.u32 v3, v4  }
0x80: {  	v4 =	vperm.xlane v3, v0;
	_ =	sdelay $0x1  }
0x81: {  	v3 =	vperm.xlane v3, v2;
	v4 =	vadd.s32 v1, v4;
	_ =	sdelay $0x1  }
0x82: {  	v3 =	vadd.s32 v1, v3;
	_ =	sdelay $0x1  }
0x83: {  	s9 =	simm.s32 $0x5480  }
0x84: {  	[tilespmem:s9], [sflag:$0x1] =	stream.indirect_vreg.gather [hbm4b:s2+s3], $0x80, v4, vm0, $0xb8;
	[tilespmem:$0x18480] =	vst v63  }
0x85: {  	s12 =	simm.s32 $0x5C80  }
0x86: {  	[tilespmem:s12], [sflag:$0x1] =	stream.indirect_vreg.gather [hbm4b:s2+s3], $0x80, v3, vm0, $0xb8;
	[tilespmem:$0x18480] =	vst v63  }
0x87: {  	v3 =	vld [tilespmem:$0x60];
	_ =	sdelay $0x4  }
0x88: {  	v4 =	vshll.u32 v3, $0x1  }
0x89: {  	v3 =	vand.u32 $0x7, v3;
	v4 =	vand.u32 $0xFFFFFFF0, v4  }
0x8a: {  	v3 =	vor.u32 v3, v4  }
0x8b: {  	v4 =	vperm.xlane v3, v0;
	_ =	sdelay $0x1  }
0x8c: {  	v3 =	vperm.xlane v3, v2;
	v4 =	vadd.s32 v1, v4;
	_ =	sdelay $0x1  }
0x8d: {  	v3 =	vadd.s32 v1, v3;
	_ =	sdelay $0x1  }
0x8e: {  	s14 =	simm.s32 $0x6480  }
0x8f: {  	[tilespmem:s14], [sflag:$0x1] =	stream.indirect_vreg.gather [hbm4b:s2+s3], $0x80, v4, vm0, $0xb8;
	[tilespmem:$0x18480] =	vst v63  }
0x90: {  	s16 =	simm.s32 $0x6C80  }
0x91: {  	[tilespmem:s16], [sflag:$0x1] =	stream.indirect_vreg.gather [hbm4b:s2+s3], $0x80, v3, vm0, $0xb8;
	[tilespmem:$0x18480] =	vst v63  }
0x92: {  	v3 =	vld [tilespmem:$0x70];
	_ =	sdelay $0x4  }
0x93: {  	v4 =	vshll.u32 v3, $0x1  }
0x94: {  	v3 =	vand.u32 $0x7, v3;
	v4 =	vand.u32 $0xFFFFFFF0, v4  }
0x95: {  	v3 =	vor.u32 v3, v4  }
0x96: {  	v4 =	vperm.xlane v3, v0;
	_ =	sdelay $0x1  }
0x97: {  	v3 =	vperm.xlane v3, v2;
	v4 =	vadd.s32 v1, v4;
	_ =	sdelay $0x1  }
0x98: {  	v3 =	vadd.s32 v1, v3;
	_ =	sdelay $0x1  }
0x99: {  	s5 =	simm.s32 $0x7480  }
0x9a: {  	[tilespmem:s5], [sflag:$0x1] =	stream.indirect_vreg.gather [hbm4b:s2+s3], $0x80, v4, vm0, $0xb8;
	[tilespmem:$0x18480] =	vst v63  }
0x9b: {  	s8 =	simm.s32 $0x7C80  }
0x9c: {  	[tilespmem:s8], [sflag:$0x1] =	stream.indirect_vreg.gather [hbm4b:s2+s3], $0x80, v3, vm0, $0xb8;
	[tilespmem:$0x18480] =	vst v63  }
0x9d: {  	v3 =	vld [tilespmem:$0x1C0];
	_ =	sdelay $0x4  }
0x9e: {  	v4 =	vshll.u32 v3, $0x1  }
0x9f: {  	v3 =	vand.u32 $0x7, v3;
	v4 =	vand.u32 $0xFFFFFFF0, v4  }
0xa0: {  	v3 =	vor.u32 v3, v4  }
0xa1: {  	v4 =	vperm.xlane v3, v0;
	_ =	sdelay $0x1  }
0xa2: {  	v3 =	vperm.xlane v3, v2;
	v4 =	vadd.s32 v1, v4;
	_ =	sdelay $0x1  }
0xa3: {  	v3 =	vadd.s32 v1, v3;
	_ =	sdelay $0x1  }
0xa4: {  	s9 =	simm.s32 $0xC480  }
0xa5: {  	[tilespmem:s9], [sflag:$0x2] =	stream.indirect_vreg.gather [hbm4b:s2+s3], $0x80, v4, vm0, $0xb8;
	[tilespmem:$0x18480] =	vst v63  }
0xa6: {  	s12 =	simm.s32 $0xCC80  }
0xa7: {  	[tilespmem:s12], [sflag:$0x2] =	stream.indirect_vreg.gather [hbm4b:s2+s3], $0x80, v3, vm0, $0xb8;
	[tilespmem:$0x18480] =	vst v63  }
0xa8: {  	v3 =	vld [tilespmem:$0x1D0];
	_ =	sdelay $0x4  }
0xa9: {  	v4 =	vshll.u32 v3, $0x1  }
0xaa: {  	v3 =	vand.u32 $0x7, v3;
	v4 =	vand.u32 $0xFFFFFFF0, v4  }
0xab: {  	v3 =	vor.u32 v3, v4  }
0xac: {  	v4 =	vperm.xlane v3, v0;
	_ =	sdelay $0x1  }
0xad: {  	v3 =	vperm.xlane v3, v2;
	v4 =	vadd.s32 v1, v4;
	_ =	sdelay $0x1  }
0xae: {  	v3 =	vadd.s32 v1, v3;
	_ =	sdelay $0x1  }
0xaf: {  	s14 =	simm.s32 $0xD480  }
0xb0: {  	[tilespmem:s14], [sflag:$0x2] =	stream.indirect_vreg.gather [hbm4b:s2+s3], $0x80, v4, vm0, $0xb8;
	[tilespmem:$0x18480] =	vst v63  }
0xb1: {  	s16 =	simm.s32 $0xDC80  }
0xb2: {  	[tilespmem:s16], [sflag:$0x2] =	stream.indirect_vreg.gather [hbm4b:s2+s3], $0x80, v3, vm0, $0xb8;
	[tilespmem:$0x18480] =	vst v63  }
0xb3: {  	v3 =	vld [tilespmem:$0x1E0];
	_ =	sdelay $0x4  }
0xb4: {  	v4 =	vshll.u32 v3, $0x1  }
0xb5: {  	v3 =	vand.u32 $0x7, v3;
	v4 =	vand.u32 $0xFFFFFFF0, v4  }
0xb6: {  	v3 =	vor.u32 v3, v4  }
0xb7: {  	v4 =	vperm.xlane v3, v0;
	_ =	sdelay $0x1  }
0xb8: {  	v3 =	vperm.xlane v3, v2;
	v4 =	vadd.s32 v1, v4;
	_ =	sdelay $0x1  }
0xb9: {  	v3 =	vadd.s32 v1, v3;
	_ =	sdelay $0x1  }
0xba: {  	s5 =	simm.s32 $0xE480  }
0xbb: {  	[tilespmem:s5], [sflag:$0x2] =	stream.indirect_vreg.gather [hbm4b:s2+s3], $0x80, v4, vm0, $0xb8;
	[tilespmem:$0x18480] =	vst v63  }
0xbc: {  	s8 =	simm.s32 $0xEC80  }
0xbd: {  	[tilespmem:s8], [sflag:$0x2] =	stream.indirect_vreg.gather [hbm4b:s2+s3], $0x80, v3, vm0, $0xb8;
	[tilespmem:$0x18480] =	vst v63  }
0xbe: {  	v3 =	vld [tilespmem:$0x1F0];
	_ =	sdelay $0x4  }
0xbf: {  	v4 =	vshll.u32 v3, $0x1  }
0xc0: {  	v3 =	vand.u32 $0x7, v3;
	v4 =	vand.u32 $0xFFFFFFF0, v4  }
0xc1: {  	v3 =	vor.u32 v3, v4  }
0xc2: {  	v4 =	vperm.xlane v3, v0;
	_ =	sdelay $0x1  }
0xc3: {  	v3 =	vperm.xlane v3, v2;
	v4 =	vadd.s32 v1, v4;
	_ =	sdelay $0x1  }
0xc4: {  	v3 =	vadd.s32 v1, v3;
	_ =	sdelay $0x1  }
0xc5: {  	s9 =	simm.s32 $0xF480  }
0xc6: {  	[tilespmem:s9], [sflag:$0x2] =	stream.indirect_vreg.gather [hbm4b:s2+s3], $0x80, v4, vm0, $0xb8;
	[tilespmem:$0x18480] =	vst v63  }
0xc7: {  	s12 =	simm.s32 $0xFC80  }
0xc8: {  	[tilespmem:s12], [sflag:$0x2] =	stream.indirect_vreg.gather [hbm4b:s2+s3], $0x80, v3, vm0, $0xb8;
	[tilespmem:$0x18480] =	vst v63  }
0xc9: {  	_ =	swait.ge [sflag:s10], $0x140  }
0xca: {  	[sflag:s10] =	ssyncset.done $0x0  }
0xcb: {  	[sflag:s10] =	ssyncadd.s32 $0xFFFFFEC0  }
0xcc: {  	_ =	swait.ge [sflag:s6], $0x4000  }
0xcd: {  	[sflag:s6] =	ssyncset.done $0x0  }
0xce: {  	[sflag:s6] =	ssyncadd.s32 $0xFFFFC000  }
0xcf: {  	_ =	swait.ge [sflag:s11], $0x4000  }
0xd0: {  	s14 =	sand.u32 $0x3800, s3;
	s16 =	sand.u32 $0x380, s3;
	[sflag:s11] =	ssyncset.done $0x0  }
0xd1: {  	s0 =	sor.u32 s16, s14;
	[sflag:s11] =	ssyncadd.s32 $0xFFFFC000  }
0xd2: {  	v15 =	vld [tilespmem:s0+$0x480]  }
0xd3: {  	v6 =	vld [tilespmem:s0+$0x8480]  }
0xd4: {  	v16 =	vld [tilespmem:s0+$0x490]  }
0xd5: {  	v18 =	vld [tilespmem:s0+$0x8490]  }
0xd6: {  	v19 =	vld [tilespmem:s0+$0x4A0]  }
0xd7: {  	v17 =	vld [tilespmem:s0+$0x84A0]  }
0xd8: {  	v20 =	vld [tilespmem:s0+$0x4B0]  }
0xd9: {  	v3 =	vld [tilespmem:s0+$0x84B0]  }
0xda: {  	v21 =	vld [tilespmem:s0+$0x4C0]  }
0xdb: {  	v4 =	vld [tilespmem:s0+$0x84C0]  }
0xdc: {  	v22 =	vld [tilespmem:s0+$0x4D0]  }
0xdd: {  	v5 =	vld [tilespmem:s0+$0x84D0]  }
0xde: {  	v23 =	vld [tilespmem:s0+$0x4E0]  }
0xdf: {  	v7 =	vld [tilespmem:s0+$0x84E0]  }
0xe0: {  	v24 =	vld [tilespmem:s0+$0x4F0]  }
0xe1: {  	v10 =	vld [tilespmem:s0+$0x84F0]  }
0xe2: {  	v25 =	vld [tilespmem:s0+$0x880]  }
0xe3: {  	v9 =	vld [tilespmem:s0+$0x8880]  }
0xe4: {  	v27 =	vld [tilespmem:s0+$0x890]  }
0xe5: {  	v14 =	vld [tilespmem:s0+$0x8890]  }
0xe6: {  	v26 =	vld [tilespmem:s0+$0x8A0]  }
0xe7: {  	v13 =	vld [tilespmem:s0+$0x88A0]  }
0xe8: {  	v28 =	vld [tilespmem:s0+$0x8B0]  }
0xe9: {  	v11 =	vld [tilespmem:s0+$0x88B0]  }
0xea: {  	v29 =	vld [tilespmem:s0+$0x8C0]  }
0xeb: {  	v8 =	vld [tilespmem:s0+$0x88C0]  }
0xec: {  	s14 =	simm.s32 $0x0;
	v30 =	vld [tilespmem:s0+$0x8D0]  }
0xed: {  	s5 =	simm.s32 $0x0;
	s8 =	simm.s32 $0x1;
	s9 =	simm.s32 $0x0;
	v12 =	vld [tilespmem:s0+$0x88D0]  }
.LBB2_2:
0xee: {  	p0 =	sne.s32 s8, $0x3F;
	s12 =	sand.u32 $0x30, s5;
	v31 =	vld [tilespmem:s0+$0x8E0]  }
0xef: {  	v33 =	vsub.f32 v15, v6;
	v34 =	vsub.f32 v16, v18;
	v32 =	vld [tilespmem:s12+$0x300]  }
0xf0: {  	v35 =	vsub.f32 v19, v17;
	v20 =	vsub.f32 v20, v3;
	s9 =	sadd.s32 $0x80, s9;
	s14 =	sadd.s32 $0x100, s14;
	v36 =	vld [tilespmem:s0+$0x88E0]  }
0xf1: {  	v21 =	vsub.f32 v21, v4;
	v22 =	vsub.f32 v22, v5;
	s12 =	sand.u32 $0x3800, s14;
	s16 =	sand.u32 $0x380, s9;
	v37 =	vld [tilespmem:s0+$0x8F0]  }
0xf2: {  	v23 =	vsub.f32 v23, v7;
	v24 =	vsub.f32 v24, v10;
	s12 =	sor.u32 s16, s12;
	v38 =	vld [tilespmem:s0+$0x88F0]  }
0xf3: {  	v16 =	vmov s5;
	v25 =	vsub.f32 v25, v9;
	v27 =	vsub.f32 v27, v14;
	s5 =	smov.u32 s8;
	v15 =	vld [tilespmem:s12+$0x480]  }
0xf4: {  	v26 =	vsub.f32 v26, v13;
	v28 =	vsub.f32 v28, v11;
	v39 =	vld [tilespmem:s12+$0x8480];
	v32 =	vperm.xlane v32, v16  }
0xf5: {  	v29 =	vsub.f32 v29, v8;
	v30 =	vsub.f32 v30, v12;
	v16 =	vld [tilespmem:s12+$0x490]  }
0xf6: {  	v31 =	vsub.f32 v31, v36;
	v40 =	vld [tilespmem:s12+$0x8490];
	v33 =	vmul.f32 v33, v32;
	v34 =	vmul.f32 v34, v32  }
0xf7: {  	v35 =	vmul.f32 v35, v32;
	v41 =	vmul.f32 v20, v32;
	v19 =	vld [tilespmem:s12+$0x4A0];
	v37 =	vsub.f32 v37, v38  }
0xf8: {  	v21 =	vmul.f32 v21, v32;
	v42 =	vld [tilespmem:s12+$0x84A0];
	v33 =	vadd.f32 v33, v6;
	v18 =	vadd.f32 v34, v18  }
0xf9: {  	v22 =	vmul.f32 v22, v32;
	v17 =	vadd.f32 v35, v17;
	v34 =	vadd.f32 v41, v3;
	v20 =	vld [tilespmem:s12+$0x4B0];
	v6 =	vmovc v39  }
0xfa: {  	v23 =	vmul.f32 v23, v32;
	v24 =	vmul.f32 v24, v32;
	v3 =	vld [tilespmem:s12+$0x84B0];
	[tilespmem:s0+$0x10480] =	vst v33;
	v33 =	vadd.f32 v21, v4  }
0xfb: {  	v21 =	vld [tilespmem:s12+$0x4C0];
	[tilespmem:s0+$0x10490] =	vst v18;
	v18 =	vadd.f32 v22, v5;
	v5 =	vmul.f32 v25, v32;
	v25 =	vmul.f32 v27, v32  }
0xfc: {  	v10 =	vadd.f32 v24, v10;
	v4 =	vld [tilespmem:s12+$0x84C0];
	[tilespmem:s0+$0x104A0] =	vst v17;
	v17 =	vadd.f32 v23, v7;
	v7 =	vmul.f32 v26, v32  }
0xfd: {  	v24 =	vmul.f32 v28, v32;
	v22 =	vld [tilespmem:s12+$0x4D0];
	[tilespmem:s0+$0x104B0] =	vst v34;
	v9 =	vadd.f32 v5, v9;
	v14 =	vadd.f32 v25, v14  }
0xfe: {  	v26 =	vmul.f32 v30, v32;
	v25 =	vmul.f32 v29, v32;
	v5 =	vld [tilespmem:s12+$0x84D0];
	[tilespmem:s0+$0x104C0] =	vst v33;
	v13 =	vadd.f32 v7, v13  }
0xff: {  	v28 =	vmul.f32 v37, v32;
	v11 =	vadd.f32 v24, v11;
	v27 =	vmul.f32 v31, v32;
	v23 =	vld [tilespmem:s12+$0x4E0];
	[tilespmem:s0+$0x104D0] =	vst v18  }
0x100: {  	v12 =	vadd.f32 v26, v12;
	v8 =	vadd.f32 v25, v8;
	v18 =	vmovc v40;
	v7 =	vld [tilespmem:s12+$0x84E0];
	[tilespmem:s0+$0x104E0] =	vst v17;
	v17 =	vmov v42  }
0x101: {  	v30 =	vadd.f32 v28, v38;
	v29 =	vadd.f32 v27, v36;
	v24 =	vld [tilespmem:s12+$0x4F0];
	[tilespmem:s0+$0x104F0] =	vst v10  }
0x102: {  	v10 =	vld [tilespmem:s12+$0x84F0];
	[tilespmem:s0+$0x10880] =	vst v9  }
0x103: {  	v25 =	vld [tilespmem:s12+$0x880];
	[tilespmem:s0+$0x10890] =	vst v14  }
0x104: {  	v9 =	vld [tilespmem:s12+$0x8880];
	[tilespmem:s0+$0x108A0] =	vst v13  }
0x105: {  	v27 =	vld [tilespmem:s12+$0x890];
	[tilespmem:s0+$0x108B0] =	vst v11  }
0x106: {  	v14 =	vld [tilespmem:s12+$0x8890];
	[tilespmem:s0+$0x108C0] =	vst v8  }
0x107: {  	v26 =	vld [tilespmem:s12+$0x8A0];
	[tilespmem:s0+$0x108D0] =	vst v12  }
0x108: {  	v13 =	vld [tilespmem:s12+$0x88A0];
	[tilespmem:s0+$0x108E0] =	vst v29  }
0x109: {  	v28 =	vld [tilespmem:s12+$0x8B0];
	[tilespmem:s0+$0x108F0] =	vst v30;
	s0 =	smov.u32 s12  }
.Ltmp0:
0x10a: {  	v11 =	vld [tilespmem:s0+$0x88B0];
	(pc) =	sbr.rel @p0 .LBB2_2-.Ltmp0, $4  }
0x10b: {  	v29 =	vld [tilespmem:s0+$0x8C0]  }
0x10c: {  	v8 =	vld [tilespmem:s0+$0x88C0]  }
0x10d: {  	v30 =	vld [tilespmem:s0+$0x8D0]  }
0x10e: {  	s8 =	sadd.s32 $0x1, s8;
	v12 =	vld [tilespmem:s0+$0x88D0]  }
0x10f: {  	s8 =	sand.u32 $0x30, s5  }
0x110: {  	v31 =	vld [tilespmem:s8+$0x300];
	_ =	sdelay $0x3  }
0x111: {  	v32 =	vmov s5  }
0x112: {  	v15 =	vsub.f32 v15, v6;
	v31 =	vperm.xlane v31, v32  }
0x113: {  	v16 =	vsub.f32 v16, v18  }
0x114: {  	v19 =	vsub.f32 v19, v17;
	v15 =	vmul.f32 v15, v31  }
0x115: {  	v20 =	vsub.f32 v20, v3;
	v16 =	vmul.f32 v16, v31  }
0x116: {  	v21 =	vsub.f32 v21, v4;
	v19 =	vmul.f32 v19, v31;
	v6 =	vadd.f32 v15, v6  }
0x117: {  	v20 =	vmul.f32 v20, v31;
	v15 =	vsub.f32 v22, v5;
	v16 =	vadd.f32 v16, v18  }
0x118: {  	v21 =	vmul.f32 v21, v31;
	v18 =	vsub.f32 v23, v7;
	v17 =	vadd.f32 v19, v17;
	[tilespmem:s0+$0x10480] =	vst v6  }
0x119: {  	v63 =	vld [tilespmem:s0+$0x8E0];
	v3 =	vadd.f32 v20, v3;
	v6 =	vsub.f32 v24, v10;
	v15 =	vmul.f32 v15, v31;
	[tilespmem:s0+$0x10490] =	vst v16  }
0x11a: {  	v33 =	vld [tilespmem:s0+$0x88E0];
	v4 =	vadd.f32 v21, v4;
	v16 =	vsub.f32 v25, v9;
	v18 =	vmul.f32 v18, v31;
	[tilespmem:s0+$0x104A0] =	vst v17  }
0x11b: {  	v34 =	vld [tilespmem:s0+$0x8F0];
	v17 =	vsub.f32 v27, v14;
	[tilespmem:s0+$0x104B0] =	vst v3;
	v6 =	vmul.f32 v6, v31;
	v5 =	vadd.f32 v15, v5  }
0x11c: {  	v22 =	vld [tilespmem:s0+$0x88F0];
	v3 =	vsub.f32 v26, v13;
	[tilespmem:s0+$0x104C0] =	vst v4;
	v15 =	vmul.f32 v16, v31;
	v7 =	vadd.f32 v18, v7  }
0x11d: {  	v4 =	vsub.f32 v28, v11;
	v16 =	vmul.f32 v17, v31;
	v6 =	vadd.f32 v6, v10;
	[tilespmem:s0+$0x104D0] =	vst v5  }
0x11e: {  	v3 =	vmul.f32 v3, v31;
	v5 =	vsub.f32 v29, v8;
	v9 =	vadd.f32 v15, v9;
	[tilespmem:s0+$0x104E0] =	vst v7  }
0x11f: {  	v4 =	vmul.f32 v4, v31;
	v7 =	vsub.f32 v30, v12;
	v10 =	vadd.f32 v16, v14;
	[tilespmem:s0+$0x104F0] =	vst v6  }
0x120: {  	v3 =	vadd.f32 v3, v13;
	v6 =	vsub.f32 v63, v33;
	v5 =	vmul.f32 v5, v31;
	[tilespmem:s0+$0x10880] =	vst v9  }
0x121: {  	v4 =	vadd.f32 v4, v11;
	v9 =	vsub.f32 v34, v22;
	v7 =	vmul.f32 v7, v31;
	[tilespmem:s0+$0x10890] =	vst v10  }
0x122: {  	[tilespmem:s0+$0x108A0] =	vst v3;
	v6 =	vmul.f32 v6, v31;
	v5 =	vadd.f32 v5, v8  }
0x123: {  	[tilespmem:s0+$0x108B0] =	vst v4;
	v3 =	vmul.f32 v9, v31;
	v7 =	vadd.f32 v7, v12  }
0x124: {  	v4 =	vadd.f32 v6, v33;
	[tilespmem:s0+$0x108C0] =	vst v5  }
0x125: {  	v3 =	vadd.f32 v3, v22;
	[tilespmem:s0+$0x108D0] =	vst v7  }
0x126: {  	[tilespmem:s0+$0x108E0] =	vst v4  }
0x127: {  	[tilespmem:s0+$0x108F0] =	vst v3  }
0x128: {  	v3 =	vld [tilespmem:$0x80];
	_ =	sdelay $0x4  }
0x129: {  	v4 =	vshll.u32 v3, $0x1  }
0x12a: {  	v3 =	vand.u32 $0x7, v3;
	v4 =	vand.u32 $0xFFFFFFF0, v4  }
0x12b: {  	v3 =	vor.u32 v3, v4  }
0x12c: {  	v4 =	vperm.xlane v3, v0;
	_ =	sdelay $0x1  }
0x12d: {  	v3 =	vperm.xlane v3, v2;
	v4 =	vadd.s32 v1, v4;
	_ =	sdelay $0x1  }
0x12e: {  	v3 =	vadd.s32 v1, v3;
	_ =	sdelay $0x1  }
0x12f: {  	s9 =	simm.s32 $0x480;
	s0 =	simm.s32 $0x0  }
0x130: {  	[tilespmem:s9], [sflag:$0x1] =	stream.indirect_vreg.gather [hbm4b:s2+s0], $0x80, v4, vm0, $0xb8;
	[tilespmem:$0x18480] =	vst v63  }
0x131: {  	_ = 	snop  }
0x132: {  	[tilespmem:s17], [sflag:$0x1] =	stream.indirect_vreg.gather [hbm4b:s2+s0], $0x80, v3, vm0, $0xb8;
	[tilespmem:$0x18480] =	vst v63  }
0x133: {  	v3 =	vld [tilespmem:$0x90];
	_ =	sdelay $0x4  }
0x134: {  	v4 =	vshll.u32 v3, $0x1  }
0x135: {  	v3 =	vand.u32 $0x7, v3;
	v4 =	vand.u32 $0xFFFFFFF0, v4  }
0x136: {  	v3 =	vor.u32 v3, v4  }
0x137: {  	v4 =	vperm.xlane v3, v0;
	_ =	sdelay $0x1  }
0x138: {  	v3 =	vperm.xlane v3, v2;
	v4 =	vadd.s32 v1, v4;
	_ =	sdelay $0x1  }
0x139: {  	v3 =	vadd.s32 v1, v3;
	_ =	sdelay $0x2  }
0x13a: {  	[tilespmem:s18], [sflag:$0x1] =	stream.indirect_vreg.gather [hbm4b:s2+s0], $0x80, v4, vm0, $0xb8;
	[tilespmem:$0x18480] =	vst v63  }
0x13b: {  	_ = 	snop  }
0x13c: {  	[tilespmem:s19], [sflag:$0x1] =	stream.indirect_vreg.gather [hbm4b:s2+s0], $0x80, v3, vm0, $0xb8;
	[tilespmem:$0x18480] =	vst v63  }
0x13d: {  	v3 =	vld [tilespmem:$0xA0];
	_ =	sdelay $0x4  }
0x13e: {  	v4 =	vshll.u32 v3, $0x1  }
0x13f: {  	v3 =	vand.u32 $0x7, v3;
	v4 =	vand.u32 $0xFFFFFFF0, v4  }
0x140: {  	v3 =	vor.u32 v3, v4  }
0x141: {  	v4 =	vperm.xlane v3, v0;
	_ =	sdelay $0x1  }
0x142: {  	v3 =	vperm.xlane v3, v2;
	v4 =	vadd.s32 v1, v4;
	_ =	sdelay $0x1  }
0x143: {  	v3 =	vadd.s32 v1, v3;
	_ =	sdelay $0x2  }
0x144: {  	[tilespmem:s20], [sflag:$0x1] =	stream.indirect_vreg.gather [hbm4b:s2+s0], $0x80, v4, vm0, $0xb8;
	[tilespmem:$0x18480] =	vst v63  }
0x145: {  	_ = 	snop  }
0x146: {  	[tilespmem:s21], [sflag:$0x1] =	stream.indirect_vreg.gather [hbm4b:s2+s0], $0x80, v3, vm0, $0xb8;
	[tilespmem:$0x18480] =	vst v63  }
0x147: {  	v3 =	vld [tilespmem:$0xB0];
	_ =	sdelay $0x4  }
0x148: {  	v4 =	vshll.u32 v3, $0x1  }
0x149: {  	v3 =	vand.u32 $0x7, v3;
	v4 =	vand.u32 $0xFFFFFFF0, v4  }
0x14a: {  	v3 =	vor.u32 v3, v4  }
0x14b: {  	v4 =	vperm.xlane v3, v0;
	_ =	sdelay $0x1  }
0x14c: {  	v3 =	vperm.xlane v3, v2;
	v4 =	vadd.s32 v1, v4;
	_ =	sdelay $0x1  }
0x14d: {  	v3 =	vadd.s32 v1, v3;
	_ =	sdelay $0x2  }
0x14e: {  	[tilespmem:s22], [sflag:$0x1] =	stream.indirect_vreg.gather [hbm4b:s2+s0], $0x80, v4, vm0, $0xb8;
	[tilespmem:$0x18480] =	vst v63  }
0x14f: {  	_ = 	snop  }
0x150: {  	[tilespmem:s23], [sflag:$0x1] =	stream.indirect_vreg.gather [hbm4b:s2+s0], $0x80, v3, vm0, $0xb8;
	[tilespmem:$0x18480] =	vst v63  }
0x151: {  	v3 =	vld [tilespmem:$0x200];
	_ =	sdelay $0x4  }
0x152: {  	v4 =	vshll.u32 v3, $0x1  }
0x153: {  	v3 =	vand.u32 $0x7, v3;
	v4 =	vand.u32 $0xFFFFFFF0, v4  }
0x154: {  	v3 =	vor.u32 v3, v4  }
0x155: {  	v4 =	vperm.xlane v3, v0;
	_ =	sdelay $0x1  }
0x156: {  	v3 =	vperm.xlane v3, v2;
	v4 =	vadd.s32 v1, v4;
	_ =	sdelay $0x1  }
0x157: {  	v3 =	vadd.s32 v1, v3;
	_ =	sdelay $0x2  }
0x158: {  	[tilespmem:s24], [sflag:$0x2] =	stream.indirect_vreg.gather [hbm4b:s2+s0], $0x80, v4, vm0, $0xb8;
	[tilespmem:$0x18480] =	vst v63  }
0x159: {  	_ = 	snop  }
0x15a: {  	[tilespmem:s25], [sflag:$0x2] =	stream.indirect_vreg.gather [hbm4b:s2+s0], $0x80, v3, vm0, $0xb8;
	[tilespmem:$0x18480] =	vst v63  }
0x15b: {  	v3 =	vld [tilespmem:$0x210];
	_ =	sdelay $0x4  }
0x15c: {  	v4 =	vshll.u32 v3, $0x1  }
0x15d: {  	v3 =	vand.u32 $0x7, v3;
	v4 =	vand.u32 $0xFFFFFFF0, v4  }
0x15e: {  	v3 =	vor.u32 v3, v4  }
0x15f: {  	v4 =	vperm.xlane v3, v0;
	_ =	sdelay $0x1  }
0x160: {  	v3 =	vperm.xlane v3, v2;
	v4 =	vadd.s32 v1, v4;
	_ =	sdelay $0x1  }
0x161: {  	v3 =	vadd.s32 v1, v3;
	_ =	sdelay $0x2  }
0x162: {  	[tilespmem:s26], [sflag:$0x2] =	stream.indirect_vreg.gather [hbm4b:s2+s0], $0x80, v4, vm0, $0xb8;
	[tilespmem:$0x18480] =	vst v63  }
0x163: {  	_ = 	snop  }
0x164: {  	[tilespmem:s28], [sflag:$0x2] =	stream.indirect_vreg.gather [hbm4b:s2+s0], $0x80, v3, vm0, $0xb8;
	[tilespmem:$0x18480] =	vst v63  }
0x165: {  	v3 =	vld [tilespmem:$0x220];
	_ =	sdelay $0x4  }
0x166: {  	v4 =	vshll.u32 v3, $0x1  }
0x167: {  	v3 =	vand.u32 $0x7, v3;
	v4 =	vand.u32 $0xFFFFFFF0, v4  }
0x168: {  	v3 =	vor.u32 v3, v4  }
0x169: {  	v4 =	vperm.xlane v3, v0;
	_ =	sdelay $0x1  }
0x16a: {  	v3 =	vperm.xlane v3, v2;
	v4 =	vadd.s32 v1, v4;
	_ =	sdelay $0x1  }
0x16b: {  	v3 =	vadd.s32 v1, v3;
	_ =	sdelay $0x2  }
0x16c: {  	[tilespmem:s29], [sflag:$0x2] =	stream.indirect_vreg.gather [hbm4b:s2+s0], $0x80, v4, vm0, $0xb8;
	[tilespmem:$0x18480] =	vst v63  }
0x16d: {  	_ = 	snop  }
0x16e: {  	[tilespmem:s30], [sflag:$0x2] =	stream.indirect_vreg.gather [hbm4b:s2+s0], $0x80, v3, vm0, $0xb8;
	[tilespmem:$0x18480] =	vst v63  }
0x16f: {  	v3 =	vld [tilespmem:$0x230];
	_ =	sdelay $0x4  }
0x170: {  	v4 =	vshll.u32 v3, $0x1  }
0x171: {  	v3 =	vand.u32 $0x7, v3;
	v4 =	vand.u32 $0xFFFFFFF0, v4  }
0x172: {  	v3 =	vor.u32 v3, v4  }
0x173: {  	v4 =	vperm.xlane v3, v0;
	_ =	sdelay $0x1  }
0x174: {  	v3 =	vperm.xlane v3, v2;
	v4 =	vadd.s32 v1, v4;
	_ =	sdelay $0x1  }
0x175: {  	v3 =	vadd.s32 v1, v3;
	_ =	sdelay $0x2  }
0x176: {  	[tilespmem:s31], [sflag:$0x2] =	stream.indirect_vreg.gather [hbm4b:s2+s0], $0x80, v4, vm0, $0xb8;
	[tilespmem:$0x18480] =	vst v63  }
0x177: {  	_ = 	snop  }
0x178: {  	[tilespmem:s1], [sflag:$0x2] =	stream.indirect_vreg.gather [hbm4b:s2+s0], $0x80, v3, vm0, $0xb8;
	[tilespmem:$0x18480] =	vst v63  }
0x179: {  	s12 =	rddreg [dreg:$0x6]  }
0x17a: {  	[hbm4b:s12+s0] =	stream.linear.scatter [tilespmem:s15], [sflag:$0x3], $0x4000, $0x38;
	[tilespmem:$0x18480] =	vst v63  }
0x17b: {  	_ =	swait.ge [sflag:s6], $0x4000  }
0x17c: {  	[sflag:s6] =	ssyncset.done $0x0  }
0x17d: {  	[sflag:s6] =	ssyncadd.s32 $0xFFFFC000  }
0x17e: {  	_ =	swait.ge [sflag:s11], $0x4000  }
0x17f: {  	s14 =	sand.u32 $0x3800, s0;
	s16 =	sand.u32 $0x380, s0;
	[sflag:s11] =	ssyncset.done $0x0  }
0x180: {  	s8 =	sor.u32 s16, s14;
	[sflag:s11] =	ssyncadd.s32 $0xFFFFC000  }
0x181: {  	v15 =	vld [tilespmem:s8+$0x4480]  }
0x182: {  	v6 =	vld [tilespmem:s8+$0xC480]  }
0x183: {  	v16 =	vld [tilespmem:s8+$0x4490]  }
0x184: {  	v18 =	vld [tilespmem:s8+$0xC490]  }
0x185: {  	v19 =	vld [tilespmem:s8+$0x44A0]  }
0x186: {  	v17 =	vld [tilespmem:s8+$0xC4A0]  }
0x187: {  	v20 =	vld [tilespmem:s8+$0x44B0]  }
0x188: {  	v3 =	vld [tilespmem:s8+$0xC4B0]  }
0x189: {  	v21 =	vld [tilespmem:s8+$0x44C0]  }
0x18a: {  	v4 =	vld [tilespmem:s8+$0xC4C0]  }
0x18b: {  	v22 =	vld [tilespmem:s8+$0x44D0]  }
0x18c: {  	v5 =	vld [tilespmem:s8+$0xC4D0]  }
0x18d: {  	v23 =	vld [tilespmem:s8+$0x44E0]  }
0x18e: {  	v7 =	vld [tilespmem:s8+$0xC4E0]  }
0x18f: {  	v24 =	vld [tilespmem:s8+$0x44F0]  }
0x190: {  	v11 =	vld [tilespmem:s8+$0xC4F0]  }
0x191: {  	v25 =	vld [tilespmem:s8+$0x4880]  }
0x192: {  	v9 =	vld [tilespmem:s8+$0xC880]  }
0x193: {  	v27 =	vld [tilespmem:s8+$0x4890]  }
0x194: {  	v14 =	vld [tilespmem:s8+$0xC890]  }
0x195: {  	v26 =	vld [tilespmem:s8+$0x48A0]  }
0x196: {  	v13 =	vld [tilespmem:s8+$0xC8A0]  }
0x197: {  	v28 =	vld [tilespmem:s8+$0x48B0]  }
0x198: {  	v12 =	vld [tilespmem:s8+$0xC8B0]  }
0x199: {  	v29 =	vld [tilespmem:s8+$0x48C0]  }
0x19a: {  	v8 =	vld [tilespmem:s8+$0xC8C0]  }
0x19b: {  	v30 =	vld [tilespmem:s8+$0x48D0]  }
0x19c: {  	s5 =	simm.s32 $0x1;
	s14 =	simm.s32 $0x0;
	s9 =	simm.s32 $0x0;
	v10 =	vld [tilespmem:s8+$0xC8D0]  }
.LBB2_4:
0x19d: {  	p0 =	sne.s32 s5, $0x3F;
	s12 =	sand.u32 $0x30, s0;
	v31 =	vld [tilespmem:s8+$0x48E0]  }
0x19e: {  	v33 =	vsub.f32 v15, v6;
	v34 =	vsub.f32 v16, v18;
	v32 =	vld [tilespmem:s12+$0x340]  }
0x19f: {  	v35 =	vsub.f32 v19, v17;
	v20 =	vsub.f32 v20, v3;
	s9 =	sadd.s32 $0x80, s9;
	s14 =	sadd.s32 $0x100, s14;
	v36 =	vld [tilespmem:s8+$0xC8E0]  }
0x1a0: {  	v21 =	vsub.f32 v21, v4;
	v22 =	vsub.f32 v22, v5;
	s12 =	sand.u32 $0x3800, s14;
	s16 =	sand.u32 $0x380, s9;
	v37 =	vld [tilespmem:s8+$0x48F0]  }
0x1a1: {  	v23 =	vsub.f32 v23, v7;
	v24 =	vsub.f32 v24, v11;
	s12 =	sor.u32 s16, s12;
	v38 =	vld [tilespmem:s8+$0xC8F0]  }
0x1a2: {  	v16 =	vmov s0;
	v25 =	vsub.f32 v25, v9;
	v27 =	vsub.f32 v27, v14;
	s0 =	smov.u32 s5;
	v15 =	vld [tilespmem:s12+$0x4480]  }
0x1a3: {  	v26 =	vsub.f32 v26, v13;
	v28 =	vsub.f32 v28, v12;
	v39 =	vld [tilespmem:s12+$0xC480];
	v32 =	vperm.xlane v32, v16  }
0x1a4: {  	v29 =	vsub.f32 v29, v8;
	v30 =	vsub.f32 v30, v10;
	v16 =	vld [tilespmem:s12+$0x4490]  }
0x1a5: {  	v31 =	vsub.f32 v31, v36;
	v40 =	vld [tilespmem:s12+$0xC490];
	v33 =	vmul.f32 v33, v32;
	v34 =	vmul.f32 v34, v32  }
0x1a6: {  	v35 =	vmul.f32 v35, v32;
	v41 =	vmul.f32 v20, v32;
	v19 =	vld [tilespmem:s12+$0x44A0];
	v37 =	vsub.f32 v37, v38  }
0x1a7: {  	v21 =	vmul.f32 v21, v32;
	v42 =	vld [tilespmem:s12+$0xC4A0];
	v33 =	vadd.f32 v33, v6;
	v18 =	vadd.f32 v34, v18  }
0x1a8: {  	v22 =	vmul.f32 v22, v32;
	v17 =	vadd.f32 v35, v17;
	v34 =	vadd.f32 v41, v3;
	v20 =	vld [tilespmem:s12+$0x44B0];
	v6 =	vmovc v39  }
0x1a9: {  	v23 =	vmul.f32 v23, v32;
	v24 =	vmul.f32 v24, v32;
	v3 =	vld [tilespmem:s12+$0xC4B0];
	[tilespmem:s8+$0x14480] =	vst v33;
	v33 =	vadd.f32 v21, v4  }
0x1aa: {  	v21 =	vld [tilespmem:s12+$0x44C0];
	[tilespmem:s8+$0x14490] =	vst v18;
	v18 =	vadd.f32 v22, v5;
	v5 =	vmul.f32 v25, v32;
	v25 =	vmul.f32 v27, v32  }
0x1ab: {  	v11 =	vadd.f32 v24, v11;
	v4 =	vld [tilespmem:s12+$0xC4C0];
	[tilespmem:s8+$0x144A0] =	vst v17;
	v17 =	vadd.f32 v23, v7;
	v7 =	vmul.f32 v26, v32  }
0x1ac: {  	v24 =	vmul.f32 v28, v32;
	v22 =	vld [tilespmem:s12+$0x44D0];
	[tilespmem:s8+$0x144B0] =	vst v34;
	v9 =	vadd.f32 v5, v9;
	v14 =	vadd.f32 v25, v14  }
0x1ad: {  	v26 =	vmul.f32 v30, v32;
	v25 =	vmul.f32 v29, v32;
	v5 =	vld [tilespmem:s12+$0xC4D0];
	[tilespmem:s8+$0x144C0] =	vst v33;
	v13 =	vadd.f32 v7, v13  }
0x1ae: {  	v28 =	vmul.f32 v37, v32;
	v12 =	vadd.f32 v24, v12;
	v27 =	vmul.f32 v31, v32;
	v23 =	vld [tilespmem:s12+$0x44E0];
	[tilespmem:s8+$0x144D0] =	vst v18  }
0x1af: {  	v10 =	vadd.f32 v26, v10;
	v8 =	vadd.f32 v25, v8;
	v18 =	vmovc v40;
	v7 =	vld [tilespmem:s12+$0xC4E0];
	[tilespmem:s8+$0x144E0] =	vst v17;
	v17 =	vmov v42  }
0x1b0: {  	v30 =	vadd.f32 v28, v38;
	v29 =	vadd.f32 v27, v36;
	v24 =	vld [tilespmem:s12+$0x44F0];
	[tilespmem:s8+$0x144F0] =	vst v11  }
0x1b1: {  	v11 =	vld [tilespmem:s12+$0xC4F0];
	[tilespmem:s8+$0x14880] =	vst v9  }
0x1b2: {  	v25 =	vld [tilespmem:s12+$0x4880];
	[tilespmem:s8+$0x14890] =	vst v14  }
0x1b3: {  	v9 =	vld [tilespmem:s12+$0xC880];
	[tilespmem:s8+$0x148A0] =	vst v13  }
0x1b4: {  	v27 =	vld [tilespmem:s12+$0x4890];
	[tilespmem:s8+$0x148B0] =	vst v12  }
0x1b5: {  	v14 =	vld [tilespmem:s12+$0xC890];
	[tilespmem:s8+$0x148C0] =	vst v8  }
0x1b6: {  	v26 =	vld [tilespmem:s12+$0x48A0];
	[tilespmem:s8+$0x148D0] =	vst v10  }
0x1b7: {  	v13 =	vld [tilespmem:s12+$0xC8A0];
	[tilespmem:s8+$0x148E0] =	vst v29  }
0x1b8: {  	v28 =	vld [tilespmem:s12+$0x48B0];
	[tilespmem:s8+$0x148F0] =	vst v30;
	s8 =	smov.u32 s12  }
.Ltmp1:
0x1b9: {  	v12 =	vld [tilespmem:s8+$0xC8B0];
	(pc) =	sbr.rel @p0 .LBB2_4-.Ltmp1, $4  }
0x1ba: {  	v29 =	vld [tilespmem:s8+$0x48C0]  }
0x1bb: {  	v8 =	vld [tilespmem:s8+$0xC8C0]  }
0x1bc: {  	v30 =	vld [tilespmem:s8+$0x48D0]  }
0x1bd: {  	s5 =	sadd.s32 $0x1, s5;
	v10 =	vld [tilespmem:s8+$0xC8D0]  }
0x1be: {  	s5 =	sand.u32 $0x30, s0  }
0x1bf: {  	v31 =	vld [tilespmem:s5+$0x340];
	_ =	sdelay $0x3  }
0x1c0: {  	v32 =	vmov s0  }
0x1c1: {  	v15 =	vsub.f32 v15, v6;
	v31 =	vperm.xlane v31, v32  }
0x1c2: {  	v16 =	vsub.f32 v16, v18  }
0x1c3: {  	v19 =	vsub.f32 v19, v17;
	v15 =	vmul.f32 v15, v31  }
0x1c4: {  	v20 =	vsub.f32 v20, v3;
	v16 =	vmul.f32 v16, v31  }
0x1c5: {  	v21 =	vsub.f32 v21, v4;
	v19 =	vmul.f32 v19, v31;
	v6 =	vadd.f32 v15, v6  }
0x1c6: {  	v20 =	vmul.f32 v20, v31;
	v15 =	vsub.f32 v22, v5;
	v16 =	vadd.f32 v16, v18  }
0x1c7: {  	v21 =	vmul.f32 v21, v31;
	v18 =	vsub.f32 v23, v7;
	v17 =	vadd.f32 v19, v17;
	[tilespmem:s8+$0x14480] =	vst v6  }
0x1c8: {  	v63 =	vld [tilespmem:s8+$0x48E0];
	v3 =	vadd.f32 v20, v3;
	v6 =	vsub.f32 v24, v11;
	v15 =	vmul.f32 v15, v31;
	[tilespmem:s8+$0x14490] =	vst v16  }
0x1c9: {  	v33 =	vld [tilespmem:s8+$0xC8E0];
	v4 =	vadd.f32 v21, v4;
	v16 =	vsub.f32 v25, v9;
	v18 =	vmul.f32 v18, v31;
	[tilespmem:s8+$0x144A0] =	vst v17  }
0x1ca: {  	v34 =	vld [tilespmem:s8+$0x48F0];
	v17 =	vsub.f32 v27, v14;
	[tilespmem:s8+$0x144B0] =	vst v3;
	v6 =	vmul.f32 v6, v31;
	v5 =	vadd.f32 v15, v5  }
0x1cb: {  	v22 =	vld [tilespmem:s8+$0xC8F0];
	v3 =	vsub.f32 v26, v13;
	[tilespmem:s8+$0x144C0] =	vst v4;
	v15 =	vmul.f32 v16, v31;
	v7 =	vadd.f32 v18, v7  }
0x1cc: {  	v4 =	vsub.f32 v28, v12;
	v16 =	vmul.f32 v17, v31;
	v6 =	vadd.f32 v6, v11;
	[tilespmem:s8+$0x144D0] =	vst v5  }
0x1cd: {  	v3 =	vmul.f32 v3, v31;
	v5 =	vsub.f32 v29, v8;
	v9 =	vadd.f32 v15, v9;
	[tilespmem:s8+$0x144E0] =	vst v7  }
0x1ce: {  	v4 =	vmul.f32 v4, v31;
	v7 =	vsub.f32 v30, v10;
	v11 =	vadd.f32 v16, v14;
	[tilespmem:s8+$0x144F0] =	vst v6  }
0x1cf: {  	v3 =	vadd.f32 v3, v13;
	v6 =	vsub.f32 v63, v33;
	v5 =	vmul.f32 v5, v31;
	[tilespmem:s8+$0x14880] =	vst v9  }
0x1d0: {  	v4 =	vadd.f32 v4, v12;
	v9 =	vsub.f32 v34, v22;
	v7 =	vmul.f32 v7, v31;
	[tilespmem:s8+$0x14890] =	vst v11  }
0x1d1: {  	[tilespmem:s8+$0x148A0] =	vst v3;
	v6 =	vmul.f32 v6, v31;
	v5 =	vadd.f32 v5, v8  }
0x1d2: {  	[tilespmem:s8+$0x148B0] =	vst v4;
	v3 =	vmul.f32 v9, v31;
	v7 =	vadd.f32 v7, v10  }
0x1d3: {  	v4 =	vadd.f32 v6, v33;
	[tilespmem:s8+$0x148C0] =	vst v5  }
0x1d4: {  	v3 =	vadd.f32 v3, v22;
	[tilespmem:s8+$0x148D0] =	vst v7  }
0x1d5: {  	[tilespmem:s8+$0x148E0] =	vst v4  }
0x1d6: {  	[tilespmem:s8+$0x148F0] =	vst v3  }
0x1d7: {  	v3 =	vld [tilespmem:$0xC0];
	_ =	sdelay $0x4  }
0x1d8: {  	v4 =	vshll.u32 v3, $0x1  }
0x1d9: {  	v3 =	vand.u32 $0x7, v3;
	v4 =	vand.u32 $0xFFFFFFF0, v4  }
0x1da: {  	v3 =	vor.u32 v3, v4  }
0x1db: {  	v4 =	vperm.xlane v3, v0;
	_ =	sdelay $0x1  }
0x1dc: {  	v3 =	vperm.xlane v3, v2;
	v4 =	vadd.s32 v1, v4;
	_ =	sdelay $0x1  }
0x1dd: {  	v3 =	vadd.s32 v1, v3;
	_ =	sdelay $0x1  }
0x1de: {  	s0 =	simm.s32 $0x0;
	s8 =	simm.s32 $0x4480  }
0x1df: {  	[tilespmem:s8], [sflag:$0x1] =	stream.indirect_vreg.gather [hbm4b:s2+s0], $0x80, v4, vm0, $0xb8;
	[tilespmem:$0x18480] =	vst v63  }
0x1e0: {  	s9 =	simm.s32 $0x4C80  }
0x1e1: {  	[tilespmem:s9], [sflag:$0x1] =	stream.indirect_vreg.gather [hbm4b:s2+s0], $0x80, v3, vm0, $0xb8;
	[tilespmem:$0x18480] =	vst v63  }
0x1e2: {  	v3 =	vld [tilespmem:$0xD0];
	_ =	sdelay $0x4  }
0x1e3: {  	v4 =	vshll.u32 v3, $0x1  }
0x1e4: {  	v3 =	vand.u32 $0x7, v3;
	v4 =	vand.u32 $0xFFFFFFF0, v4  }
0x1e5: {  	v3 =	vor.u32 v3, v4  }
0x1e6: {  	v4 =	vperm.xlane v3, v0;
	_ =	sdelay $0x1  }
0x1e7: {  	v3 =	vperm.xlane v3, v2;
	v4 =	vadd.s32 v1, v4;
	_ =	sdelay $0x1  }
0x1e8: {  	v3 =	vadd.s32 v1, v3;
	_ =	sdelay $0x1  }
0x1e9: {  	s12 =	simm.s32 $0x5480  }
0x1ea: {  	[tilespmem:s12], [sflag:$0x1] =	stream.indirect_vreg.gather [hbm4b:s2+s0], $0x80, v4, vm0, $0xb8;
	[tilespmem:$0x18480] =	vst v63  }
0x1eb: {  	s14 =	simm.s32 $0x5C80  }
0x1ec: {  	[tilespmem:s14], [sflag:$0x1] =	stream.indirect_vreg.gather [hbm4b:s2+s0], $0x80, v3, vm0, $0xb8;
	[tilespmem:$0x18480] =	vst v63  }
0x1ed: {  	v3 =	vld [tilespmem:$0xE0];
	_ =	sdelay $0x4  }
0x1ee: {  	v4 =	vshll.u32 v3, $0x1  }
0x1ef: {  	v3 =	vand.u32 $0x7, v3;
	v4 =	vand.u32 $0xFFFFFFF0, v4  }
0x1f0: {  	v3 =	vor.u32 v3, v4  }
0x1f1: {  	v4 =	vperm.xlane v3, v0;
	_ =	sdelay $0x1  }
0x1f2: {  	v3 =	vperm.xlane v3, v2;
	v4 =	vadd.s32 v1, v4;
	_ =	sdelay $0x1  }
0x1f3: {  	v3 =	vadd.s32 v1, v3;
	_ =	sdelay $0x1  }
0x1f4: {  	s16 =	simm.s32 $0x6480  }
0x1f5: {  	[tilespmem:s16], [sflag:$0x1] =	stream.indirect_vreg.gather [hbm4b:s2+s0], $0x80, v4, vm0, $0xb8;
	[tilespmem:$0x18480] =	vst v63  }
0x1f6: {  	s8 =	simm.s32 $0x6C80  }
0x1f7: {  	[tilespmem:s8], [sflag:$0x1] =	stream.indirect_vreg.gather [hbm4b:s2+s0], $0x80, v3, vm0, $0xb8;
	[tilespmem:$0x18480] =	vst v63  }
0x1f8: {  	v3 =	vld [tilespmem:$0xF0];
	_ =	sdelay $0x4  }
0x1f9: {  	v4 =	vshll.u32 v3, $0x1  }
0x1fa: {  	v3 =	vand.u32 $0x7, v3;
	v4 =	vand.u32 $0xFFFFFFF0, v4  }
0x1fb: {  	v3 =	vor.u32 v3, v4  }
0x1fc: {  	v4 =	vperm.xlane v3, v0;
	_ =	sdelay $0x1  }
0x1fd: {  	v3 =	vperm.xlane v3, v2;
	v4 =	vadd.s32 v1, v4;
	_ =	sdelay $0x1  }
0x1fe: {  	v3 =	vadd.s32 v1, v3;
	_ =	sdelay $0x1  }
0x1ff: {  	s9 =	simm.s32 $0x7480  }
0x200: {  	[tilespmem:s9], [sflag:$0x1] =	stream.indirect_vreg.gather [hbm4b:s2+s0], $0x80, v4, vm0, $0xb8;
	[tilespmem:$0x18480] =	vst v63  }
0x201: {  	s12 =	simm.s32 $0x7C80  }
0x202: {  	[tilespmem:s12], [sflag:$0x1] =	stream.indirect_vreg.gather [hbm4b:s2+s0], $0x80, v3, vm0, $0xb8;
	[tilespmem:$0x18480] =	vst v63  }
0x203: {  	v3 =	vld [tilespmem:$0x240];
	_ =	sdelay $0x4  }
0x204: {  	v4 =	vshll.u32 v3, $0x1  }
0x205: {  	v3 =	vand.u32 $0x7, v3;
	v4 =	vand.u32 $0xFFFFFFF0, v4  }
0x206: {  	v3 =	vor.u32 v3, v4  }
0x207: {  	v4 =	vperm.xlane v3, v0;
	_ =	sdelay $0x1  }
0x208: {  	v3 =	vperm.xlane v3, v2;
	v4 =	vadd.s32 v1, v4;
	_ =	sdelay $0x1  }
0x209: {  	v3 =	vadd.s32 v1, v3;
	_ =	sdelay $0x1  }
0x20a: {  	s14 =	simm.s32 $0xC480  }
0x20b: {  	[tilespmem:s14], [sflag:$0x2] =	stream.indirect_vreg.gather [hbm4b:s2+s0], $0x80, v4, vm0, $0xb8;
	[tilespmem:$0x18480] =	vst v63  }
0x20c: {  	s16 =	simm.s32 $0xCC80  }
0x20d: {  	[tilespmem:s16], [sflag:$0x2] =	stream.indirect_vreg.gather [hbm4b:s2+s0], $0x80, v3, vm0, $0xb8;
	[tilespmem:$0x18480] =	vst v63  }
0x20e: {  	v3 =	vld [tilespmem:$0x250];
	_ =	sdelay $0x4  }
0x20f: {  	v4 =	vshll.u32 v3, $0x1  }
0x210: {  	v3 =	vand.u32 $0x7, v3;
	v4 =	vand.u32 $0xFFFFFFF0, v4  }
0x211: {  	v3 =	vor.u32 v3, v4  }
0x212: {  	v4 =	vperm.xlane v3, v0;
	_ =	sdelay $0x1  }
0x213: {  	v3 =	vperm.xlane v3, v2;
	v4 =	vadd.s32 v1, v4;
	_ =	sdelay $0x1  }
0x214: {  	v3 =	vadd.s32 v1, v3;
	_ =	sdelay $0x1  }
0x215: {  	s8 =	simm.s32 $0xD480  }
0x216: {  	[tilespmem:s8], [sflag:$0x2] =	stream.indirect_vreg.gather [hbm4b:s2+s0], $0x80, v4, vm0, $0xb8;
	[tilespmem:$0x18480] =	vst v63  }
0x217: {  	s9 =	simm.s32 $0xDC80  }
0x218: {  	[tilespmem:s9], [sflag:$0x2] =	stream.indirect_vreg.gather [hbm4b:s2+s0], $0x80, v3, vm0, $0xb8;
	[tilespmem:$0x18480] =	vst v63  }
0x219: {  	v3 =	vld [tilespmem:$0x260];
	_ =	sdelay $0x4  }
0x21a: {  	v4 =	vshll.u32 v3, $0x1  }
0x21b: {  	v3 =	vand.u32 $0x7, v3;
	v4 =	vand.u32 $0xFFFFFFF0, v4  }
0x21c: {  	v3 =	vor.u32 v3, v4  }
0x21d: {  	v4 =	vperm.xlane v3, v0;
	_ =	sdelay $0x1  }
0x21e: {  	v3 =	vperm.xlane v3, v2;
	v4 =	vadd.s32 v1, v4;
	_ =	sdelay $0x1  }
0x21f: {  	v3 =	vadd.s32 v1, v3;
	_ =	sdelay $0x1  }
0x220: {  	s12 =	simm.s32 $0xE480  }
0x221: {  	[tilespmem:s12], [sflag:$0x2] =	stream.indirect_vreg.gather [hbm4b:s2+s0], $0x80, v4, vm0, $0xb8;
	[tilespmem:$0x18480] =	vst v63  }
0x222: {  	s14 =	simm.s32 $0xEC80  }
0x223: {  	[tilespmem:s14], [sflag:$0x2] =	stream.indirect_vreg.gather [hbm4b:s2+s0], $0x80, v3, vm0, $0xb8;
	[tilespmem:$0x18480] =	vst v63  }
0x224: {  	v3 =	vld [tilespmem:$0x270];
	_ =	sdelay $0x4  }
0x225: {  	v4 =	vshll.u32 v3, $0x1  }
0x226: {  	v3 =	vand.u32 $0x7, v3;
	v4 =	vand.u32 $0xFFFFFFF0, v4  }
0x227: {  	v3 =	vor.u32 v3, v4  }
0x228: {  	v4 =	vperm.xlane v3, v0;
	_ =	sdelay $0x1  }
0x229: {  	v3 =	vperm.xlane v3, v2;
	v4 =	vadd.s32 v1, v4;
	_ =	sdelay $0x1  }
0x22a: {  	v3 =	vadd.s32 v1, v3;
	_ =	sdelay $0x1  }
0x22b: {  	s16 =	simm.s32 $0xF480  }
0x22c: {  	[tilespmem:s16], [sflag:$0x2] =	stream.indirect_vreg.gather [hbm4b:s2+s0], $0x80, v4, vm0, $0xb8;
	[tilespmem:$0x18480] =	vst v63  }
0x22d: {  	s8 =	simm.s32 $0xFC80  }
0x22e: {  	[tilespmem:s8], [sflag:$0x2] =	stream.indirect_vreg.gather [hbm4b:s2+s0], $0x80, v3, vm0, $0xb8;
	[tilespmem:$0x18480] =	vst v63  }
0x22f: {  	s9 =	rddreg [dreg:$0x7];
	s12 =	simm.s32 $0x14480  }
0x230: {  	[hbm4b:s9+s0] =	stream.linear.scatter [tilespmem:s12], [sflag:$0x4], $0x4000, $0x38;
	[tilespmem:$0x18480] =	vst v63  }
0x231: {  	_ =	swait.ge [sflag:s6], $0x4000  }
0x232: {  	[sflag:s6] =	ssyncset.done $0x0  }
0x233: {  	[sflag:s6] =	ssyncadd.s32 $0xFFFFC000  }
0x234: {  	_ =	swait.ge [sflag:s11], $0x4000  }
0x235: {  	[sflag:s11] =	ssyncset.done $0x0  }
0x236: {  	[sflag:s11] =	ssyncadd.s32 $0xFFFFC000  }
0x237: {  	_ =	swait.ge [sflag:s10], $0x4000  }
0x238: {  	s14 =	sand.u32 $0x3800, s0;
	s16 =	sand.u32 $0x380, s0;
	[sflag:s10] =	ssyncset.done $0x0  }
0x239: {  	s8 =	sor.u32 s16, s14;
	[sflag:s10] =	ssyncadd.s32 $0xFFFFC000  }
0x23a: {  	v15 =	vld [tilespmem:s8+$0x480]  }
0x23b: {  	v6 =	vld [tilespmem:s8+$0x8480]  }
0x23c: {  	v16 =	vld [tilespmem:s8+$0x490]  }
0x23d: {  	v18 =	vld [tilespmem:s8+$0x8490]  }
0x23e: {  	v19 =	vld [tilespmem:s8+$0x4A0]  }
0x23f: {  	v17 =	vld [tilespmem:s8+$0x84A0]  }
0x240: {  	v20 =	vld [tilespmem:s8+$0x4B0]  }
0x241: {  	v3 =	vld [tilespmem:s8+$0x84B0]  }
0x242: {  	v21 =	vld [tilespmem:s8+$0x4C0]  }
0x243: {  	v4 =	vld [tilespmem:s8+$0x84C0]  }
0x244: {  	v22 =	vld [tilespmem:s8+$0x4D0]  }
0x245: {  	v5 =	vld [tilespmem:s8+$0x84D0]  }
0x246: {  	v23 =	vld [tilespmem:s8+$0x4E0]  }
0x247: {  	v7 =	vld [tilespmem:s8+$0x84E0]  }
0x248: {  	v24 =	vld [tilespmem:s8+$0x4F0]  }
0x249: {  	v11 =	vld [tilespmem:s8+$0x84F0]  }
0x24a: {  	v25 =	vld [tilespmem:s8+$0x880]  }
0x24b: {  	v9 =	vld [tilespmem:s8+$0x8880]  }
0x24c: {  	v27 =	vld [tilespmem:s8+$0x890]  }
0x24d: {  	v14 =	vld [tilespmem:s8+$0x8890]  }
0x24e: {  	v26 =	vld [tilespmem:s8+$0x8A0]  }
0x24f: {  	v13 =	vld [tilespmem:s8+$0x88A0]  }
0x250: {  	v28 =	vld [tilespmem:s8+$0x8B0]  }
0x251: {  	v12 =	vld [tilespmem:s8+$0x88B0]  }
0x252: {  	v29 =	vld [tilespmem:s8+$0x8C0]  }
0x253: {  	v8 =	vld [tilespmem:s8+$0x88C0]  }
0x254: {  	v30 =	vld [tilespmem:s8+$0x8D0]  }
0x255: {  	s5 =	simm.s32 $0x1;
	s14 =	simm.s32 $0x0;
	s9 =	simm.s32 $0x0;
	v10 =	vld [tilespmem:s8+$0x88D0]  }
.LBB2_6:
0x256: {  	p0 =	sne.s32 s5, $0x3F;
	s12 =	sand.u32 $0x30, s0;
	v31 =	vld [tilespmem:s8+$0x8E0]  }
0x257: {  	v33 =	vsub.f32 v15, v6;
	v34 =	vsub.f32 v16, v18;
	v32 =	vld [tilespmem:s12+$0x380]  }
0x258: {  	v35 =	vsub.f32 v19, v17;
	v20 =	vsub.f32 v20, v3;
	s9 =	sadd.s32 $0x80, s9;
	s14 =	sadd.s32 $0x100, s14;
	v36 =	vld [tilespmem:s8+$0x88E0]  }
0x259: {  	v21 =	vsub.f32 v21, v4;
	v22 =	vsub.f32 v22, v5;
	s12 =	sand.u32 $0x3800, s14;
	s16 =	sand.u32 $0x380, s9;
	v37 =	vld [tilespmem:s8+$0x8F0]  }
0x25a: {  	v23 =	vsub.f32 v23, v7;
	v24 =	vsub.f32 v24, v11;
	s12 =	sor.u32 s16, s12;
	v38 =	vld [tilespmem:s8+$0x88F0]  }
0x25b: {  	v16 =	vmov s0;
	v25 =	vsub.f32 v25, v9;
	v27 =	vsub.f32 v27, v14;
	s0 =	smov.u32 s5;
	v15 =	vld [tilespmem:s12+$0x480]  }
0x25c: {  	v26 =	vsub.f32 v26, v13;
	v28 =	vsub.f32 v28, v12;
	v39 =	vld [tilespmem:s12+$0x8480];
	v32 =	vperm.xlane v32, v16  }
0x25d: {  	v29 =	vsub.f32 v29, v8;
	v30 =	vsub.f32 v30, v10;
	v16 =	vld [tilespmem:s12+$0x490]  }
0x25e: {  	v31 =	vsub.f32 v31, v36;
	v40 =	vld [tilespmem:s12+$0x8490];
	v33 =	vmul.f32 v33, v32;
	v34 =	vmul.f32 v34, v32  }
0x25f: {  	v35 =	vmul.f32 v35, v32;
	v41 =	vmul.f32 v20, v32;
	v19 =	vld [tilespmem:s12+$0x4A0];
	v37 =	vsub.f32 v37, v38  }
0x260: {  	v21 =	vmul.f32 v21, v32;
	v42 =	vld [tilespmem:s12+$0x84A0];
	v33 =	vadd.f32 v33, v6;
	v18 =	vadd.f32 v34, v18  }
0x261: {  	v22 =	vmul.f32 v22, v32;
	v17 =	vadd.f32 v35, v17;
	v34 =	vadd.f32 v41, v3;
	v20 =	vld [tilespmem:s12+$0x4B0];
	v6 =	vmovc v39  }
0x262: {  	v23 =	vmul.f32 v23, v32;
	v24 =	vmul.f32 v24, v32;
	v3 =	vld [tilespmem:s12+$0x84B0];
	[tilespmem:s8+$0x10480] =	vst v33;
	v33 =	vadd.f32 v21, v4  }
0x263: {  	v21 =	vld [tilespmem:s12+$0x4C0];
	[tilespmem:s8+$0x10490] =	vst v18;
	v18 =	vadd.f32 v22, v5;
	v5 =	vmul.f32 v25, v32;
	v25 =	vmul.f32 v27, v32  }
0x264: {  	v11 =	vadd.f32 v24, v11;
	v4 =	vld [tilespmem:s12+$0x84C0];
	[tilespmem:s8+$0x104A0] =	vst v17;
	v17 =	vadd.f32 v23, v7;
	v7 =	vmul.f32 v26, v32  }
0x265: {  	v24 =	vmul.f32 v28, v32;
	v22 =	vld [tilespmem:s12+$0x4D0];
	[tilespmem:s8+$0x104B0] =	vst v34;
	v9 =	vadd.f32 v5, v9;
	v14 =	vadd.f32 v25, v14  }
0x266: {  	v26 =	vmul.f32 v30, v32;
	v25 =	vmul.f32 v29, v32;
	v5 =	vld [tilespmem:s12+$0x84D0];
	[tilespmem:s8+$0x104C0] =	vst v33;
	v13 =	vadd.f32 v7, v13  }
0x267: {  	v28 =	vmul.f32 v37, v32;
	v12 =	vadd.f32 v24, v12;
	v27 =	vmul.f32 v31, v32;
	v23 =	vld [tilespmem:s12+$0x4E0];
	[tilespmem:s8+$0x104D0] =	vst v18  }
0x268: {  	v10 =	vadd.f32 v26, v10;
	v8 =	vadd.f32 v25, v8;
	v18 =	vmovc v40;
	v7 =	vld [tilespmem:s12+$0x84E0];
	[tilespmem:s8+$0x104E0] =	vst v17;
	v17 =	vmov v42  }
0x269: {  	v30 =	vadd.f32 v28, v38;
	v29 =	vadd.f32 v27, v36;
	v24 =	vld [tilespmem:s12+$0x4F0];
	[tilespmem:s8+$0x104F0] =	vst v11  }
0x26a: {  	v11 =	vld [tilespmem:s12+$0x84F0];
	[tilespmem:s8+$0x10880] =	vst v9  }
0x26b: {  	v25 =	vld [tilespmem:s12+$0x880];
	[tilespmem:s8+$0x10890] =	vst v14  }
0x26c: {  	v9 =	vld [tilespmem:s12+$0x8880];
	[tilespmem:s8+$0x108A0] =	vst v13  }
0x26d: {  	v27 =	vld [tilespmem:s12+$0x890];
	[tilespmem:s8+$0x108B0] =	vst v12  }
0x26e: {  	v14 =	vld [tilespmem:s12+$0x8890];
	[tilespmem:s8+$0x108C0] =	vst v8  }
0x26f: {  	v26 =	vld [tilespmem:s12+$0x8A0];
	[tilespmem:s8+$0x108D0] =	vst v10  }
0x270: {  	v13 =	vld [tilespmem:s12+$0x88A0];
	[tilespmem:s8+$0x108E0] =	vst v29  }
0x271: {  	v28 =	vld [tilespmem:s12+$0x8B0];
	[tilespmem:s8+$0x108F0] =	vst v30;
	s8 =	smov.u32 s12  }
.Ltmp2:
0x272: {  	v12 =	vld [tilespmem:s8+$0x88B0];
	(pc) =	sbr.rel @p0 .LBB2_6-.Ltmp2, $4  }
0x273: {  	v29 =	vld [tilespmem:s8+$0x8C0]  }
0x274: {  	v8 =	vld [tilespmem:s8+$0x88C0]  }
0x275: {  	v30 =	vld [tilespmem:s8+$0x8D0]  }
0x276: {  	s5 =	sadd.s32 $0x1, s5;
	v10 =	vld [tilespmem:s8+$0x88D0]  }
0x277: {  	s5 =	sand.u32 $0x30, s0  }
0x278: {  	v31 =	vld [tilespmem:s5+$0x380];
	_ =	sdelay $0x3  }
0x279: {  	v32 =	vmov s0  }
0x27a: {  	v15 =	vsub.f32 v15, v6;
	v31 =	vperm.xlane v31, v32  }
0x27b: {  	v16 =	vsub.f32 v16, v18  }
0x27c: {  	v19 =	vsub.f32 v19, v17;
	v15 =	vmul.f32 v15, v31  }
0x27d: {  	v20 =	vsub.f32 v20, v3;
	v16 =	vmul.f32 v16, v31  }
0x27e: {  	v21 =	vsub.f32 v21, v4;
	v19 =	vmul.f32 v19, v31;
	v6 =	vadd.f32 v15, v6  }
0x27f: {  	v20 =	vmul.f32 v20, v31;
	v15 =	vsub.f32 v22, v5;
	v16 =	vadd.f32 v16, v18  }
0x280: {  	v21 =	vmul.f32 v21, v31;
	v18 =	vsub.f32 v23, v7;
	v17 =	vadd.f32 v19, v17;
	[tilespmem:s8+$0x10480] =	vst v6  }
0x281: {  	v63 =	vld [tilespmem:s8+$0x8E0];
	v3 =	vadd.f32 v20, v3;
	v6 =	vsub.f32 v24, v11;
	v15 =	vmul.f32 v15, v31;
	[tilespmem:s8+$0x10490] =	vst v16  }
0x282: {  	v33 =	vld [tilespmem:s8+$0x88E0];
	v4 =	vadd.f32 v21, v4;
	v16 =	vsub.f32 v25, v9;
	v18 =	vmul.f32 v18, v31;
	[tilespmem:s8+$0x104A0] =	vst v17  }
0x283: {  	v34 =	vld [tilespmem:s8+$0x8F0];
	v17 =	vsub.f32 v27, v14;
	[tilespmem:s8+$0x104B0] =	vst v3;
	v6 =	vmul.f32 v6, v31;
	v5 =	vadd.f32 v15, v5  }
0x284: {  	v22 =	vld [tilespmem:s8+$0x88F0];
	v3 =	vsub.f32 v26, v13;
	[tilespmem:s8+$0x104C0] =	vst v4;
	v15 =	vmul.f32 v16, v31;
	v7 =	vadd.f32 v18, v7  }
0x285: {  	v4 =	vsub.f32 v28, v12;
	v16 =	vmul.f32 v17, v31;
	v6 =	vadd.f32 v6, v11;
	[tilespmem:s8+$0x104D0] =	vst v5  }
0x286: {  	v3 =	vmul.f32 v3, v31;
	v5 =	vsub.f32 v29, v8;
	v9 =	vadd.f32 v15, v9;
	[tilespmem:s8+$0x104E0] =	vst v7  }
0x287: {  	v4 =	vmul.f32 v4, v31;
	v7 =	vsub.f32 v30, v10;
	v11 =	vadd.f32 v16, v14;
	[tilespmem:s8+$0x104F0] =	vst v6  }
0x288: {  	v3 =	vadd.f32 v3, v13;
	v6 =	vsub.f32 v63, v33;
	v5 =	vmul.f32 v5, v31;
	[tilespmem:s8+$0x10880] =	vst v9  }
0x289: {  	v4 =	vadd.f32 v4, v12;
	v9 =	vsub.f32 v34, v22;
	v7 =	vmul.f32 v7, v31;
	[tilespmem:s8+$0x10890] =	vst v11  }
0x28a: {  	[tilespmem:s8+$0x108A0] =	vst v3;
	v6 =	vmul.f32 v6, v31;
	v5 =	vadd.f32 v5, v8  }
0x28b: {  	[tilespmem:s8+$0x108B0] =	vst v4;
	v3 =	vmul.f32 v9, v31;
	v7 =	vadd.f32 v7, v10  }
0x28c: {  	v4 =	vadd.f32 v6, v33;
	[tilespmem:s8+$0x108C0] =	vst v5  }
0x28d: {  	v3 =	vadd.f32 v3, v22;
	[tilespmem:s8+$0x108D0] =	vst v7  }
0x28e: {  	[tilespmem:s8+$0x108E0] =	vst v4  }
0x28f: {  	[tilespmem:s8+$0x108F0] =	vst v3  }
0x290: {  	v3 =	vld [tilespmem:$0x100];
	_ =	sdelay $0x4  }
0x291: {  	v4 =	vshll.u32 v3, $0x1  }
0x292: {  	v3 =	vand.u32 $0x7, v3;
	v4 =	vand.u32 $0xFFFFFFF0, v4  }
0x293: {  	v3 =	vor.u32 v3, v4  }
0x294: {  	v4 =	vperm.xlane v3, v0;
	_ =	sdelay $0x1  }
0x295: {  	v3 =	vperm.xlane v3, v2;
	v4 =	vadd.s32 v1, v4;
	_ =	sdelay $0x1  }
0x296: {  	v3 =	vadd.s32 v1, v3;
	_ =	sdelay $0x1  }
0x297: {  	s0 =	simm.s32 $0x0;
	s9 =	simm.s32 $0x480  }
0x298: {  	[tilespmem:s9], [sflag:$0x1] =	stream.indirect_vreg.gather [hbm4b:s2+s0], $0x80, v4, vm0, $0xb8;
	[tilespmem:$0x18480] =	vst v63  }
0x299: {  	_ = 	snop  }
0x29a: {  	[tilespmem:s17], [sflag:$0x1] =	stream.indirect_vreg.gather [hbm4b:s2+s0], $0x80, v3, vm0, $0xb8;
	[tilespmem:$0x18480] =	vst v63  }
0x29b: {  	v3 =	vld [tilespmem:$0x110];
	_ =	sdelay $0x4  }
0x29c: {  	v4 =	vshll.u32 v3, $0x1  }
0x29d: {  	v3 =	vand.u32 $0x7, v3;
	v4 =	vand.u32 $0xFFFFFFF0, v4  }
0x29e: {  	v3 =	vor.u32 v3, v4  }
0x29f: {  	v4 =	vperm.xlane v3, v0;
	_ =	sdelay $0x1  }
0x2a0: {  	v3 =	vperm.xlane v3, v2;
	v4 =	vadd.s32 v1, v4;
	_ =	sdelay $0x1  }
0x2a1: {  	v3 =	vadd.s32 v1, v3;
	_ =	sdelay $0x2  }
0x2a2: {  	[tilespmem:s18], [sflag:$0x1] =	stream.indirect_vreg.gather [hbm4b:s2+s0], $0x80, v4, vm0, $0xb8;
	[tilespmem:$0x18480] =	vst v63  }
0x2a3: {  	_ = 	snop  }
0x2a4: {  	[tilespmem:s19], [sflag:$0x1] =	stream.indirect_vreg.gather [hbm4b:s2+s0], $0x80, v3, vm0, $0xb8;
	[tilespmem:$0x18480] =	vst v63  }
0x2a5: {  	v3 =	vld [tilespmem:$0x120];
	_ =	sdelay $0x4  }
0x2a6: {  	v4 =	vshll.u32 v3, $0x1  }
0x2a7: {  	v3 =	vand.u32 $0x7, v3;
	v4 =	vand.u32 $0xFFFFFFF0, v4  }
0x2a8: {  	v3 =	vor.u32 v3, v4  }
0x2a9: {  	v4 =	vperm.xlane v3, v0;
	_ =	sdelay $0x1  }
0x2aa: {  	v3 =	vperm.xlane v3, v2;
	v4 =	vadd.s32 v1, v4;
	_ =	sdelay $0x1  }
0x2ab: {  	v3 =	vadd.s32 v1, v3;
	_ =	sdelay $0x2  }
0x2ac: {  	[tilespmem:s20], [sflag:$0x1] =	stream.indirect_vreg.gather [hbm4b:s2+s0], $0x80, v4, vm0, $0xb8;
	[tilespmem:$0x18480] =	vst v63  }
0x2ad: {  	_ = 	snop  }
0x2ae: {  	[tilespmem:s21], [sflag:$0x1] =	stream.indirect_vreg.gather [hbm4b:s2+s0], $0x80, v3, vm0, $0xb8;
	[tilespmem:$0x18480] =	vst v63  }
0x2af: {  	v3 =	vld [tilespmem:$0x130];
	_ =	sdelay $0x4  }
0x2b0: {  	v4 =	vshll.u32 v3, $0x1  }
0x2b1: {  	v3 =	vand.u32 $0x7, v3;
	v4 =	vand.u32 $0xFFFFFFF0, v4  }
0x2b2: {  	v3 =	vor.u32 v3, v4  }
0x2b3: {  	v4 =	vperm.xlane v3, v0;
	_ =	sdelay $0x1  }
0x2b4: {  	v3 =	vperm.xlane v3, v2;
	v4 =	vadd.s32 v1, v4;
	_ =	sdelay $0x1  }
0x2b5: {  	v3 =	vadd.s32 v1, v3;
	_ =	sdelay $0x2  }
0x2b6: {  	[tilespmem:s22], [sflag:$0x1] =	stream.indirect_vreg.gather [hbm4b:s2+s0], $0x80, v4, vm0, $0xb8;
	[tilespmem:$0x18480] =	vst v63  }
0x2b7: {  	_ = 	snop  }
0x2b8: {  	[tilespmem:s23], [sflag:$0x1] =	stream.indirect_vreg.gather [hbm4b:s2+s0], $0x80, v3, vm0, $0xb8;
	[tilespmem:$0x18480] =	vst v63  }
0x2b9: {  	v3 =	vld [tilespmem:$0x280];
	_ =	sdelay $0x4  }
0x2ba: {  	v4 =	vshll.u32 v3, $0x1  }
0x2bb: {  	v3 =	vand.u32 $0x7, v3;
	v4 =	vand.u32 $0xFFFFFFF0, v4  }
0x2bc: {  	v3 =	vor.u32 v3, v4  }
0x2bd: {  	v4 =	vperm.xlane v3, v0;
	_ =	sdelay $0x1  }
0x2be: {  	v3 =	vperm.xlane v3, v2;
	v4 =	vadd.s32 v1, v4;
	_ =	sdelay $0x1  }
0x2bf: {  	v3 =	vadd.s32 v1, v3;
	_ =	sdelay $0x2  }
0x2c0: {  	[tilespmem:s24], [sflag:$0x2] =	stream.indirect_vreg.gather [hbm4b:s2+s0], $0x80, v4, vm0, $0xb8;
	[tilespmem:$0x18480] =	vst v63  }
0x2c1: {  	_ = 	snop  }
0x2c2: {  	[tilespmem:s25], [sflag:$0x2] =	stream.indirect_vreg.gather [hbm4b:s2+s0], $0x80, v3, vm0, $0xb8;
	[tilespmem:$0x18480] =	vst v63  }
0x2c3: {  	v3 =	vld [tilespmem:$0x290];
	_ =	sdelay $0x4  }
0x2c4: {  	v4 =	vshll.u32 v3, $0x1  }
0x2c5: {  	v3 =	vand.u32 $0x7, v3;
	v4 =	vand.u32 $0xFFFFFFF0, v4  }
0x2c6: {  	v3 =	vor.u32 v3, v4  }
0x2c7: {  	v4 =	vperm.xlane v3, v0;
	_ =	sdelay $0x1  }
0x2c8: {  	v3 =	vperm.xlane v3, v2;
	v4 =	vadd.s32 v1, v4;
	_ =	sdelay $0x1  }
0x2c9: {  	v3 =	vadd.s32 v1, v3;
	_ =	sdelay $0x2  }
0x2ca: {  	[tilespmem:s26], [sflag:$0x2] =	stream.indirect_vreg.gather [hbm4b:s2+s0], $0x80, v4, vm0, $0xb8;
	[tilespmem:$0x18480] =	vst v63  }
0x2cb: {  	_ = 	snop  }
0x2cc: {  	[tilespmem:s28], [sflag:$0x2] =	stream.indirect_vreg.gather [hbm4b:s2+s0], $0x80, v3, vm0, $0xb8;
	[tilespmem:$0x18480] =	vst v63  }
0x2cd: {  	v3 =	vld [tilespmem:$0x2A0];
	_ =	sdelay $0x4  }
0x2ce: {  	v4 =	vshll.u32 v3, $0x1  }
0x2cf: {  	v3 =	vand.u32 $0x7, v3;
	v4 =	vand.u32 $0xFFFFFFF0, v4  }
0x2d0: {  	v3 =	vor.u32 v3, v4  }
0x2d1: {  	v4 =	vperm.xlane v3, v0;
	_ =	sdelay $0x1  }
0x2d2: {  	v3 =	vperm.xlane v3, v2;
	v4 =	vadd.s32 v1, v4;
	_ =	sdelay $0x1  }
0x2d3: {  	v3 =	vadd.s32 v1, v3;
	_ =	sdelay $0x2  }
0x2d4: {  	[tilespmem:s29], [sflag:$0x2] =	stream.indirect_vreg.gather [hbm4b:s2+s0], $0x80, v4, vm0, $0xb8;
	[tilespmem:$0x18480] =	vst v63  }
0x2d5: {  	_ = 	snop  }
0x2d6: {  	[tilespmem:s30], [sflag:$0x2] =	stream.indirect_vreg.gather [hbm4b:s2+s0], $0x80, v3, vm0, $0xb8;
	[tilespmem:$0x18480] =	vst v63  }
0x2d7: {  	v3 =	vld [tilespmem:$0x2B0];
	_ =	sdelay $0x4  }
0x2d8: {  	v4 =	vshll.u32 v3, $0x1  }
0x2d9: {  	v3 =	vand.u32 $0x7, v3;
	v4 =	vand.u32 $0xFFFFFFF0, v4  }
0x2da: {  	v3 =	vor.u32 v3, v4  }
0x2db: {  	v4 =	vperm.xlane v3, v0;
	_ =	sdelay $0x1  }
0x2dc: {  	v3 =	vperm.xlane v3, v2;
	v4 =	vadd.s32 v1, v4;
	_ =	sdelay $0x1  }
0x2dd: {  	v3 =	vadd.s32 v1, v3;
	_ =	sdelay $0x2  }
0x2de: {  	[tilespmem:s31], [sflag:$0x2] =	stream.indirect_vreg.gather [hbm4b:s2+s0], $0x80, v4, vm0, $0xb8;
	[tilespmem:$0x18480] =	vst v63  }
0x2df: {  	_ = 	snop  }
0x2e0: {  	[tilespmem:s1], [sflag:$0x2] =	stream.indirect_vreg.gather [hbm4b:s2+s0], $0x80, v3, vm0, $0xb8;
	[tilespmem:$0x18480] =	vst v63  }
0x2e1: {  	s12 =	rddreg [dreg:$0x8]  }
0x2e2: {  	[hbm4b:s12+s0] =	stream.linear.scatter [tilespmem:s15], [sflag:$0x3], $0x4000, $0x38;
	[tilespmem:$0x18480] =	vst v63  }
0x2e3: {  	_ =	swait.ge [sflag:s6], $0x4000  }
0x2e4: {  	[sflag:s6] =	ssyncset.done $0x0  }
0x2e5: {  	[sflag:s6] =	ssyncadd.s32 $0xFFFFC000  }
0x2e6: {  	_ =	swait.ge [sflag:s11], $0x4000  }
0x2e7: {  	[sflag:s11] =	ssyncset.done $0x0  }
0x2e8: {  	[sflag:s11] =	ssyncadd.s32 $0xFFFFC000  }
0x2e9: {  	_ =	swait.ge [sflag:s4], $0x4000  }
0x2ea: {  	s14 =	sand.u32 $0x3800, s0;
	s16 =	sand.u32 $0x380, s0;
	[sflag:s4] =	ssyncset.done $0x0  }
0x2eb: {  	s8 =	sor.u32 s16, s14;
	[sflag:s4] =	ssyncadd.s32 $0xFFFFC000  }
0x2ec: {  	v15 =	vld [tilespmem:s8+$0x4480]  }
0x2ed: {  	v6 =	vld [tilespmem:s8+$0xC480]  }
0x2ee: {  	v16 =	vld [tilespmem:s8+$0x4490]  }
0x2ef: {  	v18 =	vld [tilespmem:s8+$0xC490]  }
0x2f0: {  	v19 =	vld [tilespmem:s8+$0x44A0]  }
0x2f1: {  	v17 =	vld [tilespmem:s8+$0xC4A0]  }
0x2f2: {  	v20 =	vld [tilespmem:s8+$0x44B0]  }
0x2f3: {  	v3 =	vld [tilespmem:s8+$0xC4B0]  }
0x2f4: {  	v21 =	vld [tilespmem:s8+$0x44C0]  }
0x2f5: {  	v4 =	vld [tilespmem:s8+$0xC4C0]  }
0x2f6: {  	v22 =	vld [tilespmem:s8+$0x44D0]  }
0x2f7: {  	v5 =	vld [tilespmem:s8+$0xC4D0]  }
0x2f8: {  	v23 =	vld [tilespmem:s8+$0x44E0]  }
0x2f9: {  	v7 =	vld [tilespmem:s8+$0xC4E0]  }
0x2fa: {  	v24 =	vld [tilespmem:s8+$0x44F0]  }
0x2fb: {  	v11 =	vld [tilespmem:s8+$0xC4F0]  }
0x2fc: {  	v25 =	vld [tilespmem:s8+$0x4880]  }
0x2fd: {  	v9 =	vld [tilespmem:s8+$0xC880]  }
0x2fe: {  	v27 =	vld [tilespmem:s8+$0x4890]  }
0x2ff: {  	v14 =	vld [tilespmem:s8+$0xC890]  }
0x300: {  	v26 =	vld [tilespmem:s8+$0x48A0]  }
0x301: {  	v13 =	vld [tilespmem:s8+$0xC8A0]  }
0x302: {  	v28 =	vld [tilespmem:s8+$0x48B0]  }
0x303: {  	v12 =	vld [tilespmem:s8+$0xC8B0]  }
0x304: {  	v29 =	vld [tilespmem:s8+$0x48C0]  }
0x305: {  	v8 =	vld [tilespmem:s8+$0xC8C0]  }
0x306: {  	v30 =	vld [tilespmem:s8+$0x48D0]  }
0x307: {  	s5 =	simm.s32 $0x1;
	s14 =	simm.s32 $0x0;
	s9 =	simm.s32 $0x0;
	v10 =	vld [tilespmem:s8+$0xC8D0]  }
.LBB2_8:
0x308: {  	p0 =	sne.s32 s5, $0x3F;
	s12 =	sand.u32 $0x30, s0;
	v31 =	vld [tilespmem:s8+$0x48E0]  }
0x309: {  	v33 =	vsub.f32 v15, v6;
	v34 =	vsub.f32 v16, v18;
	v32 =	vld [tilespmem:s12+$0x3C0]  }
0x30a: {  	v35 =	vsub.f32 v19, v17;
	v20 =	vsub.f32 v20, v3;
	s9 =	sadd.s32 $0x80, s9;
	s14 =	sadd.s32 $0x100, s14;
	v36 =	vld [tilespmem:s8+$0xC8E0]  }
0x30b: {  	v21 =	vsub.f32 v21, v4;
	v22 =	vsub.f32 v22, v5;
	s12 =	sand.u32 $0x3800, s14;
	s16 =	sand.u32 $0x380, s9;
	v37 =	vld [tilespmem:s8+$0x48F0]  }
0x30c: {  	v23 =	vsub.f32 v23, v7;
	v24 =	vsub.f32 v24, v11;
	s12 =	sor.u32 s16, s12;
	v38 =	vld [tilespmem:s8+$0xC8F0]  }
0x30d: {  	v16 =	vmov s0;
	v25 =	vsub.f32 v25, v9;
	v27 =	vsub.f32 v27, v14;
	s0 =	smov.u32 s5;
	v15 =	vld [tilespmem:s12+$0x4480]  }
0x30e: {  	v26 =	vsub.f32 v26, v13;
	v28 =	vsub.f32 v28, v12;
	v39 =	vld [tilespmem:s12+$0xC480];
	v32 =	vperm.xlane v32, v16  }
0x30f: {  	v29 =	vsub.f32 v29, v8;
	v30 =	vsub.f32 v30, v10;
	v16 =	vld [tilespmem:s12+$0x4490]  }
0x310: {  	v31 =	vsub.f32 v31, v36;
	v40 =	vld [tilespmem:s12+$0xC490];
	v33 =	vmul.f32 v33, v32;
	v34 =	vmul.f32 v34, v32  }
0x311: {  	v35 =	vmul.f32 v35, v32;
	v41 =	vmul.f32 v20, v32;
	v19 =	vld [tilespmem:s12+$0x44A0];
	v37 =	vsub.f32 v37, v38  }
0x312: {  	v21 =	vmul.f32 v21, v32;
	v42 =	vld [tilespmem:s12+$0xC4A0];
	v33 =	vadd.f32 v33, v6;
	v18 =	vadd.f32 v34, v18  }
0x313: {  	v22 =	vmul.f32 v22, v32;
	v17 =	vadd.f32 v35, v17;
	v34 =	vadd.f32 v41, v3;
	v20 =	vld [tilespmem:s12+$0x44B0];
	v6 =	vmovc v39  }
0x314: {  	v23 =	vmul.f32 v23, v32;
	v24 =	vmul.f32 v24, v32;
	v3 =	vld [tilespmem:s12+$0xC4B0];
	[tilespmem:s8+$0x14480] =	vst v33;
	v33 =	vadd.f32 v21, v4  }
0x315: {  	v21 =	vld [tilespmem:s12+$0x44C0];
	[tilespmem:s8+$0x14490] =	vst v18;
	v18 =	vadd.f32 v22, v5;
	v5 =	vmul.f32 v25, v32;
	v25 =	vmul.f32 v27, v32  }
0x316: {  	v11 =	vadd.f32 v24, v11;
	v4 =	vld [tilespmem:s12+$0xC4C0];
	[tilespmem:s8+$0x144A0] =	vst v17;
	v17 =	vadd.f32 v23, v7;
	v7 =	vmul.f32 v26, v32  }
0x317: {  	v24 =	vmul.f32 v28, v32;
	v22 =	vld [tilespmem:s12+$0x44D0];
	[tilespmem:s8+$0x144B0] =	vst v34;
	v9 =	vadd.f32 v5, v9;
	v14 =	vadd.f32 v25, v14  }
0x318: {  	v26 =	vmul.f32 v30, v32;
	v25 =	vmul.f32 v29, v32;
	v5 =	vld [tilespmem:s12+$0xC4D0];
	[tilespmem:s8+$0x144C0] =	vst v33;
	v13 =	vadd.f32 v7, v13  }
0x319: {  	v28 =	vmul.f32 v37, v32;
	v12 =	vadd.f32 v24, v12;
	v27 =	vmul.f32 v31, v32;
	v23 =	vld [tilespmem:s12+$0x44E0];
	[tilespmem:s8+$0x144D0] =	vst v18  }
0x31a: {  	v10 =	vadd.f32 v26, v10;
	v8 =	vadd.f32 v25, v8;
	v18 =	vmovc v40;
	v7 =	vld [tilespmem:s12+$0xC4E0];
	[tilespmem:s8+$0x144E0] =	vst v17;
	v17 =	vmov v42  }
0x31b: {  	v30 =	vadd.f32 v28, v38;
	v29 =	vadd.f32 v27, v36;
	v24 =	vld [tilespmem:s12+$0x44F0];
	[tilespmem:s8+$0x144F0] =	vst v11  }
0x31c: {  	v11 =	vld [tilespmem:s12+$0xC4F0];
	[tilespmem:s8+$0x14880] =	vst v9  }
0x31d: {  	v25 =	vld [tilespmem:s12+$0x4880];
	[tilespmem:s8+$0x14890] =	vst v14  }
0x31e: {  	v9 =	vld [tilespmem:s12+$0xC880];
	[tilespmem:s8+$0x148A0] =	vst v13  }
0x31f: {  	v27 =	vld [tilespmem:s12+$0x4890];
	[tilespmem:s8+$0x148B0] =	vst v12  }
0x320: {  	v14 =	vld [tilespmem:s12+$0xC890];
	[tilespmem:s8+$0x148C0] =	vst v8  }
0x321: {  	v26 =	vld [tilespmem:s12+$0x48A0];
	[tilespmem:s8+$0x148D0] =	vst v10  }
0x322: {  	v13 =	vld [tilespmem:s12+$0xC8A0];
	[tilespmem:s8+$0x148E0] =	vst v29  }
0x323: {  	v28 =	vld [tilespmem:s12+$0x48B0];
	[tilespmem:s8+$0x148F0] =	vst v30;
	s8 =	smov.u32 s12  }
.Ltmp3:
0x324: {  	v12 =	vld [tilespmem:s8+$0xC8B0];
	(pc) =	sbr.rel @p0 .LBB2_8-.Ltmp3, $4  }
0x325: {  	v29 =	vld [tilespmem:s8+$0x48C0]  }
0x326: {  	v8 =	vld [tilespmem:s8+$0xC8C0]  }
0x327: {  	v30 =	vld [tilespmem:s8+$0x48D0]  }
0x328: {  	s5 =	sadd.s32 $0x1, s5;
	v10 =	vld [tilespmem:s8+$0xC8D0]  }
0x329: {  	s5 =	sand.u32 $0x30, s0  }
0x32a: {  	v31 =	vld [tilespmem:s5+$0x3C0];
	_ =	sdelay $0x3  }
0x32b: {  	v32 =	vmov s0  }
0x32c: {  	v15 =	vsub.f32 v15, v6;
	v31 =	vperm.xlane v31, v32  }
0x32d: {  	v16 =	vsub.f32 v16, v18  }
0x32e: {  	v19 =	vsub.f32 v19, v17;
	v15 =	vmul.f32 v15, v31  }
0x32f: {  	v20 =	vsub.f32 v20, v3;
	v16 =	vmul.f32 v16, v31  }
0x330: {  	v21 =	vsub.f32 v21, v4;
	v19 =	vmul.f32 v19, v31;
	v6 =	vadd.f32 v15, v6  }
0x331: {  	v20 =	vmul.f32 v20, v31;
	v15 =	vsub.f32 v22, v5;
	v16 =	vadd.f32 v16, v18  }
0x332: {  	v21 =	vmul.f32 v21, v31;
	v18 =	vsub.f32 v23, v7;
	v17 =	vadd.f32 v19, v17;
	[tilespmem:s8+$0x14480] =	vst v6  }
0x333: {  	v63 =	vld [tilespmem:s8+$0x48E0];
	v3 =	vadd.f32 v20, v3;
	v6 =	vsub.f32 v24, v11;
	v15 =	vmul.f32 v15, v31;
	[tilespmem:s8+$0x14490] =	vst v16  }
0x334: {  	v33 =	vld [tilespmem:s8+$0xC8E0];
	v4 =	vadd.f32 v21, v4;
	v16 =	vsub.f32 v25, v9;
	v18 =	vmul.f32 v18, v31;
	[tilespmem:s8+$0x144A0] =	vst v17  }
0x335: {  	v34 =	vld [tilespmem:s8+$0x48F0];
	v17 =	vsub.f32 v27, v14;
	[tilespmem:s8+$0x144B0] =	vst v3;
	v6 =	vmul.f32 v6, v31;
	v5 =	vadd.f32 v15, v5  }
0x336: {  	v22 =	vld [tilespmem:s8+$0xC8F0];
	v3 =	vsub.f32 v26, v13;
	[tilespmem:s8+$0x144C0] =	vst v4;
	v15 =	vmul.f32 v16, v31;
	v7 =	vadd.f32 v18, v7  }
0x337: {  	v4 =	vsub.f32 v28, v12;
	v16 =	vmul.f32 v17, v31;
	v6 =	vadd.f32 v6, v11;
	[tilespmem:s8+$0x144D0] =	vst v5  }
0x338: {  	v3 =	vmul.f32 v3, v31;
	v5 =	vsub.f32 v29, v8;
	v9 =	vadd.f32 v15, v9;
	[tilespmem:s8+$0x144E0] =	vst v7  }
0x339: {  	v4 =	vmul.f32 v4, v31;
	v7 =	vsub.f32 v30, v10;
	v11 =	vadd.f32 v16, v14;
	[tilespmem:s8+$0x144F0] =	vst v6  }
0x33a: {  	v3 =	vadd.f32 v3, v13;
	v6 =	vsub.f32 v63, v33;
	v5 =	vmul.f32 v5, v31;
	[tilespmem:s8+$0x14880] =	vst v9  }
0x33b: {  	v4 =	vadd.f32 v4, v12;
	v9 =	vsub.f32 v34, v22;
	v7 =	vmul.f32 v7, v31;
	[tilespmem:s8+$0x14890] =	vst v11  }
0x33c: {  	[tilespmem:s8+$0x148A0] =	vst v3;
	v6 =	vmul.f32 v6, v31;
	v5 =	vadd.f32 v5, v8  }
0x33d: {  	[tilespmem:s8+$0x148B0] =	vst v4;
	v3 =	vmul.f32 v9, v31;
	v7 =	vadd.f32 v7, v10  }
0x33e: {  	v4 =	vadd.f32 v6, v33;
	[tilespmem:s8+$0x148C0] =	vst v5  }
0x33f: {  	v3 =	vadd.f32 v3, v22;
	[tilespmem:s8+$0x148D0] =	vst v7  }
0x340: {  	[tilespmem:s8+$0x148E0] =	vst v4  }
0x341: {  	s9 =	rddreg [dreg:$0x9];
	s12 =	simm.s32 $0x14480;
	[tilespmem:s8+$0x148F0] =	vst v3;
	s8 =	simm.s32 $0x0  }
0x342: {  	[hbm4b:s9+s8] =	stream.linear.scatter [tilespmem:s12], [sflag:$0x4], $0x4000, $0x38;
	[tilespmem:$0x18480] =	vst v63  }
0x343: {  	_ =	swait.ge [sflag:s6], $0x4000  }
0x344: {  	[sflag:s6] =	ssyncset.done $0x0  }
0x345: {  	[sflag:s6] =	ssyncadd.s32 $0xFFFFC000  }
0x346: {  	_ =	swait.ge [sflag:s11], $0x4000  }
0x347: {  	[sflag:s11] =	ssyncset.done $0x0  }
0x348: {  	[sflag:s11] =	ssyncadd.s32 $0xFFFFC000  }
0x349: {  	_ =	swait.ge [sflag:s10], $0x4000  }
0x34a: {  	s14 =	sand.u32 $0x3800, s8;
	s16 =	sand.u32 $0x380, s8;
	[sflag:s10] =	ssyncset.done $0x0  }
0x34b: {  	s0 =	sor.u32 s16, s14;
	[sflag:s10] =	ssyncadd.s32 $0xFFFFC000  }
0x34c: {  	v15 =	vld [tilespmem:s0+$0x480]  }
0x34d: {  	v6 =	vld [tilespmem:s0+$0x8480]  }
0x34e: {  	v16 =	vld [tilespmem:s0+$0x490]  }
0x34f: {  	v18 =	vld [tilespmem:s0+$0x8490]  }
0x350: {  	v19 =	vld [tilespmem:s0+$0x4A0]  }
0x351: {  	v17 =	vld [tilespmem:s0+$0x84A0]  }
0x352: {  	v20 =	vld [tilespmem:s0+$0x4B0]  }
0x353: {  	v3 =	vld [tilespmem:s0+$0x84B0]  }
0x354: {  	v21 =	vld [tilespmem:s0+$0x4C0]  }
0x355: {  	v4 =	vld [tilespmem:s0+$0x84C0]  }
0x356: {  	v22 =	vld [tilespmem:s0+$0x4D0]  }
0x357: {  	v5 =	vld [tilespmem:s0+$0x84D0]  }
0x358: {  	v23 =	vld [tilespmem:s0+$0x4E0]  }
0x359: {  	v7 =	vld [tilespmem:s0+$0x84E0]  }
0x35a: {  	v24 =	vld [tilespmem:s0+$0x4F0]  }
0x35b: {  	v11 =	vld [tilespmem:s0+$0x84F0]  }
0x35c: {  	v25 =	vld [tilespmem:s0+$0x880]  }
0x35d: {  	v9 =	vld [tilespmem:s0+$0x8880]  }
0x35e: {  	v27 =	vld [tilespmem:s0+$0x890]  }
0x35f: {  	v14 =	vld [tilespmem:s0+$0x8890]  }
0x360: {  	v26 =	vld [tilespmem:s0+$0x8A0]  }
0x361: {  	v13 =	vld [tilespmem:s0+$0x88A0]  }
0x362: {  	v28 =	vld [tilespmem:s0+$0x8B0]  }
0x363: {  	v12 =	vld [tilespmem:s0+$0x88B0]  }
0x364: {  	v29 =	vld [tilespmem:s0+$0x8C0]  }
0x365: {  	v8 =	vld [tilespmem:s0+$0x88C0]  }
0x366: {  	v30 =	vld [tilespmem:s0+$0x8D0]  }
0x367: {  	s5 =	simm.s32 $0x1;
	s9 =	simm.s32 $0x0;
	s14 =	simm.s32 $0x0;
	v10 =	vld [tilespmem:s0+$0x88D0]  }
.LBB2_10:
0x368: {  	p0 =	sne.s32 s5, $0x3F;
	s12 =	sand.u32 $0x30, s8;
	v31 =	vld [tilespmem:s0+$0x8E0]  }
0x369: {  	v33 =	vsub.f32 v15, v6;
	v34 =	vsub.f32 v16, v18;
	v32 =	vld [tilespmem:s12+$0x400]  }
0x36a: {  	v35 =	vsub.f32 v19, v17;
	v20 =	vsub.f32 v20, v3;
	s9 =	sadd.s32 $0x80, s9;
	s14 =	sadd.s32 $0x100, s14;
	v36 =	vld [tilespmem:s0+$0x88E0]  }
0x36b: {  	v21 =	vsub.f32 v21, v4;
	v22 =	vsub.f32 v22, v5;
	s12 =	sand.u32 $0x3800, s14;
	s16 =	sand.u32 $0x380, s9;
	v37 =	vld [tilespmem:s0+$0x8F0]  }
0x36c: {  	v23 =	vsub.f32 v23, v7;
	v24 =	vsub.f32 v24, v11;
	s12 =	sor.u32 s16, s12;
	v38 =	vld [tilespmem:s0+$0x88F0]  }
0x36d: {  	v16 =	vmov s8;
	v25 =	vsub.f32 v25, v9;
	v27 =	vsub.f32 v27, v14;
	s8 =	smov.u32 s5;
	v15 =	vld [tilespmem:s12+$0x480]  }
0x36e: {  	v26 =	vsub.f32 v26, v13;
	v28 =	vsub.f32 v28, v12;
	v39 =	vld [tilespmem:s12+$0x8480];
	v32 =	vperm.xlane v32, v16  }
0x36f: {  	v29 =	vsub.f32 v29, v8;
	v30 =	vsub.f32 v30, v10;
	v16 =	vld [tilespmem:s12+$0x490]  }
0x370: {  	v31 =	vsub.f32 v31, v36;
	v40 =	vld [tilespmem:s12+$0x8490];
	v33 =	vmul.f32 v33, v32;
	v34 =	vmul.f32 v34, v32  }
0x371: {  	v35 =	vmul.f32 v35, v32;
	v41 =	vmul.f32 v20, v32;
	v19 =	vld [tilespmem:s12+$0x4A0];
	v37 =	vsub.f32 v37, v38  }
0x372: {  	v21 =	vmul.f32 v21, v32;
	v42 =	vld [tilespmem:s12+$0x84A0];
	v33 =	vadd.f32 v33, v6;
	v18 =	vadd.f32 v34, v18  }
0x373: {  	v22 =	vmul.f32 v22, v32;
	v17 =	vadd.f32 v35, v17;
	v34 =	vadd.f32 v41, v3;
	v20 =	vld [tilespmem:s12+$0x4B0];
	v6 =	vmovc v39  }
0x374: {  	v23 =	vmul.f32 v23, v32;
	v24 =	vmul.f32 v24, v32;
	v3 =	vld [tilespmem:s12+$0x84B0];
	[tilespmem:s0+$0x10480] =	vst v33;
	v33 =	vadd.f32 v21, v4  }
0x375: {  	v21 =	vld [tilespmem:s12+$0x4C0];
	[tilespmem:s0+$0x10490] =	vst v18;
	v18 =	vadd.f32 v22, v5;
	v5 =	vmul.f32 v25, v32;
	v25 =	vmul.f32 v27, v32  }
0x376: {  	v11 =	vadd.f32 v24, v11;
	v4 =	vld [tilespmem:s12+$0x84C0];
	[tilespmem:s0+$0x104A0] =	vst v17;
	v17 =	vadd.f32 v23, v7;
	v7 =	vmul.f32 v26, v32  }
0x377: {  	v24 =	vmul.f32 v28, v32;
	v22 =	vld [tilespmem:s12+$0x4D0];
	[tilespmem:s0+$0x104B0] =	vst v34;
	v9 =	vadd.f32 v5, v9;
	v14 =	vadd.f32 v25, v14  }
0x378: {  	v26 =	vmul.f32 v30, v32;
	v25 =	vmul.f32 v29, v32;
	v5 =	vld [tilespmem:s12+$0x84D0];
	[tilespmem:s0+$0x104C0] =	vst v33;
	v13 =	vadd.f32 v7, v13  }
0x379: {  	v28 =	vmul.f32 v37, v32;
	v12 =	vadd.f32 v24, v12;
	v27 =	vmul.f32 v31, v32;
	v23 =	vld [tilespmem:s12+$0x4E0];
	[tilespmem:s0+$0x104D0] =	vst v18  }
0x37a: {  	v10 =	vadd.f32 v26, v10;
	v8 =	vadd.f32 v25, v8;
	v18 =	vmovc v40;
	v7 =	vld [tilespmem:s12+$0x84E0];
	[tilespmem:s0+$0x104E0] =	vst v17;
	v17 =	vmov v42  }
0x37b: {  	v30 =	vadd.f32 v28, v38;
	v29 =	vadd.f32 v27, v36;
	v24 =	vld [tilespmem:s12+$0x4F0];
	[tilespmem:s0+$0x104F0] =	vst v11  }
0x37c: {  	v11 =	vld [tilespmem:s12+$0x84F0];
	[tilespmem:s0+$0x10880] =	vst v9  }
0x37d: {  	v25 =	vld [tilespmem:s12+$0x880];
	[tilespmem:s0+$0x10890] =	vst v14  }
0x37e: {  	v9 =	vld [tilespmem:s12+$0x8880];
	[tilespmem:s0+$0x108A0] =	vst v13  }
0x37f: {  	v27 =	vld [tilespmem:s12+$0x890];
	[tilespmem:s0+$0x108B0] =	vst v12  }
0x380: {  	v14 =	vld [tilespmem:s12+$0x8890];
	[tilespmem:s0+$0x108C0] =	vst v8  }
0x381: {  	v26 =	vld [tilespmem:s12+$0x8A0];
	[tilespmem:s0+$0x108D0] =	vst v10  }
0x382: {  	v13 =	vld [tilespmem:s12+$0x88A0];
	[tilespmem:s0+$0x108E0] =	vst v29  }
0x383: {  	v28 =	vld [tilespmem:s12+$0x8B0];
	[tilespmem:s0+$0x108F0] =	vst v30;
	s0 =	smov.u32 s12  }
.Ltmp4:
0x384: {  	v12 =	vld [tilespmem:s0+$0x88B0];
	(pc) =	sbr.rel @p0 .LBB2_10-.Ltmp4, $4  }
0x385: {  	v29 =	vld [tilespmem:s0+$0x8C0]  }
0x386: {  	v8 =	vld [tilespmem:s0+$0x88C0]  }
0x387: {  	v30 =	vld [tilespmem:s0+$0x8D0]  }
0x388: {  	s5 =	sadd.s32 $0x1, s5;
	v10 =	vld [tilespmem:s0+$0x88D0]  }
0x389: {  	s5 =	sand.u32 $0x30, s8  }
0x38a: {  	v31 =	vld [tilespmem:s5+$0x400];
	_ =	sdelay $0x3  }
0x38b: {  	v32 =	vmov s8  }
0x38c: {  	v15 =	vsub.f32 v15, v6;
	v31 =	vperm.xlane v31, v32  }
0x38d: {  	v16 =	vsub.f32 v16, v18  }
0x38e: {  	v19 =	vsub.f32 v19, v17;
	v15 =	vmul.f32 v15, v31  }
0x38f: {  	v20 =	vsub.f32 v20, v3;
	v16 =	vmul.f32 v16, v31  }
0x390: {  	v21 =	vsub.f32 v21, v4;
	v19 =	vmul.f32 v19, v31;
	v43 =	vadd.f32 v15, v6  }
0x391: {  	v49 =	vsub.f32 v25, v9;
	v20 =	vmul.f32 v20, v31;
	v16 =	vadd.f32 v16, v18  }
0x392: {  	v51 =	vsub.f32 v27, v14;
	v21 =	vmul.f32 v21, v31;
	v47 =	vadd.f32 v19, v17;
	[tilespmem:s0+$0x10480] =	vst v43  }
0x393: {  	v42 =	vld [tilespmem:s0+$0x8E0];
	v44 =	vsub.f32 v22, v5;
	v53 =	vmul.f32 v49, v31;
	v3 =	vadd.f32 v20, v3;
	[tilespmem:s0+$0x10490] =	vst v16  }
0x394: {  	v33 =	vld [tilespmem:s0+$0x88E0];
	v46 =	vsub.f32 v23, v7;
	v56 =	vmul.f32 v51, v31;
	v50 =	vadd.f32 v21, v4;
	[tilespmem:s0+$0x104A0] =	vst v47  }
0x395: {  	v34 =	vld [tilespmem:s0+$0x8F0];
	v48 =	vsub.f32 v24, v11;
	v15 =	vmul.f32 v44, v31;
	v58 =	vadd.f32 v53, v9;
	[tilespmem:s0+$0x104B0] =	vst v3  }
0x396: {  	v45 =	vld [tilespmem:s0+$0x88F0];
	v55 =	vsub.f32 v28, v12;
	v18 =	vmul.f32 v46, v31;
	v60 =	vadd.f32 v56, v14;
	[tilespmem:s0+$0x104C0] =	vst v50  }
0x397: {  	v6 =	vmul.f32 v48, v31;
	v52 =	vadd.f32 v15, v5;
	v3 =	vsub.f32 v26, v13;
	[tilespmem:s0+$0x10880] =	vst v58  }
0x398: {  	v57 =	vsub.f32 v29, v8;
	v4 =	vmul.f32 v55, v31;
	v54 =	vadd.f32 v18, v7;
	[tilespmem:s0+$0x10890] =	vst v60  }
0x399: {  	v59 =	vsub.f32 v30, v10;
	v6 =	vadd.f32 v6, v11;
	[tilespmem:s0+$0x104D0] =	vst v52;
	v3 =	vmul.f32 v3, v31  }
0x39a: {  	v61 =	vsub.f32 v42, v33;
	v5 =	vmul.f32 v57, v31;
	v4 =	vadd.f32 v4, v12;
	[tilespmem:s0+$0x104E0] =	vst v54  }
0x39b: {  	v62 =	vsub.f32 v34, v45;
	v7 =	vmul.f32 v59, v31;
	[tilespmem:s0+$0x104F0] =	vst v6;
	v3 =	vadd.f32 v3, v13  }
0x39c: {  	v6 =	vmul.f32 v61, v31;
	v5 =	vadd.f32 v5, v8;
	[tilespmem:s0+$0x108B0] =	vst v4  }
0x39d: {  	v7 =	vadd.f32 v7, v10;
	[tilespmem:s0+$0x108A0] =	vst v3;
	v3 =	vmul.f32 v62, v31  }
0x39e: {  	v63 =	vadd.f32 v6, v33;
	[tilespmem:s0+$0x108C0] =	vst v5  }
0x39f: {  	[tilespmem:s0+$0x108D0] =	vst v7;
	v3 =	vadd.f32 v3, v45  }
0x3a0: {  	[tilespmem:s0+$0x108E0] =	vst v63  }
0x3a1: {  	s14 =	rddreg [dreg:$0xa];
	[tilespmem:s0+$0x108F0] =	vst v3  }
0x3a2: {  	[hbm4b:s14+s3] =	stream.linear.scatter [tilespmem:s15], [sflag:$0x3], $0x4000, $0x38;
	[tilespmem:$0x18480] =	vst v63  }
0x3a3: {  	_ =	swait.ge [sflag:s10], $0x4000  }
0x3a4: {  	[sflag:s10] =	ssyncset.done $0x0  }
0x3a5: {  	[sflag:s10] =	ssyncadd.s32 $0xFFFFC000  }
0x3a6: {  	_ =	swait.ge [sflag:s4], $0x4000  }
0x3a7: {  	s7 =	sadd.s32 $0x1, s7;
	s16 =	rddreg [dreg:$0xb]  }
0x3a8: {  	p0 =	sne.s32 s7, s16  }
.Ltmp5:
0x3a9: {  	_ = 	snop;
	(pc) =	sbr.rel @p0 .LBB2_1-.Ltmp5, $3  }
0x3aa: {  	_ =	sdelay $0x1  }
0x3ab: {  	[sflag:s4] =	ssyncset.done $0x0  }
0x3ac: {  	[sflag:s4] =	ssyncadd.s32 $0xFFFFC000  }
0x3ad: {  	_ =	sfence.sel $0x180000  }
0x3ae: {  	[bflag:$0x0] =	sbarrier.arrive $0xFFFF  }
0x3af: {  	_ =	strace $0x90000047  }
0x3b0: {  	s0 =	stileid.u32;
	[bflag:$0x2] =	sbarrier.arrive $0xFFFF  }
0x3b1: {  	p0 =	sne.s32 s0, $0x0;
	s0 =	rddreg [dreg:$0x2]  }
0x3b2: {  	s0 =	sadd.s32 @!p0 $0x100000, s0  }
0x3b3: {  	[sflag:s0] =	ssyncadd.tile.s32 @!p0 $0x1;
	_ =	shalt  }
.Lfunc_end2:
_tile_overlayer_lowered:
.L_overlay_start_2:
0x3b4: {  	(tag) =	ssettag $0x2  }
0x3b5: {  	s0 =	rddreg [dreg:$0x0];
	s2 =	stileid.u32  }
0x3b6: {  	s1 =	rddreg [dreg:$0x1];
	p0 =	sne.s32 s2, $0x0  }
0x3b7: {  	s3 =	rddreg [dreg:$0x2];
	[bflag:$0x3] =	sbarrier.arrive $0xFFFF;
	s2 =	simm.s32 @!p0 $0x1C05  }
0x3b8: {  	[timem:s3], [sflag:s2] =	dma.local @!p0 [hbm:s0], s1  }
0x3b9: {  	s0 =	simm.s32 @!p0 $0x5  }
0x3ba: {  	_ =	swait.ge @!p0 [sflag:s0], s1  }
0x3bb: {  	s1 =	ssub.s32 @!p0 $0x0, s1;
	[sflag:s0] =	ssyncset.done @!p0 $0x0  }
0x3bc: {  	[sflag:s0] =	ssyncadd.s32 @!p0 s1  }
0x3bd: {  	[bflag:$0x3] =	sbarrier.arrive $0xFFFF  }
0x3be: {  	_ =	shalt  }

</sc_bundles>
